<compile_context>
chip_gen: v7x
topology: tpu7x:2x2x1
jax: 0.10.2.dev20260603
libtpu: 0.0.44.dev20260713+nightly
codegen_flags: <defaults>
</compile_context>

<pallas_src>
import jax
import jax.numpy as jnp
from jax import lax
from jax.experimental import pallas as pl
from jax.experimental.pallas import tpu as pltpu
from jax.experimental.pallas import tpu_sc as plsc

NC = 2
NS = 16
NW = NC * NS
LANES = 16

_PREC = jax.lax.Precision.HIGHEST


def _grid_consts(n, e, c):
    epw = e // NW
    nchunk = epw // c
    n_pad = -(-n // (NS * 128)) * (NS * 128)
    rpw = n_pad // NS
    assert epw * NW == e and c * nchunk == epw and c % 8 == 0
    return epw, nchunk, n_pad, rpw


def _sc_mesh():
    return plsc.VectorSubcoreMesh(
        core_axis_name="c", subcore_axis_name="s",
        num_cores=NC, num_subcores=NS)


def _make_edge_kernel(n, d, e):
    c = 40
    epw, nchunk, n_pad, rpw = _grid_consts(n, e, c)
    assert d % LANES == 0
    dv = d // LANES
    nslot = -(-nchunk // 4) * 4
    assert nchunk >= 4

    scratch = (
        [pltpu.VMEM((c,), jnp.int32) for _ in range(4)]
        + [pltpu.VMEM((c,), jnp.int32) for _ in range(4)]
        + [pltpu.VMEM((c, d), jnp.float32) for _ in range(4)]
        + [pltpu.VMEM_SHARED((n_pad, d), jnp.float32)]
        + [pltpu.SemaphoreType.DMA] * 6
    )

    def body(a_hbm, b_hbm, src_hbm, dst_hbm, z_hbm, out_hbm, *refs):
        idx_s = refs[0:4]
        idx_d = refs[4:8]
        ra = refs[8:10]
        rb = refs[10:12]
        acc = refs[12]
        isem = refs[13:17]
        gsem = refs[17:19]

        cid = lax.axis_index("c")
        sid = lax.axis_index("s")
        wid = cid * NS + sid
        rs = pl.ds(sid * rpw, rpw)
        base = wid * epw

        def idx_issue(k, m):
            off = base + k * c
            pltpu.async_copy(src_hbm.at[pl.ds(off, c)], idx_s[m], isem[m])
            pltpu.async_copy(dst_hbm.at[pl.ds(off, c)], idx_d[m], isem[m])

        def idx_wait(m):
            pltpu.make_async_copy(src_hbm.at[pl.ds(0, c)], idx_s[m],
                                  isem[m]).wait()
            pltpu.make_async_copy(dst_hbm.at[pl.ds(0, c)], idx_d[m],
                                  isem[m]).wait()

        def gather_issue(m, p):
            pltpu.async_copy(a_hbm.at[idx_d[m]], ra[p], gsem[p])
            pltpu.async_copy(b_hbm.at[idx_s[m]], rb[p], gsem[p])

        def gather_wait(m, p):
            pltpu.make_async_copy(a_hbm.at[idx_d[m]], ra[p], gsem[p]).wait()
            pltpu.make_async_copy(b_hbm.at[idx_s[m]], rb[p], gsem[p]).wait()

        pltpu.sync_copy(z_hbm.at[rs], acc.at[rs])
        plsc.subcore_barrier()

        for kk in range(3):
            idx_issue(kk, kk)
        idx_wait(0)
        gather_issue(0, 0)

        def outer(g, carry):
            for b in range(4):
                k = g * 4 + b
                p = b % 2
                q = 1 - p
                m = b
                m1 = (b + 1) % 4
                m3 = (b + 3) % 4

                @pl.when(k < nchunk)
                def _():
                    gather_wait(m, p)

                @pl.when(k + 1 < nchunk)
                def _():
                    idx_wait(m1)
                    gather_issue(m1, q)

                @pl.when(k + 3 < nchunk)
                def _():
                    idx_issue(k + 3, m3)

                @pl.when(k < nchunk)
                def _():
                    def row(r, rc):
                        for j in range(dv):
                            sl = pl.ds(j * LANES, LANES)
                            ra[p][r, sl] = jnp.maximum(
                                ra[p][r, sl] + rb[p][r, sl], 0.0)
                        return rc
                    lax.fori_loop(0, c, row, 0)
                    pltpu.sync_copy(ra[p], acc.at[idx_d[m]], add=True)
            return carry
        lax.fori_loop(0, nslot // 4, outer, 0)

        plsc.subcore_barrier()
        pltpu.sync_copy(acc.at[rs], out_hbm.at[cid, rs])

    return pl.kernel(body,
                     out_type=jax.ShapeDtypeStruct((NC, n_pad, d),
                                                   jnp.float32),
                     mesh=_sc_mesh(), scratch_types=scratch)


def _make_count_kernel(n, d, e):
    c = 80
    epw, nchunk, n_pad, rpw = _grid_consts(n, e, c)
    dv = d // LANES
    nslot = -(-nchunk // 4) * 4
    assert nchunk >= 4

    scratch = (
        [pltpu.VMEM((c,), jnp.int32) for _ in range(4)]
        + [pltpu.VMEM((c, d), jnp.float32)]
        + [pltpu.VMEM_SHARED((n_pad, d), jnp.float32)]
        + [pltpu.SemaphoreType.DMA] * 4
    )

    def body(dst_hbm, z_hbm, cnt_hbm, *refs):
        idx_d = refs[0:4]
        ones_v = refs[4]
        cnt_acc = refs[5]
        isem = refs[6:10]

        cid = lax.axis_index("c")
        sid = lax.axis_index("s")
        wid = cid * NS + sid
        one16 = jnp.ones((LANES,), jnp.float32)
        rs = pl.ds(sid * rpw, rpw)
        base = wid * epw

        def idx_issue(k, m):
            pltpu.async_copy(dst_hbm.at[pl.ds(base + k * c, c)], idx_d[m],
                             isem[m])

        def idx_wait(m):
            pltpu.make_async_copy(dst_hbm.at[pl.ds(0, c)], idx_d[m],
                                  isem[m]).wait()

        def orow(r, carry):
            for j in range(dv):
                ones_v[r, pl.ds(j * LANES, LANES)] = one16
            return carry
        lax.fori_loop(0, c, orow, 0)
        pltpu.sync_copy(z_hbm.at[rs], cnt_acc.at[rs])
        plsc.subcore_barrier()

        for kk in range(3):
            idx_issue(kk, kk)

        def outer(g, carry):
            for b in range(4):
                k = g * 4 + b
                m = b
                m3 = (b + 3) % 4

                @pl.when(k < nchunk)
                def _():
                    idx_wait(m)
                    pltpu.sync_copy(ones_v, cnt_acc.at[idx_d[m]], add=True)

                @pl.when(k + 3 < nchunk)
                def _():
                    idx_issue(k + 3, m3)
            return carry
        lax.fori_loop(0, nslot // 4, outer, 0)

        plsc.subcore_barrier()
        pltpu.sync_copy(cnt_acc.at[rs], cnt_hbm.at[cid, rs])

    return pl.kernel(body,
                     out_type=jax.ShapeDtypeStruct((NC, n_pad, d),
                                                   jnp.float32),
                     mesh=_sc_mesh(), scratch_types=scratch)


def _dot(a, b):
    return jnp.dot(a, b, preferred_element_type=jnp.float32, precision=_PREC)


def _psi_pre(x, wl, wr, bp):
    n, d = x.shape
    bn = 2000
    grid = (n // bn,)

    def body(x_ref, wl_ref, wr_ref, bp_ref, a_ref, b_ref):
        xb = x_ref[...]
        a_ref[...] = _dot(xb, wl_ref[...]) + bp_ref[...]
        b_ref[...] = _dot(xb, wr_ref[...])

    return pl.pallas_call(
        body,
        grid=grid,
        in_specs=[
            pl.BlockSpec((bn, d), lambda i: (i, 0)),
            pl.BlockSpec((d, d), lambda i: (0, 0)),
            pl.BlockSpec((d, d), lambda i: (0, 0)),
            pl.BlockSpec((1, d), lambda i: (0, 0)),
        ],
        out_specs=[pl.BlockSpec((bn, d), lambda i: (i, 0))] * 2,
        out_shape=[jax.ShapeDtypeStruct((n, d), jnp.float32)] * 2,
    )(x, wl, wr, bp.reshape(1, d))


def _combine_mid(p0, p1, c0, c1, h, wfl, wfr, bf, wpl, wpr, bp):
    n, d = h.shape
    bn = 2000
    grid = (n // bn,)

    def body(p0_ref, p1_ref, c0_ref, c1_ref, h_ref, wfl_ref, wfr_ref, bf_ref,
             wpl_ref, wpr_ref, bp_ref, h1_ref, a_ref, b_ref):
        s = p0_ref[...] + p1_ref[...]
        cnt = c0_ref[...] + c1_ref[...]
        agg = s / jnp.maximum(cnt[:, :1], 1.0)
        hb = h_ref[...]
        pre = _dot(hb, wfl_ref[...]) + _dot(agg, wfr_ref[...]) + bf_ref[...]
        h1 = jnp.maximum(pre, 0.0) + hb
        h1_ref[...] = h1
        a_ref[...] = _dot(h1, wpl_ref[...]) + bp_ref[...]
        b_ref[...] = _dot(h1, wpr_ref[...])

    row_spec = pl.BlockSpec((bn, d), lambda i: (i, 0))
    cnt_spec = pl.BlockSpec((bn, d), lambda i: (i, 0))
    w_spec = pl.BlockSpec((d, d), lambda i: (0, 0))
    b_spec = pl.BlockSpec((1, d), lambda i: (0, 0))
    return pl.pallas_call(
        body,
        grid=grid,
        in_specs=[row_spec, row_spec, cnt_spec, cnt_spec, row_spec,
                  w_spec, w_spec, b_spec, w_spec, w_spec, b_spec],
        out_specs=[row_spec] * 3,
        out_shape=[jax.ShapeDtypeStruct((n, d), jnp.float32)] * 3,
    )(p0, p1, c0, c1, h, wfl, wfr, bf.reshape(1, d), wpl, wpr,
      bp.reshape(1, d))


def _combine_final(p0, p1, c0, c1, h, wfl, wfr, bf, wd, bd):
    n, d = h.shape
    bn = 2000
    grid = (n // bn,)

    def body(p0_ref, p1_ref, c0_ref, c1_ref, h_ref, wfl_ref, wfr_ref, bf_ref,
             wd_ref, bd_ref, o_ref):
        s = p0_ref[...] + p1_ref[...]
        cnt = c0_ref[...] + c1_ref[...]
        agg = s / jnp.maximum(cnt[:, :1], 1.0)
        hb = h_ref[...]
        pre = _dot(hb, wfl_ref[...]) + _dot(agg, wfr_ref[...]) + bf_ref[...]
        h2 = jnp.maximum(pre, 0.0) + hb
        o_ref[...] = _dot(h2, wd_ref[...]) + bd_ref[...]

    row_spec = pl.BlockSpec((bn, d), lambda i: (i, 0))
    cnt_spec = pl.BlockSpec((bn, d), lambda i: (i, 0))
    w_spec = pl.BlockSpec((d, d), lambda i: (0, 0))
    b_spec = pl.BlockSpec((1, d), lambda i: (0, 0))
    return pl.pallas_call(
        body,
        grid=grid,
        in_specs=[row_spec, row_spec, cnt_spec, cnt_spec, row_spec,
                  w_spec, w_spec, b_spec, w_spec, b_spec],
        out_specs=row_spec,
        out_shape=jax.ShapeDtypeStruct((n, d), jnp.float32),
    )(p0, p1, c0, c1, h, wfl, wfr, bf.reshape(1, d), wd, bd.reshape(1, d))


def kernel(x, edge_index, W_psi0, b_psi0, W_phi0, b_phi0,
           W_psi1, b_psi1, W_phi1, b_phi1, W_down, b_down):
    n, d = x.shape
    e = edge_index.shape[1]
    src = edge_index[0]
    dst = edge_index[1]

    n_pad = -(-n // (NS * 128)) * (NS * 128)
    zeros = jnp.zeros((n_pad, d), jnp.float32)

    a0, b0 = _psi_pre(x, W_psi0[:, :d].T, W_psi0[:, d:].T, b_psi0)
    edge_pass = _make_edge_kernel(n, d, e)
    count_pass = _make_count_kernel(n, d, e)
    cntp = count_pass(dst, zeros)[:, :n]
    p = edge_pass(a0, b0, src, dst, zeros)[:, :n]

    h1, a1, b1 = _combine_mid(
        p[0], p[1], cntp[0], cntp[1], x,
        W_phi0[:, :d].T, W_phi0[:, d:].T, b_phi0,
        W_psi1[:, :d].T, W_psi1[:, d:].T, b_psi1)

    p2 = edge_pass(a1, b1, src, dst, zeros)[:, :n]

    return _combine_final(
        p2[0], p2[1], cntp[0], cntp[1], h1,
        W_phi1[:, :d].T, W_phi1[:, d:].T, b_phi1,
        W_down.T, b_down)

# --- scband reference (transcript-rebuilt; emitter-appended) ---
"""Pipeline reference for scband-mpnnnet-74526272520995 (READ-ONLY COPY).

The authoritative reference and input builder live on the scoring server;
editing this copy changes nothing except your own understanding.
"""

import jax, jax.numpy as jnp
import numpy as np

N = 10000
E = 320000
D = 128

def setup_inputs(seed: int = 0) -> dict:
    key = jax.random.key(seed)
    ks = jax.random.split(key, 16)
    inp = {}
    inp["x"] = jax.random.normal(ks[0], (N, D), dtype=jnp.float32)
    inp["edge_index"] = jax.random.randint(ks[1], (2, E), 0, N, dtype=jnp.int32)
    def lin(k, out_d, in_d):
        return jax.random.normal(k, (out_d, in_d), dtype=jnp.float32) * (1.0 / np.sqrt(in_d))
    # layer 0 (in=128, out=128, so residual_lin is None)
    inp["W_psi0"] = lin(ks[2], D, 2 * D)
    inp["b_psi0"] = jnp.zeros((D,), jnp.float32)
    inp["W_phi0"] = lin(ks[3], D, 2 * D)
    inp["b_phi0"] = jnp.zeros((D,), jnp.float32)
    # layer 1
    inp["W_psi1"] = lin(ks[4], D, 2 * D)
    inp["b_psi1"] = jnp.zeros((D,), jnp.float32)
    inp["W_phi1"] = lin(ks[5], D, 2 * D)
    inp["b_phi1"] = jnp.zeros((D,), jnp.float32)
    # down projection
    inp["W_down"] = lin(ks[6], D, D)
    inp["b_down"] = jnp.zeros((D,), jnp.float32)
    return inp


def reference(x, edge_index, W_psi0, b_psi0, W_phi0, b_phi0, W_psi1, b_psi1, W_phi1, b_phi1, W_down, b_down):
    src = edge_index[0]
    dst = edge_index[1]

    def layer(h, Wp, bp, Wf, bf):
        # message: psi(cat[x_i, x_j]) where x_i = x[dst], x_j = x[src] (PyG source_to_target)
        x_i = jnp.take(h, dst, axis=0)
        x_j = jnp.take(h, src, axis=0)
        m = jax.nn.relu(jnp.concatenate([x_i, x_j], axis=-1) @ Wp.T + bp)
        # mean aggregation over incoming edges at dst
        s = jax.ops.segment_sum(m, dst, num_segments=N)
        cnt = jax.ops.segment_sum(jnp.ones((E,), h.dtype), dst, num_segments=N)
        agg = s / jnp.clip(cnt, 1.0, None)[:, None]
        # update: phi(cat[x, agg]) + residual (in==out so residual is identity); dropout=0.0
        out = jax.nn.relu(jnp.concatenate([h, agg], axis=-1) @ Wf.T + bf) + h
        return out

    h = layer(x, W_psi0, b_psi0, W_phi0, b_phi0)
    h = layer(h, W_psi1, b_psi1, W_phi1, b_phi1)
    return h @ W_down.T + b_down

if __name__ == "__main__":
    import jax
    _d = setup_inputs()
    print(jax.jit(kernel)(*tuple(_d.values())))

</pallas_src>

<mosaic_0001>
#map = affine_map<(d0, d1) -> (0, 0)>
#map1 = affine_map<(d0, d1) -> (0)>
#map2 = affine_map<(d0, d1) -> (0, 0, 0)>
module attributes {stable_mosaic.version = 14 : i64} {
  func.func @body(%arg0: i32, %arg1: i32, %arg2: memref<10000x128xf32, #tpu.memory_space<hbm>>, %arg3: memref<10000x128xf32, #tpu.memory_space<hbm>>, %arg4: memref<320000xi32, #tpu.memory_space<hbm>>, %arg5: memref<320000xi32, #tpu.memory_space<hbm>>, %arg6: memref<10240x128xf32, #tpu.memory_space<hbm>>, %arg7: memref<2x10240x128xf32, #tpu.memory_space<hbm>>, %arg8: memref<40xi32, #tpu.memory_space<vmem>>, %arg9: memref<40xi32, #tpu.memory_space<vmem>>, %arg10: memref<40xi32, #tpu.memory_space<vmem>>, %arg11: memref<40xi32, #tpu.memory_space<vmem>>, %arg12: memref<40xi32, #tpu.memory_space<vmem>>, %arg13: memref<40xi32, #tpu.memory_space<vmem>>, %arg14: memref<40xi32, #tpu.memory_space<vmem>>, %arg15: memref<40xi32, #tpu.memory_space<vmem>>, %arg16: memref<40x128xf32, #tpu.memory_space<vmem>>, %arg17: memref<40x128xf32, #tpu.memory_space<vmem>>, %arg18: memref<40x128xf32, #tpu.memory_space<vmem>>, %arg19: memref<40x128xf32, #tpu.memory_space<vmem>>, %arg20: memref<10240x128xf32, #tpu.memory_space<vmem_shared>>, %arg21: memref<!tpu.dma_semaphore, #tpu.memory_space<semaphore_mem>>, %arg22: memref<!tpu.dma_semaphore, #tpu.memory_space<semaphore_mem>>, %arg23: memref<!tpu.dma_semaphore, #tpu.memory_space<semaphore_mem>>, %arg24: memref<!tpu.dma_semaphore, #tpu.memory_space<semaphore_mem>>, %arg25: memref<!tpu.dma_semaphore, #tpu.memory_space<semaphore_mem>>, %arg26: memref<!tpu.dma_semaphore, #tpu.memory_space<semaphore_mem>>) attributes {dimension_semantics = [#tpu.dimension_semantics<core_parallel>, #tpu.dimension_semantics<subcore_parallel>], iteration_bounds = array<i64: 2, 16>, scalar_prefetch = 0 : i64, scratch_operands = 19 : i64, tpu.core_type = #tpu.core_type<sc_vector_subcore>, window_params = [{transform_indices = #map}, {transform_indices = #map}, {transform_indices = #map1}, {transform_indices = #map1}, {transform_indices = #map}, {transform_indices = #map2}]} {
    %mul3A = arith.constant 16 : i32
    %mul3A_0 = arith.muli %arg0, %mul3A : i32
    %add3A = arith.addi %mul3A_0, %arg1 : i32
    %mul3A_1 = arith.constant 640 : i32
    %mul3A_2 = arith.muli %arg1, %mul3A_1 : i32
    %mul3A_3 = arith.constant 10000 : i32
    %mul3A_4 = arith.muli %add3A, %mul3A_3 : i32
    "tpu.region"() ({
      %run_scoped3A = tpu.sem_alloc : memref<!tpu.dma_semaphore, #tpu.memory_space<semaphore_mem>>
      %dma_start3A_41 = arith.constant 0 : i32
      %dma_start3A_42 = tpu.memref_slice %arg20[%mul3A_2, %dma_start3A_41] : memref<10240x128xf32, #tpu.memory_space<vmem_shared>> -> memref<640x128xf32, #tpu.memory_space<vmem_shared>>
      %dma_start3A_43 = arith.constant 0 : i32
      %dma_start3A_44 = tpu.memref_slice %arg6[%mul3A_2, %dma_start3A_43] : memref<10240x128xf32, #tpu.memory_space<hbm>> -> memref<640x128xf32, #tpu.memory_space<hbm>>
      tpu.enqueue_dma source(%dma_start3A_44 : memref<640x128xf32, #tpu.memory_space<hbm>>) target(%dma_start3A_42 : memref<640x128xf32, #tpu.memory_space<vmem_shared>>) target_semaphore(%run_scoped3A : memref<!tpu.dma_semaphore, #tpu.memory_space<semaphore_mem>>)
      %dma_wait3A_45 = arith.constant 0 : i32
      %dma_wait3A_46 = tpu.memref_slice %arg20[%mul3A_2, %dma_wait3A_45] : memref<10240x128xf32, #tpu.memory_space<vmem_shared>> -> memref<640x128xf32, #tpu.memory_space<vmem_shared>>
      %dma_wait3A_47 = arith.constant 0 : i32
      %dma_wait3A_48 = tpu.memref_slice %arg6[%mul3A_2, %dma_wait3A_47] : memref<10240x128xf32, #tpu.memory_space<hbm>> -> memref<640x128xf32, #tpu.memory_space<hbm>>
      tpu.wait_dma2 semaphore(%run_scoped3A : memref<!tpu.dma_semaphore, #tpu.memory_space<semaphore_mem>>) src(%dma_wait3A_48 : memref<640x128xf32, #tpu.memory_space<hbm>>) dst(%dma_wait3A_46 : memref<640x128xf32, #tpu.memory_space<vmem_shared>>)
      tpu.yield
    }) : () -> ()
    %barrier3A = arith.constant 0 : index
    tpu.barrier barrier_id(%barrier3A)
    %add3A_5 = arith.constant 0 : i32
    %add3A_6 = arith.addi %mul3A_4, %add3A_5 : i32
    %dma_start3A = tpu.memref_slice %arg4[%add3A_6] : memref<320000xi32, #tpu.memory_space<hbm>> -> memref<40xi32, #tpu.memory_space<hbm>>
    %dma_start3A_7 = tpu.memref_slice %arg4[%add3A_6] : memref<320000xi32, #tpu.memory_space<hbm>> -> memref<40xi32, #tpu.memory_space<hbm>>
    tpu.enqueue_dma source(%dma_start3A_7 : memref<40xi32, #tpu.memory_space<hbm>>) target(%arg8 : memref<40xi32, #tpu.memory_space<vmem>>) target_semaphore(%arg21 : memref<!tpu.dma_semaphore, #tpu.memory_space<semaphore_mem>>)
    %dma_start3A_8 = tpu.memref_slice %arg5[%add3A_6] : memref<320000xi32, #tpu.memory_space<hbm>> -> memref<40xi32, #tpu.memory_space<hbm>>
    %dma_start3A_9 = tpu.memref_slice %arg5[%add3A_6] : memref<320000xi32, #tpu.memory_space<hbm>> -> memref<40xi32, #tpu.memory_space<hbm>>
    tpu.enqueue_dma source(%dma_start3A_9 : memref<40xi32, #tpu.memory_space<hbm>>) target(%arg12 : memref<40xi32, #tpu.memory_space<vmem>>) target_semaphore(%arg21 : memref<!tpu.dma_semaphore, #tpu.memory_space<semaphore_mem>>)
    %add3A_10 = arith.constant 40 : i32
    %add3A_11 = arith.addi %mul3A_4, %add3A_10 : i32
    %dma_start3A_12 = tpu.memref_slice %arg4[%add3A_11] : memref<320000xi32, #tpu.memory_space<hbm>> -> memref<40xi32, #tpu.memory_space<hbm>>
    %dma_start3A_13 = tpu.memref_slice %arg4[%add3A_11] : memref<320000xi32, #tpu.memory_space<hbm>> -> memref<40xi32, #tpu.memory_space<hbm>>
    tpu.enqueue_dma source(%dma_start3A_13 : memref<40xi32, #tpu.memory_space<hbm>>) target(%arg9 : memref<40xi32, #tpu.memory_space<vmem>>) target_semaphore(%arg22 : memref<!tpu.dma_semaphore, #tpu.memory_space<semaphore_mem>>)
    %dma_start3A_14 = tpu.memref_slice %arg5[%add3A_11] : memref<320000xi32, #tpu.memory_space<hbm>> -> memref<40xi32, #tpu.memory_space<hbm>>
    %dma_start3A_15 = tpu.memref_slice %arg5[%add3A_11] : memref<320000xi32, #tpu.memory_space<hbm>> -> memref<40xi32, #tpu.memory_space<hbm>>
    tpu.enqueue_dma source(%dma_start3A_15 : memref<40xi32, #tpu.memory_space<hbm>>) target(%arg13 : memref<40xi32, #tpu.memory_space<vmem>>) target_semaphore(%arg22 : memref<!tpu.dma_semaphore, #tpu.memory_space<semaphore_mem>>)
    %add3A_16 = arith.constant 80 : i32
    %add3A_17 = arith.addi %mul3A_4, %add3A_16 : i32
    %dma_start3A_18 = tpu.memref_slice %arg4[%add3A_17] : memref<320000xi32, #tpu.memory_space<hbm>> -> memref<40xi32, #tpu.memory_space<hbm>>
    %dma_start3A_19 = tpu.memref_slice %arg4[%add3A_17] : memref<320000xi32, #tpu.memory_space<hbm>> -> memref<40xi32, #tpu.memory_space<hbm>>
    tpu.enqueue_dma source(%dma_start3A_19 : memref<40xi32, #tpu.memory_space<hbm>>) target(%arg10 : memref<40xi32, #tpu.memory_space<vmem>>) target_semaphore(%arg23 : memref<!tpu.dma_semaphore, #tpu.memory_space<semaphore_mem>>)
    %dma_start3A_20 = tpu.memref_slice %arg5[%add3A_17] : memref<320000xi32, #tpu.memory_space<hbm>> -> memref<40xi32, #tpu.memory_space<hbm>>
    %dma_start3A_21 = tpu.memref_slice %arg5[%add3A_17] : memref<320000xi32, #tpu.memory_space<hbm>> -> memref<40xi32, #tpu.memory_space<hbm>>
    tpu.enqueue_dma source(%dma_start3A_21 : memref<40xi32, #tpu.memory_space<hbm>>) target(%arg14 : memref<40xi32, #tpu.memory_space<vmem>>) target_semaphore(%arg23 : memref<!tpu.dma_semaphore, #tpu.memory_space<semaphore_mem>>)
    %dma_wait3A = arith.constant 0 : i32
    %dma_wait3A_22 = tpu.memref_slice %arg4[%dma_wait3A] : memref<320000xi32, #tpu.memory_space<hbm>> -> memref<40xi32, #tpu.memory_space<hbm>>
    %dma_wait3A_23 = arith.constant 0 : i32
    %dma_wait3A_24 = tpu.memref_slice %arg4[%dma_wait3A_23] : memref<320000xi32, #tpu.memory_space<hbm>> -> memref<40xi32, #tpu.memory_space<hbm>>
    tpu.wait_dma2 semaphore(%arg21 : memref<!tpu.dma_semaphore, #tpu.memory_space<semaphore_mem>>) src(%dma_wait3A_24 : memref<40xi32, #tpu.memory_space<hbm>>) dst(%arg8 : memref<40xi32, #tpu.memory_space<vmem>>)
    %dma_wait3A_25 = arith.constant 0 : i32
    %dma_wait3A_26 = tpu.memref_slice %arg5[%dma_wait3A_25] : memref<320000xi32, #tpu.memory_space<hbm>> -> memref<40xi32, #tpu.memory_space<hbm>>
    %dma_wait3A_27 = arith.constant 0 : i32
    %dma_wait3A_28 = tpu.memref_slice %arg5[%dma_wait3A_27] : memref<320000xi32, #tpu.memory_space<hbm>> -> memref<40xi32, #tpu.memory_space<hbm>>
    tpu.wait_dma2 semaphore(%arg21 : memref<!tpu.dma_semaphore, #tpu.memory_space<semaphore_mem>>) src(%dma_wait3A_28 : memref<40xi32, #tpu.memory_space<hbm>>) dst(%arg12 : memref<40xi32, #tpu.memory_space<vmem>>)
    %dma_start3A_29 = arith.constant 0 : i32
    %dma_start3A_30 = arith.constant 0 : i32
    %dma_start3A_31 = tpu.memref_slice %arg2[%dma_start3A_29, %dma_start3A_30] : memref<10000x128xf32, #tpu.memory_space<hbm>> -> memref<10000x128xf32, #tpu.memory_space<hbm>>
    tpu.enqueue_indirect_dma source(%dma_start3A_31 : memref<10000x128xf32, #tpu.memory_space<hbm>>) target(%arg16 : memref<40x128xf32, #tpu.memory_space<vmem>>) offsets(%arg12 : memref<40xi32, #tpu.memory_space<vmem>>) semaphore(%arg25 : memref<!tpu.dma_semaphore, #tpu.memory_space<semaphore_mem>>)
    %dma_start3A_32 = arith.constant 0 : i32
    %dma_start3A_33 = arith.constant 0 : i32
    %dma_start3A_34 = tpu.memref_slice %arg3[%dma_start3A_32, %dma_start3A_33] : memref<10000x128xf32, #tpu.memory_space<hbm>> -> memref<10000x128xf32, #tpu.memory_space<hbm>>
    tpu.enqueue_indirect_dma source(%dma_start3A_34 : memref<10000x128xf32, #tpu.memory_space<hbm>>) target(%arg18 : memref<40x128xf32, #tpu.memory_space<vmem>>) offsets(%arg8 : memref<40xi32, #tpu.memory_space<vmem>>) semaphore(%arg25 : memref<!tpu.dma_semaphore, #tpu.memory_space<semaphore_mem>>)
    %scan3A = arith.constant 0 : i32
    %scan3A_35 = arith.constant 0 : i32
    %scan3A_36 = arith.constant 63 : i32
    %scan3A_37 = arith.addi %scan3A_35, %scan3A_36 : i32
    %scan3A_38 = arith.constant 1 : i32
    scf.for %scan3A_41 = %scan3A_35 to %scan3A_37 step %scan3A_38  : i32 {
      %mul3A_42 = arith.constant 4 : i32
      %mul3A_43 = arith.muli %scan3A_41, %mul3A_42 : i32
      %add3A_44 = arith.constant 0 : i32
      %add3A_45 = arith.addi %mul3A_43, %add3A_44 : i32
      %lt3A = arith.constant 250 : i32
      %lt3A_46 = arith.cmpi slt, %add3A_45, %lt3A : i32
      %convert_element_type3A = arith.extui %lt3A_46 : i1 to i32
      %cond3A = arith.constant 0 : i32
      %cond3A_47 = arith.cmpi ne, %convert_element_type3A, %cond3A : i32
      scf.if %cond3A_47 {
        %dma_wait3A_151 = arith.constant 0 : i32
        %dma_wait3A_152 = arith.constant 0 : i32
        %dma_wait3A_153 = tpu.memref_slice %arg2[%dma_wait3A_151, %dma_wait3A_152] : memref<10000x128xf32, #tpu.memory_space<hbm>> -> memref<10000x128xf32, #tpu.memory_space<hbm>>
        tpu.wait_indirect_dma semaphore(%arg25 : memref<!tpu.dma_semaphore, #tpu.memory_space<semaphore_mem>>) src(%dma_wait3A_153 : memref<10000x128xf32, #tpu.memory_space<hbm>>) dst(%arg16 : memref<40x128xf32, #tpu.memory_space<vmem>>)
        %dma_wait3A_154 = arith.constant 0 : i32
        %dma_wait3A_155 = arith.constant 0 : i32
        %dma_wait3A_156 = tpu.memref_slice %arg3[%dma_wait3A_154, %dma_wait3A_155] : memref<10000x128xf32, #tpu.memory_space<hbm>> -> memref<10000x128xf32, #tpu.memory_space<hbm>>
        tpu.wait_indirect_dma semaphore(%arg25 : memref<!tpu.dma_semaphore, #tpu.memory_space<semaphore_mem>>) src(%dma_wait3A_156 : memref<10000x128xf32, #tpu.memory_space<hbm>>) dst(%arg18 : memref<40x128xf32, #tpu.memory_space<vmem>>)
      } else {
      }
      %add3A_48 = arith.constant 1 : i32
      %add3A_49 = arith.addi %add3A_45, %add3A_48 : i32
      %lt3A_50 = arith.constant 250 : i32
      %lt3A_51 = arith.cmpi slt, %add3A_49, %lt3A_50 : i32
      %convert_element_type3A_52 = arith.extui %lt3A_51 : i1 to i32
      %cond3A_53 = arith.constant 0 : i32
      %cond3A_54 = arith.cmpi ne, %convert_element_type3A_52, %cond3A_53 : i32
      scf.if %cond3A_54 {
        %dma_wait3A_151 = arith.constant 0 : i32
        %dma_wait3A_152 = tpu.memref_slice %arg4[%dma_wait3A_151] : memref<320000xi32, #tpu.memory_space<hbm>> -> memref<40xi32, #tpu.memory_space<hbm>>
        %dma_wait3A_153 = arith.constant 0 : i32
        %dma_wait3A_154 = tpu.memref_slice %arg4[%dma_wait3A_153] : memref<320000xi32, #tpu.memory_space<hbm>> -> memref<40xi32, #tpu.memory_space<hbm>>
        tpu.wait_dma2 semaphore(%arg22 : memref<!tpu.dma_semaphore, #tpu.memory_space<semaphore_mem>>) src(%dma_wait3A_154 : memref<40xi32, #tpu.memory_space<hbm>>) dst(%arg9 : memref<40xi32, #tpu.memory_space<vmem>>)
        %dma_wait3A_155 = arith.constant 0 : i32
        %dma_wait3A_156 = tpu.memref_slice %arg5[%dma_wait3A_155] : memref<320000xi32, #tpu.memory_space<hbm>> -> memref<40xi32, #tpu.memory_space<hbm>>
        %dma_wait3A_157 = arith.constant 0 : i32
        %dma_wait3A_158 = tpu.memref_slice %arg5[%dma_wait3A_157] : memref<320000xi32, #tpu.memory_space<hbm>> -> memref<40xi32, #tpu.memory_space<hbm>>
        tpu.wait_dma2 semaphore(%arg22 : memref<!tpu.dma_semaphore, #tpu.memory_space<semaphore_mem>>) src(%dma_wait3A_158 : memref<40xi32, #tpu.memory_space<hbm>>) dst(%arg13 : memref<40xi32, #tpu.memory_space<vmem>>)
        %dma_start3A_159 = arith.constant 0 : i32
        %dma_start3A_160 = arith.constant 0 : i32
        %dma_start3A_161 = tpu.memref_slice %arg2[%dma_start3A_159, %dma_start3A_160] : memref<10000x128xf32, #tpu.memory_space<hbm>> -> memref<10000x128xf32, #tpu.memory_space<hbm>>
        tpu.enqueue_indirect_dma source(%dma_start3A_161 : memref<10000x128xf32, #tpu.memory_space<hbm>>) target(%arg17 : memref<40x128xf32, #tpu.memory_space<vmem>>) offsets(%arg13 : memref<40xi32, #tpu.memory_space<vmem>>) semaphore(%arg26 : memref<!tpu.dma_semaphore, #tpu.memory_space<semaphore_mem>>)
        %dma_start3A_162 = arith.constant 0 : i32
        %dma_start3A_163 = arith.constant 0 : i32
        %dma_start3A_164 = tpu.memref_slice %arg3[%dma_start3A_162, %dma_start3A_163] : memref<10000x128xf32, #tpu.memory_space<hbm>> -> memref<10000x128xf32, #tpu.memory_space<hbm>>
        tpu.enqueue_indirect_dma source(%dma_start3A_164 : memref<10000x128xf32, #tpu.memory_space<hbm>>) target(%arg19 : memref<40x128xf32, #tpu.memory_space<vmem>>) offsets(%arg9 : memref<40xi32, #tpu.memory_space<vmem>>) semaphore(%arg26 : memref<!tpu.dma_semaphore, #tpu.memory_space<semaphore_mem>>)
      } else {
      }
      %add3A_55 = arith.constant 3 : i32
      %add3A_56 = arith.addi %add3A_45, %add3A_55 : i32
      %lt3A_57 = arith.constant 250 : i32
      %lt3A_58 = arith.cmpi slt, %add3A_56, %lt3A_57 : i32
      %convert_element_type3A_59 = arith.extui %lt3A_58 : i1 to i32
      %cond3A_60 = arith.constant 0 : i32
      %cond3A_61 = arith.cmpi ne, %convert_element_type3A_59, %cond3A_60 : i32
      scf.if %cond3A_61 {
        %add3A_151 = arith.constant 3 : i32
        %add3A_152 = arith.addi %add3A_45, %add3A_151 : i32
        %mul3A_153 = arith.constant 40 : i32
        %mul3A_154 = arith.muli %add3A_152, %mul3A_153 : i32
        %add3A_155 = arith.addi %mul3A_4, %mul3A_154 : i32
        %dma_start3A_156 = tpu.memref_slice %arg4[%add3A_155] : memref<320000xi32, #tpu.memory_space<hbm>> -> memref<40xi32, #tpu.memory_space<hbm>>
        %dma_start3A_157 = tpu.memref_slice %arg4[%add3A_155] : memref<320000xi32, #tpu.memory_space<hbm>> -> memref<40xi32, #tpu.memory_space<hbm>>
        tpu.enqueue_dma source(%dma_start3A_157 : memref<40xi32, #tpu.memory_space<hbm>>) target(%arg11 : memref<40xi32, #tpu.memory_space<vmem>>) target_semaphore(%arg24 : memref<!tpu.dma_semaphore, #tpu.memory_space<semaphore_mem>>)
        %dma_start3A_158 = tpu.memref_slice %arg5[%add3A_155] : memref<320000xi32, #tpu.memory_space<hbm>> -> memref<40xi32, #tpu.memory_space<hbm>>
        %dma_start3A_159 = tpu.memref_slice %arg5[%add3A_155] : memref<320000xi32, #tpu.memory_space<hbm>> -> memref<40xi32, #tpu.memory_space<hbm>>
        tpu.enqueue_dma source(%dma_start3A_159 : memref<40xi32, #tpu.memory_space<hbm>>) target(%arg15 : memref<40xi32, #tpu.memory_space<vmem>>) target_semaphore(%arg24 : memref<!tpu.dma_semaphore, #tpu.memory_space<semaphore_mem>>)
      } else {
      }
      %lt3A_62 = arith.constant 250 : i32
      %lt3A_63 = arith.cmpi slt, %add3A_45, %lt3A_62 : i32
      %convert_element_type3A_64 = arith.extui %lt3A_63 : i1 to i32
      %cond3A_65 = arith.constant 0 : i32
      %cond3A_66 = arith.cmpi ne, %convert_element_type3A_64, %cond3A_65 : i32
      scf.if %cond3A_66 {
        %scan3A_151 = arith.constant 0 : i32
        %scan3A_152 = arith.constant 0 : i32
        %scan3A_153 = arith.constant 40 : i32
        %scan3A_154 = arith.addi %scan3A_152, %scan3A_153 : i32
        %scan3A_155 = arith.constant 1 : i32
        scf.for %scan3A_157 = %scan3A_152 to %scan3A_154 step %scan3A_155  : i32 {
          %get3A = arith.index_cast %scan3A_157 : i32 to index
          %get3A_158 = arith.constant 0 : index
          %get3A_159 = tpu.vector_load %arg16[%get3A, %get3A_158] {strides = array<i32>} : memref<40x128xf32, #tpu.memory_space<vmem>>, vector<1x16xf32>,
          %get3A_160 = vector.shape_cast %get3A_159 : vector<1x16xf32> to vector<16xf32>
          %get3A_161 = arith.index_cast %scan3A_157 : i32 to index
          %get3A_162 = arith.constant 0 : index
          %get3A_163 = tpu.vector_load %arg18[%get3A_161, %get3A_162] {strides = array<i32>} : memref<40x128xf32, #tpu.memory_space<vmem>>, vector<1x16xf32>,
          %get3A_164 = vector.shape_cast %get3A_163 : vector<1x16xf32> to vector<16xf32>
          %add3A_165 = arith.addf %get3A_160, %get3A_164 : vector<16xf32>
          %max3A = arith.constant 0.000000e+00 : f32
          %max3A_166 = vector.broadcast %max3A : f32 to vector<16xf32>
          %max3A_167 = arith.maximumf %add3A_165, %max3A_166 : vector<16xf32>
          %swap3A = arith.index_cast %scan3A_157 : i32 to index
          %swap3A_168 = arith.constant 0 : index
          %swap3A_169 = tpu.vector_load %arg16[%swap3A, %swap3A_168] {strides = array<i32>} : memref<40x128xf32, #tpu.memory_space<vmem>>, vector<1x16xf32>,
          %swap3A_170 = vector.shape_cast %swap3A_169 : vector<1x16xf32> to vector<16xf32>
          %swap3A_171 = vector.shape_cast %max3A_167 : vector<16xf32> to vector<1x16xf32>
          tpu.vector_store %arg16[%swap3A, %swap3A_168], %swap3A_171 {strides = array<i32>} : memref<40x128xf32, #tpu.memory_space<vmem>>, vector<1x16xf32>,
          %get3A_172 = arith.index_cast %scan3A_157 : i32 to index
          %get3A_173 = arith.constant 16 : index
          %get3A_174 = tpu.vector_load %arg16[%get3A_172, %get3A_173] {strides = array<i32>} : memref<40x128xf32, #tpu.memory_space<vmem>>, vector<1x16xf32>,
          %get3A_175 = vector.shape_cast %get3A_174 : vector<1x16xf32> to vector<16xf32>
          %get3A_176 = arith.index_cast %scan3A_157 : i32 to index
          %get3A_177 = arith.constant 16 : index
          %get3A_178 = tpu.vector_load %arg18[%get3A_176, %get3A_177] {strides = array<i32>} : memref<40x128xf32, #tpu.memory_space<vmem>>, vector<1x16xf32>,
          %get3A_179 = vector.shape_cast %get3A_178 : vector<1x16xf32> to vector<16xf32>
          %add3A_180 = arith.addf %get3A_175, %get3A_179 : vector<16xf32>
          %max3A_181 = arith.constant 0.000000e+00 : f32
          %max3A_182 = vector.broadcast %max3A_181 : f32 to vector<16xf32>
          %max3A_183 = arith.maximumf %add3A_180, %max3A_182 : vector<16xf32>
          %swap3A_184 = arith.index_cast %scan3A_157 : i32 to index
          %swap3A_185 = arith.constant 16 : index
          %swap3A_186 = tpu.vector_load %arg16[%swap3A_184, %swap3A_185] {strides = array<i32>} : memref<40x128xf32, #tpu.memory_space<vmem>>, vector<1x16xf32>,
          %swap3A_187 = vector.shape_cast %swap3A_186 : vector<1x16xf32> to vector<16xf32>
          %swap3A_188 = vector.shape_cast %max3A_183 : vector<16xf32> to vector<1x16xf32>
          tpu.vector_store %arg16[%swap3A_184, %swap3A_185], %swap3A_188 {strides = array<i32>} : memref<40x128xf32, #tpu.memory_space<vmem>>, vector<1x16xf32>,
          %get3A_189 = arith.index_cast %scan3A_157 : i32 to index
          %get3A_190 = arith.constant 32 : index
          %get3A_191 = tpu.vector_load %arg16[%get3A_189, %get3A_190] {strides = array<i32>} : memref<40x128xf32, #tpu.memory_space<vmem>>, vector<1x16xf32>,
          %get3A_192 = vector.shape_cast %get3A_191 : vector<1x16xf32> to vector<16xf32>
          %get3A_193 = arith.index_cast %scan3A_157 : i32 to index
          %get3A_194 = arith.constant 32 : index
          %get3A_195 = tpu.vector_load %arg18[%get3A_193, %get3A_194] {strides = array<i32>} : memref<40x128xf32, #tpu.memory_space<vmem>>, vector<1x16xf32>,
          %get3A_196 = vector.shape_cast %get3A_195 : vector<1x16xf32> to vector<16xf32>
          %add3A_197 = arith.addf %get3A_192, %get3A_196 : vector<16xf32>
          %max3A_198 = arith.constant 0.000000e+00 : f32
          %max3A_199 = vector.broadcast %max3A_198 : f32 to vector<16xf32>
          %max3A_200 = arith.maximumf %add3A_197, %max3A_199 : vector<16xf32>
          %swap3A_201 = arith.index_cast %scan3A_157 : i32 to index
          %swap3A_202 = arith.constant 32 : index
          %swap3A_203 = tpu.vector_load %arg16[%swap3A_201, %swap3A_202] {strides = array<i32>} : memref<40x128xf32, #tpu.memory_space<vmem>>, vector<1x16xf32>,
          %swap3A_204 = vector.shape_cast %swap3A_203 : vector<1x16xf32> to vector<16xf32>
          %swap3A_205 = vector.shape_cast %max3A_200 : vector<16xf32> to vector<1x16xf32>
          tpu.vector_store %arg16[%swap3A_201, %swap3A_202], %swap3A_205 {strides = array<i32>} : memref<40x128xf32, #tpu.memory_space<vmem>>, vector<1x16xf32>,
          %get3A_206 = arith.index_cast %scan3A_157 : i32 to index
          %get3A_207 = arith.constant 48 : index
          %get3A_208 = tpu.vector_load %arg16[%get3A_206, %get3A_207] {strides = array<i32>} : memref<40x128xf32, #tpu.memory_space<vmem>>, vector<1x16xf32>,
          %get3A_209 = vector.shape_cast %get3A_208 : vector<1x16xf32> to vector<16xf32>
          %get3A_210 = arith.index_cast %scan3A_157 : i32 to index
          %get3A_211 = arith.constant 48 : index
          %get3A_212 = tpu.vector_load %arg18[%get3A_210, %get3A_211] {strides = array<i32>} : memref<40x128xf32, #tpu.memory_space<vmem>>, vector<1x16xf32>,
          %get3A_213 = vector.shape_cast %get3A_212 : vector<1x16xf32> to vector<16xf32>
          %add3A_214 = arith.addf %get3A_209, %get3A_213 : vector<16xf32>
          %max3A_215 = arith.constant 0.000000e+00 : f32
          %max3A_216 = vector.broadcast %max3A_215 : f32 to vector<16xf32>
          %max3A_217 = arith.maximumf %add3A_214, %max3A_216 : vector<16xf32>
          %swap3A_218 = arith.index_cast %scan3A_157 : i32 to index
          %swap3A_219 = arith.constant 48 : index
          %swap3A_220 = tpu.vector_load %arg16[%swap3A_218, %swap3A_219] {strides = array<i32>} : memref<40x128xf32, #tpu.memory_space<vmem>>, vector<1x16xf32>,
          %swap3A_221 = vector.shape_cast %swap3A_220 : vector<1x16xf32> to vector<16xf32>
          %swap3A_222 = vector.shape_cast %max3A_217 : vector<16xf32> to vector<1x16xf32>
          tpu.vector_store %arg16[%swap3A_218, %swap3A_219], %swap3A_222 {strides = array<i32>} : memref<40x128xf32, #tpu.memory_space<vmem>>, vector<1x16xf32>,
          %get3A_223 = arith.index_cast %scan3A_157 : i32 to index
          %get3A_224 = arith.constant 64 : index
          %get3A_225 = tpu.vector_load %arg16[%get3A_223, %get3A_224] {strides = array<i32>} : memref<40x128xf32, #tpu.memory_space<vmem>>, vector<1x16xf32>,
          %get3A_226 = vector.shape_cast %get3A_225 : vector<1x16xf32> to vector<16xf32>
          %get3A_227 = arith.index_cast %scan3A_157 : i32 to index
          %get3A_228 = arith.constant 64 : index
          %get3A_229 = tpu.vector_load %arg18[%get3A_227, %get3A_228] {strides = array<i32>} : memref<40x128xf32, #tpu.memory_space<vmem>>, vector<1x16xf32>,
          %get3A_230 = vector.shape_cast %get3A_229 : vector<1x16xf32> to vector<16xf32>
          %add3A_231 = arith.addf %get3A_226, %get3A_230 : vector<16xf32>
          %max3A_232 = arith.constant 0.000000e+00 : f32
          %max3A_233 = vector.broadcast %max3A_232 : f32 to vector<16xf32>
          %max3A_234 = arith.maximumf %add3A_231, %max3A_233 : vector<16xf32>
          %swap3A_235 = arith.index_cast %scan3A_157 : i32 to index
          %swap3A_236 = arith.constant 64 : index
          %swap3A_237 = tpu.vector_load %arg16[%swap3A_235, %swap3A_236] {strides = array<i32>} : memref<40x128xf32, #tpu.memory_space<vmem>>, vector<1x16xf32>,
          %swap3A_238 = vector.shape_cast %swap3A_237 : vector<1x16xf32> to vector<16xf32>
          %swap3A_239 = vector.shape_cast %max3A_234 : vector<16xf32> to vector<1x16xf32>
          tpu.vector_store %arg16[%swap3A_235, %swap3A_236], %swap3A_239 {strides = array<i32>} : memref<40x128xf32, #tpu.memory_space<vmem>>, vector<1x16xf32>,
          %get3A_240 = arith.index_cast %scan3A_157 : i32 to index
          %get3A_241 = arith.constant 80 : index
          %get3A_242 = tpu.vector_load %arg16[%get3A_240, %get3A_241] {strides = array<i32>} : memref<40x128xf32, #tpu.memory_space<vmem>>, vector<1x16xf32>,
          %get3A_243 = vector.shape_cast %get3A_242 : vector<1x16xf32> to vector<16xf32>
          %get3A_244 = arith.index_cast %scan3A_157 : i32 to index
          %get3A_245 = arith.constant 80 : index
          %get3A_246 = tpu.vector_load %arg18[%get3A_244, %get3A_245] {strides = array<i32>} : memref<40x128xf32, #tpu.memory_space<vmem>>, vector<1x16xf32>,
          %get3A_247 = vector.shape_cast %get3A_246 : vector<1x16xf32> to vector<16xf32>
          %add3A_248 = arith.addf %get3A_243, %get3A_247 : vector<16xf32>
          %max3A_249 = arith.constant 0.000000e+00 : f32
          %max3A_250 = vector.broadcast %max3A_249 : f32 to vector<16xf32>
          %max3A_251 = arith.maximumf %add3A_248, %max3A_250 : vector<16xf32>
          %swap3A_252 = arith.index_cast %scan3A_157 : i32 to index
          %swap3A_253 = arith.constant 80 : index
          %swap3A_254 = tpu.vector_load %arg16[%swap3A_252, %swap3A_253] {strides = array<i32>} : memref<40x128xf32, #tpu.memory_space<vmem>>, vector<1x16xf32>,
          %swap3A_255 = vector.shape_cast %swap3A_254 : vector<1x16xf32> to vector<16xf32>
          %swap3A_256 = vector.shape_cast %max3A_251 : vector<16xf32> to vector<1x16xf32>
          tpu.vector_store %arg16[%swap3A_252, %swap3A_253], %swap3A_256 {strides = array<i32>} : memref<40x128xf32, #tpu.memory_space<vmem>>, vector<1x16xf32>,
          %get3A_257 = arith.index_cast %scan3A_157 : i32 to index
          %get3A_258 = arith.constant 96 : index
          %get3A_259 = tpu.vector_load %arg16[%get3A_257, %get3A_258] {strides = array<i32>} : memref<40x128xf32, #tpu.memory_space<vmem>>, vector<1x16xf32>,
          %get3A_260 = vector.shape_cast %get3A_259 : vector<1x16xf32> to vector<16xf32>
          %get3A_261 = arith.index_cast %scan3A_157 : i32 to index
          %get3A_262 = arith.constant 96 : index
          %get3A_263 = tpu.vector_load %arg18[%get3A_261, %get3A_262] {strides = array<i32>} : memref<40x128xf32, #tpu.memory_space<vmem>>, vector<1x16xf32>,
          %get3A_264 = vector.shape_cast %get3A_263 : vector<1x16xf32> to vector<16xf32>
          %add3A_265 = arith.addf %get3A_260, %get3A_264 : vector<16xf32>
          %max3A_266 = arith.constant 0.000000e+00 : f32
          %max3A_267 = vector.broadcast %max3A_266 : f32 to vector<16xf32>
          %max3A_268 = arith.maximumf %add3A_265, %max3A_267 : vector<16xf32>
          %swap3A_269 = arith.index_cast %scan3A_157 : i32 to index
          %swap3A_270 = arith.constant 96 : index
          %swap3A_271 = tpu.vector_load %arg16[%swap3A_269, %swap3A_270] {strides = array<i32>} : memref<40x128xf32, #tpu.memory_space<vmem>>, vector<1x16xf32>,
          %swap3A_272 = vector.shape_cast %swap3A_271 : vector<1x16xf32> to vector<16xf32>
          %swap3A_273 = vector.shape_cast %max3A_268 : vector<16xf32> to vector<1x16xf32>
          tpu.vector_store %arg16[%swap3A_269, %swap3A_270], %swap3A_273 {strides = array<i32>} : memref<40x128xf32, #tpu.memory_space<vmem>>, vector<1x16xf32>,
          %get3A_274 = arith.index_cast %scan3A_157 : i32 to index
          %get3A_275 = arith.constant 112 : index
          %get3A_276 = tpu.vector_load %arg16[%get3A_274, %get3A_275] {strides = array<i32>} : memref<40x128xf32, #tpu.memory_space<vmem>>, vector<1x16xf32>,
          %get3A_277 = vector.shape_cast %get3A_276 : vector<1x16xf32> to vector<16xf32>
          %get3A_278 = arith.index_cast %scan3A_157 : i32 to index
          %get3A_279 = arith.constant 112 : index
          %get3A_280 = tpu.vector_load %arg18[%get3A_278, %get3A_279] {strides = array<i32>} : memref<40x128xf32, #tpu.memory_space<vmem>>, vector<1x16xf32>,
          %get3A_281 = vector.shape_cast %get3A_280 : vector<1x16xf32> to vector<16xf32>
          %add3A_282 = arith.addf %get3A_277, %get3A_281 : vector<16xf32>
          %max3A_283 = arith.constant 0.000000e+00 : f32
          %max3A_284 = vector.broadcast %max3A_283 : f32 to vector<16xf32>
          %max3A_285 = arith.maximumf %add3A_282, %max3A_284 : vector<16xf32>
          %swap3A_286 = arith.index_cast %scan3A_157 : i32 to index
          %swap3A_287 = arith.constant 112 : index
          %swap3A_288 = tpu.vector_load %arg16[%swap3A_286, %swap3A_287] {strides = array<i32>} : memref<40x128xf32, #tpu.memory_space<vmem>>, vector<1x16xf32>,
          %swap3A_289 = vector.shape_cast %swap3A_288 : vector<1x16xf32> to vector<16xf32>
          %swap3A_290 = vector.shape_cast %max3A_285 : vector<16xf32> to vector<1x16xf32>
          tpu.vector_store %arg16[%swap3A_286, %swap3A_287], %swap3A_290 {strides = array<i32>} : memref<40x128xf32, #tpu.memory_space<vmem>>, vector<1x16xf32>,
        }
        %scan3A_156 = arith.constant 40 : i32
        "tpu.region"() ({
          %run_scoped3A = tpu.sem_alloc : memref<!tpu.dma_semaphore, #tpu.memory_space<semaphore_mem>>
          %dma_start3A_157 = arith.constant 0 : i32
          %dma_start3A_158 = arith.constant 0 : i32
          %dma_start3A_159 = tpu.memref_slice %arg20[%dma_start3A_157, %dma_start3A_158] : memref<10240x128xf32, #tpu.memory_space<vmem_shared>> -> memref<10240x128xf32, #tpu.memory_space<vmem_shared>>
          tpu.enqueue_indirect_dma source(%arg16 : memref<40x128xf32, #tpu.memory_space<vmem>>) target(%dma_start3A_159 : memref<10240x128xf32, #tpu.memory_space<vmem_shared>>) offsets(%arg12 : memref<40xi32, #tpu.memory_space<vmem>>) semaphore(%run_scoped3A : memref<!tpu.dma_semaphore, #tpu.memory_space<semaphore_mem>>) {add = true}
          %dma_wait3A_160 = arith.constant 0 : i32
          %dma_wait3A_161 = arith.constant 0 : i32
          %dma_wait3A_162 = tpu.memref_slice %arg20[%dma_wait3A_160, %dma_wait3A_161] : memref<10240x128xf32, #tpu.memory_space<vmem_shared>> -> memref<10240x128xf32, #tpu.memory_space<vmem_shared>>
          tpu.wait_indirect_dma semaphore(%run_scoped3A : memref<!tpu.dma_semaphore, #tpu.memory_space<semaphore_mem>>) src(%arg16 : memref<40x128xf32, #tpu.memory_space<vmem>>) dst(%dma_wait3A_162 : memref<10240x128xf32, #tpu.memory_space<vmem_shared>>)
          tpu.yield
        }) : () -> ()
      } else {
      }
      %mul3A_67 = arith.constant 4 : i32
      %mul3A_68 = arith.muli %scan3A_41, %mul3A_67 : i32
      %add3A_69 = arith.constant 1 : i32
      %add3A_70 = arith.addi %mul3A_68, %add3A_69 : i32
      %lt3A_71 = arith.constant 250 : i32
      %lt3A_72 = arith.cmpi slt, %add3A_70, %lt3A_71 : i32
      %convert_element_type3A_73 = arith.extui %lt3A_72 : i1 to i32
      %cond3A_74 = arith.constant 0 : i32
      %cond3A_75 = arith.cmpi ne, %convert_element_type3A_73, %cond3A_74 : i32
      scf.if %cond3A_75 {
        %dma_wait3A_151 = arith.constant 0 : i32
        %dma_wait3A_152 = arith.constant 0 : i32
        %dma_wait3A_153 = tpu.memref_slice %arg2[%dma_wait3A_151, %dma_wait3A_152] : memref<10000x128xf32, #tpu.memory_space<hbm>> -> memref<10000x128xf32, #tpu.memory_space<hbm>>
        tpu.wait_indirect_dma semaphore(%arg26 : memref<!tpu.dma_semaphore, #tpu.memory_space<semaphore_mem>>) src(%dma_wait3A_153 : memref<10000x128xf32, #tpu.memory_space<hbm>>) dst(%arg17 : memref<40x128xf32, #tpu.memory_space<vmem>>)
        %dma_wait3A_154 = arith.constant 0 : i32
        %dma_wait3A_155 = arith.constant 0 : i32
        %dma_wait3A_156 = tpu.memref_slice %arg3[%dma_wait3A_154, %dma_wait3A_155] : memref<10000x128xf32, #tpu.memory_space<hbm>> -> memref<10000x128xf32, #tpu.memory_space<hbm>>
        tpu.wait_indirect_dma semaphore(%arg26 : memref<!tpu.dma_semaphore, #tpu.memory_space<semaphore_mem>>) src(%dma_wait3A_156 : memref<10000x128xf32, #tpu.memory_space<hbm>>) dst(%arg19 : memref<40x128xf32, #tpu.memory_space<vmem>>)
      } else {
      }
      %add3A_76 = arith.constant 1 : i32
      %add3A_77 = arith.addi %add3A_70, %add3A_76 : i32
      %lt3A_78 = arith.constant 250 : i32
      %lt3A_79 = arith.cmpi slt, %add3A_77, %lt3A_78 : i32
      %convert_element_type3A_80 = arith.extui %lt3A_79 : i1 to i32
      %cond3A_81 = arith.constant 0 : i32
      %cond3A_82 = arith.cmpi ne, %convert_element_type3A_80, %cond3A_81 : i32
      scf.if %cond3A_82 {
        %dma_wait3A_151 = arith.constant 0 : i32
        %dma_wait3A_152 = tpu.memref_slice %arg4[%dma_wait3A_151] : memref<320000xi32, #tpu.memory_space<hbm>> -> memref<40xi32, #tpu.memory_space<hbm>>
        %dma_wait3A_153 = arith.constant 0 : i32
        %dma_wait3A_154 = tpu.memref_slice %arg4[%dma_wait3A_153] : memref<320000xi32, #tpu.memory_space<hbm>> -> memref<40xi32, #tpu.memory_space<hbm>>
        tpu.wait_dma2 semaphore(%arg23 : memref<!tpu.dma_semaphore, #tpu.memory_space<semaphore_mem>>) src(%dma_wait3A_154 : memref<40xi32, #tpu.memory_space<hbm>>) dst(%arg10 : memref<40xi32, #tpu.memory_space<vmem>>)
        %dma_wait3A_155 = arith.constant 0 : i32
        %dma_wait3A_156 = tpu.memref_slice %arg5[%dma_wait3A_155] : memref<320000xi32, #tpu.memory_space<hbm>> -> memref<40xi32, #tpu.memory_space<hbm>>
        %dma_wait3A_157 = arith.constant 0 : i32
        %dma_wait3A_158 = tpu.memref_slice %arg5[%dma_wait3A_157] : memref<320000xi32, #tpu.memory_space<hbm>> -> memref<40xi32, #tpu.memory_space<hbm>>
        tpu.wait_dma2 semaphore(%arg23 : memref<!tpu.dma_semaphore, #tpu.memory_space<semaphore_mem>>) src(%dma_wait3A_158 : memref<40xi32, #tpu.memory_space<hbm>>) dst(%arg14 : memref<40xi32, #tpu.memory_space<vmem>>)
        %dma_start3A_159 = arith.constant 0 : i32
        %dma_start3A_160 = arith.constant 0 : i32
        %dma_start3A_161 = tpu.memref_slice %arg2[%dma_start3A_159, %dma_start3A_160] : memref<10000x128xf32, #tpu.memory_space<hbm>> -> memref<10000x128xf32, #tpu.memory_space<hbm>>
        tpu.enqueue_indirect_dma source(%dma_start3A_161 : memref<10000x128xf32, #tpu.memory_space<hbm>>) target(%arg16 : memref<40x128xf32, #tpu.memory_space<vmem>>) offsets(%arg14 : memref<40xi32, #tpu.memory_space<vmem>>) semaphore(%arg25 : memref<!tpu.dma_semaphore, #tpu.memory_space<semaphore_mem>>)
        %dma_start3A_162 = arith.constant 0 : i32
        %dma_start3A_163 = arith.constant 0 : i32
        %dma_start3A_164 = tpu.memref_slice %arg3[%dma_start3A_162, %dma_start3A_163] : memref<10000x128xf32, #tpu.memory_space<hbm>> -> memref<10000x128xf32, #tpu.memory_space<hbm>>
        tpu.enqueue_indirect_dma source(%dma_start3A_164 : memref<10000x128xf32, #tpu.memory_space<hbm>>) target(%arg18 : memref<40x128xf32, #tpu.memory_space<vmem>>) offsets(%arg10 : memref<40xi32, #tpu.memory_space<vmem>>) semaphore(%arg25 : memref<!tpu.dma_semaphore, #tpu.memory_space<semaphore_mem>>)
      } else {
      }
      %add3A_83 = arith.constant 3 : i32
      %add3A_84 = arith.addi %add3A_70, %add3A_83 : i32
      %lt3A_85 = arith.constant 250 : i32
      %lt3A_86 = arith.cmpi slt, %add3A_84, %lt3A_85 : i32
      %convert_element_type3A_87 = arith.extui %lt3A_86 : i1 to i32
      %cond3A_88 = arith.constant 0 : i32
      %cond3A_89 = arith.cmpi ne, %convert_element_type3A_87, %cond3A_88 : i32
      scf.if %cond3A_89 {
        %add3A_151 = arith.constant 3 : i32
        %add3A_152 = arith.addi %add3A_70, %add3A_151 : i32
        %mul3A_153 = arith.constant 40 : i32
        %mul3A_154 = arith.muli %add3A_152, %mul3A_153 : i32
        %add3A_155 = arith.addi %mul3A_4, %mul3A_154 : i32
        %dma_start3A_156 = tpu.memref_slice %arg4[%add3A_155] : memref<320000xi32, #tpu.memory_space<hbm>> -> memref<40xi32, #tpu.memory_space<hbm>>
        %dma_start3A_157 = tpu.memref_slice %arg4[%add3A_155] : memref<320000xi32, #tpu.memory_space<hbm>> -> memref<40xi32, #tpu.memory_space<hbm>>
        tpu.enqueue_dma source(%dma_start3A_157 : memref<40xi32, #tpu.memory_space<hbm>>) target(%arg8 : memref<40xi32, #tpu.memory_space<vmem>>) target_semaphore(%arg21 : memref<!tpu.dma_semaphore, #tpu.memory_space<semaphore_mem>>)
        %dma_start3A_158 = tpu.memref_slice %arg5[%add3A_155] : memref<320000xi32, #tpu.memory_space<hbm>> -> memref<40xi32, #tpu.memory_space<hbm>>
        %dma_start3A_159 = tpu.memref_slice %arg5[%add3A_155] : memref<320000xi32, #tpu.memory_space<hbm>> -> memref<40xi32, #tpu.memory_space<hbm>>
        tpu.enqueue_dma source(%dma_start3A_159 : memref<40xi32, #tpu.memory_space<hbm>>) target(%arg12 : memref<40xi32, #tpu.memory_space<vmem>>) target_semaphore(%arg21 : memref<!tpu.dma_semaphore, #tpu.memory_space<semaphore_mem>>)
      } else {
      }
      %lt3A_90 = arith.constant 250 : i32
      %lt3A_91 = arith.cmpi slt, %add3A_70, %lt3A_90 : i32
      %convert_element_type3A_92 = arith.extui %lt3A_91 : i1 to i32
      %cond3A_93 = arith.constant 0 : i32
      %cond3A_94 = arith.cmpi ne, %convert_element_type3A_92, %cond3A_93 : i32
      scf.if %cond3A_94 {
        %scan3A_151 = arith.constant 0 : i32
        %scan3A_152 = arith.constant 0 : i32
        %scan3A_153 = arith.constant 40 : i32
        %scan3A_154 = arith.addi %scan3A_152, %scan3A_153 : i32
        %scan3A_155 = arith.constant 1 : i32
        scf.for %scan3A_157 = %scan3A_152 to %scan3A_154 step %scan3A_155  : i32 {
          %get3A = arith.index_cast %scan3A_157 : i32 to index
          %get3A_158 = arith.constant 0 : index
          %get3A_159 = tpu.vector_load %arg17[%get3A, %get3A_158] {strides = array<i32>} : memref<40x128xf32, #tpu.memory_space<vmem>>, vector<1x16xf32>,
          %get3A_160 = vector.shape_cast %get3A_159 : vector<1x16xf32> to vector<16xf32>
          %get3A_161 = arith.index_cast %scan3A_157 : i32 to index
          %get3A_162 = arith.constant 0 : index
          %get3A_163 = tpu.vector_load %arg19[%get3A_161, %get3A_162] {strides = array<i32>} : memref<40x128xf32, #tpu.memory_space<vmem>>, vector<1x16xf32>,
          %get3A_164 = vector.shape_cast %get3A_163 : vector<1x16xf32> to vector<16xf32>
          %add3A_165 = arith.addf %get3A_160, %get3A_164 : vector<16xf32>
          %max3A = arith.constant 0.000000e+00 : f32
          %max3A_166 = vector.broadcast %max3A : f32 to vector<16xf32>
          %max3A_167 = arith.maximumf %add3A_165, %max3A_166 : vector<16xf32>
          %swap3A = arith.index_cast %scan3A_157 : i32 to index
          %swap3A_168 = arith.constant 0 : index
          %swap3A_169 = tpu.vector_load %arg17[%swap3A, %swap3A_168] {strides = array<i32>} : memref<40x128xf32, #tpu.memory_space<vmem>>, vector<1x16xf32>,
          %swap3A_170 = vector.shape_cast %swap3A_169 : vector<1x16xf32> to vector<16xf32>
          %swap3A_171 = vector.shape_cast %max3A_167 : vector<16xf32> to vector<1x16xf32>
          tpu.vector_store %arg17[%swap3A, %swap3A_168], %swap3A_171 {strides = array<i32>} : memref<40x128xf32, #tpu.memory_space<vmem>>, vector<1x16xf32>,
          %get3A_172 = arith.index_cast %scan3A_157 : i32 to index
          %get3A_173 = arith.constant 16 : index
          %get3A_174 = tpu.vector_load %arg17[%get3A_172, %get3A_173] {strides = array<i32>} : memref<40x128xf32, #tpu.memory_space<vmem>>, vector<1x16xf32>,
          %get3A_175 = vector.shape_cast %get3A_174 : vector<1x16xf32> to vector<16xf32>
          %get3A_176 = arith.index_cast %scan3A_157 : i32 to index
          %get3A_177 = arith.constant 16 : index
          %get3A_178 = tpu.vector_load %arg19[%get3A_176, %get3A_177] {strides = array<i32>} : memref<40x128xf32, #tpu.memory_space<vmem>>, vector<1x16xf32>,
          %get3A_179 = vector.shape_cast %get3A_178 : vector<1x16xf32> to vector<16xf32>
          %add3A_180 = arith.addf %get3A_175, %get3A_179 : vector<16xf32>
          %max3A_181 = arith.constant 0.000000e+00 : f32
          %max3A_182 = vector.broadcast %max3A_181 : f32 to vector<16xf32>
          %max3A_183 = arith.maximumf %add3A_180, %max3A_182 : vector<16xf32>
          %swap3A_184 = arith.index_cast %scan3A_157 : i32 to index
          %swap3A_185 = arith.constant 16 : index
          %swap3A_186 = tpu.vector_load %arg17[%swap3A_184, %swap3A_185] {strides = array<i32>} : memref<40x128xf32, #tpu.memory_space<vmem>>, vector<1x16xf32>,
          %swap3A_187 = vector.shape_cast %swap3A_186 : vector<1x16xf32> to vector<16xf32>
          %swap3A_188 = vector.shape_cast %max3A_183 : vector<16xf32> to vector<1x16xf32>
          tpu.vector_store %arg17[%swap3A_184, %swap3A_185], %swap3A_188 {strides = array<i32>} : memref<40x128xf32, #tpu.memory_space<vmem>>, vector<1x16xf32>,
          %get3A_189 = arith.index_cast %scan3A_157 : i32 to index
          %get3A_190 = arith.constant 32 : index
          %get3A_191 = tpu.vector_load %arg17[%get3A_189, %get3A_190] {strides = array<i32>} : memref<40x128xf32, #tpu.memory_space<vmem>>, vector<1x16xf32>,
          %get3A_192 = vector.shape_cast %get3A_191 : vector<1x16xf32> to vector<16xf32>
          %get3A_193 = arith.index_cast %scan3A_157 : i32 to index
          %get3A_194 = arith.constant 32 : index
          %get3A_195 = tpu.vector_load %arg19[%get3A_193, %get3A_194] {strides = array<i32>} : memref<40x128xf32, #tpu.memory_space<vmem>>, vector<1x16xf32>,
          %get3A_196 = vector.shape_cast %get3A_195 : vector<1x16xf32> to vector<16xf32>
          %add3A_197 = arith.addf %get3A_192, %get3A_196 : vector<16xf32>
          %max3A_198 = arith.constant 0.000000e+00 : f32
          %max3A_199 = vector.broadcast %max3A_198 : f32 to vector<16xf32>
          %max3A_200 = arith.maximumf %add3A_197, %max3A_199 : vector<16xf32>
          %swap3A_201 = arith.index_cast %scan3A_157 : i32 to index
          %swap3A_202 = arith.constant 32 : index
          %swap3A_203 = tpu.vector_load %arg17[%swap3A_201, %swap3A_202] {strides = array<i32>} : memref<40x128xf32, #tpu.memory_space<vmem>>, vector<1x16xf32>,
          %swap3A_204 = vector.shape_cast %swap3A_203 : vector<1x16xf32> to vector<16xf32>
          %swap3A_205 = vector.shape_cast %max3A_200 : vector<16xf32> to vector<1x16xf32>
          tpu.vector_store %arg17[%swap3A_201, %swap3A_202], %swap3A_205 {strides = array<i32>} : memref<40x128xf32, #tpu.memory_space<vmem>>, vector<1x16xf32>,
          %get3A_206 = arith.index_cast %scan3A_157 : i32 to index
          %get3A_207 = arith.constant 48 : index
          %get3A_208 = tpu.vector_load %arg17[%get3A_206, %get3A_207] {strides = array<i32>} : memref<40x128xf32, #tpu.memory_space<vmem>>, vector<1x16xf32>,
          %get3A_209 = vector.shape_cast %get3A_208 : vector<1x16xf32> to vector<16xf32>
          %get3A_210 = arith.index_cast %scan3A_157 : i32 to index
          %get3A_211 = arith.constant 48 : index
          %get3A_212 = tpu.vector_load %arg19[%get3A_210, %get3A_211] {strides = array<i32>} : memref<40x128xf32, #tpu.memory_space<vmem>>, vector<1x16xf32>,
          %get3A_213 = vector.shape_cast %get3A_212 : vector<1x16xf32> to vector<16xf32>
          %add3A_214 = arith.addf %get3A_209, %get3A_213 : vector<16xf32>
          %max3A_215 = arith.constant 0.000000e+00 : f32
          %max3A_216 = vector.broadcast %max3A_215 : f32 to vector<16xf32>
          %max3A_217 = arith.maximumf %add3A_214, %max3A_216 : vector<16xf32>
          %swap3A_218 = arith.index_cast %scan3A_157 : i32 to index
          %swap3A_219 = arith.constant 48 : index
          %swap3A_220 = tpu.vector_load %arg17[%swap3A_218, %swap3A_219] {strides = array<i32>} : memref<40x128xf32, #tpu.memory_space<vmem>>, vector<1x16xf32>,
          %swap3A_221 = vector.shape_cast %swap3A_220 : vector<1x16xf32> to vector<16xf32>
          %swap3A_222 = vector.shape_cast %max3A_217 : vector<16xf32> to vector<1x16xf32>
          tpu.vector_store %arg17[%swap3A_218, %swap3A_219], %swap3A_222 {strides = array<i32>} : memref<40x128xf32, #tpu.memory_space<vmem>>, vector<1x16xf32>,
          %get3A_223 = arith.index_cast %scan3A_157 : i32 to index
          %get3A_224 = arith.constant 64 : index
          %get3A_225 = tpu.vector_load %arg17[%get3A_223, %get3A_224] {strides = array<i32>} : memref<40x128xf32, #tpu.memory_space<vmem>>, vector<1x16xf32>,
          %get3A_226 = vector.shape_cast %get3A_225 : vector<1x16xf32> to vector<16xf32>
          %get3A_227 = arith.index_cast %scan3A_157 : i32 to index
          %get3A_228 = arith.constant 64 : index
          %get3A_229 = tpu.vector_load %arg19[%get3A_227, %get3A_228] {strides = array<i32>} : memref<40x128xf32, #tpu.memory_space<vmem>>, vector<1x16xf32>,
          %get3A_230 = vector.shape_cast %get3A_229 : vector<1x16xf32> to vector<16xf32>
          %add3A_231 = arith.addf %get3A_226, %get3A_230 : vector<16xf32>
          %max3A_232 = arith.constant 0.000000e+00 : f32
          %max3A_233 = vector.broadcast %max3A_232 : f32 to vector<16xf32>
          %max3A_234 = arith.maximumf %add3A_231, %max3A_233 : vector<16xf32>
          %swap3A_235 = arith.index_cast %scan3A_157 : i32 to index
          %swap3A_236 = arith.constant 64 : index
          %swap3A_237 = tpu.vector_load %arg17[%swap3A_235, %swap3A_236] {strides = array<i32>} : memref<40x128xf32, #tpu.memory_space<vmem>>, vector<1x16xf32>,
          %swap3A_238 = vector.shape_cast %swap3A_237 : vector<1x16xf32> to vector<16xf32>
          %swap3A_239 = vector.shape_cast %max3A_234 : vector<16xf32> to vector<1x16xf32>
          tpu.vector_store %arg17[%swap3A_235, %swap3A_236], %swap3A_239 {strides = array<i32>} : memref<40x128xf32, #tpu.memory_space<vmem>>, vector<1x16xf32>,
          %get3A_240 = arith.index_cast %scan3A_157 : i32 to index
          %get3A_241 = arith.constant 80 : index
          %get3A_242 = tpu.vector_load %arg17[%get3A_240, %get3A_241] {strides = array<i32>} : memref<40x128xf32, #tpu.memory_space<vmem>>, vector<1x16xf32>,
          %get3A_243 = vector.shape_cast %get3A_242 : vector<1x16xf32> to vector<16xf32>
          %get3A_244 = arith.index_cast %scan3A_157 : i32 to index
          %get3A_245 = arith.constant 80 : index
          %get3A_246 = tpu.vector_load %arg19[%get3A_244, %get3A_245] {strides = array<i32>} : memref<40x128xf32, #tpu.memory_space<vmem>>, vector<1x16xf32>,
          %get3A_247 = vector.shape_cast %get3A_246 : vector<1x16xf32> to vector<16xf32>
          %add3A_248 = arith.addf %get3A_243, %get3A_247 : vector<16xf32>
          %max3A_249 = arith.constant 0.000000e+00 : f32
          %max3A_250 = vector.broadcast %max3A_249 : f32 to vector<16xf32>
          %max3A_251 = arith.maximumf %add3A_248, %max3A_250 : vector<16xf32>
          %swap3A_252 = arith.index_cast %scan3A_157 : i32 to index
          %swap3A_253 = arith.constant 80 : index
          %swap3A_254 = tpu.vector_load %arg17[%swap3A_252, %swap3A_253] {strides = array<i32>} : memref<40x128xf32, #tpu.memory_space<vmem>>, vector<1x16xf32>,
          %swap3A_255 = vector.shape_cast %swap3A_254 : vector<1x16xf32> to vector<16xf32>
          %swap3A_256 = vector.shape_cast %max3A_251 : vector<16xf32> to vector<1x16xf32>
          tpu.vector_store %arg17[%swap3A_252, %swap3A_253], %swap3A_256 {strides = array<i32>} : memref<40x128xf32, #tpu.memory_space<vmem>>, vector<1x16xf32>,
          %get3A_257 = arith.index_cast %scan3A_157 : i32 to index
          %get3A_258 = arith.constant 96 : index
          %get3A_259 = tpu.vector_load %arg17[%get3A_257, %get3A_258] {strides = array<i32>} : memref<40x128xf32, #tpu.memory_space<vmem>>, vector<1x16xf32>,
          %get3A_260 = vector.shape_cast %get3A_259 : vector<1x16xf32> to vector<16xf32>
          %get3A_261 = arith.index_cast %scan3A_157 : i32 to index
          %get3A_262 = arith.constant 96 : index
          %get3A_263 = tpu.vector_load %arg19[%get3A_261, %get3A_262] {strides = array<i32>} : memref<40x128xf32, #tpu.memory_space<vmem>>, vector<1x16xf32>,
          %get3A_264 = vector.shape_cast %get3A_263 : vector<1x16xf32> to vector<16xf32>
          %add3A_265 = arith.addf %get3A_260, %get3A_264 : vector<16xf32>
          %max3A_266 = arith.constant 0.000000e+00 : f32
          %max3A_267 = vector.broadcast %max3A_266 : f32 to vector<16xf32>
          %max3A_268 = arith.maximumf %add3A_265, %max3A_267 : vector<16xf32>
          %swap3A_269 = arith.index_cast %scan3A_157 : i32 to index
          %swap3A_270 = arith.constant 96 : index
          %swap3A_271 = tpu.vector_load %arg17[%swap3A_269, %swap3A_270] {strides = array<i32>} : memref<40x128xf32, #tpu.memory_space<vmem>>, vector<1x16xf32>,
          %swap3A_272 = vector.shape_cast %swap3A_271 : vector<1x16xf32> to vector<16xf32>
          %swap3A_273 = vector.shape_cast %max3A_268 : vector<16xf32> to vector<1x16xf32>
          tpu.vector_store %arg17[%swap3A_269, %swap3A_270], %swap3A_273 {strides = array<i32>} : memref<40x128xf32, #tpu.memory_space<vmem>>, vector<1x16xf32>,
          %get3A_274 = arith.index_cast %scan3A_157 : i32 to index
          %get3A_275 = arith.constant 112 : index
          %get3A_276 = tpu.vector_load %arg17[%get3A_274, %get3A_275] {strides = array<i32>} : memref<40x128xf32, #tpu.memory_space<vmem>>, vector<1x16xf32>,
          %get3A_277 = vector.shape_cast %get3A_276 : vector<1x16xf32> to vector<16xf32>
          %get3A_278 = arith.index_cast %scan3A_157 : i32 to index
          %get3A_279 = arith.constant 112 : index
          %get3A_280 = tpu.vector_load %arg19[%get3A_278, %get3A_279] {strides = array<i32>} : memref<40x128xf32, #tpu.memory_space<vmem>>, vector<1x16xf32>,
          %get3A_281 = vector.shape_cast %get3A_280 : vector<1x16xf32> to vector<16xf32>
          %add3A_282 = arith.addf %get3A_277, %get3A_281 : vector<16xf32>
          %max3A_283 = arith.constant 0.000000e+00 : f32
          %max3A_284 = vector.broadcast %max3A_283 : f32 to vector<16xf32>
          %max3A_285 = arith.maximumf %add3A_282, %max3A_284 : vector<16xf32>
          %swap3A_286 = arith.index_cast %scan3A_157 : i32 to index
          %swap3A_287 = arith.constant 112 : index
          %swap3A_288 = tpu.vector_load %arg17[%swap3A_286, %swap3A_287] {strides = array<i32>} : memref<40x128xf32, #tpu.memory_space<vmem>>, vector<1x16xf32>,
          %swap3A_289 = vector.shape_cast %swap3A_288 : vector<1x16xf32> to vector<16xf32>
          %swap3A_290 = vector.shape_cast %max3A_285 : vector<16xf32> to vector<1x16xf32>
          tpu.vector_store %arg17[%swap3A_286, %swap3A_287], %swap3A_290 {strides = array<i32>} : memref<40x128xf32, #tpu.memory_space<vmem>>, vector<1x16xf32>,
        }
        %scan3A_156 = arith.constant 40 : i32
        "tpu.region"() ({
          %run_scoped3A = tpu.sem_alloc : memref<!tpu.dma_semaphore, #tpu.memory_space<semaphore_mem>>
          %dma_start3A_157 = arith.constant 0 : i32
          %dma_start3A_158 = arith.constant 0 : i32
          %dma_start3A_159 = tpu.memref_slice %arg20[%dma_start3A_157, %dma_start3A_158] : memref<10240x128xf32, #tpu.memory_space<vmem_shared>> -> memref<10240x128xf32, #tpu.memory_space<vmem_shared>>
          tpu.enqueue_indirect_dma source(%arg17 : memref<40x128xf32, #tpu.memory_space<vmem>>) target(%dma_start3A_159 : memref<10240x128xf32, #tpu.memory_space<vmem_shared>>) offsets(%arg13 : memref<40xi32, #tpu.memory_space<vmem>>) semaphore(%run_scoped3A : memref<!tpu.dma_semaphore, #tpu.memory_space<semaphore_mem>>) {add = true}
          %dma_wait3A_160 = arith.constant 0 : i32
          %dma_wait3A_161 = arith.constant 0 : i32
          %dma_wait3A_162 = tpu.memref_slice %arg20[%dma_wait3A_160, %dma_wait3A_161] : memref<10240x128xf32, #tpu.memory_space<vmem_shared>> -> memref<10240x128xf32, #tpu.memory_space<vmem_shared>>
          tpu.wait_indirect_dma semaphore(%run_scoped3A : memref<!tpu.dma_semaphore, #tpu.memory_space<semaphore_mem>>) src(%arg17 : memref<40x128xf32, #tpu.memory_space<vmem>>) dst(%dma_wait3A_162 : memref<10240x128xf32, #tpu.memory_space<vmem_shared>>)
          tpu.yield
        }) : () -> ()
      } else {
      }
      %mul3A_95 = arith.constant 4 : i32
      %mul3A_96 = arith.muli %scan3A_41, %mul3A_95 : i32
      %add3A_97 = arith.constant 2 : i32
      %add3A_98 = arith.addi %mul3A_96, %add3A_97 : i32
      %lt3A_99 = arith.constant 250 : i32
      %lt3A_100 = arith.cmpi slt, %add3A_98, %lt3A_99 : i32
      %convert_element_type3A_101 = arith.extui %lt3A_100 : i1 to i32
      %cond3A_102 = arith.constant 0 : i32
      %cond3A_103 = arith.cmpi ne, %convert_element_type3A_101, %cond3A_102 : i32
      scf.if %cond3A_103 {
        %dma_wait3A_151 = arith.constant 0 : i32
        %dma_wait3A_152 = arith.constant 0 : i32
        %dma_wait3A_153 = tpu.memref_slice %arg2[%dma_wait3A_151, %dma_wait3A_152] : memref<10000x128xf32, #tpu.memory_space<hbm>> -> memref<10000x128xf32, #tpu.memory_space<hbm>>
        tpu.wait_indirect_dma semaphore(%arg25 : memref<!tpu.dma_semaphore, #tpu.memory_space<semaphore_mem>>) src(%dma_wait3A_153 : memref<10000x128xf32, #tpu.memory_space<hbm>>) dst(%arg16 : memref<40x128xf32, #tpu.memory_space<vmem>>)
        %dma_wait3A_154 = arith.constant 0 : i32
        %dma_wait3A_155 = arith.constant 0 : i32
        %dma_wait3A_156 = tpu.memref_slice %arg3[%dma_wait3A_154, %dma_wait3A_155] : memref<10000x128xf32, #tpu.memory_space<hbm>> -> memref<10000x128xf32, #tpu.memory_space<hbm>>
        tpu.wait_indirect_dma semaphore(%arg25 : memref<!tpu.dma_semaphore, #tpu.memory_space<semaphore_mem>>) src(%dma_wait3A_156 : memref<10000x128xf32, #tpu.memory_space<hbm>>) dst(%arg18 : memref<40x128xf32, #tpu.memory_space<vmem>>)
      } else {
      }
      %add3A_104 = arith.constant 1 : i32
      %add3A_105 = arith.addi %add3A_98, %add3A_104 : i32
      %lt3A_106 = arith.constant 250 : i32
      %lt3A_107 = arith.cmpi slt, %add3A_105, %lt3A_106 : i32
      %convert_element_type3A_108 = arith.extui %lt3A_107 : i1 to i32
      %cond3A_109 = arith.constant 0 : i32
      %cond3A_110 = arith.cmpi ne, %convert_element_type3A_108, %cond3A_109 : i32
      scf.if %cond3A_110 {
        %dma_wait3A_151 = arith.constant 0 : i32
        %dma_wait3A_152 = tpu.memref_slice %arg4[%dma_wait3A_151] : memref<320000xi32, #tpu.memory_space<hbm>> -> memref<40xi32, #tpu.memory_space<hbm>>
        %dma_wait3A_153 = arith.constant 0 : i32
        %dma_wait3A_154 = tpu.memref_slice %arg4[%dma_wait3A_153] : memref<320000xi32, #tpu.memory_space<hbm>> -> memref<40xi32, #tpu.memory_space<hbm>>
        tpu.wait_dma2 semaphore(%arg24 : memref<!tpu.dma_semaphore, #tpu.memory_space<semaphore_mem>>) src(%dma_wait3A_154 : memref<40xi32, #tpu.memory_space<hbm>>) dst(%arg11 : memref<40xi32, #tpu.memory_space<vmem>>)
        %dma_wait3A_155 = arith.constant 0 : i32
        %dma_wait3A_156 = tpu.memref_slice %arg5[%dma_wait3A_155] : memref<320000xi32, #tpu.memory_space<hbm>> -> memref<40xi32, #tpu.memory_space<hbm>>
        %dma_wait3A_157 = arith.constant 0 : i32
        %dma_wait3A_158 = tpu.memref_slice %arg5[%dma_wait3A_157] : memref<320000xi32, #tpu.memory_space<hbm>> -> memref<40xi32, #tpu.memory_space<hbm>>
        tpu.wait_dma2 semaphore(%arg24 : memref<!tpu.dma_semaphore, #tpu.memory_space<semaphore_mem>>) src(%dma_wait3A_158 : memref<40xi32, #tpu.memory_space<hbm>>) dst(%arg15 : memref<40xi32, #tpu.memory_space<vmem>>)
        %dma_start3A_159 = arith.constant 0 : i32
        %dma_start3A_160 = arith.constant 0 : i32
        %dma_start3A_161 = tpu.memref_slice %arg2[%dma_start3A_159, %dma_start3A_160] : memref<10000x128xf32, #tpu.memory_space<hbm>> -> memref<10000x128xf32, #tpu.memory_space<hbm>>
        tpu.enqueue_indirect_dma source(%dma_start3A_161 : memref<10000x128xf32, #tpu.memory_space<hbm>>) target(%arg17 : memref<40x128xf32, #tpu.memory_space<vmem>>) offsets(%arg15 : memref<40xi32, #tpu.memory_space<vmem>>) semaphore(%arg26 : memref<!tpu.dma_semaphore, #tpu.memory_space<semaphore_mem>>)
        %dma_start3A_162 = arith.constant 0 : i32
        %dma_start3A_163 = arith.constant 0 : i32
        %dma_start3A_164 = tpu.memref_slice %arg3[%dma_start3A_162, %dma_start3A_163] : memref<10000x128xf32, #tpu.memory_space<hbm>> -> memref<10000x128xf32, #tpu.memory_space<hbm>>
        tpu.enqueue_indirect_dma source(%dma_start3A_164 : memref<10000x128xf32, #tpu.memory_space<hbm>>) target(%arg19 : memref<40x128xf32, #tpu.memory_space<vmem>>) offsets(%arg11 : memref<40xi32, #tpu.memory_space<vmem>>) semaphore(%arg26 : memref<!tpu.dma_semaphore, #tpu.memory_space<semaphore_mem>>)
      } else {
      }
      %add3A_111 = arith.constant 3 : i32
      %add3A_112 = arith.addi %add3A_98, %add3A_111 : i32
      %lt3A_113 = arith.constant 250 : i32
      %lt3A_114 = arith.cmpi slt, %add3A_112, %lt3A_113 : i32
      %convert_element_type3A_115 = arith.extui %lt3A_114 : i1 to i32
      %cond3A_116 = arith.constant 0 : i32
      %cond3A_117 = arith.cmpi ne, %convert_element_type3A_115, %cond3A_116 : i32
      scf.if %cond3A_117 {
        %add3A_151 = arith.constant 3 : i32
        %add3A_152 = arith.addi %add3A_98, %add3A_151 : i32
        %mul3A_153 = arith.constant 40 : i32
        %mul3A_154 = arith.muli %add3A_152, %mul3A_153 : i32
        %add3A_155 = arith.addi %mul3A_4, %mul3A_154 : i32
        %dma_start3A_156 = tpu.memref_slice %arg4[%add3A_155] : memref<320000xi32, #tpu.memory_space<hbm>> -> memref<40xi32, #tpu.memory_space<hbm>>
        %dma_start3A_157 = tpu.memref_slice %arg4[%add3A_155] : memref<320000xi32, #tpu.memory_space<hbm>> -> memref<40xi32, #tpu.memory_space<hbm>>
        tpu.enqueue_dma source(%dma_start3A_157 : memref<40xi32, #tpu.memory_space<hbm>>) target(%arg9 : memref<40xi32, #tpu.memory_space<vmem>>) target_semaphore(%arg22 : memref<!tpu.dma_semaphore, #tpu.memory_space<semaphore_mem>>)
        %dma_start3A_158 = tpu.memref_slice %arg5[%add3A_155] : memref<320000xi32, #tpu.memory_space<hbm>> -> memref<40xi32, #tpu.memory_space<hbm>>
        %dma_start3A_159 = tpu.memref_slice %arg5[%add3A_155] : memref<320000xi32, #tpu.memory_space<hbm>> -> memref<40xi32, #tpu.memory_space<hbm>>
        tpu.enqueue_dma source(%dma_start3A_159 : memref<40xi32, #tpu.memory_space<hbm>>) target(%arg13 : memref<40xi32, #tpu.memory_space<vmem>>) target_semaphore(%arg22 : memref<!tpu.dma_semaphore, #tpu.memory_space<semaphore_mem>>)
      } else {
      }
      %lt3A_118 = arith.constant 250 : i32
      %lt3A_119 = arith.cmpi slt, %add3A_98, %lt3A_118 : i32
      %convert_element_type3A_120 = arith.extui %lt3A_119 : i1 to i32
      %cond3A_121 = arith.constant 0 : i32
      %cond3A_122 = arith.cmpi ne, %convert_element_type3A_120, %cond3A_121 : i32
      scf.if %cond3A_122 {
        %scan3A_151 = arith.constant 0 : i32
        %scan3A_152 = arith.constant 0 : i32
        %scan3A_153 = arith.constant 40 : i32
        %scan3A_154 = arith.addi %scan3A_152, %scan3A_153 : i32
        %scan3A_155 = arith.constant 1 : i32
        scf.for %scan3A_157 = %scan3A_152 to %scan3A_154 step %scan3A_155  : i32 {
          %get3A = arith.index_cast %scan3A_157 : i32 to index
          %get3A_158 = arith.constant 0 : index
          %get3A_159 = tpu.vector_load %arg16[%get3A, %get3A_158] {strides = array<i32>} : memref<40x128xf32, #tpu.memory_space<vmem>>, vector<1x16xf32>,
          %get3A_160 = vector.shape_cast %get3A_159 : vector<1x16xf32> to vector<16xf32>
          %get3A_161 = arith.index_cast %scan3A_157 : i32 to index
          %get3A_162 = arith.constant 0 : index
          %get3A_163 = tpu.vector_load %arg18[%get3A_161, %get3A_162] {strides = array<i32>} : memref<40x128xf32, #tpu.memory_space<vmem>>, vector<1x16xf32>,
          %get3A_164 = vector.shape_cast %get3A_163 : vector<1x16xf32> to vector<16xf32>
          %add3A_165 = arith.addf %get3A_160, %get3A_164 : vector<16xf32>
          %max3A = arith.constant 0.000000e+00 : f32
          %max3A_166 = vector.broadcast %max3A : f32 to vector<16xf32>
          %max3A_167 = arith.maximumf %add3A_165, %max3A_166 : vector<16xf32>
          %swap3A = arith.index_cast %scan3A_157 : i32 to index
          %swap3A_168 = arith.constant 0 : index
          %swap3A_169 = tpu.vector_load %arg16[%swap3A, %swap3A_168] {strides = array<i32>} : memref<40x128xf32, #tpu.memory_space<vmem>>, vector<1x16xf32>,
          %swap3A_170 = vector.shape_cast %swap3A_169 : vector<1x16xf32> to vector<16xf32>
          %swap3A_171 = vector.shape_cast %max3A_167 : vector<16xf32> to vector<1x16xf32>
          tpu.vector_store %arg16[%swap3A, %swap3A_168], %swap3A_171 {strides = array<i32>} : memref<40x128xf32, #tpu.memory_space<vmem>>, vector<1x16xf32>,
          %get3A_172 = arith.index_cast %scan3A_157 : i32 to index
          %get3A_173 = arith.constant 16 : index
          %get3A_174 = tpu.vector_load %arg16[%get3A_172, %get3A_173] {strides = array<i32>} : memref<40x128xf32, #tpu.memory_space<vmem>>, vector<1x16xf32>,
          %get3A_175 = vector.shape_cast %get3A_174 : vector<1x16xf32> to vector<16xf32>
          %get3A_176 = arith.index_cast %scan3A_157 : i32 to index
          %get3A_177 = arith.constant 16 : index
          %get3A_178 = tpu.vector_load %arg18[%get3A_176, %get3A_177] {strides = array<i32>} : memref<40x128xf32, #tpu.memory_space<vmem>>, vector<1x16xf32>,
          %get3A_179 = vector.shape_cast %get3A_178 : vector<1x16xf32> to vector<16xf32>
          %add3A_180 = arith.addf %get3A_175, %get3A_179 : vector<16xf32>
          %max3A_181 = arith.constant 0.000000e+00 : f32
          %max3A_182 = vector.broadcast %max3A_181 : f32 to vector<16xf32>
          %max3A_183 = arith.maximumf %add3A_180, %max3A_182 : vector<16xf32>
          %swap3A_184 = arith.index_cast %scan3A_157 : i32 to index
          %swap3A_185 = arith.constant 16 : index
          %swap3A_186 = tpu.vector_load %arg16[%swap3A_184, %swap3A_185] {strides = array<i32>} : memref<40x128xf32, #tpu.memory_space<vmem>>, vector<1x16xf32>,
          %swap3A_187 = vector.shape_cast %swap3A_186 : vector<1x16xf32> to vector<16xf32>
          %swap3A_188 = vector.shape_cast %max3A_183 : vector<16xf32> to vector<1x16xf32>
          tpu.vector_store %arg16[%swap3A_184, %swap3A_185], %swap3A_188 {strides = array<i32>} : memref<40x128xf32, #tpu.memory_space<vmem>>, vector<1x16xf32>,
          %get3A_189 = arith.index_cast %scan3A_157 : i32 to index
          %get3A_190 = arith.constant 32 : index
          %get3A_191 = tpu.vector_load %arg16[%get3A_189, %get3A_190] {strides = array<i32>} : memref<40x128xf32, #tpu.memory_space<vmem>>, vector<1x16xf32>,
          %get3A_192 = vector.shape_cast %get3A_191 : vector<1x16xf32> to vector<16xf32>
          %get3A_193 = arith.index_cast %scan3A_157 : i32 to index
          %get3A_194 = arith.constant 32 : index
          %get3A_195 = tpu.vector_load %arg18[%get3A_193, %get3A_194] {strides = array<i32>} : memref<40x128xf32, #tpu.memory_space<vmem>>, vector<1x16xf32>,
          %get3A_196 = vector.shape_cast %get3A_195 : vector<1x16xf32> to vector<16xf32>
          %add3A_197 = arith.addf %get3A_192, %get3A_196 : vector<16xf32>
          %max3A_198 = arith.constant 0.000000e+00 : f32
          %max3A_199 = vector.broadcast %max3A_198 : f32 to vector<16xf32>
          %max3A_200 = arith.maximumf %add3A_197, %max3A_199 : vector<16xf32>
          %swap3A_201 = arith.index_cast %scan3A_157 : i32 to index
          %swap3A_202 = arith.constant 32 : index
          %swap3A_203 = tpu.vector_load %arg16[%swap3A_201, %swap3A_202] {strides = array<i32>} : memref<40x128xf32, #tpu.memory_space<vmem>>, vector<1x16xf32>,
          %swap3A_204 = vector.shape_cast %swap3A_203 : vector<1x16xf32> to vector<16xf32>
          %swap3A_205 = vector.shape_cast %max3A_200 : vector<16xf32> to vector<1x16xf32>
          tpu.vector_store %arg16[%swap3A_201, %swap3A_202], %swap3A_205 {strides = array<i32>} : memref<40x128xf32, #tpu.memory_space<vmem>>, vector<1x16xf32>,
          %get3A_206 = arith.index_cast %scan3A_157 : i32 to index
          %get3A_207 = arith.constant 48 : index
          %get3A_208 = tpu.vector_load %arg16[%get3A_206, %get3A_207] {strides = array<i32>} : memref<40x128xf32, #tpu.memory_space<vmem>>, vector<1x16xf32>,
          %get3A_209 = vector.shape_cast %get3A_208 : vector<1x16xf32> to vector<16xf32>
          %get3A_210 = arith.index_cast %scan3A_157 : i32 to index
          %get3A_211 = arith.constant 48 : index
          %get3A_212 = tpu.vector_load %arg18[%get3A_210, %get3A_211] {strides = array<i32>} : memref<40x128xf32, #tpu.memory_space<vmem>>, vector<1x16xf32>,
          %get3A_213 = vector.shape_cast %get3A_212 : vector<1x16xf32> to vector<16xf32>
          %add3A_214 = arith.addf %get3A_209, %get3A_213 : vector<16xf32>
          %max3A_215 = arith.constant 0.000000e+00 : f32
          %max3A_216 = vector.broadcast %max3A_215 : f32 to vector<16xf32>
          %max3A_217 = arith.maximumf %add3A_214, %max3A_216 : vector<16xf32>
          %swap3A_218 = arith.index_cast %scan3A_157 : i32 to index
          %swap3A_219 = arith.constant 48 : index
          %swap3A_220 = tpu.vector_load %arg16[%swap3A_218, %swap3A_219] {strides = array<i32>} : memref<40x128xf32, #tpu.memory_space<vmem>>, vector<1x16xf32>,
          %swap3A_221 = vector.shape_cast %swap3A_220 : vector<1x16xf32> to vector<16xf32>
          %swap3A_222 = vector.shape_cast %max3A_217 : vector<16xf32> to vector<1x16xf32>
          tpu.vector_store %arg16[%swap3A_218, %swap3A_219], %swap3A_222 {strides = array<i32>} : memref<40x128xf32, #tpu.memory_space<vmem>>, vector<1x16xf32>,
          %get3A_223 = arith.index_cast %scan3A_157 : i32 to index
          %get3A_224 = arith.constant 64 : index
          %get3A_225 = tpu.vector_load %arg16[%get3A_223, %get3A_224] {strides = array<i32>} : memref<40x128xf32, #tpu.memory_space<vmem>>, vector<1x16xf32>,
          %get3A_226 = vector.shape_cast %get3A_225 : vector<1x16xf32> to vector<16xf32>
          %get3A_227 = arith.index_cast %scan3A_157 : i32 to index
          %get3A_228 = arith.constant 64 : index
          %get3A_229 = tpu.vector_load %arg18[%get3A_227, %get3A_228] {strides = array<i32>} : memref<40x128xf32, #tpu.memory_space<vmem>>, vector<1x16xf32>,
          %get3A_230 = vector.shape_cast %get3A_229 : vector<1x16xf32> to vector<16xf32>
          %add3A_231 = arith.addf %get3A_226, %get3A_230 : vector<16xf32>
          %max3A_232 = arith.constant 0.000000e+00 : f32
          %max3A_233 = vector.broadcast %max3A_232 : f32 to vector<16xf32>
          %max3A_234 = arith.maximumf %add3A_231, %max3A_233 : vector<16xf32>
          %swap3A_235 = arith.index_cast %scan3A_157 : i32 to index
          %swap3A_236 = arith.constant 64 : index
          %swap3A_237 = tpu.vector_load %arg16[%swap3A_235, %swap3A_236] {strides = array<i32>} : memref<40x128xf32, #tpu.memory_space<vmem>>, vector<1x16xf32>,
          %swap3A_238 = vector.shape_cast %swap3A_237 : vector<1x16xf32> to vector<16xf32>
          %swap3A_239 = vector.shape_cast %max3A_234 : vector<16xf32> to vector<1x16xf32>
          tpu.vector_store %arg16[%swap3A_235, %swap3A_236], %swap3A_239 {strides = array<i32>} : memref<40x128xf32, #tpu.memory_space<vmem>>, vector<1x16xf32>,
          %get3A_240 = arith.index_cast %scan3A_157 : i32 to index
          %get3A_241 = arith.constant 80 : index
          %get3A_242 = tpu.vector_load %arg16[%get3A_240, %get3A_241] {strides = array<i32>} : memref<40x128xf32, #tpu.memory_space<vmem>>, vector<1x16xf32>,
          %get3A_243 = vector.shape_cast %get3A_242 : vector<1x16xf32> to vector<16xf32>
          %get3A_244 = arith.index_cast %scan3A_157 : i32 to index
          %get3A_245 = arith.constant 80 : index
          %get3A_246 = tpu.vector_load %arg18[%get3A_244, %get3A_245] {strides = array<i32>} : memref<40x128xf32, #tpu.memory_space<vmem>>, vector<1x16xf32>,
          %get3A_247 = vector.shape_cast %get3A_246 : vector<1x16xf32> to vector<16xf32>
          %add3A_248 = arith.addf %get3A_243, %get3A_247 : vector<16xf32>
          %max3A_249 = arith.constant 0.000000e+00 : f32
          %max3A_250 = vector.broadcast %max3A_249 : f32 to vector<16xf32>
          %max3A_251 = arith.maximumf %add3A_248, %max3A_250 : vector<16xf32>
          %swap3A_252 = arith.index_cast %scan3A_157 : i32 to index
          %swap3A_253 = arith.constant 80 : index
          %swap3A_254 = tpu.vector_load %arg16[%swap3A_252, %swap3A_253] {strides = array<i32>} : memref<40x128xf32, #tpu.memory_space<vmem>>, vector<1x16xf32>,
          %swap3A_255 = vector.shape_cast %swap3A_254 : vector<1x16xf32> to vector<16xf32>
          %swap3A_256 = vector.shape_cast %max3A_251 : vector<16xf32> to vector<1x16xf32>
          tpu.vector_store %arg16[%swap3A_252, %swap3A_253], %swap3A_256 {strides = array<i32>} : memref<40x128xf32, #tpu.memory_space<vmem>>, vector<1x16xf32>,
          %get3A_257 = arith.index_cast %scan3A_157 : i32 to index
          %get3A_258 = arith.constant 96 : index
          %get3A_259 = tpu.vector_load %arg16[%get3A_257, %get3A_258] {strides = array<i32>} : memref<40x128xf32, #tpu.memory_space<vmem>>, vector<1x16xf32>,
          %get3A_260 = vector.shape_cast %get3A_259 : vector<1x16xf32> to vector<16xf32>
          %get3A_261 = arith.index_cast %scan3A_157 : i32 to index
          %get3A_262 = arith.constant 96 : index
          %get3A_263 = tpu.vector_load %arg18[%get3A_261, %get3A_262] {strides = array<i32>} : memref<40x128xf32, #tpu.memory_space<vmem>>, vector<1x16xf32>,
          %get3A_264 = vector.shape_cast %get3A_263 : vector<1x16xf32> to vector<16xf32>
          %add3A_265 = arith.addf %get3A_260, %get3A_264 : vector<16xf32>
          %max3A_266 = arith.constant 0.000000e+00 : f32
          %max3A_267 = vector.broadcast %max3A_266 : f32 to vector<16xf32>
          %max3A_268 = arith.maximumf %add3A_265, %max3A_267 : vector<16xf32>
          %swap3A_269 = arith.index_cast %scan3A_157 : i32 to index
          %swap3A_270 = arith.constant 96 : index
          %swap3A_271 = tpu.vector_load %arg16[%swap3A_269, %swap3A_270] {strides = array<i32>} : memref<40x128xf32, #tpu.memory_space<vmem>>, vector<1x16xf32>,
          %swap3A_272 = vector.shape_cast %swap3A_271 : vector<1x16xf32> to vector<16xf32>
          %swap3A_273 = vector.shape_cast %max3A_268 : vector<16xf32> to vector<1x16xf32>
          tpu.vector_store %arg16[%swap3A_269, %swap3A_270], %swap3A_273 {strides = array<i32>} : memref<40x128xf32, #tpu.memory_space<vmem>>, vector<1x16xf32>,
          %get3A_274 = arith.index_cast %scan3A_157 : i32 to index
          %get3A_275 = arith.constant 112 : index
          %get3A_276 = tpu.vector_load %arg16[%get3A_274, %get3A_275] {strides = array<i32>} : memref<40x128xf32, #tpu.memory_space<vmem>>, vector<1x16xf32>,
          %get3A_277 = vector.shape_cast %get3A_276 : vector<1x16xf32> to vector<16xf32>
          %get3A_278 = arith.index_cast %scan3A_157 : i32 to index
          %get3A_279 = arith.constant 112 : index
          %get3A_280 = tpu.vector_load %arg18[%get3A_278, %get3A_279] {strides = array<i32>} : memref<40x128xf32, #tpu.memory_space<vmem>>, vector<1x16xf32>,
          %get3A_281 = vector.shape_cast %get3A_280 : vector<1x16xf32> to vector<16xf32>
          %add3A_282 = arith.addf %get3A_277, %get3A_281 : vector<16xf32>
          %max3A_283 = arith.constant 0.000000e+00 : f32
          %max3A_284 = vector.broadcast %max3A_283 : f32 to vector<16xf32>
          %max3A_285 = arith.maximumf %add3A_282, %max3A_284 : vector<16xf32>
          %swap3A_286 = arith.index_cast %scan3A_157 : i32 to index
          %swap3A_287 = arith.constant 112 : index
          %swap3A_288 = tpu.vector_load %arg16[%swap3A_286, %swap3A_287] {strides = array<i32>} : memref<40x128xf32, #tpu.memory_space<vmem>>, vector<1x16xf32>,
          %swap3A_289 = vector.shape_cast %swap3A_288 : vector<1x16xf32> to vector<16xf32>
          %swap3A_290 = vector.shape_cast %max3A_285 : vector<16xf32> to vector<1x16xf32>
          tpu.vector_store %arg16[%swap3A_286, %swap3A_287], %swap3A_290 {strides = array<i32>} : memref<40x128xf32, #tpu.memory_space<vmem>>, vector<1x16xf32>,
        }
        %scan3A_156 = arith.constant 40 : i32
        "tpu.region"() ({
          %run_scoped3A = tpu.sem_alloc : memref<!tpu.dma_semaphore, #tpu.memory_space<semaphore_mem>>
          %dma_start3A_157 = arith.constant 0 : i32
          %dma_start3A_158 = arith.constant 0 : i32
          %dma_start3A_159 = tpu.memref_slice %arg20[%dma_start3A_157, %dma_start3A_158] : memref<10240x128xf32, #tpu.memory_space<vmem_shared>> -> memref<10240x128xf32, #tpu.memory_space<vmem_shared>>
          tpu.enqueue_indirect_dma source(%arg16 : memref<40x128xf32, #tpu.memory_space<vmem>>) target(%dma_start3A_159 : memref<10240x128xf32, #tpu.memory_space<vmem_shared>>) offsets(%arg14 : memref<40xi32, #tpu.memory_space<vmem>>) semaphore(%run_scoped3A : memref<!tpu.dma_semaphore, #tpu.memory_space<semaphore_mem>>) {add = true}
          %dma_wait3A_160 = arith.constant 0 : i32
          %dma_wait3A_161 = arith.constant 0 : i32
          %dma_wait3A_162 = tpu.memref_slice %arg20[%dma_wait3A_160, %dma_wait3A_161] : memref<10240x128xf32, #tpu.memory_space<vmem_shared>> -> memref<10240x128xf32, #tpu.memory_space<vmem_shared>>
          tpu.wait_indirect_dma semaphore(%run_scoped3A : memref<!tpu.dma_semaphore, #tpu.memory_space<semaphore_mem>>) src(%arg16 : memref<40x128xf32, #tpu.memory_space<vmem>>) dst(%dma_wait3A_162 : memref<10240x128xf32, #tpu.memory_space<vmem_shared>>)
          tpu.yield
        }) : () -> ()
      } else {
      }
      %mul3A_123 = arith.constant 4 : i32
      %mul3A_124 = arith.muli %scan3A_41, %mul3A_123 : i32
      %add3A_125 = arith.constant 3 : i32
      %add3A_126 = arith.addi %mul3A_124, %add3A_125 : i32
      %lt3A_127 = arith.constant 250 : i32
      %lt3A_128 = arith.cmpi slt, %add3A_126, %lt3A_127 : i32
      %convert_element_type3A_129 = arith.extui %lt3A_128 : i1 to i32
      %cond3A_130 = arith.constant 0 : i32
      %cond3A_131 = arith.cmpi ne, %convert_element_type3A_129, %cond3A_130 : i32
      scf.if %cond3A_131 {
        %dma_wait3A_151 = arith.constant 0 : i32
        %dma_wait3A_152 = arith.constant 0 : i32
        %dma_wait3A_153 = tpu.memref_slice %arg2[%dma_wait3A_151, %dma_wait3A_152] : memref<10000x128xf32, #tpu.memory_space<hbm>> -> memref<10000x128xf32, #tpu.memory_space<hbm>>
        tpu.wait_indirect_dma semaphore(%arg26 : memref<!tpu.dma_semaphore, #tpu.memory_space<semaphore_mem>>) src(%dma_wait3A_153 : memref<10000x128xf32, #tpu.memory_space<hbm>>) dst(%arg17 : memref<40x128xf32, #tpu.memory_space<vmem>>)
        %dma_wait3A_154 = arith.constant 0 : i32
        %dma_wait3A_155 = arith.constant 0 : i32
        %dma_wait3A_156 = tpu.memref_slice %arg3[%dma_wait3A_154, %dma_wait3A_155] : memref<10000x128xf32, #tpu.memory_space<hbm>> -> memref<10000x128xf32, #tpu.memory_space<hbm>>
        tpu.wait_indirect_dma semaphore(%arg26 : memref<!tpu.dma_semaphore, #tpu.memory_space<semaphore_mem>>) src(%dma_wait3A_156 : memref<10000x128xf32, #tpu.memory_space<hbm>>) dst(%arg19 : memref<40x128xf32, #tpu.memory_space<vmem>>)
      } else {
      }
      %add3A_132 = arith.constant 1 : i32
      %add3A_133 = arith.addi %add3A_126, %add3A_132 : i32
      %lt3A_134 = arith.constant 250 : i32
      %lt3A_135 = arith.cmpi slt, %add3A_133, %lt3A_134 : i32
      %convert_element_type3A_136 = arith.extui %lt3A_135 : i1 to i32
      %cond3A_137 = arith.constant 0 : i32
      %cond3A_138 = arith.cmpi ne, %convert_element_type3A_136, %cond3A_137 : i32
      scf.if %cond3A_138 {
        %dma_wait3A_151 = arith.constant 0 : i32
        %dma_wait3A_152 = tpu.memref_slice %arg4[%dma_wait3A_151] : memref<320000xi32, #tpu.memory_space<hbm>> -> memref<40xi32, #tpu.memory_space<hbm>>
        %dma_wait3A_153 = arith.constant 0 : i32
        %dma_wait3A_154 = tpu.memref_slice %arg4[%dma_wait3A_153] : memref<320000xi32, #tpu.memory_space<hbm>> -> memref<40xi32, #tpu.memory_space<hbm>>
        tpu.wait_dma2 semaphore(%arg21 : memref<!tpu.dma_semaphore, #tpu.memory_space<semaphore_mem>>) src(%dma_wait3A_154 : memref<40xi32, #tpu.memory_space<hbm>>) dst(%arg8 : memref<40xi32, #tpu.memory_space<vmem>>)
        %dma_wait3A_155 = arith.constant 0 : i32
        %dma_wait3A_156 = tpu.memref_slice %arg5[%dma_wait3A_155] : memref<320000xi32, #tpu.memory_space<hbm>> -> memref<40xi32, #tpu.memory_space<hbm>>
        %dma_wait3A_157 = arith.constant 0 : i32
        %dma_wait3A_158 = tpu.memref_slice %arg5[%dma_wait3A_157] : memref<320000xi32, #tpu.memory_space<hbm>> -> memref<40xi32, #tpu.memory_space<hbm>>
        tpu.wait_dma2 semaphore(%arg21 : memref<!tpu.dma_semaphore, #tpu.memory_space<semaphore_mem>>) src(%dma_wait3A_158 : memref<40xi32, #tpu.memory_space<hbm>>) dst(%arg12 : memref<40xi32, #tpu.memory_space<vmem>>)
        %dma_start3A_159 = arith.constant 0 : i32
        %dma_start3A_160 = arith.constant 0 : i32
        %dma_start3A_161 = tpu.memref_slice %arg2[%dma_start3A_159, %dma_start3A_160] : memref<10000x128xf32, #tpu.memory_space<hbm>> -> memref<10000x128xf32, #tpu.memory_space<hbm>>
        tpu.enqueue_indirect_dma source(%dma_start3A_161 : memref<10000x128xf32, #tpu.memory_space<hbm>>) target(%arg16 : memref<40x128xf32, #tpu.memory_space<vmem>>) offsets(%arg12 : memref<40xi32, #tpu.memory_space<vmem>>) semaphore(%arg25 : memref<!tpu.dma_semaphore, #tpu.memory_space<semaphore_mem>>)
        %dma_start3A_162 = arith.constant 0 : i32
        %dma_start3A_163 = arith.constant 0 : i32
        %dma_start3A_164 = tpu.memref_slice %arg3[%dma_start3A_162, %dma_start3A_163] : memref<10000x128xf32, #tpu.memory_space<hbm>> -> memref<10000x128xf32, #tpu.memory_space<hbm>>
        tpu.enqueue_indirect_dma source(%dma_start3A_164 : memref<10000x128xf32, #tpu.memory_space<hbm>>) target(%arg18 : memref<40x128xf32, #tpu.memory_space<vmem>>) offsets(%arg8 : memref<40xi32, #tpu.memory_space<vmem>>) semaphore(%arg25 : memref<!tpu.dma_semaphore, #tpu.memory_space<semaphore_mem>>)
      } else {
      }
      %add3A_139 = arith.constant 3 : i32
      %add3A_140 = arith.addi %add3A_126, %add3A_139 : i32
      %lt3A_141 = arith.constant 250 : i32
      %lt3A_142 = arith.cmpi slt, %add3A_140, %lt3A_141 : i32
      %convert_element_type3A_143 = arith.extui %lt3A_142 : i1 to i32
      %cond3A_144 = arith.constant 0 : i32
      %cond3A_145 = arith.cmpi ne, %convert_element_type3A_143, %cond3A_144 : i32
      scf.if %cond3A_145 {
        %add3A_151 = arith.constant 3 : i32
        %add3A_152 = arith.addi %add3A_126, %add3A_151 : i32
        %mul3A_153 = arith.constant 40 : i32
        %mul3A_154 = arith.muli %add3A_152, %mul3A_153 : i32
        %add3A_155 = arith.addi %mul3A_4, %mul3A_154 : i32
        %dma_start3A_156 = tpu.memref_slice %arg4[%add3A_155] : memref<320000xi32, #tpu.memory_space<hbm>> -> memref<40xi32, #tpu.memory_space<hbm>>
        %dma_start3A_157 = tpu.memref_slice %arg4[%add3A_155] : memref<320000xi32, #tpu.memory_space<hbm>> -> memref<40xi32, #tpu.memory_space<hbm>>
        tpu.enqueue_dma source(%dma_start3A_157 : memref<40xi32, #tpu.memory_space<hbm>>) target(%arg10 : memref<40xi32, #tpu.memory_space<vmem>>) target_semaphore(%arg23 : memref<!tpu.dma_semaphore, #tpu.memory_space<semaphore_mem>>)
        %dma_start3A_158 = tpu.memref_slice %arg5[%add3A_155] : memref<320000xi32, #tpu.memory_space<hbm>> -> memref<40xi32, #tpu.memory_space<hbm>>
        %dma_start3A_159 = tpu.memref_slice %arg5[%add3A_155] : memref<320000xi32, #tpu.memory_space<hbm>> -> memref<40xi32, #tpu.memory_space<hbm>>
        tpu.enqueue_dma source(%dma_start3A_159 : memref<40xi32, #tpu.memory_space<hbm>>) target(%arg14 : memref<40xi32, #tpu.memory_space<vmem>>) target_semaphore(%arg23 : memref<!tpu.dma_semaphore, #tpu.memory_space<semaphore_mem>>)
      } else {
      }
      %lt3A_146 = arith.constant 250 : i32
      %lt3A_147 = arith.cmpi slt, %add3A_126, %lt3A_146 : i32
      %convert_element_type3A_148 = arith.extui %lt3A_147 : i1 to i32
      %cond3A_149 = arith.constant 0 : i32
      %cond3A_150 = arith.cmpi ne, %convert_element_type3A_148, %cond3A_149 : i32
      scf.if %cond3A_150 {
        %scan3A_151 = arith.constant 0 : i32
        %scan3A_152 = arith.constant 0 : i32
        %scan3A_153 = arith.constant 40 : i32
        %scan3A_154 = arith.addi %scan3A_152, %scan3A_153 : i32
        %scan3A_155 = arith.constant 1 : i32
        scf.for %scan3A_157 = %scan3A_152 to %scan3A_154 step %scan3A_155  : i32 {
          %get3A = arith.index_cast %scan3A_157 : i32 to index
          %get3A_158 = arith.constant 0 : index
          %get3A_159 = tpu.vector_load %arg17[%get3A, %get3A_158] {strides = array<i32>} : memref<40x128xf32, #tpu.memory_space<vmem>>, vector<1x16xf32>,
          %get3A_160 = vector.shape_cast %get3A_159 : vector<1x16xf32> to vector<16xf32>
          %get3A_161 = arith.index_cast %scan3A_157 : i32 to index
          %get3A_162 = arith.constant 0 : index
          %get3A_163 = tpu.vector_load %arg19[%get3A_161, %get3A_162] {strides = array<i32>} : memref<40x128xf32, #tpu.memory_space<vmem>>, vector<1x16xf32>,
          %get3A_164 = vector.shape_cast %get3A_163 : vector<1x16xf32> to vector<16xf32>
          %add3A_165 = arith.addf %get3A_160, %get3A_164 : vector<16xf32>
          %max3A = arith.constant 0.000000e+00 : f32
          %max3A_166 = vector.broadcast %max3A : f32 to vector<16xf32>
          %max3A_167 = arith.maximumf %add3A_165, %max3A_166 : vector<16xf32>
          %swap3A = arith.index_cast %scan3A_157 : i32 to index
          %swap3A_168 = arith.constant 0 : index
          %swap3A_169 = tpu.vector_load %arg17[%swap3A, %swap3A_168] {strides = array<i32>} : memref<40x128xf32, #tpu.memory_space<vmem>>, vector<1x16xf32>,
          %swap3A_170 = vector.shape_cast %swap3A_169 : vector<1x16xf32> to vector<16xf32>
          %swap3A_171 = vector.shape_cast %max3A_167 : vector<16xf32> to vector<1x16xf32>
          tpu.vector_store %arg17[%swap3A, %swap3A_168], %swap3A_171 {strides = array<i32>} : memref<40x128xf32, #tpu.memory_space<vmem>>, vector<1x16xf32>,
          %get3A_172 = arith.index_cast %scan3A_157 : i32 to index
          %get3A_173 = arith.constant 16 : index
          %get3A_174 = tpu.vector_load %arg17[%get3A_172, %get3A_173] {strides = array<i32>} : memref<40x128xf32, #tpu.memory_space<vmem>>, vector<1x16xf32>,
          %get3A_175 = vector.shape_cast %get3A_174 : vector<1x16xf32> to vector<16xf32>
          %get3A_176 = arith.index_cast %scan3A_157 : i32 to index
          %get3A_177 = arith.constant 16 : index
          %get3A_178 = tpu.vector_load %arg19[%get3A_176, %get3A_177] {strides = array<i32>} : memref<40x128xf32, #tpu.memory_space<vmem>>, vector<1x16xf32>,
          %get3A_179 = vector.shape_cast %get3A_178 : vector<1x16xf32> to vector<16xf32>
          %add3A_180 = arith.addf %get3A_175, %get3A_179 : vector<16xf32>
          %max3A_181 = arith.constant 0.000000e+00 : f32
          %max3A_182 = vector.broadcast %max3A_181 : f32 to vector<16xf32>
          %max3A_183 = arith.maximumf %add3A_180, %max3A_182 : vector<16xf32>
          %swap3A_184 = arith.index_cast %scan3A_157 : i32 to index
          %swap3A_185 = arith.constant 16 : index
          %swap3A_186 = tpu.vector_load %arg17[%swap3A_184, %swap3A_185] {strides = array<i32>} : memref<40x128xf32, #tpu.memory_space<vmem>>, vector<1x16xf32>,
          %swap3A_187 = vector.shape_cast %swap3A_186 : vector<1x16xf32> to vector<16xf32>
          %swap3A_188 = vector.shape_cast %max3A_183 : vector<16xf32> to vector<1x16xf32>
          tpu.vector_store %arg17[%swap3A_184, %swap3A_185], %swap3A_188 {strides = array<i32>} : memref<40x128xf32, #tpu.memory_space<vmem>>, vector<1x16xf32>,
          %get3A_189 = arith.index_cast %scan3A_157 : i32 to index
          %get3A_190 = arith.constant 32 : index
          %get3A_191 = tpu.vector_load %arg17[%get3A_189, %get3A_190] {strides = array<i32>} : memref<40x128xf32, #tpu.memory_space<vmem>>, vector<1x16xf32>,
          %get3A_192 = vector.shape_cast %get3A_191 : vector<1x16xf32> to vector<16xf32>
          %get3A_193 = arith.index_cast %scan3A_157 : i32 to index
          %get3A_194 = arith.constant 32 : index
          %get3A_195 = tpu.vector_load %arg19[%get3A_193, %get3A_194] {strides = array<i32>} : memref<40x128xf32, #tpu.memory_space<vmem>>, vector<1x16xf32>,
          %get3A_196 = vector.shape_cast %get3A_195 : vector<1x16xf32> to vector<16xf32>
          %add3A_197 = arith.addf %get3A_192, %get3A_196 : vector<16xf32>
          %max3A_198 = arith.constant 0.000000e+00 : f32
          %max3A_199 = vector.broadcast %max3A_198 : f32 to vector<16xf32>
          %max3A_200 = arith.maximumf %add3A_197, %max3A_199 : vector<16xf32>
          %swap3A_201 = arith.index_cast %scan3A_157 : i32 to index
          %swap3A_202 = arith.constant 32 : index
          %swap3A_203 = tpu.vector_load %arg17[%swap3A_201, %swap3A_202] {strides = array<i32>} : memref<40x128xf32, #tpu.memory_space<vmem>>, vector<1x16xf32>,
          %swap3A_204 = vector.shape_cast %swap3A_203 : vector<1x16xf32> to vector<16xf32>
          %swap3A_205 = vector.shape_cast %max3A_200 : vector<16xf32> to vector<1x16xf32>
          tpu.vector_store %arg17[%swap3A_201, %swap3A_202], %swap3A_205 {strides = array<i32>} : memref<40x128xf32, #tpu.memory_space<vmem>>, vector<1x16xf32>,
          %get3A_206 = arith.index_cast %scan3A_157 : i32 to index
          %get3A_207 = arith.constant 48 : index
          %get3A_208 = tpu.vector_load %arg17[%get3A_206, %get3A_207] {strides = array<i32>} : memref<40x128xf32, #tpu.memory_space<vmem>>, vector<1x16xf32>,
          %get3A_209 = vector.shape_cast %get3A_208 : vector<1x16xf32> to vector<16xf32>
          %get3A_210 = arith.index_cast %scan3A_157 : i32 to index
          %get3A_211 = arith.constant 48 : index
          %get3A_212 = tpu.vector_load %arg19[%get3A_210, %get3A_211] {strides = array<i32>} : memref<40x128xf32, #tpu.memory_space<vmem>>, vector<1x16xf32>,
          %get3A_213 = vector.shape_cast %get3A_212 : vector<1x16xf32> to vector<16xf32>
          %add3A_214 = arith.addf %get3A_209, %get3A_213 : vector<16xf32>
          %max3A_215 = arith.constant 0.000000e+00 : f32
          %max3A_216 = vector.broadcast %max3A_215 : f32 to vector<16xf32>
          %max3A_217 = arith.maximumf %add3A_214, %max3A_216 : vector<16xf32>
          %swap3A_218 = arith.index_cast %scan3A_157 : i32 to index
          %swap3A_219 = arith.constant 48 : index
          %swap3A_220 = tpu.vector_load %arg17[%swap3A_218, %swap3A_219] {strides = array<i32>} : memref<40x128xf32, #tpu.memory_space<vmem>>, vector<1x16xf32>,
          %swap3A_221 = vector.shape_cast %swap3A_220 : vector<1x16xf32> to vector<16xf32>
          %swap3A_222 = vector.shape_cast %max3A_217 : vector<16xf32> to vector<1x16xf32>
          tpu.vector_store %arg17[%swap3A_218, %swap3A_219], %swap3A_222 {strides = array<i32>} : memref<40x128xf32, #tpu.memory_space<vmem>>, vector<1x16xf32>,
          %get3A_223 = arith.index_cast %scan3A_157 : i32 to index
          %get3A_224 = arith.constant 64 : index
          %get3A_225 = tpu.vector_load %arg17[%get3A_223, %get3A_224] {strides = array<i32>} : memref<40x128xf32, #tpu.memory_space<vmem>>, vector<1x16xf32>,
          %get3A_226 = vector.shape_cast %get3A_225 : vector<1x16xf32> to vector<16xf32>
          %get3A_227 = arith.index_cast %scan3A_157 : i32 to index
          %get3A_228 = arith.constant 64 : index
          %get3A_229 = tpu.vector_load %arg19[%get3A_227, %get3A_228] {strides = array<i32>} : memref<40x128xf32, #tpu.memory_space<vmem>>, vector<1x16xf32>,
          %get3A_230 = vector.shape_cast %get3A_229 : vector<1x16xf32> to vector<16xf32>
          %add3A_231 = arith.addf %get3A_226, %get3A_230 : vector<16xf32>
          %max3A_232 = arith.constant 0.000000e+00 : f32
          %max3A_233 = vector.broadcast %max3A_232 : f32 to vector<16xf32>
          %max3A_234 = arith.maximumf %add3A_231, %max3A_233 : vector<16xf32>
          %swap3A_235 = arith.index_cast %scan3A_157 : i32 to index
          %swap3A_236 = arith.constant 64 : index
          %swap3A_237 = tpu.vector_load %arg17[%swap3A_235, %swap3A_236] {strides = array<i32>} : memref<40x128xf32, #tpu.memory_space<vmem>>, vector<1x16xf32>,
          %swap3A_238 = vector.shape_cast %swap3A_237 : vector<1x16xf32> to vector<16xf32>
          %swap3A_239 = vector.shape_cast %max3A_234 : vector<16xf32> to vector<1x16xf32>
          tpu.vector_store %arg17[%swap3A_235, %swap3A_236], %swap3A_239 {strides = array<i32>} : memref<40x128xf32, #tpu.memory_space<vmem>>, vector<1x16xf32>,
          %get3A_240 = arith.index_cast %scan3A_157 : i32 to index
          %get3A_241 = arith.constant 80 : index
          %get3A_242 = tpu.vector_load %arg17[%get3A_240, %get3A_241] {strides = array<i32>} : memref<40x128xf32, #tpu.memory_space<vmem>>, vector<1x16xf32>,
          %get3A_243 = vector.shape_cast %get3A_242 : vector<1x16xf32> to vector<16xf32>
          %get3A_244 = arith.index_cast %scan3A_157 : i32 to index
          %get3A_245 = arith.constant 80 : index
          %get3A_246 = tpu.vector_load %arg19[%get3A_244, %get3A_245] {strides = array<i32>} : memref<40x128xf32, #tpu.memory_space<vmem>>, vector<1x16xf32>,
          %get3A_247 = vector.shape_cast %get3A_246 : vector<1x16xf32> to vector<16xf32>
          %add3A_248 = arith.addf %get3A_243, %get3A_247 : vector<16xf32>
          %max3A_249 = arith.constant 0.000000e+00 : f32
          %max3A_250 = vector.broadcast %max3A_249 : f32 to vector<16xf32>
          %max3A_251 = arith.maximumf %add3A_248, %max3A_250 : vector<16xf32>
          %swap3A_252 = arith.index_cast %scan3A_157 : i32 to index
          %swap3A_253 = arith.constant 80 : index
          %swap3A_254 = tpu.vector_load %arg17[%swap3A_252, %swap3A_253] {strides = array<i32>} : memref<40x128xf32, #tpu.memory_space<vmem>>, vector<1x16xf32>,
          %swap3A_255 = vector.shape_cast %swap3A_254 : vector<1x16xf32> to vector<16xf32>
          %swap3A_256 = vector.shape_cast %max3A_251 : vector<16xf32> to vector<1x16xf32>
          tpu.vector_store %arg17[%swap3A_252, %swap3A_253], %swap3A_256 {strides = array<i32>} : memref<40x128xf32, #tpu.memory_space<vmem>>, vector<1x16xf32>,
          %get3A_257 = arith.index_cast %scan3A_157 : i32 to index
          %get3A_258 = arith.constant 96 : index
          %get3A_259 = tpu.vector_load %arg17[%get3A_257, %get3A_258] {strides = array<i32>} : memref<40x128xf32, #tpu.memory_space<vmem>>, vector<1x16xf32>,
          %get3A_260 = vector.shape_cast %get3A_259 : vector<1x16xf32> to vector<16xf32>
          %get3A_261 = arith.index_cast %scan3A_157 : i32 to index
          %get3A_262 = arith.constant 96 : index
          %get3A_263 = tpu.vector_load %arg19[%get3A_261, %get3A_262] {strides = array<i32>} : memref<40x128xf32, #tpu.memory_space<vmem>>, vector<1x16xf32>,
          %get3A_264 = vector.shape_cast %get3A_263 : vector<1x16xf32> to vector<16xf32>
          %add3A_265 = arith.addf %get3A_260, %get3A_264 : vector<16xf32>
          %max3A_266 = arith.constant 0.000000e+00 : f32
          %max3A_267 = vector.broadcast %max3A_266 : f32 to vector<16xf32>
          %max3A_268 = arith.maximumf %add3A_265, %max3A_267 : vector<16xf32>
          %swap3A_269 = arith.index_cast %scan3A_157 : i32 to index
          %swap3A_270 = arith.constant 96 : index
          %swap3A_271 = tpu.vector_load %arg17[%swap3A_269, %swap3A_270] {strides = array<i32>} : memref<40x128xf32, #tpu.memory_space<vmem>>, vector<1x16xf32>,
          %swap3A_272 = vector.shape_cast %swap3A_271 : vector<1x16xf32> to vector<16xf32>
          %swap3A_273 = vector.shape_cast %max3A_268 : vector<16xf32> to vector<1x16xf32>
          tpu.vector_store %arg17[%swap3A_269, %swap3A_270], %swap3A_273 {strides = array<i32>} : memref<40x128xf32, #tpu.memory_space<vmem>>, vector<1x16xf32>,
          %get3A_274 = arith.index_cast %scan3A_157 : i32 to index
          %get3A_275 = arith.constant 112 : index
          %get3A_276 = tpu.vector_load %arg17[%get3A_274, %get3A_275] {strides = array<i32>} : memref<40x128xf32, #tpu.memory_space<vmem>>, vector<1x16xf32>,
          %get3A_277 = vector.shape_cast %get3A_276 : vector<1x16xf32> to vector<16xf32>
          %get3A_278 = arith.index_cast %scan3A_157 : i32 to index
          %get3A_279 = arith.constant 112 : index
          %get3A_280 = tpu.vector_load %arg19[%get3A_278, %get3A_279] {strides = array<i32>} : memref<40x128xf32, #tpu.memory_space<vmem>>, vector<1x16xf32>,
          %get3A_281 = vector.shape_cast %get3A_280 : vector<1x16xf32> to vector<16xf32>
          %add3A_282 = arith.addf %get3A_277, %get3A_281 : vector<16xf32>
          %max3A_283 = arith.constant 0.000000e+00 : f32
          %max3A_284 = vector.broadcast %max3A_283 : f32 to vector<16xf32>
          %max3A_285 = arith.maximumf %add3A_282, %max3A_284 : vector<16xf32>
          %swap3A_286 = arith.index_cast %scan3A_157 : i32 to index
          %swap3A_287 = arith.constant 112 : index
          %swap3A_288 = tpu.vector_load %arg17[%swap3A_286, %swap3A_287] {strides = array<i32>} : memref<40x128xf32, #tpu.memory_space<vmem>>, vector<1x16xf32>,
          %swap3A_289 = vector.shape_cast %swap3A_288 : vector<1x16xf32> to vector<16xf32>
          %swap3A_290 = vector.shape_cast %max3A_285 : vector<16xf32> to vector<1x16xf32>
          tpu.vector_store %arg17[%swap3A_286, %swap3A_287], %swap3A_290 {strides = array<i32>} : memref<40x128xf32, #tpu.memory_space<vmem>>, vector<1x16xf32>,
        }
        %scan3A_156 = arith.constant 40 : i32
        "tpu.region"() ({
          %run_scoped3A = tpu.sem_alloc : memref<!tpu.dma_semaphore, #tpu.memory_space<semaphore_mem>>
          %dma_start3A_157 = arith.constant 0 : i32
          %dma_start3A_158 = arith.constant 0 : i32
          %dma_start3A_159 = tpu.memref_slice %arg20[%dma_start3A_157, %dma_start3A_158] : memref<10240x128xf32, #tpu.memory_space<vmem_shared>> -> memref<10240x128xf32, #tpu.memory_space<vmem_shared>>
          tpu.enqueue_indirect_dma source(%arg17 : memref<40x128xf32, #tpu.memory_space<vmem>>) target(%dma_start3A_159 : memref<10240x128xf32, #tpu.memory_space<vmem_shared>>) offsets(%arg15 : memref<40xi32, #tpu.memory_space<vmem>>) semaphore(%run_scoped3A : memref<!tpu.dma_semaphore, #tpu.memory_space<semaphore_mem>>) {add = true}
          %dma_wait3A_160 = arith.constant 0 : i32
          %dma_wait3A_161 = arith.constant 0 : i32
          %dma_wait3A_162 = tpu.memref_slice %arg20[%dma_wait3A_160, %dma_wait3A_161] : memref<10240x128xf32, #tpu.memory_space<vmem_shared>> -> memref<10240x128xf32, #tpu.memory_space<vmem_shared>>
          tpu.wait_indirect_dma semaphore(%run_scoped3A : memref<!tpu.dma_semaphore, #tpu.memory_space<semaphore_mem>>) src(%arg17 : memref<40x128xf32, #tpu.memory_space<vmem>>) dst(%dma_wait3A_162 : memref<10240x128xf32, #tpu.memory_space<vmem_shared>>)
          tpu.yield
        }) : () -> ()
      } else {
      }
    }
    %scan3A_39 = arith.constant 63 : i32
    %barrier3A_40 = arith.constant 0 : index
    tpu.barrier barrier_id(%barrier3A_40)
    "tpu.region"() ({
      %run_scoped3A = tpu.sem_alloc : memref<!tpu.dma_semaphore, #tpu.memory_space<semaphore_mem>>
      %dma_start3A_41 = arith.constant 0 : i32
      %dma_start3A_42 = tpu.memref_slice %arg7[%arg0, %mul3A_2, %dma_start3A_41] : memref<2x10240x128xf32, #tpu.memory_space<hbm>> -> memref<1x640x128xf32, #tpu.memory_space<hbm>>
      %dma_start3A_43 = tpu.memref_squeeze %dma_start3A_42 : memref<1x640x128xf32, #tpu.memory_space<hbm>> -> memref<640x128xf32, #tpu.memory_space<hbm>>
      %dma_start3A_44 = arith.constant 0 : i32
      %dma_start3A_45 = tpu.memref_slice %arg20[%mul3A_2, %dma_start3A_44] : memref<10240x128xf32, #tpu.memory_space<vmem_shared>> -> memref<640x128xf32, #tpu.memory_space<vmem_shared>>
      tpu.enqueue_dma source(%dma_start3A_45 : memref<640x128xf32, #tpu.memory_space<vmem_shared>>) target(%dma_start3A_43 : memref<640x128xf32, #tpu.memory_space<hbm>>) target_semaphore(%run_scoped3A : memref<!tpu.dma_semaphore, #tpu.memory_space<semaphore_mem>>)
      %dma_wait3A_46 = arith.constant 0 : i32
      %dma_wait3A_47 = tpu.memref_slice %arg7[%arg0, %mul3A_2, %dma_wait3A_46] : memref<2x10240x128xf32, #tpu.memory_space<hbm>> -> memref<1x640x128xf32, #tpu.memory_space<hbm>>
      %dma_wait3A_48 = tpu.memref_squeeze %dma_wait3A_47 : memref<1x640x128xf32, #tpu.memory_space<hbm>> -> memref<640x128xf32, #tpu.memory_space<hbm>>
      %dma_wait3A_49 = arith.constant 0 : i32
      %dma_wait3A_50 = tpu.memref_slice %arg20[%mul3A_2, %dma_wait3A_49] : memref<10240x128xf32, #tpu.memory_space<vmem_shared>> -> memref<640x128xf32, #tpu.memory_space<vmem_shared>>
      tpu.wait_dma2 semaphore(%run_scoped3A : memref<!tpu.dma_semaphore, #tpu.memory_space<semaphore_mem>>) src(%dma_wait3A_50 : memref<640x128xf32, #tpu.memory_space<vmem_shared>>) dst(%dma_wait3A_48 : memref<640x128xf32, #tpu.memory_space<hbm>>)
      tpu.yield
    }) : () -> ()
    return
  }
}

#map = affine_map<(d0, d1) -> (0)>
#map1 = affine_map<(d0, d1) -> (0, 0)>
#map2 = affine_map<(d0, d1) -> (0, 0, 0)>
module attributes {stable_mosaic.version = 14 : i64} {
  func.func @body(%arg0: i32, %arg1: i32, %arg2: memref<320000xi32, #tpu.memory_space<hbm>>, %arg3: memref<10240x128xf32, #tpu.memory_space<hbm>>, %arg4: memref<2x10240x128xf32, #tpu.memory_space<hbm>>, %arg5: memref<80xi32, #tpu.memory_space<vmem>>, %arg6: memref<80xi32, #tpu.memory_space<vmem>>, %arg7: memref<80xi32, #tpu.memory_space<vmem>>, %arg8: memref<80xi32, #tpu.memory_space<vmem>>, %arg9: memref<80x128xf32, #tpu.memory_space<vmem>>, %arg10: memref<10240x128xf32, #tpu.memory_space<vmem_shared>>, %arg11: memref<!tpu.dma_semaphore, #tpu.memory_space<semaphore_mem>>, %arg12: memref<!tpu.dma_semaphore, #tpu.memory_space<semaphore_mem>>, %arg13: memref<!tpu.dma_semaphore, #tpu.memory_space<semaphore_mem>>, %arg14: memref<!tpu.dma_semaphore, #tpu.memory_space<semaphore_mem>>) attributes {dimension_semantics = [#tpu.dimension_semantics<core_parallel>, #tpu.dimension_semantics<subcore_parallel>], iteration_bounds = array<i64: 2, 16>, scalar_prefetch = 0 : i64, scratch_operands = 10 : i64, tpu.core_type = #tpu.core_type<sc_vector_subcore>, window_params = [{transform_indices = #map}, {transform_indices = #map1}, {transform_indices = #map2}]} {
    %mul3A = arith.constant 16 : i32
    %mul3A_0 = arith.muli %arg0, %mul3A : i32
    %add3A = arith.addi %mul3A_0, %arg1 : i32
    %broadcast_in_dim3A = arith.constant 1.000000e+00 : f32
    %broadcast_in_dim3A_1 = vector.broadcast %broadcast_in_dim3A : f32 to vector<16xf32>
    %mul3A_2 = arith.constant 640 : i32
    %mul3A_3 = arith.muli %arg1, %mul3A_2 : i32
    %mul3A_4 = arith.constant 10000 : i32
    %mul3A_5 = arith.muli %add3A, %mul3A_4 : i32
    %scan3A = arith.constant 0 : i32
    %scan3A_6 = arith.constant 0 : i32
    %scan3A_7 = arith.constant 80 : i32
    %scan3A_8 = arith.addi %scan3A_6, %scan3A_7 : i32
    %scan3A_9 = arith.constant 1 : i32
    scf.for %scan3A_29 = %scan3A_6 to %scan3A_8 step %scan3A_9  : i32 {
      %swap3A = arith.index_cast %scan3A_29 : i32 to index
      %swap3A_30 = arith.constant 0 : index
      %swap3A_31 = tpu.vector_load %arg9[%swap3A, %swap3A_30] {strides = array<i32>} : memref<80x128xf32, #tpu.memory_space<vmem>>, vector<1x16xf32>,
      %swap3A_32 = vector.shape_cast %swap3A_31 : vector<1x16xf32> to vector<16xf32>
      %swap3A_33 = vector.shape_cast %broadcast_in_dim3A_1 : vector<16xf32> to vector<1x16xf32>
      tpu.vector_store %arg9[%swap3A, %swap3A_30], %swap3A_33 {strides = array<i32>} : memref<80x128xf32, #tpu.memory_space<vmem>>, vector<1x16xf32>,
      %swap3A_34 = arith.index_cast %scan3A_29 : i32 to index
      %swap3A_35 = arith.constant 16 : index
      %swap3A_36 = tpu.vector_load %arg9[%swap3A_34, %swap3A_35] {strides = array<i32>} : memref<80x128xf32, #tpu.memory_space<vmem>>, vector<1x16xf32>,
      %swap3A_37 = vector.shape_cast %swap3A_36 : vector<1x16xf32> to vector<16xf32>
      %swap3A_38 = vector.shape_cast %broadcast_in_dim3A_1 : vector<16xf32> to vector<1x16xf32>
      tpu.vector_store %arg9[%swap3A_34, %swap3A_35], %swap3A_38 {strides = array<i32>} : memref<80x128xf32, #tpu.memory_space<vmem>>, vector<1x16xf32>,
      %swap3A_39 = arith.index_cast %scan3A_29 : i32 to index
      %swap3A_40 = arith.constant 32 : index
      %swap3A_41 = tpu.vector_load %arg9[%swap3A_39, %swap3A_40] {strides = array<i32>} : memref<80x128xf32, #tpu.memory_space<vmem>>, vector<1x16xf32>,
      %swap3A_42 = vector.shape_cast %swap3A_41 : vector<1x16xf32> to vector<16xf32>
      %swap3A_43 = vector.shape_cast %broadcast_in_dim3A_1 : vector<16xf32> to vector<1x16xf32>
      tpu.vector_store %arg9[%swap3A_39, %swap3A_40], %swap3A_43 {strides = array<i32>} : memref<80x128xf32, #tpu.memory_space<vmem>>, vector<1x16xf32>,
      %swap3A_44 = arith.index_cast %scan3A_29 : i32 to index
      %swap3A_45 = arith.constant 48 : index
      %swap3A_46 = tpu.vector_load %arg9[%swap3A_44, %swap3A_45] {strides = array<i32>} : memref<80x128xf32, #tpu.memory_space<vmem>>, vector<1x16xf32>,
      %swap3A_47 = vector.shape_cast %swap3A_46 : vector<1x16xf32> to vector<16xf32>
      %swap3A_48 = vector.shape_cast %broadcast_in_dim3A_1 : vector<16xf32> to vector<1x16xf32>
      tpu.vector_store %arg9[%swap3A_44, %swap3A_45], %swap3A_48 {strides = array<i32>} : memref<80x128xf32, #tpu.memory_space<vmem>>, vector<1x16xf32>,
      %swap3A_49 = arith.index_cast %scan3A_29 : i32 to index
      %swap3A_50 = arith.constant 64 : index
      %swap3A_51 = tpu.vector_load %arg9[%swap3A_49, %swap3A_50] {strides = array<i32>} : memref<80x128xf32, #tpu.memory_space<vmem>>, vector<1x16xf32>,
      %swap3A_52 = vector.shape_cast %swap3A_51 : vector<1x16xf32> to vector<16xf32>
      %swap3A_53 = vector.shape_cast %broadcast_in_dim3A_1 : vector<16xf32> to vector<1x16xf32>
      tpu.vector_store %arg9[%swap3A_49, %swap3A_50], %swap3A_53 {strides = array<i32>} : memref<80x128xf32, #tpu.memory_space<vmem>>, vector<1x16xf32>,
      %swap3A_54 = arith.index_cast %scan3A_29 : i32 to index
      %swap3A_55 = arith.constant 80 : index
      %swap3A_56 = tpu.vector_load %arg9[%swap3A_54, %swap3A_55] {strides = array<i32>} : memref<80x128xf32, #tpu.memory_space<vmem>>, vector<1x16xf32>,
      %swap3A_57 = vector.shape_cast %swap3A_56 : vector<1x16xf32> to vector<16xf32>
      %swap3A_58 = vector.shape_cast %broadcast_in_dim3A_1 : vector<16xf32> to vector<1x16xf32>
      tpu.vector_store %arg9[%swap3A_54, %swap3A_55], %swap3A_58 {strides = array<i32>} : memref<80x128xf32, #tpu.memory_space<vmem>>, vector<1x16xf32>,
      %swap3A_59 = arith.index_cast %scan3A_29 : i32 to index
      %swap3A_60 = arith.constant 96 : index
      %swap3A_61 = tpu.vector_load %arg9[%swap3A_59, %swap3A_60] {strides = array<i32>} : memref<80x128xf32, #tpu.memory_space<vmem>>, vector<1x16xf32>,
      %swap3A_62 = vector.shape_cast %swap3A_61 : vector<1x16xf32> to vector<16xf32>
      %swap3A_63 = vector.shape_cast %broadcast_in_dim3A_1 : vector<16xf32> to vector<1x16xf32>
      tpu.vector_store %arg9[%swap3A_59, %swap3A_60], %swap3A_63 {strides = array<i32>} : memref<80x128xf32, #tpu.memory_space<vmem>>, vector<1x16xf32>,
      %swap3A_64 = arith.index_cast %scan3A_29 : i32 to index
      %swap3A_65 = arith.constant 112 : index
      %swap3A_66 = tpu.vector_load %arg9[%swap3A_64, %swap3A_65] {strides = array<i32>} : memref<80x128xf32, #tpu.memory_space<vmem>>, vector<1x16xf32>,
      %swap3A_67 = vector.shape_cast %swap3A_66 : vector<1x16xf32> to vector<16xf32>
      %swap3A_68 = vector.shape_cast %broadcast_in_dim3A_1 : vector<16xf32> to vector<1x16xf32>
      tpu.vector_store %arg9[%swap3A_64, %swap3A_65], %swap3A_68 {strides = array<i32>} : memref<80x128xf32, #tpu.memory_space<vmem>>, vector<1x16xf32>,
    }
    %scan3A_10 = arith.constant 80 : i32
    "tpu.region"() ({
      %run_scoped3A = tpu.sem_alloc : memref<!tpu.dma_semaphore, #tpu.memory_space<semaphore_mem>>
      %dma_start3A_29 = arith.constant 0 : i32
      %dma_start3A_30 = tpu.memref_slice %arg10[%mul3A_3, %dma_start3A_29] : memref<10240x128xf32, #tpu.memory_space<vmem_shared>> -> memref<640x128xf32, #tpu.memory_space<vmem_shared>>
      %dma_start3A_31 = arith.constant 0 : i32
      %dma_start3A_32 = tpu.memref_slice %arg3[%mul3A_3, %dma_start3A_31] : memref<10240x128xf32, #tpu.memory_space<hbm>> -> memref<640x128xf32, #tpu.memory_space<hbm>>
      tpu.enqueue_dma source(%dma_start3A_32 : memref<640x128xf32, #tpu.memory_space<hbm>>) target(%dma_start3A_30 : memref<640x128xf32, #tpu.memory_space<vmem_shared>>) target_semaphore(%run_scoped3A : memref<!tpu.dma_semaphore, #tpu.memory_space<semaphore_mem>>)
      %dma_wait3A = arith.constant 0 : i32
      %dma_wait3A_33 = tpu.memref_slice %arg10[%mul3A_3, %dma_wait3A] : memref<10240x128xf32, #tpu.memory_space<vmem_shared>> -> memref<640x128xf32, #tpu.memory_space<vmem_shared>>
      %dma_wait3A_34 = arith.constant 0 : i32
      %dma_wait3A_35 = tpu.memref_slice %arg3[%mul3A_3, %dma_wait3A_34] : memref<10240x128xf32, #tpu.memory_space<hbm>> -> memref<640x128xf32, #tpu.memory_space<hbm>>
      tpu.wait_dma2 semaphore(%run_scoped3A : memref<!tpu.dma_semaphore, #tpu.memory_space<semaphore_mem>>) src(%dma_wait3A_35 : memref<640x128xf32, #tpu.memory_space<hbm>>) dst(%dma_wait3A_33 : memref<640x128xf32, #tpu.memory_space<vmem_shared>>)
      tpu.yield
    }) : () -> ()
    %barrier3A = arith.constant 0 : index
    tpu.barrier barrier_id(%barrier3A)
    %add3A_11 = arith.constant 0 : i32
    %add3A_12 = arith.addi %mul3A_5, %add3A_11 : i32
    %dma_start3A = tpu.memref_slice %arg2[%add3A_12] : memref<320000xi32, #tpu.memory_space<hbm>> -> memref<80xi32, #tpu.memory_space<hbm>>
    %dma_start3A_13 = tpu.memref_slice %arg2[%add3A_12] : memref<320000xi32, #tpu.memory_space<hbm>> -> memref<80xi32, #tpu.memory_space<hbm>>
    tpu.enqueue_dma source(%dma_start3A_13 : memref<80xi32, #tpu.memory_space<hbm>>) target(%arg5 : memref<80xi32, #tpu.memory_space<vmem>>) target_semaphore(%arg11 : memref<!tpu.dma_semaphore, #tpu.memory_space<semaphore_mem>>)
    %add3A_14 = arith.constant 80 : i32
    %add3A_15 = arith.addi %mul3A_5, %add3A_14 : i32
    %dma_start3A_16 = tpu.memref_slice %arg2[%add3A_15] : memref<320000xi32, #tpu.memory_space<hbm>> -> memref<80xi32, #tpu.memory_space<hbm>>
    %dma_start3A_17 = tpu.memref_slice %arg2[%add3A_15] : memref<320000xi32, #tpu.memory_space<hbm>> -> memref<80xi32, #tpu.memory_space<hbm>>
    tpu.enqueue_dma source(%dma_start3A_17 : memref<80xi32, #tpu.memory_space<hbm>>) target(%arg6 : memref<80xi32, #tpu.memory_space<vmem>>) target_semaphore(%arg12 : memref<!tpu.dma_semaphore, #tpu.memory_space<semaphore_mem>>)
    %add3A_18 = arith.constant 160 : i32
    %add3A_19 = arith.addi %mul3A_5, %add3A_18 : i32
    %dma_start3A_20 = tpu.memref_slice %arg2[%add3A_19] : memref<320000xi32, #tpu.memory_space<hbm>> -> memref<80xi32, #tpu.memory_space<hbm>>
    %dma_start3A_21 = tpu.memref_slice %arg2[%add3A_19] : memref<320000xi32, #tpu.memory_space<hbm>> -> memref<80xi32, #tpu.memory_space<hbm>>
    tpu.enqueue_dma source(%dma_start3A_21 : memref<80xi32, #tpu.memory_space<hbm>>) target(%arg7 : memref<80xi32, #tpu.memory_space<vmem>>) target_semaphore(%arg13 : memref<!tpu.dma_semaphore, #tpu.memory_space<semaphore_mem>>)
    %scan3A_22 = arith.constant 0 : i32
    %scan3A_23 = arith.constant 0 : i32
    %scan3A_24 = arith.constant 32 : i32
    %scan3A_25 = arith.addi %scan3A_23, %scan3A_24 : i32
    %scan3A_26 = arith.constant 1 : i32
    scf.for %scan3A_29 = %scan3A_23 to %scan3A_25 step %scan3A_26  : i32 {
      %mul3A_30 = arith.constant 4 : i32
      %mul3A_31 = arith.muli %scan3A_29, %mul3A_30 : i32
      %add3A_32 = arith.constant 0 : i32
      %add3A_33 = arith.addi %mul3A_31, %add3A_32 : i32
      %lt3A = arith.constant 125 : i32
      %lt3A_34 = arith.cmpi slt, %add3A_33, %lt3A : i32
      %convert_element_type3A = arith.extui %lt3A_34 : i1 to i32
      %cond3A = arith.constant 0 : i32
      %cond3A_35 = arith.cmpi ne, %convert_element_type3A, %cond3A : i32
      scf.if %cond3A_35 {
        %dma_wait3A = arith.constant 0 : i32
        %dma_wait3A_91 = tpu.memref_slice %arg2[%dma_wait3A] : memref<320000xi32, #tpu.memory_space<hbm>> -> memref<80xi32, #tpu.memory_space<hbm>>
        %dma_wait3A_92 = arith.constant 0 : i32
        %dma_wait3A_93 = tpu.memref_slice %arg2[%dma_wait3A_92] : memref<320000xi32, #tpu.memory_space<hbm>> -> memref<80xi32, #tpu.memory_space<hbm>>
        tpu.wait_dma2 semaphore(%arg11 : memref<!tpu.dma_semaphore, #tpu.memory_space<semaphore_mem>>) src(%dma_wait3A_93 : memref<80xi32, #tpu.memory_space<hbm>>) dst(%arg5 : memref<80xi32, #tpu.memory_space<vmem>>)
        "tpu.region"() ({
          %run_scoped3A = tpu.sem_alloc : memref<!tpu.dma_semaphore, #tpu.memory_space<semaphore_mem>>
          %dma_start3A_94 = arith.constant 0 : i32
          %dma_start3A_95 = arith.constant 0 : i32
          %dma_start3A_96 = tpu.memref_slice %arg10[%dma_start3A_94, %dma_start3A_95] : memref<10240x128xf32, #tpu.memory_space<vmem_shared>> -> memref<10240x128xf32, #tpu.memory_space<vmem_shared>>
          tpu.enqueue_indirect_dma source(%arg9 : memref<80x128xf32, #tpu.memory_space<vmem>>) target(%dma_start3A_96 : memref<10240x128xf32, #tpu.memory_space<vmem_shared>>) offsets(%arg5 : memref<80xi32, #tpu.memory_space<vmem>>) semaphore(%run_scoped3A : memref<!tpu.dma_semaphore, #tpu.memory_space<semaphore_mem>>) {add = true}
          %dma_wait3A_97 = arith.constant 0 : i32
          %dma_wait3A_98 = arith.constant 0 : i32
          %dma_wait3A_99 = tpu.memref_slice %arg10[%dma_wait3A_97, %dma_wait3A_98] : memref<10240x128xf32, #tpu.memory_space<vmem_shared>> -> memref<10240x128xf32, #tpu.memory_space<vmem_shared>>
          tpu.wait_indirect_dma semaphore(%run_scoped3A : memref<!tpu.dma_semaphore, #tpu.memory_space<semaphore_mem>>) src(%arg9 : memref<80x128xf32, #tpu.memory_space<vmem>>) dst(%dma_wait3A_99 : memref<10240x128xf32, #tpu.memory_space<vmem_shared>>)
          tpu.yield
        }) : () -> ()
      } else {
      }
      %add3A_36 = arith.constant 3 : i32
      %add3A_37 = arith.addi %add3A_33, %add3A_36 : i32
      %lt3A_38 = arith.constant 125 : i32
      %lt3A_39 = arith.cmpi slt, %add3A_37, %lt3A_38 : i32
      %convert_element_type3A_40 = arith.extui %lt3A_39 : i1 to i32
      %cond3A_41 = arith.constant 0 : i32
      %cond3A_42 = arith.cmpi ne, %convert_element_type3A_40, %cond3A_41 : i32
      scf.if %cond3A_42 {
        %add3A_91 = arith.constant 3 : i32
        %add3A_92 = arith.addi %add3A_33, %add3A_91 : i32
        %mul3A_93 = arith.constant 80 : i32
        %mul3A_94 = arith.muli %add3A_92, %mul3A_93 : i32
        %add3A_95 = arith.addi %mul3A_5, %mul3A_94 : i32
        %dma_start3A_96 = tpu.memref_slice %arg2[%add3A_95] : memref<320000xi32, #tpu.memory_space<hbm>> -> memref<80xi32, #tpu.memory_space<hbm>>
        %dma_start3A_97 = tpu.memref_slice %arg2[%add3A_95] : memref<320000xi32, #tpu.memory_space<hbm>> -> memref<80xi32, #tpu.memory_space<hbm>>
        tpu.enqueue_dma source(%dma_start3A_97 : memref<80xi32, #tpu.memory_space<hbm>>) target(%arg8 : memref<80xi32, #tpu.memory_space<vmem>>) target_semaphore(%arg14 : memref<!tpu.dma_semaphore, #tpu.memory_space<semaphore_mem>>)
      } else {
      }
      %mul3A_43 = arith.constant 4 : i32
      %mul3A_44 = arith.muli %scan3A_29, %mul3A_43 : i32
      %add3A_45 = arith.constant 1 : i32
      %add3A_46 = arith.addi %mul3A_44, %add3A_45 : i32
      %lt3A_47 = arith.constant 125 : i32
      %lt3A_48 = arith.cmpi slt, %add3A_46, %lt3A_47 : i32
      %convert_element_type3A_49 = arith.extui %lt3A_48 : i1 to i32
      %cond3A_50 = arith.constant 0 : i32
      %cond3A_51 = arith.cmpi ne, %convert_element_type3A_49, %cond3A_50 : i32
      scf.if %cond3A_51 {
        %dma_wait3A = arith.constant 0 : i32
        %dma_wait3A_91 = tpu.memref_slice %arg2[%dma_wait3A] : memref<320000xi32, #tpu.memory_space<hbm>> -> memref<80xi32, #tpu.memory_space<hbm>>
        %dma_wait3A_92 = arith.constant 0 : i32
        %dma_wait3A_93 = tpu.memref_slice %arg2[%dma_wait3A_92] : memref<320000xi32, #tpu.memory_space<hbm>> -> memref<80xi32, #tpu.memory_space<hbm>>
        tpu.wait_dma2 semaphore(%arg12 : memref<!tpu.dma_semaphore, #tpu.memory_space<semaphore_mem>>) src(%dma_wait3A_93 : memref<80xi32, #tpu.memory_space<hbm>>) dst(%arg6 : memref<80xi32, #tpu.memory_space<vmem>>)
        "tpu.region"() ({
          %run_scoped3A = tpu.sem_alloc : memref<!tpu.dma_semaphore, #tpu.memory_space<semaphore_mem>>
          %dma_start3A_94 = arith.constant 0 : i32
          %dma_start3A_95 = arith.constant 0 : i32
          %dma_start3A_96 = tpu.memref_slice %arg10[%dma_start3A_94, %dma_start3A_95] : memref<10240x128xf32, #tpu.memory_space<vmem_shared>> -> memref<10240x128xf32, #tpu.memory_space<vmem_shared>>
          tpu.enqueue_indirect_dma source(%arg9 : memref<80x128xf32, #tpu.memory_space<vmem>>) target(%dma_start3A_96 : memref<10240x128xf32, #tpu.memory_space<vmem_shared>>) offsets(%arg6 : memref<80xi32, #tpu.memory_space<vmem>>) semaphore(%run_scoped3A : memref<!tpu.dma_semaphore, #tpu.memory_space<semaphore_mem>>) {add = true}
          %dma_wait3A_97 = arith.constant 0 : i32
          %dma_wait3A_98 = arith.constant 0 : i32
          %dma_wait3A_99 = tpu.memref_slice %arg10[%dma_wait3A_97, %dma_wait3A_98] : memref<10240x128xf32, #tpu.memory_space<vmem_shared>> -> memref<10240x128xf32, #tpu.memory_space<vmem_shared>>
          tpu.wait_indirect_dma semaphore(%run_scoped3A : memref<!tpu.dma_semaphore, #tpu.memory_space<semaphore_mem>>) src(%arg9 : memref<80x128xf32, #tpu.memory_space<vmem>>) dst(%dma_wait3A_99 : memref<10240x128xf32, #tpu.memory_space<vmem_shared>>)
          tpu.yield
        }) : () -> ()
      } else {
      }
      %add3A_52 = arith.constant 3 : i32
      %add3A_53 = arith.addi %add3A_46, %add3A_52 : i32
      %lt3A_54 = arith.constant 125 : i32
      %lt3A_55 = arith.cmpi slt, %add3A_53, %lt3A_54 : i32
      %convert_element_type3A_56 = arith.extui %lt3A_55 : i1 to i32
      %cond3A_57 = arith.constant 0 : i32
      %cond3A_58 = arith.cmpi ne, %convert_element_type3A_56, %cond3A_57 : i32
      scf.if %cond3A_58 {
        %add3A_91 = arith.constant 3 : i32
        %add3A_92 = arith.addi %add3A_46, %add3A_91 : i32
        %mul3A_93 = arith.constant 80 : i32
        %mul3A_94 = arith.muli %add3A_92, %mul3A_93 : i32
        %add3A_95 = arith.addi %mul3A_5, %mul3A_94 : i32
        %dma_start3A_96 = tpu.memref_slice %arg2[%add3A_95] : memref<320000xi32, #tpu.memory_space<hbm>> -> memref<80xi32, #tpu.memory_space<hbm>>
        %dma_start3A_97 = tpu.memref_slice %arg2[%add3A_95] : memref<320000xi32, #tpu.memory_space<hbm>> -> memref<80xi32, #tpu.memory_space<hbm>>
        tpu.enqueue_dma source(%dma_start3A_97 : memref<80xi32, #tpu.memory_space<hbm>>) target(%arg5 : memref<80xi32, #tpu.memory_space<vmem>>) target_semaphore(%arg11 : memref<!tpu.dma_semaphore, #tpu.memory_space<semaphore_mem>>)
      } else {
      }
      %mul3A_59 = arith.constant 4 : i32
      %mul3A_60 = arith.muli %scan3A_29, %mul3A_59 : i32
      %add3A_61 = arith.constant 2 : i32
      %add3A_62 = arith.addi %mul3A_60, %add3A_61 : i32
      %lt3A_63 = arith.constant 125 : i32
      %lt3A_64 = arith.cmpi slt, %add3A_62, %lt3A_63 : i32
      %convert_element_type3A_65 = arith.extui %lt3A_64 : i1 to i32
      %cond3A_66 = arith.constant 0 : i32
      %cond3A_67 = arith.cmpi ne, %convert_element_type3A_65, %cond3A_66 : i32
      scf.if %cond3A_67 {
        %dma_wait3A = arith.constant 0 : i32
        %dma_wait3A_91 = tpu.memref_slice %arg2[%dma_wait3A] : memref<320000xi32, #tpu.memory_space<hbm>> -> memref<80xi32, #tpu.memory_space<hbm>>
        %dma_wait3A_92 = arith.constant 0 : i32
        %dma_wait3A_93 = tpu.memref_slice %arg2[%dma_wait3A_92] : memref<320000xi32, #tpu.memory_space<hbm>> -> memref<80xi32, #tpu.memory_space<hbm>>
        tpu.wait_dma2 semaphore(%arg13 : memref<!tpu.dma_semaphore, #tpu.memory_space<semaphore_mem>>) src(%dma_wait3A_93 : memref<80xi32, #tpu.memory_space<hbm>>) dst(%arg7 : memref<80xi32, #tpu.memory_space<vmem>>)
        "tpu.region"() ({
          %run_scoped3A = tpu.sem_alloc : memref<!tpu.dma_semaphore, #tpu.memory_space<semaphore_mem>>
          %dma_start3A_94 = arith.constant 0 : i32
          %dma_start3A_95 = arith.constant 0 : i32
          %dma_start3A_96 = tpu.memref_slice %arg10[%dma_start3A_94, %dma_start3A_95] : memref<10240x128xf32, #tpu.memory_space<vmem_shared>> -> memref<10240x128xf32, #tpu.memory_space<vmem_shared>>
          tpu.enqueue_indirect_dma source(%arg9 : memref<80x128xf32, #tpu.memory_space<vmem>>) target(%dma_start3A_96 : memref<10240x128xf32, #tpu.memory_space<vmem_shared>>) offsets(%arg7 : memref<80xi32, #tpu.memory_space<vmem>>) semaphore(%run_scoped3A : memref<!tpu.dma_semaphore, #tpu.memory_space<semaphore_mem>>) {add = true}
          %dma_wait3A_97 = arith.constant 0 : i32
          %dma_wait3A_98 = arith.constant 0 : i32
          %dma_wait3A_99 = tpu.memref_slice %arg10[%dma_wait3A_97, %dma_wait3A_98] : memref<10240x128xf32, #tpu.memory_space<vmem_shared>> -> memref<10240x128xf32, #tpu.memory_space<vmem_shared>>
          tpu.wait_indirect_dma semaphore(%run_scoped3A : memref<!tpu.dma_semaphore, #tpu.memory_space<semaphore_mem>>) src(%arg9 : memref<80x128xf32, #tpu.memory_space<vmem>>) dst(%dma_wait3A_99 : memref<10240x128xf32, #tpu.memory_space<vmem_shared>>)
          tpu.yield
        }) : () -> ()
      } else {
      }
      %add3A_68 = arith.constant 3 : i32
      %add3A_69 = arith.addi %add3A_62, %add3A_68 : i32
      %lt3A_70 = arith.constant 125 : i32
      %lt3A_71 = arith.cmpi slt, %add3A_69, %lt3A_70 : i32
      %convert_element_type3A_72 = arith.extui %lt3A_71 : i1 to i32
      %cond3A_73 = arith.constant 0 : i32
      %cond3A_74 = arith.cmpi ne, %convert_element_type3A_72, %cond3A_73 : i32
      scf.if %cond3A_74 {
        %add3A_91 = arith.constant 3 : i32
        %add3A_92 = arith.addi %add3A_62, %add3A_91 : i32
        %mul3A_93 = arith.constant 80 : i32
        %mul3A_94 = arith.muli %add3A_92, %mul3A_93 : i32
        %add3A_95 = arith.addi %mul3A_5, %mul3A_94 : i32
        %dma_start3A_96 = tpu.memref_slice %arg2[%add3A_95] : memref<320000xi32, #tpu.memory_space<hbm>> -> memref<80xi32, #tpu.memory_space<hbm>>
        %dma_start3A_97 = tpu.memref_slice %arg2[%add3A_95] : memref<320000xi32, #tpu.memory_space<hbm>> -> memref<80xi32, #tpu.memory_space<hbm>>
        tpu.enqueue_dma source(%dma_start3A_97 : memref<80xi32, #tpu.memory_space<hbm>>) target(%arg6 : memref<80xi32, #tpu.memory_space<vmem>>) target_semaphore(%arg12 : memref<!tpu.dma_semaphore, #tpu.memory_space<semaphore_mem>>)
      } else {
      }
      %mul3A_75 = arith.constant 4 : i32
      %mul3A_76 = arith.muli %scan3A_29, %mul3A_75 : i32
      %add3A_77 = arith.constant 3 : i32
      %add3A_78 = arith.addi %mul3A_76, %add3A_77 : i32
      %lt3A_79 = arith.constant 125 : i32
      %lt3A_80 = arith.cmpi slt, %add3A_78, %lt3A_79 : i32
      %convert_element_type3A_81 = arith.extui %lt3A_80 : i1 to i32
      %cond3A_82 = arith.constant 0 : i32
      %cond3A_83 = arith.cmpi ne, %convert_element_type3A_81, %cond3A_82 : i32
      scf.if %cond3A_83 {
        %dma_wait3A = arith.constant 0 : i32
        %dma_wait3A_91 = tpu.memref_slice %arg2[%dma_wait3A] : memref<320000xi32, #tpu.memory_space<hbm>> -> memref<80xi32, #tpu.memory_space<hbm>>
        %dma_wait3A_92 = arith.constant 0 : i32
        %dma_wait3A_93 = tpu.memref_slice %arg2[%dma_wait3A_92] : memref<320000xi32, #tpu.memory_space<hbm>> -> memref<80xi32, #tpu.memory_space<hbm>>
        tpu.wait_dma2 semaphore(%arg14 : memref<!tpu.dma_semaphore, #tpu.memory_space<semaphore_mem>>) src(%dma_wait3A_93 : memref<80xi32, #tpu.memory_space<hbm>>) dst(%arg8 : memref<80xi32, #tpu.memory_space<vmem>>)
        "tpu.region"() ({
          %run_scoped3A = tpu.sem_alloc : memref<!tpu.dma_semaphore, #tpu.memory_space<semaphore_mem>>
          %dma_start3A_94 = arith.constant 0 : i32
          %dma_start3A_95 = arith.constant 0 : i32
          %dma_start3A_96 = tpu.memref_slice %arg10[%dma_start3A_94, %dma_start3A_95] : memref<10240x128xf32, #tpu.memory_space<vmem_shared>> -> memref<10240x128xf32, #tpu.memory_space<vmem_shared>>
          tpu.enqueue_indirect_dma source(%arg9 : memref<80x128xf32, #tpu.memory_space<vmem>>) target(%dma_start3A_96 : memref<10240x128xf32, #tpu.memory_space<vmem_shared>>) offsets(%arg8 : memref<80xi32, #tpu.memory_space<vmem>>) semaphore(%run_scoped3A : memref<!tpu.dma_semaphore, #tpu.memory_space<semaphore_mem>>) {add = true}
          %dma_wait3A_97 = arith.constant 0 : i32
          %dma_wait3A_98 = arith.constant 0 : i32
          %dma_wait3A_99 = tpu.memref_slice %arg10[%dma_wait3A_97, %dma_wait3A_98] : memref<10240x128xf32, #tpu.memory_space<vmem_shared>> -> memref<10240x128xf32, #tpu.memory_space<vmem_shared>>
          tpu.wait_indirect_dma semaphore(%run_scoped3A : memref<!tpu.dma_semaphore, #tpu.memory_space<semaphore_mem>>) src(%arg9 : memref<80x128xf32, #tpu.memory_space<vmem>>) dst(%dma_wait3A_99 : memref<10240x128xf32, #tpu.memory_space<vmem_shared>>)
          tpu.yield
        }) : () -> ()
      } else {
      }
      %add3A_84 = arith.constant 3 : i32
      %add3A_85 = arith.addi %add3A_78, %add3A_84 : i32
      %lt3A_86 = arith.constant 125 : i32
      %lt3A_87 = arith.cmpi slt, %add3A_85, %lt3A_86 : i32
      %convert_element_type3A_88 = arith.extui %lt3A_87 : i1 to i32
      %cond3A_89 = arith.constant 0 : i32
      %cond3A_90 = arith.cmpi ne, %convert_element_type3A_88, %cond3A_89 : i32
      scf.if %cond3A_90 {
        %add3A_91 = arith.constant 3 : i32
        %add3A_92 = arith.addi %add3A_78, %add3A_91 : i32
        %mul3A_93 = arith.constant 80 : i32
        %mul3A_94 = arith.muli %add3A_92, %mul3A_93 : i32
        %add3A_95 = arith.addi %mul3A_5, %mul3A_94 : i32
        %dma_start3A_96 = tpu.memref_slice %arg2[%add3A_95] : memref<320000xi32, #tpu.memory_space<hbm>> -> memref<80xi32, #tpu.memory_space<hbm>>
        %dma_start3A_97 = tpu.memref_slice %arg2[%add3A_95] : memref<320000xi32, #tpu.memory_space<hbm>> -> memref<80xi32, #tpu.memory_space<hbm>>
        tpu.enqueue_dma source(%dma_start3A_97 : memref<80xi32, #tpu.memory_space<hbm>>) target(%arg7 : memref<80xi32, #tpu.memory_space<vmem>>) target_semaphore(%arg13 : memref<!tpu.dma_semaphore, #tpu.memory_space<semaphore_mem>>)
      } else {
      }
    }
    %scan3A_27 = arith.constant 32 : i32
    %barrier3A_28 = arith.constant 0 : index
    tpu.barrier barrier_id(%barrier3A_28)
    "tpu.region"() ({
      %run_scoped3A = tpu.sem_alloc : memref<!tpu.dma_semaphore, #tpu.memory_space<semaphore_mem>>
      %dma_start3A_29 = arith.constant 0 : i32
      %dma_start3A_30 = tpu.memref_slice %arg4[%arg0, %mul3A_3, %dma_start3A_29] : memref<2x10240x128xf32, #tpu.memory_space<hbm>> -> memref<1x640x128xf32, #tpu.memory_space<hbm>>
      %dma_start3A_31 = tpu.memref_squeeze %dma_start3A_30 : memref<1x640x128xf32, #tpu.memory_space<hbm>> -> memref<640x128xf32, #tpu.memory_space<hbm>>
      %dma_start3A_32 = arith.constant 0 : i32
      %dma_start3A_33 = tpu.memref_slice %arg10[%mul3A_3, %dma_start3A_32] : memref<10240x128xf32, #tpu.memory_space<vmem_shared>> -> memref<640x128xf32, #tpu.memory_space<vmem_shared>>
      tpu.enqueue_dma source(%dma_start3A_33 : memref<640x128xf32, #tpu.memory_space<vmem_shared>>) target(%dma_start3A_31 : memref<640x128xf32, #tpu.memory_space<hbm>>) target_semaphore(%run_scoped3A : memref<!tpu.dma_semaphore, #tpu.memory_space<semaphore_mem>>)
      %dma_wait3A = arith.constant 0 : i32
      %dma_wait3A_34 = tpu.memref_slice %arg4[%arg0, %mul3A_3, %dma_wait3A] : memref<2x10240x128xf32, #tpu.memory_space<hbm>> -> memref<1x640x128xf32, #tpu.memory_space<hbm>>
      %dma_wait3A_35 = tpu.memref_squeeze %dma_wait3A_34 : memref<1x640x128xf32, #tpu.memory_space<hbm>> -> memref<640x128xf32, #tpu.memory_space<hbm>>
      %dma_wait3A_36 = arith.constant 0 : i32
      %dma_wait3A_37 = tpu.memref_slice %arg10[%mul3A_3, %dma_wait3A_36] : memref<10240x128xf32, #tpu.memory_space<vmem_shared>> -> memref<640x128xf32, #tpu.memory_space<vmem_shared>>
      tpu.wait_dma2 semaphore(%run_scoped3A : memref<!tpu.dma_semaphore, #tpu.memory_space<semaphore_mem>>) src(%dma_wait3A_37 : memref<640x128xf32, #tpu.memory_space<vmem_shared>>) dst(%dma_wait3A_35 : memref<640x128xf32, #tpu.memory_space<hbm>>)
      tpu.yield
    }) : () -> ()
    return
  }
}

#map = affine_map<(d0, d1) -> (0, 0)>
#map1 = affine_map<(d0, d1) -> (0)>
#map2 = affine_map<(d0, d1) -> (0, 0, 0)>
module attributes {stable_mosaic.version = 14 : i64} {
  func.func @body(%arg0: i32, %arg1: i32, %arg2: memref<10000x128xf32, #tpu.memory_space<hbm>>, %arg3: memref<10000x128xf32, #tpu.memory_space<hbm>>, %arg4: memref<320000xi32, #tpu.memory_space<hbm>>, %arg5: memref<320000xi32, #tpu.memory_space<hbm>>, %arg6: memref<10240x128xf32, #tpu.memory_space<hbm>>, %arg7: memref<2x10240x128xf32, #tpu.memory_space<hbm>>, %arg8: memref<40xi32, #tpu.memory_space<vmem>>, %arg9: memref<40xi32, #tpu.memory_space<vmem>>, %arg10: memref<40xi32, #tpu.memory_space<vmem>>, %arg11: memref<40xi32, #tpu.memory_space<vmem>>, %arg12: memref<40xi32, #tpu.memory_space<vmem>>, %arg13: memref<40xi32, #tpu.memory_space<vmem>>, %arg14: memref<40xi32, #tpu.memory_space<vmem>>, %arg15: memref<40xi32, #tpu.memory_space<vmem>>, %arg16: memref<40x128xf32, #tpu.memory_space<vmem>>, %arg17: memref<40x128xf32, #tpu.memory_space<vmem>>, %arg18: memref<40x128xf32, #tpu.memory_space<vmem>>, %arg19: memref<40x128xf32, #tpu.memory_space<vmem>>, %arg20: memref<10240x128xf32, #tpu.memory_space<vmem_shared>>, %arg21: memref<!tpu.dma_semaphore, #tpu.memory_space<semaphore_mem>>, %arg22: memref<!tpu.dma_semaphore, #tpu.memory_space<semaphore_mem>>, %arg23: memref<!tpu.dma_semaphore, #tpu.memory_space<semaphore_mem>>, %arg24: memref<!tpu.dma_semaphore, #tpu.memory_space<semaphore_mem>>, %arg25: memref<!tpu.dma_semaphore, #tpu.memory_space<semaphore_mem>>, %arg26: memref<!tpu.dma_semaphore, #tpu.memory_space<semaphore_mem>>) attributes {dimension_semantics = [#tpu.dimension_semantics<core_parallel>, #tpu.dimension_semantics<subcore_parallel>], iteration_bounds = array<i64: 2, 16>, scalar_prefetch = 0 : i64, scratch_operands = 19 : i64, tpu.core_type = #tpu.core_type<sc_vector_subcore>, window_params = [{transform_indices = #map}, {transform_indices = #map}, {transform_indices = #map1}, {transform_indices = #map1}, {transform_indices = #map}, {transform_indices = #map2}]} {
    %mul3A = arith.constant 16 : i32
    %mul3A_0 = arith.muli %arg0, %mul3A : i32
    %add3A = arith.addi %mul3A_0, %arg1 : i32
    %mul3A_1 = arith.constant 640 : i32
    %mul3A_2 = arith.muli %arg1, %mul3A_1 : i32
    %mul3A_3 = arith.constant 10000 : i32
    %mul3A_4 = arith.muli %add3A, %mul3A_3 : i32
    "tpu.region"() ({
      %run_scoped3A = tpu.sem_alloc : memref<!tpu.dma_semaphore, #tpu.memory_space<semaphore_mem>>
      %dma_start3A_41 = arith.constant 0 : i32
      %dma_start3A_42 = tpu.memref_slice %arg20[%mul3A_2, %dma_start3A_41] : memref<10240x128xf32, #tpu.memory_space<vmem_shared>> -> memref<640x128xf32, #tpu.memory_space<vmem_shared>>
      %dma_start3A_43 = arith.constant 0 : i32
      %dma_start3A_44 = tpu.memref_slice %arg6[%mul3A_2, %dma_start3A_43] : memref<10240x128xf32, #tpu.memory_space<hbm>> -> memref<640x128xf32, #tpu.memory_space<hbm>>
      tpu.enqueue_dma source(%dma_start3A_44 : memref<640x128xf32, #tpu.memory_space<hbm>>) target(%dma_start3A_42 : memref<640x128xf32, #tpu.memory_space<vmem_shared>>) target_semaphore(%run_scoped3A : memref<!tpu.dma_semaphore, #tpu.memory_space<semaphore_mem>>)
      %dma_wait3A_45 = arith.constant 0 : i32
      %dma_wait3A_46 = tpu.memref_slice %arg20[%mul3A_2, %dma_wait3A_45] : memref<10240x128xf32, #tpu.memory_space<vmem_shared>> -> memref<640x128xf32, #tpu.memory_space<vmem_shared>>
      %dma_wait3A_47 = arith.constant 0 : i32
      %dma_wait3A_48 = tpu.memref_slice %arg6[%mul3A_2, %dma_wait3A_47] : memref<10240x128xf32, #tpu.memory_space<hbm>> -> memref<640x128xf32, #tpu.memory_space<hbm>>
      tpu.wait_dma2 semaphore(%run_scoped3A : memref<!tpu.dma_semaphore, #tpu.memory_space<semaphore_mem>>) src(%dma_wait3A_48 : memref<640x128xf32, #tpu.memory_space<hbm>>) dst(%dma_wait3A_46 : memref<640x128xf32, #tpu.memory_space<vmem_shared>>)
      tpu.yield
    }) : () -> ()
    %barrier3A = arith.constant 0 : index
    tpu.barrier barrier_id(%barrier3A)
    %add3A_5 = arith.constant 0 : i32
    %add3A_6 = arith.addi %mul3A_4, %add3A_5 : i32
    %dma_start3A = tpu.memref_slice %arg4[%add3A_6] : memref<320000xi32, #tpu.memory_space<hbm>> -> memref<40xi32, #tpu.memory_space<hbm>>
    %dma_start3A_7 = tpu.memref_slice %arg4[%add3A_6] : memref<320000xi32, #tpu.memory_space<hbm>> -> memref<40xi32, #tpu.memory_space<hbm>>
    tpu.enqueue_dma source(%dma_start3A_7 : memref<40xi32, #tpu.memory_space<hbm>>) target(%arg8 : memref<40xi32, #tpu.memory_space<vmem>>) target_semaphore(%arg21 : memref<!tpu.dma_semaphore, #tpu.memory_space<semaphore_mem>>)
    %dma_start3A_8 = tpu.memref_slice %arg5[%add3A_6] : memref<320000xi32, #tpu.memory_space<hbm>> -> memref<40xi32, #tpu.memory_space<hbm>>
    %dma_start3A_9 = tpu.memref_slice %arg5[%add3A_6] : memref<320000xi32, #tpu.memory_space<hbm>> -> memref<40xi32, #tpu.memory_space<hbm>>
    tpu.enqueue_dma source(%dma_start3A_9 : memref<40xi32, #tpu.memory_space<hbm>>) target(%arg12 : memref<40xi32, #tpu.memory_space<vmem>>) target_semaphore(%arg21 : memref<!tpu.dma_semaphore, #tpu.memory_space<semaphore_mem>>)
    %add3A_10 = arith.constant 40 : i32
    %add3A_11 = arith.addi %mul3A_4, %add3A_10 : i32
    %dma_start3A_12 = tpu.memref_slice %arg4[%add3A_11] : memref<320000xi32, #tpu.memory_space<hbm>> -> memref<40xi32, #tpu.memory_space<hbm>>
    %dma_start3A_13 = tpu.memref_slice %arg4[%add3A_11] : memref<320000xi32, #tpu.memory_space<hbm>> -> memref<40xi32, #tpu.memory_space<hbm>>
    tpu.enqueue_dma source(%dma_start3A_13 : memref<40xi32, #tpu.memory_space<hbm>>) target(%arg9 : memref<40xi32, #tpu.memory_space<vmem>>) target_semaphore(%arg22 : memref<!tpu.dma_semaphore, #tpu.memory_space<semaphore_mem>>)
    %dma_start3A_14 = tpu.memref_slice %arg5[%add3A_11] : memref<320000xi32, #tpu.memory_space<hbm>> -> memref<40xi32, #tpu.memory_space<hbm>>
    %dma_start3A_15 = tpu.memref_slice %arg5[%add3A_11] : memref<320000xi32, #tpu.memory_space<hbm>> -> memref<40xi32, #tpu.memory_space<hbm>>
    tpu.enqueue_dma source(%dma_start3A_15 : memref<40xi32, #tpu.memory_space<hbm>>) target(%arg13 : memref<40xi32, #tpu.memory_space<vmem>>) target_semaphore(%arg22 : memref<!tpu.dma_semaphore, #tpu.memory_space<semaphore_mem>>)
    %add3A_16 = arith.constant 80 : i32
    %add3A_17 = arith.addi %mul3A_4, %add3A_16 : i32
    %dma_start3A_18 = tpu.memref_slice %arg4[%add3A_17] : memref<320000xi32, #tpu.memory_space<hbm>> -> memref<40xi32, #tpu.memory_space<hbm>>
    %dma_start3A_19 = tpu.memref_slice %arg4[%add3A_17] : memref<320000xi32, #tpu.memory_space<hbm>> -> memref<40xi32, #tpu.memory_space<hbm>>
    tpu.enqueue_dma source(%dma_start3A_19 : memref<40xi32, #tpu.memory_space<hbm>>) target(%arg10 : memref<40xi32, #tpu.memory_space<vmem>>) target_semaphore(%arg23 : memref<!tpu.dma_semaphore, #tpu.memory_space<semaphore_mem>>)
    %dma_start3A_20 = tpu.memref_slice %arg5[%add3A_17] : memref<320000xi32, #tpu.memory_space<hbm>> -> memref<40xi32, #tpu.memory_space<hbm>>
    %dma_start3A_21 = tpu.memref_slice %arg5[%add3A_17] : memref<320000xi32, #tpu.memory_space<hbm>> -> memref<40xi32, #tpu.memory_space<hbm>>
    tpu.enqueue_dma source(%dma_start3A_21 : memref<40xi32, #tpu.memory_space<hbm>>) target(%arg14 : memref<40xi32, #tpu.memory_space<vmem>>) target_semaphore(%arg23 : memref<!tpu.dma_semaphore, #tpu.memory_space<semaphore_mem>>)
    %dma_wait3A = arith.constant 0 : i32
    %dma_wait3A_22 = tpu.memref_slice %arg4[%dma_wait3A] : memref<320000xi32, #tpu.memory_space<hbm>> -> memref<40xi32, #tpu.memory_space<hbm>>
    %dma_wait3A_23 = arith.constant 0 : i32
    %dma_wait3A_24 = tpu.memref_slice %arg4[%dma_wait3A_23] : memref<320000xi32, #tpu.memory_space<hbm>> -> memref<40xi32, #tpu.memory_space<hbm>>
    tpu.wait_dma2 semaphore(%arg21 : memref<!tpu.dma_semaphore, #tpu.memory_space<semaphore_mem>>) src(%dma_wait3A_24 : memref<40xi32, #tpu.memory_space<hbm>>) dst(%arg8 : memref<40xi32, #tpu.memory_space<vmem>>)
    %dma_wait3A_25 = arith.constant 0 : i32
    %dma_wait3A_26 = tpu.memref_slice %arg5[%dma_wait3A_25] : memref<320000xi32, #tpu.memory_space<hbm>> -> memref<40xi32, #tpu.memory_space<hbm>>
    %dma_wait3A_27 = arith.constant 0 : i32
    %dma_wait3A_28 = tpu.memref_slice %arg5[%dma_wait3A_27] : memref<320000xi32, #tpu.memory_space<hbm>> -> memref<40xi32, #tpu.memory_space<hbm>>
    tpu.wait_dma2 semaphore(%arg21 : memref<!tpu.dma_semaphore, #tpu.memory_space<semaphore_mem>>) src(%dma_wait3A_28 : memref<40xi32, #tpu.memory_space<hbm>>) dst(%arg12 : memref<40xi32, #tpu.memory_space<vmem>>)
    %dma_start3A_29 = arith.constant 0 : i32
    %dma_start3A_30 = arith.constant 0 : i32
    %dma_start3A_31 = tpu.memref_slice %arg2[%dma_start3A_29, %dma_start3A_30] : memref<10000x128xf32, #tpu.memory_space<hbm>> -> memref<10000x128xf32, #tpu.memory_space<hbm>>
    tpu.enqueue_indirect_dma source(%dma_start3A_31 : memref<10000x128xf32, #tpu.memory_space<hbm>>) target(%arg16 : memref<40x128xf32, #tpu.memory_space<vmem>>) offsets(%arg12 : memref<40xi32, #tpu.memory_space<vmem>>) semaphore(%arg25 : memref<!tpu.dma_semaphore, #tpu.memory_space<semaphore_mem>>)
    %dma_start3A_32 = arith.constant 0 : i32
    %dma_start3A_33 = arith.constant 0 : i32
    %dma_start3A_34 = tpu.memref_slice %arg3[%dma_start3A_32, %dma_start3A_33] : memref<10000x128xf32, #tpu.memory_space<hbm>> -> memref<10000x128xf32, #tpu.memory_space<hbm>>
    tpu.enqueue_indirect_dma source(%dma_start3A_34 : memref<10000x128xf32, #tpu.memory_space<hbm>>) target(%arg18 : memref<40x128xf32, #tpu.memory_space<vmem>>) offsets(%arg8 : memref<40xi32, #tpu.memory_space<vmem>>) semaphore(%arg25 : memref<!tpu.dma_semaphore, #tpu.memory_space<semaphore_mem>>)
    %scan3A = arith.constant 0 : i32
    %scan3A_35 = arith.constant 0 : i32
    %scan3A_36 = arith.constant 63 : i32
    %scan3A_37 = arith.addi %scan3A_35, %scan3A_36 : i32
    %scan3A_38 = arith.constant 1 : i32
    scf.for %scan3A_41 = %scan3A_35 to %scan3A_37 step %scan3A_38  : i32 {
      %mul3A_42 = arith.constant 4 : i32
      %mul3A_43 = arith.muli %scan3A_41, %mul3A_42 : i32
      %add3A_44 = arith.constant 0 : i32
      %add3A_45 = arith.addi %mul3A_43, %add3A_44 : i32
      %lt3A = arith.constant 250 : i32
      %lt3A_46 = arith.cmpi slt, %add3A_45, %lt3A : i32
      %convert_element_type3A = arith.extui %lt3A_46 : i1 to i32
      %cond3A = arith.constant 0 : i32
      %cond3A_47 = arith.cmpi ne, %convert_element_type3A, %cond3A : i32
      scf.if %cond3A_47 {
        %dma_wait3A_151 = arith.constant 0 : i32
        %dma_wait3A_152 = arith.constant 0 : i32
        %dma_wait3A_153 = tpu.memref_slice %arg2[%dma_wait3A_151, %dma_wait3A_152] : memref<10000x128xf32, #tpu.memory_space<hbm>> -> memref<10000x128xf32, #tpu.memory_space<hbm>>
        tpu.wait_indirect_dma semaphore(%arg25 : memref<!tpu.dma_semaphore, #tpu.memory_space<semaphore_mem>>) src(%dma_wait3A_153 : memref<10000x128xf32, #tpu.memory_space<hbm>>) dst(%arg16 : memref<40x128xf32, #tpu.memory_space<vmem>>)
        %dma_wait3A_154 = arith.constant 0 : i32
        %dma_wait3A_155 = arith.constant 0 : i32
        %dma_wait3A_156 = tpu.memref_slice %arg3[%dma_wait3A_154, %dma_wait3A_155] : memref<10000x128xf32, #tpu.memory_space<hbm>> -> memref<10000x128xf32, #tpu.memory_space<hbm>>
        tpu.wait_indirect_dma semaphore(%arg25 : memref<!tpu.dma_semaphore, #tpu.memory_space<semaphore_mem>>) src(%dma_wait3A_156 : memref<10000x128xf32, #tpu.memory_space<hbm>>) dst(%arg18 : memref<40x128xf32, #tpu.memory_space<vmem>>)
      } else {
      }
      %add3A_48 = arith.constant 1 : i32
      %add3A_49 = arith.addi %add3A_45, %add3A_48 : i32
      %lt3A_50 = arith.constant 250 : i32
      %lt3A_51 = arith.cmpi slt, %add3A_49, %lt3A_50 : i32
      %convert_element_type3A_52 = arith.extui %lt3A_51 : i1 to i32
      %cond3A_53 = arith.constant 0 : i32
      %cond3A_54 = arith.cmpi ne, %convert_element_type3A_52, %cond3A_53 : i32
      scf.if %cond3A_54 {
        %dma_wait3A_151 = arith.constant 0 : i32
        %dma_wait3A_152 = tpu.memref_slice %arg4[%dma_wait3A_151] : memref<320000xi32, #tpu.memory_space<hbm>> -> memref<40xi32, #tpu.memory_space<hbm>>
        %dma_wait3A_153 = arith.constant 0 : i32
        %dma_wait3A_154 = tpu.memref_slice %arg4[%dma_wait3A_153] : memref<320000xi32, #tpu.memory_space<hbm>> -> memref<40xi32, #tpu.memory_space<hbm>>
        tpu.wait_dma2 semaphore(%arg22 : memref<!tpu.dma_semaphore, #tpu.memory_space<semaphore_mem>>) src(%dma_wait3A_154 : memref<40xi32, #tpu.memory_space<hbm>>) dst(%arg9 : memref<40xi32, #tpu.memory_space<vmem>>)
        %dma_wait3A_155 = arith.constant 0 : i32
        %dma_wait3A_156 = tpu.memref_slice %arg5[%dma_wait3A_155] : memref<320000xi32, #tpu.memory_space<hbm>> -> memref<40xi32, #tpu.memory_space<hbm>>
        %dma_wait3A_157 = arith.constant 0 : i32
        %dma_wait3A_158 = tpu.memref_slice %arg5[%dma_wait3A_157] : memref<320000xi32, #tpu.memory_space<hbm>> -> memref<40xi32, #tpu.memory_space<hbm>>
        tpu.wait_dma2 semaphore(%arg22 : memref<!tpu.dma_semaphore, #tpu.memory_space<semaphore_mem>>) src(%dma_wait3A_158 : memref<40xi32, #tpu.memory_space<hbm>>) dst(%arg13 : memref<40xi32, #tpu.memory_space<vmem>>)
        %dma_start3A_159 = arith.constant 0 : i32
        %dma_start3A_160 = arith.constant 0 : i32
        %dma_start3A_161 = tpu.memref_slice %arg2[%dma_start3A_159, %dma_start3A_160] : memref<10000x128xf32, #tpu.memory_space<hbm>> -> memref<10000x128xf32, #tpu.memory_space<hbm>>
        tpu.enqueue_indirect_dma source(%dma_start3A_161 : memref<10000x128xf32, #tpu.memory_space<hbm>>) target(%arg17 : memref<40x128xf32, #tpu.memory_space<vmem>>) offsets(%arg13 : memref<40xi32, #tpu.memory_space<vmem>>) semaphore(%arg26 : memref<!tpu.dma_semaphore, #tpu.memory_space<semaphore_mem>>)
        %dma_start3A_162 = arith.constant 0 : i32
        %dma_start3A_163 = arith.constant 0 : i32
        %dma_start3A_164 = tpu.memref_slice %arg3[%dma_start3A_162, %dma_start3A_163] : memref<10000x128xf32, #tpu.memory_space<hbm>> -> memref<10000x128xf32, #tpu.memory_space<hbm>>
        tpu.enqueue_indirect_dma source(%dma_start3A_164 : memref<10000x128xf32, #tpu.memory_space<hbm>>) target(%arg19 : memref<40x128xf32, #tpu.memory_space<vmem>>) offsets(%arg9 : memref<40xi32, #tpu.memory_space<vmem>>) semaphore(%arg26 : memref<!tpu.dma_semaphore, #tpu.memory_space<semaphore_mem>>)
      } else {
      }
      %add3A_55 = arith.constant 3 : i32
      %add3A_56 = arith.addi %add3A_45, %add3A_55 : i32
      %lt3A_57 = arith.constant 250 : i32
      %lt3A_58 = arith.cmpi slt, %add3A_56, %lt3A_57 : i32
      %convert_element_type3A_59 = arith.extui %lt3A_58 : i1 to i32
      %cond3A_60 = arith.constant 0 : i32
      %cond3A_61 = arith.cmpi ne, %convert_element_type3A_59, %cond3A_60 : i32
      scf.if %cond3A_61 {
        %add3A_151 = arith.constant 3 : i32
        %add3A_152 = arith.addi %add3A_45, %add3A_151 : i32
        %mul3A_153 = arith.constant 40 : i32
        %mul3A_154 = arith.muli %add3A_152, %mul3A_153 : i32
        %add3A_155 = arith.addi %mul3A_4, %mul3A_154 : i32
        %dma_start3A_156 = tpu.memref_slice %arg4[%add3A_155] : memref<320000xi32, #tpu.memory_space<hbm>> -> memref<40xi32, #tpu.memory_space<hbm>>
        %dma_start3A_157 = tpu.memref_slice %arg4[%add3A_155] : memref<320000xi32, #tpu.memory_space<hbm>> -> memref<40xi32, #tpu.memory_space<hbm>>
        tpu.enqueue_dma source(%dma_start3A_157 : memref<40xi32, #tpu.memory_space<hbm>>) target(%arg11 : memref<40xi32, #tpu.memory_space<vmem>>) target_semaphore(%arg24 : memref<!tpu.dma_semaphore, #tpu.memory_space<semaphore_mem>>)
        %dma_start3A_158 = tpu.memref_slice %arg5[%add3A_155] : memref<320000xi32, #tpu.memory_space<hbm>> -> memref<40xi32, #tpu.memory_space<hbm>>
        %dma_start3A_159 = tpu.memref_slice %arg5[%add3A_155] : memref<320000xi32, #tpu.memory_space<hbm>> -> memref<40xi32, #tpu.memory_space<hbm>>
        tpu.enqueue_dma source(%dma_start3A_159 : memref<40xi32, #tpu.memory_space<hbm>>) target(%arg15 : memref<40xi32, #tpu.memory_space<vmem>>) target_semaphore(%arg24 : memref<!tpu.dma_semaphore, #tpu.memory_space<semaphore_mem>>)
      } else {
      }
      %lt3A_62 = arith.constant 250 : i32
      %lt3A_63 = arith.cmpi slt, %add3A_45, %lt3A_62 : i32
      %convert_element_type3A_64 = arith.extui %lt3A_63 : i1 to i32
      %cond3A_65 = arith.constant 0 : i32
      %cond3A_66 = arith.cmpi ne, %convert_element_type3A_64, %cond3A_65 : i32
      scf.if %cond3A_66 {
        %scan3A_151 = arith.constant 0 : i32
        %scan3A_152 = arith.constant 0 : i32
        %scan3A_153 = arith.constant 40 : i32
        %scan3A_154 = arith.addi %scan3A_152, %scan3A_153 : i32
        %scan3A_155 = arith.constant 1 : i32
        scf.for %scan3A_157 = %scan3A_152 to %scan3A_154 step %scan3A_155  : i32 {
          %get3A = arith.index_cast %scan3A_157 : i32 to index
          %get3A_158 = arith.constant 0 : index
          %get3A_159 = tpu.vector_load %arg16[%get3A, %get3A_158] {strides = array<i32>} : memref<40x128xf32, #tpu.memory_space<vmem>>, vector<1x16xf32>,
          %get3A_160 = vector.shape_cast %get3A_159 : vector<1x16xf32> to vector<16xf32>
          %get3A_161 = arith.index_cast %scan3A_157 : i32 to index
          %get3A_162 = arith.constant 0 : index
          %get3A_163 = tpu.vector_load %arg18[%get3A_161, %get3A_162] {strides = array<i32>} : memref<40x128xf32, #tpu.memory_space<vmem>>, vector<1x16xf32>,
          %get3A_164 = vector.shape_cast %get3A_163 : vector<1x16xf32> to vector<16xf32>
          %add3A_165 = arith.addf %get3A_160, %get3A_164 : vector<16xf32>
          %max3A = arith.constant 0.000000e+00 : f32
          %max3A_166 = vector.broadcast %max3A : f32 to vector<16xf32>
          %max3A_167 = arith.maximumf %add3A_165, %max3A_166 : vector<16xf32>
          %swap3A = arith.index_cast %scan3A_157 : i32 to index
          %swap3A_168 = arith.constant 0 : index
          %swap3A_169 = tpu.vector_load %arg16[%swap3A, %swap3A_168] {strides = array<i32>} : memref<40x128xf32, #tpu.memory_space<vmem>>, vector<1x16xf32>,
          %swap3A_170 = vector.shape_cast %swap3A_169 : vector<1x16xf32> to vector<16xf32>
          %swap3A_171 = vector.shape_cast %max3A_167 : vector<16xf32> to vector<1x16xf32>
          tpu.vector_store %arg16[%swap3A, %swap3A_168], %swap3A_171 {strides = array<i32>} : memref<40x128xf32, #tpu.memory_space<vmem>>, vector<1x16xf32>,
          %get3A_172 = arith.index_cast %scan3A_157 : i32 to index
          %get3A_173 = arith.constant 16 : index
          %get3A_174 = tpu.vector_load %arg16[%get3A_172, %get3A_173] {strides = array<i32>} : memref<40x128xf32, #tpu.memory_space<vmem>>, vector<1x16xf32>,
          %get3A_175 = vector.shape_cast %get3A_174 : vector<1x16xf32> to vector<16xf32>
          %get3A_176 = arith.index_cast %scan3A_157 : i32 to index
          %get3A_177 = arith.constant 16 : index
          %get3A_178 = tpu.vector_load %arg18[%get3A_176, %get3A_177] {strides = array<i32>} : memref<40x128xf32, #tpu.memory_space<vmem>>, vector<1x16xf32>,
          %get3A_179 = vector.shape_cast %get3A_178 : vector<1x16xf32> to vector<16xf32>
          %add3A_180 = arith.addf %get3A_175, %get3A_179 : vector<16xf32>
          %max3A_181 = arith.constant 0.000000e+00 : f32
          %max3A_182 = vector.broadcast %max3A_181 : f32 to vector<16xf32>
          %max3A_183 = arith.maximumf %add3A_180, %max3A_182 : vector<16xf32>
          %swap3A_184 = arith.index_cast %scan3A_157 : i32 to index
          %swap3A_185 = arith.constant 16 : index
          %swap3A_186 = tpu.vector_load %arg16[%swap3A_184, %swap3A_185] {strides = array<i32>} : memref<40x128xf32, #tpu.memory_space<vmem>>, vector<1x16xf32>,
          %swap3A_187 = vector.shape_cast %swap3A_186 : vector<1x16xf32> to vector<16xf32>
          %swap3A_188 = vector.shape_cast %max3A_183 : vector<16xf32> to vector<1x16xf32>
          tpu.vector_store %arg16[%swap3A_184, %swap3A_185], %swap3A_188 {strides = array<i32>} : memref<40x128xf32, #tpu.memory_space<vmem>>, vector<1x16xf32>,
          %get3A_189 = arith.index_cast %scan3A_157 : i32 to index
          %get3A_190 = arith.constant 32 : index
          %get3A_191 = tpu.vector_load %arg16[%get3A_189, %get3A_190] {strides = array<i32>} : memref<40x128xf32, #tpu.memory_space<vmem>>, vector<1x16xf32>,
          %get3A_192 = vector.shape_cast %get3A_191 : vector<1x16xf32> to vector<16xf32>
          %get3A_193 = arith.index_cast %scan3A_157 : i32 to index
          %get3A_194 = arith.constant 32 : index
          %get3A_195 = tpu.vector_load %arg18[%get3A_193, %get3A_194] {strides = array<i32>} : memref<40x128xf32, #tpu.memory_space<vmem>>, vector<1x16xf32>,
          %get3A_196 = vector.shape_cast %get3A_195 : vector<1x16xf32> to vector<16xf32>
          %add3A_197 = arith.addf %get3A_192, %get3A_196 : vector<16xf32>
          %max3A_198 = arith.constant 0.000000e+00 : f32
          %max3A_199 = vector.broadcast %max3A_198 : f32 to vector<16xf32>
          %max3A_200 = arith.maximumf %add3A_197, %max3A_199 : vector<16xf32>
          %swap3A_201 = arith.index_cast %scan3A_157 : i32 to index
          %swap3A_202 = arith.constant 32 : index
          %swap3A_203 = tpu.vector_load %arg16[%swap3A_201, %swap3A_202] {strides = array<i32>} : memref<40x128xf32, #tpu.memory_space<vmem>>, vector<1x16xf32>,
          %swap3A_204 = vector.shape_cast %swap3A_203 : vector<1x16xf32> to vector<16xf32>
          %swap3A_205 = vector.shape_cast %max3A_200 : vector<16xf32> to vector<1x16xf32>
          tpu.vector_store %arg16[%swap3A_201, %swap3A_202], %swap3A_205 {strides = array<i32>} : memref<40x128xf32, #tpu.memory_space<vmem>>, vector<1x16xf32>,
          %get3A_206 = arith.index_cast %scan3A_157 : i32 to index
          %get3A_207 = arith.constant 48 : index
          %get3A_208 = tpu.vector_load %arg16[%get3A_206, %get3A_207] {strides = array<i32>} : memref<40x128xf32, #tpu.memory_space<vmem>>, vector<1x16xf32>,
          %get3A_209 = vector.shape_cast %get3A_208 : vector<1x16xf32> to vector<16xf32>
          %get3A_210 = arith.index_cast %scan3A_157 : i32 to index
          %get3A_211 = arith.constant 48 : index
          %get3A_212 = tpu.vector_load %arg18[%get3A_210, %get3A_211] {strides = array<i32>} : memref<40x128xf32, #tpu.memory_space<vmem>>, vector<1x16xf32>,
          %get3A_213 = vector.shape_cast %get3A_212 : vector<1x16xf32> to vector<16xf32>
          %add3A_214 = arith.addf %get3A_209, %get3A_213 : vector<16xf32>
          %max3A_215 = arith.constant 0.000000e+00 : f32
          %max3A_216 = vector.broadcast %max3A_215 : f32 to vector<16xf32>
          %max3A_217 = arith.maximumf %add3A_214, %max3A_216 : vector<16xf32>
          %swap3A_218 = arith.index_cast %scan3A_157 : i32 to index
          %swap3A_219 = arith.constant 48 : index
          %swap3A_220 = tpu.vector_load %arg16[%swap3A_218, %swap3A_219] {strides = array<i32>} : memref<40x128xf32, #tpu.memory_space<vmem>>, vector<1x16xf32>,
          %swap3A_221 = vector.shape_cast %swap3A_220 : vector<1x16xf32> to vector<16xf32>
          %swap3A_222 = vector.shape_cast %max3A_217 : vector<16xf32> to vector<1x16xf32>
          tpu.vector_store %arg16[%swap3A_218, %swap3A_219], %swap3A_222 {strides = array<i32>} : memref<40x128xf32, #tpu.memory_space<vmem>>, vector<1x16xf32>,
          %get3A_223 = arith.index_cast %scan3A_157 : i32 to index
          %get3A_224 = arith.constant 64 : index
          %get3A_225 = tpu.vector_load %arg16[%get3A_223, %get3A_224] {strides = array<i32>} : memref<40x128xf32, #tpu.memory_space<vmem>>, vector<1x16xf32>,
          %get3A_226 = vector.shape_cast %get3A_225 : vector<1x16xf32> to vector<16xf32>
          %get3A_227 = arith.index_cast %scan3A_157 : i32 to index
          %get3A_228 = arith.constant 64 : index
          %get3A_229 = tpu.vector_load %arg18[%get3A_227, %get3A_228] {strides = array<i32>} : memref<40x128xf32, #tpu.memory_space<vmem>>, vector<1x16xf32>,
          %get3A_230 = vector.shape_cast %get3A_229 : vector<1x16xf32> to vector<16xf32>
          %add3A_231 = arith.addf %get3A_226, %get3A_230 : vector<16xf32>
          %max3A_232 = arith.constant 0.000000e+00 : f32
          %max3A_233 = vector.broadcast %max3A_232 : f32 to vector<16xf32>
          %max3A_234 = arith.maximumf %add3A_231, %max3A_233 : vector<16xf32>
          %swap3A_235 = arith.index_cast %scan3A_157 : i32 to index
          %swap3A_236 = arith.constant 64 : index
          %swap3A_237 = tpu.vector_load %arg16[%swap3A_235, %swap3A_236] {strides = array<i32>} : memref<40x128xf32, #tpu.memory_space<vmem>>, vector<1x16xf32>,
          %swap3A_238 = vector.shape_cast %swap3A_237 : vector<1x16xf32> to vector<16xf32>
          %swap3A_239 = vector.shape_cast %max3A_234 : vector<16xf32> to vector<1x16xf32>
          tpu.vector_store %arg16[%swap3A_235, %swap3A_236], %swap3A_239 {strides = array<i32>} : memref<40x128xf32, #tpu.memory_space<vmem>>, vector<1x16xf32>,
          %get3A_240 = arith.index_cast %scan3A_157 : i32 to index
          %get3A_241 = arith.constant 80 : index
          %get3A_242 = tpu.vector_load %arg16[%get3A_240, %get3A_241] {strides = array<i32>} : memref<40x128xf32, #tpu.memory_space<vmem>>, vector<1x16xf32>,
          %get3A_243 = vector.shape_cast %get3A_242 : vector<1x16xf32> to vector<16xf32>
          %get3A_244 = arith.index_cast %scan3A_157 : i32 to index
          %get3A_245 = arith.constant 80 : index
          %get3A_246 = tpu.vector_load %arg18[%get3A_244, %get3A_245] {strides = array<i32>} : memref<40x128xf32, #tpu.memory_space<vmem>>, vector<1x16xf32>,
          %get3A_247 = vector.shape_cast %get3A_246 : vector<1x16xf32> to vector<16xf32>
          %add3A_248 = arith.addf %get3A_243, %get3A_247 : vector<16xf32>
          %max3A_249 = arith.constant 0.000000e+00 : f32
          %max3A_250 = vector.broadcast %max3A_249 : f32 to vector<16xf32>
          %max3A_251 = arith.maximumf %add3A_248, %max3A_250 : vector<16xf32>
          %swap3A_252 = arith.index_cast %scan3A_157 : i32 to index
          %swap3A_253 = arith.constant 80 : index
          %swap3A_254 = tpu.vector_load %arg16[%swap3A_252, %swap3A_253] {strides = array<i32>} : memref<40x128xf32, #tpu.memory_space<vmem>>, vector<1x16xf32>,
          %swap3A_255 = vector.shape_cast %swap3A_254 : vector<1x16xf32> to vector<16xf32>
          %swap3A_256 = vector.shape_cast %max3A_251 : vector<16xf32> to vector<1x16xf32>
          tpu.vector_store %arg16[%swap3A_252, %swap3A_253], %swap3A_256 {strides = array<i32>} : memref<40x128xf32, #tpu.memory_space<vmem>>, vector<1x16xf32>,
          %get3A_257 = arith.index_cast %scan3A_157 : i32 to index
          %get3A_258 = arith.constant 96 : index
          %get3A_259 = tpu.vector_load %arg16[%get3A_257, %get3A_258] {strides = array<i32>} : memref<40x128xf32, #tpu.memory_space<vmem>>, vector<1x16xf32>,
          %get3A_260 = vector.shape_cast %get3A_259 : vector<1x16xf32> to vector<16xf32>
          %get3A_261 = arith.index_cast %scan3A_157 : i32 to index
          %get3A_262 = arith.constant 96 : index
          %get3A_263 = tpu.vector_load %arg18[%get3A_261, %get3A_262] {strides = array<i32>} : memref<40x128xf32, #tpu.memory_space<vmem>>, vector<1x16xf32>,
          %get3A_264 = vector.shape_cast %get3A_263 : vector<1x16xf32> to vector<16xf32>
          %add3A_265 = arith.addf %get3A_260, %get3A_264 : vector<16xf32>
          %max3A_266 = arith.constant 0.000000e+00 : f32
          %max3A_267 = vector.broadcast %max3A_266 : f32 to vector<16xf32>
          %max3A_268 = arith.maximumf %add3A_265, %max3A_267 : vector<16xf32>
          %swap3A_269 = arith.index_cast %scan3A_157 : i32 to index
          %swap3A_270 = arith.constant 96 : index
          %swap3A_271 = tpu.vector_load %arg16[%swap3A_269, %swap3A_270] {strides = array<i32>} : memref<40x128xf32, #tpu.memory_space<vmem>>, vector<1x16xf32>,
          %swap3A_272 = vector.shape_cast %swap3A_271 : vector<1x16xf32> to vector<16xf32>
          %swap3A_273 = vector.shape_cast %max3A_268 : vector<16xf32> to vector<1x16xf32>
          tpu.vector_store %arg16[%swap3A_269, %swap3A_270], %swap3A_273 {strides = array<i32>} : memref<40x128xf32, #tpu.memory_space<vmem>>, vector<1x16xf32>,
          %get3A_274 = arith.index_cast %scan3A_157 : i32 to index
          %get3A_275 = arith.constant 112 : index
          %get3A_276 = tpu.vector_load %arg16[%get3A_274, %get3A_275] {strides = array<i32>} : memref<40x128xf32, #tpu.memory_space<vmem>>, vector<1x16xf32>,
          %get3A_277 = vector.shape_cast %get3A_276 : vector<1x16xf32> to vector<16xf32>
          %get3A_278 = arith.index_cast %scan3A_157 : i32 to index
          %get3A_279 = arith.constant 112 : index
          %get3A_280 = tpu.vector_load %arg18[%get3A_278, %get3A_279] {strides = array<i32>} : memref<40x128xf32, #tpu.memory_space<vmem>>, vector<1x16xf32>,
          %get3A_281 = vector.shape_cast %get3A_280 : vector<1x16xf32> to vector<16xf32>
          %add3A_282 = arith.addf %get3A_277, %get3A_281 : vector<16xf32>
          %max3A_283 = arith.constant 0.000000e+00 : f32
          %max3A_284 = vector.broadcast %max3A_283 : f32 to vector<16xf32>
          %max3A_285 = arith.maximumf %add3A_282, %max3A_284 : vector<16xf32>
          %swap3A_286 = arith.index_cast %scan3A_157 : i32 to index
          %swap3A_287 = arith.constant 112 : index
          %swap3A_288 = tpu.vector_load %arg16[%swap3A_286, %swap3A_287] {strides = array<i32>} : memref<40x128xf32, #tpu.memory_space<vmem>>, vector<1x16xf32>,
          %swap3A_289 = vector.shape_cast %swap3A_288 : vector<1x16xf32> to vector<16xf32>
          %swap3A_290 = vector.shape_cast %max3A_285 : vector<16xf32> to vector<1x16xf32>
          tpu.vector_store %arg16[%swap3A_286, %swap3A_287], %swap3A_290 {strides = array<i32>} : memref<40x128xf32, #tpu.memory_space<vmem>>, vector<1x16xf32>,
        }
        %scan3A_156 = arith.constant 40 : i32
        "tpu.region"() ({
          %run_scoped3A = tpu.sem_alloc : memref<!tpu.dma_semaphore, #tpu.memory_space<semaphore_mem>>
          %dma_start3A_157 = arith.constant 0 : i32
          %dma_start3A_158 = arith.constant 0 : i32
          %dma_start3A_159 = tpu.memref_slice %arg20[%dma_start3A_157, %dma_start3A_158] : memref<10240x128xf32, #tpu.memory_space<vmem_shared>> -> memref<10240x128xf32, #tpu.memory_space<vmem_shared>>
          tpu.enqueue_indirect_dma source(%arg16 : memref<40x128xf32, #tpu.memory_space<vmem>>) target(%dma_start3A_159 : memref<10240x128xf32, #tpu.memory_space<vmem_shared>>) offsets(%arg12 : memref<40xi32, #tpu.memory_space<vmem>>) semaphore(%run_scoped3A : memref<!tpu.dma_semaphore, #tpu.memory_space<semaphore_mem>>) {add = true}
          %dma_wait3A_160 = arith.constant 0 : i32
          %dma_wait3A_161 = arith.constant 0 : i32
          %dma_wait3A_162 = tpu.memref_slice %arg20[%dma_wait3A_160, %dma_wait3A_161] : memref<10240x128xf32, #tpu.memory_space<vmem_shared>> -> memref<10240x128xf32, #tpu.memory_space<vmem_shared>>
          tpu.wait_indirect_dma semaphore(%run_scoped3A : memref<!tpu.dma_semaphore, #tpu.memory_space<semaphore_mem>>) src(%arg16 : memref<40x128xf32, #tpu.memory_space<vmem>>) dst(%dma_wait3A_162 : memref<10240x128xf32, #tpu.memory_space<vmem_shared>>)
          tpu.yield
        }) : () -> ()
      } else {
      }
      %mul3A_67 = arith.constant 4 : i32
      %mul3A_68 = arith.muli %scan3A_41, %mul3A_67 : i32
      %add3A_69 = arith.constant 1 : i32
      %add3A_70 = arith.addi %mul3A_68, %add3A_69 : i32
      %lt3A_71 = arith.constant 250 : i32
      %lt3A_72 = arith.cmpi slt, %add3A_70, %lt3A_71 : i32
      %convert_element_type3A_73 = arith.extui %lt3A_72 : i1 to i32
      %cond3A_74 = arith.constant 0 : i32
      %cond3A_75 = arith.cmpi ne, %convert_element_type3A_73, %cond3A_74 : i32
      scf.if %cond3A_75 {
        %dma_wait3A_151 = arith.constant 0 : i32
        %dma_wait3A_152 = arith.constant 0 : i32
        %dma_wait3A_153 = tpu.memref_slice %arg2[%dma_wait3A_151, %dma_wait3A_152] : memref<10000x128xf32, #tpu.memory_space<hbm>> -> memref<10000x128xf32, #tpu.memory_space<hbm>>
        tpu.wait_indirect_dma semaphore(%arg26 : memref<!tpu.dma_semaphore, #tpu.memory_space<semaphore_mem>>) src(%dma_wait3A_153 : memref<10000x128xf32, #tpu.memory_space<hbm>>) dst(%arg17 : memref<40x128xf32, #tpu.memory_space<vmem>>)
        %dma_wait3A_154 = arith.constant 0 : i32
        %dma_wait3A_155 = arith.constant 0 : i32
        %dma_wait3A_156 = tpu.memref_slice %arg3[%dma_wait3A_154, %dma_wait3A_155] : memref<10000x128xf32, #tpu.memory_space<hbm>> -> memref<10000x128xf32, #tpu.memory_space<hbm>>
        tpu.wait_indirect_dma semaphore(%arg26 : memref<!tpu.dma_semaphore, #tpu.memory_space<semaphore_mem>>) src(%dma_wait3A_156 : memref<10000x128xf32, #tpu.memory_space<hbm>>) dst(%arg19 : memref<40x128xf32, #tpu.memory_space<vmem>>)
      } else {
      }
      %add3A_76 = arith.constant 1 : i32
      %add3A_77 = arith.addi %add3A_70, %add3A_76 : i32
      %lt3A_78 = arith.constant 250 : i32
      %lt3A_79 = arith.cmpi slt, %add3A_77, %lt3A_78 : i32
      %convert_element_type3A_80 = arith.extui %lt3A_79 : i1 to i32
      %cond3A_81 = arith.constant 0 : i32
      %cond3A_82 = arith.cmpi ne, %convert_element_type3A_80, %cond3A_81 : i32
      scf.if %cond3A_82 {
        %dma_wait3A_151 = arith.constant 0 : i32
        %dma_wait3A_152 = tpu.memref_slice %arg4[%dma_wait3A_151] : memref<320000xi32, #tpu.memory_space<hbm>> -> memref<40xi32, #tpu.memory_space<hbm>>
        %dma_wait3A_153 = arith.constant 0 : i32
        %dma_wait3A_154 = tpu.memref_slice %arg4[%dma_wait3A_153] : memref<320000xi32, #tpu.memory_space<hbm>> -> memref<40xi32, #tpu.memory_space<hbm>>
        tpu.wait_dma2 semaphore(%arg23 : memref<!tpu.dma_semaphore, #tpu.memory_space<semaphore_mem>>) src(%dma_wait3A_154 : memref<40xi32, #tpu.memory_space<hbm>>) dst(%arg10 : memref<40xi32, #tpu.memory_space<vmem>>)
        %dma_wait3A_155 = arith.constant 0 : i32
        %dma_wait3A_156 = tpu.memref_slice %arg5[%dma_wait3A_155] : memref<320000xi32, #tpu.memory_space<hbm>> -> memref<40xi32, #tpu.memory_space<hbm>>
        %dma_wait3A_157 = arith.constant 0 : i32
        %dma_wait3A_158 = tpu.memref_slice %arg5[%dma_wait3A_157] : memref<320000xi32, #tpu.memory_space<hbm>> -> memref<40xi32, #tpu.memory_space<hbm>>
        tpu.wait_dma2 semaphore(%arg23 : memref<!tpu.dma_semaphore, #tpu.memory_space<semaphore_mem>>) src(%dma_wait3A_158 : memref<40xi32, #tpu.memory_space<hbm>>) dst(%arg14 : memref<40xi32, #tpu.memory_space<vmem>>)
        %dma_start3A_159 = arith.constant 0 : i32
        %dma_start3A_160 = arith.constant 0 : i32
        %dma_start3A_161 = tpu.memref_slice %arg2[%dma_start3A_159, %dma_start3A_160] : memref<10000x128xf32, #tpu.memory_space<hbm>> -> memref<10000x128xf32, #tpu.memory_space<hbm>>
        tpu.enqueue_indirect_dma source(%dma_start3A_161 : memref<10000x128xf32, #tpu.memory_space<hbm>>) target(%arg16 : memref<40x128xf32, #tpu.memory_space<vmem>>) offsets(%arg14 : memref<40xi32, #tpu.memory_space<vmem>>) semaphore(%arg25 : memref<!tpu.dma_semaphore, #tpu.memory_space<semaphore_mem>>)
        %dma_start3A_162 = arith.constant 0 : i32
        %dma_start3A_163 = arith.constant 0 : i32
        %dma_start3A_164 = tpu.memref_slice %arg3[%dma_start3A_162, %dma_start3A_163] : memref<10000x128xf32, #tpu.memory_space<hbm>> -> memref<10000x128xf32, #tpu.memory_space<hbm>>
        tpu.enqueue_indirect_dma source(%dma_start3A_164 : memref<10000x128xf32, #tpu.memory_space<hbm>>) target(%arg18 : memref<40x128xf32, #tpu.memory_space<vmem>>) offsets(%arg10 : memref<40xi32, #tpu.memory_space<vmem>>) semaphore(%arg25 : memref<!tpu.dma_semaphore, #tpu.memory_space<semaphore_mem>>)
      } else {
      }
      %add3A_83 = arith.constant 3 : i32
      %add3A_84 = arith.addi %add3A_70, %add3A_83 : i32
      %lt3A_85 = arith.constant 250 : i32
      %lt3A_86 = arith.cmpi slt, %add3A_84, %lt3A_85 : i32
      %convert_element_type3A_87 = arith.extui %lt3A_86 : i1 to i32
      %cond3A_88 = arith.constant 0 : i32
      %cond3A_89 = arith.cmpi ne, %convert_element_type3A_87, %cond3A_88 : i32
      scf.if %cond3A_89 {
        %add3A_151 = arith.constant 3 : i32
        %add3A_152 = arith.addi %add3A_70, %add3A_151 : i32
        %mul3A_153 = arith.constant 40 : i32
        %mul3A_154 = arith.muli %add3A_152, %mul3A_153 : i32
        %add3A_155 = arith.addi %mul3A_4, %mul3A_154 : i32
        %dma_start3A_156 = tpu.memref_slice %arg4[%add3A_155] : memref<320000xi32, #tpu.memory_space<hbm>> -> memref<40xi32, #tpu.memory_space<hbm>>
        %dma_start3A_157 = tpu.memref_slice %arg4[%add3A_155] : memref<320000xi32, #tpu.memory_space<hbm>> -> memref<40xi32, #tpu.memory_space<hbm>>
        tpu.enqueue_dma source(%dma_start3A_157 : memref<40xi32, #tpu.memory_space<hbm>>) target(%arg8 : memref<40xi32, #tpu.memory_space<vmem>>) target_semaphore(%arg21 : memref<!tpu.dma_semaphore, #tpu.memory_space<semaphore_mem>>)
        %dma_start3A_158 = tpu.memref_slice %arg5[%add3A_155] : memref<320000xi32, #tpu.memory_space<hbm>> -> memref<40xi32, #tpu.memory_space<hbm>>
        %dma_start3A_159 = tpu.memref_slice %arg5[%add3A_155] : memref<320000xi32, #tpu.memory_space<hbm>> -> memref<40xi32, #tpu.memory_space<hbm>>
        tpu.enqueue_dma source(%dma_start3A_159 : memref<40xi32, #tpu.memory_space<hbm>>) target(%arg12 : memref<40xi32, #tpu.memory_space<vmem>>) target_semaphore(%arg21 : memref<!tpu.dma_semaphore, #tpu.memory_space<semaphore_mem>>)
      } else {
      }
      %lt3A_90 = arith.constant 250 : i32
      %lt3A_91 = arith.cmpi slt, %add3A_70, %lt3A_90 : i32
      %convert_element_type3A_92 = arith.extui %lt3A_91 : i1 to i32
      %cond3A_93 = arith.constant 0 : i32
      %cond3A_94 = arith.cmpi ne, %convert_element_type3A_92, %cond3A_93 : i32
      scf.if %cond3A_94 {
        %scan3A_151 = arith.constant 0 : i32
        %scan3A_152 = arith.constant 0 : i32
        %scan3A_153 = arith.constant 40 : i32
        %scan3A_154 = arith.addi %scan3A_152, %scan3A_153 : i32
        %scan3A_155 = arith.constant 1 : i32
        scf.for %scan3A_157 = %scan3A_152 to %scan3A_154 step %scan3A_155  : i32 {
          %get3A = arith.index_cast %scan3A_157 : i32 to index
          %get3A_158 = arith.constant 0 : index
          %get3A_159 = tpu.vector_load %arg17[%get3A, %get3A_158] {strides = array<i32>} : memref<40x128xf32, #tpu.memory_space<vmem>>, vector<1x16xf32>,
          %get3A_160 = vector.shape_cast %get3A_159 : vector<1x16xf32> to vector<16xf32>
          %get3A_161 = arith.index_cast %scan3A_157 : i32 to index
          %get3A_162 = arith.constant 0 : index
          %get3A_163 = tpu.vector_load %arg19[%get3A_161, %get3A_162] {strides = array<i32>} : memref<40x128xf32, #tpu.memory_space<vmem>>, vector<1x16xf32>,
          %get3A_164 = vector.shape_cast %get3A_163 : vector<1x16xf32> to vector<16xf32>
          %add3A_165 = arith.addf %get3A_160, %get3A_164 : vector<16xf32>
          %max3A = arith.constant 0.000000e+00 : f32
          %max3A_166 = vector.broadcast %max3A : f32 to vector<16xf32>
          %max3A_167 = arith.maximumf %add3A_165, %max3A_166 : vector<16xf32>
          %swap3A = arith.index_cast %scan3A_157 : i32 to index
          %swap3A_168 = arith.constant 0 : index
          %swap3A_169 = tpu.vector_load %arg17[%swap3A, %swap3A_168] {strides = array<i32>} : memref<40x128xf32, #tpu.memory_space<vmem>>, vector<1x16xf32>,
          %swap3A_170 = vector.shape_cast %swap3A_169 : vector<1x16xf32> to vector<16xf32>
          %swap3A_171 = vector.shape_cast %max3A_167 : vector<16xf32> to vector<1x16xf32>
          tpu.vector_store %arg17[%swap3A, %swap3A_168], %swap3A_171 {strides = array<i32>} : memref<40x128xf32, #tpu.memory_space<vmem>>, vector<1x16xf32>,
          %get3A_172 = arith.index_cast %scan3A_157 : i32 to index
          %get3A_173 = arith.constant 16 : index
          %get3A_174 = tpu.vector_load %arg17[%get3A_172, %get3A_173] {strides = array<i32>} : memref<40x128xf32, #tpu.memory_space<vmem>>, vector<1x16xf32>,
          %get3A_175 = vector.shape_cast %get3A_174 : vector<1x16xf32> to vector<16xf32>
          %get3A_176 = arith.index_cast %scan3A_157 : i32 to index
          %get3A_177 = arith.constant 16 : index
          %get3A_178 = tpu.vector_load %arg19[%get3A_176, %get3A_177] {strides = array<i32>} : memref<40x128xf32, #tpu.memory_space<vmem>>, vector<1x16xf32>,
          %get3A_179 = vector.shape_cast %get3A_178 : vector<1x16xf32> to vector<16xf32>
          %add3A_180 = arith.addf %get3A_175, %get3A_179 : vector<16xf32>
          %max3A_181 = arith.constant 0.000000e+00 : f32
          %max3A_182 = vector.broadcast %max3A_181 : f32 to vector<16xf32>
          %max3A_183 = arith.maximumf %add3A_180, %max3A_182 : vector<16xf32>
          %swap3A_184 = arith.index_cast %scan3A_157 : i32 to index
          %swap3A_185 = arith.constant 16 : index
          %swap3A_186 = tpu.vector_load %arg17[%swap3A_184, %swap3A_185] {strides = array<i32>} : memref<40x128xf32, #tpu.memory_space<vmem>>, vector<1x16xf32>,
          %swap3A_187 = vector.shape_cast %swap3A_186 : vector<1x16xf32> to vector<16xf32>
          %swap3A_188 = vector.shape_cast %max3A_183 : vector<16xf32> to vector<1x16xf32>
          tpu.vector_store %arg17[%swap3A_184, %swap3A_185], %swap3A_188 {strides = array<i32>} : memref<40x128xf32, #tpu.memory_space<vmem>>, vector<1x16xf32>,
          %get3A_189 = arith.index_cast %scan3A_157 : i32 to index
          %get3A_190 = arith.constant 32 : index
          %get3A_191 = tpu.vector_load %arg17[%get3A_189, %get3A_190] {strides = array<i32>} : memref<40x128xf32, #tpu.memory_space<vmem>>, vector<1x16xf32>,
          %get3A_192 = vector.shape_cast %get3A_191 : vector<1x16xf32> to vector<16xf32>
          %get3A_193 = arith.index_cast %scan3A_157 : i32 to index
          %get3A_194 = arith.constant 32 : index
          %get3A_195 = tpu.vector_load %arg19[%get3A_193, %get3A_194] {strides = array<i32>} : memref<40x128xf32, #tpu.memory_space<vmem>>, vector<1x16xf32>,
          %get3A_196 = vector.shape_cast %get3A_195 : vector<1x16xf32> to vector<16xf32>
          %add3A_197 = arith.addf %get3A_192, %get3A_196 : vector<16xf32>
          %max3A_198 = arith.constant 0.000000e+00 : f32
          %max3A_199 = vector.broadcast %max3A_198 : f32 to vector<16xf32>
          %max3A_200 = arith.maximumf %add3A_197, %max3A_199 : vector<16xf32>
          %swap3A_201 = arith.index_cast %scan3A_157 : i32 to index
          %swap3A_202 = arith.constant 32 : index
          %swap3A_203 = tpu.vector_load %arg17[%swap3A_201, %swap3A_202] {strides = array<i32>} : memref<40x128xf32, #tpu.memory_space<vmem>>, vector<1x16xf32>,
          %swap3A_204 = vector.shape_cast %swap3A_203 : vector<1x16xf32> to vector<16xf32>
          %swap3A_205 = vector.shape_cast %max3A_200 : vector<16xf32> to vector<1x16xf32>
          tpu.vector_store %arg17[%swap3A_201, %swap3A_202], %swap3A_205 {strides = array<i32>} : memref<40x128xf32, #tpu.memory_space<vmem>>, vector<1x16xf32>,
          %get3A_206 = arith.index_cast %scan3A_157 : i32 to index
          %get3A_207 = arith.constant 48 : index
          %get3A_208 = tpu.vector_load %arg17[%get3A_206, %get3A_207] {strides = array<i32>} : memref<40x128xf32, #tpu.memory_space<vmem>>, vector<1x16xf32>,
          %get3A_209 = vector.shape_cast %get3A_208 : vector<1x16xf32> to vector<16xf32>
          %get3A_210 = arith.index_cast %scan3A_157 : i32 to index
          %get3A_211 = arith.constant 48 : index
          %get3A_212 = tpu.vector_load %arg19[%get3A_210, %get3A_211] {strides = array<i32>} : memref<40x128xf32, #tpu.memory_space<vmem>>, vector<1x16xf32>,
          %get3A_213 = vector.shape_cast %get3A_212 : vector<1x16xf32> to vector<16xf32>
          %add3A_214 = arith.addf %get3A_209, %get3A_213 : vector<16xf32>
          %max3A_215 = arith.constant 0.000000e+00 : f32
          %max3A_216 = vector.broadcast %max3A_215 : f32 to vector<16xf32>
          %max3A_217 = arith.maximumf %add3A_214, %max3A_216 : vector<16xf32>
          %swap3A_218 = arith.index_cast %scan3A_157 : i32 to index
          %swap3A_219 = arith.constant 48 : index
          %swap3A_220 = tpu.vector_load %arg17[%swap3A_218, %swap3A_219] {strides = array<i32>} : memref<40x128xf32, #tpu.memory_space<vmem>>, vector<1x16xf32>,
          %swap3A_221 = vector.shape_cast %swap3A_220 : vector<1x16xf32> to vector<16xf32>
          %swap3A_222 = vector.shape_cast %max3A_217 : vector<16xf32> to vector<1x16xf32>
          tpu.vector_store %arg17[%swap3A_218, %swap3A_219], %swap3A_222 {strides = array<i32>} : memref<40x128xf32, #tpu.memory_space<vmem>>, vector<1x16xf32>,
          %get3A_223 = arith.index_cast %scan3A_157 : i32 to index
          %get3A_224 = arith.constant 64 : index
          %get3A_225 = tpu.vector_load %arg17[%get3A_223, %get3A_224] {strides = array<i32>} : memref<40x128xf32, #tpu.memory_space<vmem>>, vector<1x16xf32>,
          %get3A_226 = vector.shape_cast %get3A_225 : vector<1x16xf32> to vector<16xf32>
          %get3A_227 = arith.index_cast %scan3A_157 : i32 to index
          %get3A_228 = arith.constant 64 : index
          %get3A_229 = tpu.vector_load %arg19[%get3A_227, %get3A_228] {strides = array<i32>} : memref<40x128xf32, #tpu.memory_space<vmem>>, vector<1x16xf32>,
          %get3A_230 = vector.shape_cast %get3A_229 : vector<1x16xf32> to vector<16xf32>
          %add3A_231 = arith.addf %get3A_226, %get3A_230 : vector<16xf32>
          %max3A_232 = arith.constant 0.000000e+00 : f32
          %max3A_233 = vector.broadcast %max3A_232 : f32 to vector<16xf32>
          %max3A_234 = arith.maximumf %add3A_231, %max3A_233 : vector<16xf32>
          %swap3A_235 = arith.index_cast %scan3A_157 : i32 to index
          %swap3A_236 = arith.constant 64 : index
          %swap3A_237 = tpu.vector_load %arg17[%swap3A_235, %swap3A_236] {strides = array<i32>} : memref<40x128xf32, #tpu.memory_space<vmem>>, vector<1x16xf32>,
          %swap3A_238 = vector.shape_cast %swap3A_237 : vector<1x16xf32> to vector<16xf32>
          %swap3A_239 = vector.shape_cast %max3A_234 : vector<16xf32> to vector<1x16xf32>
          tpu.vector_store %arg17[%swap3A_235, %swap3A_236], %swap3A_239 {strides = array<i32>} : memref<40x128xf32, #tpu.memory_space<vmem>>, vector<1x16xf32>,
          %get3A_240 = arith.index_cast %scan3A_157 : i32 to index
          %get3A_241 = arith.constant 80 : index
          %get3A_242 = tpu.vector_load %arg17[%get3A_240, %get3A_241] {strides = array<i32>} : memref<40x128xf32, #tpu.memory_space<vmem>>, vector<1x16xf32>,
          %get3A_243 = vector.shape_cast %get3A_242 : vector<1x16xf32> to vector<16xf32>
          %get3A_244 = arith.index_cast %scan3A_157 : i32 to index
          %get3A_245 = arith.constant 80 : index
          %get3A_246 = tpu.vector_load %arg19[%get3A_244, %get3A_245] {strides = array<i32>} : memref<40x128xf32, #tpu.memory_space<vmem>>, vector<1x16xf32>,
          %get3A_247 = vector.shape_cast %get3A_246 : vector<1x16xf32> to vector<16xf32>
          %add3A_248 = arith.addf %get3A_243, %get3A_247 : vector<16xf32>
          %max3A_249 = arith.constant 0.000000e+00 : f32
          %max3A_250 = vector.broadcast %max3A_249 : f32 to vector<16xf32>
          %max3A_251 = arith.maximumf %add3A_248, %max3A_250 : vector<16xf32>
          %swap3A_252 = arith.index_cast %scan3A_157 : i32 to index
          %swap3A_253 = arith.constant 80 : index
          %swap3A_254 = tpu.vector_load %arg17[%swap3A_252, %swap3A_253] {strides = array<i32>} : memref<40x128xf32, #tpu.memory_space<vmem>>, vector<1x16xf32>,
          %swap3A_255 = vector.shape_cast %swap3A_254 : vector<1x16xf32> to vector<16xf32>
          %swap3A_256 = vector.shape_cast %max3A_251 : vector<16xf32> to vector<1x16xf32>
          tpu.vector_store %arg17[%swap3A_252, %swap3A_253], %swap3A_256 {strides = array<i32>} : memref<40x128xf32, #tpu.memory_space<vmem>>, vector<1x16xf32>,
          %get3A_257 = arith.index_cast %scan3A_157 : i32 to index
          %get3A_258 = arith.constant 96 : index
          %get3A_259 = tpu.vector_load %arg17[%get3A_257, %get3A_258] {strides = array<i32>} : memref<40x128xf32, #tpu.memory_space<vmem>>, vector<1x16xf32>,
          %get3A_260 = vector.shape_cast %get3A_259 : vector<1x16xf32> to vector<16xf32>
          %get3A_261 = arith.index_cast %scan3A_157 : i32 to index
          %get3A_262 = arith.constant 96 : index
          %get3A_263 = tpu.vector_load %arg19[%get3A_261, %get3A_262] {strides = array<i32>} : memref<40x128xf32, #tpu.memory_space<vmem>>, vector<1x16xf32>,
          %get3A_264 = vector.shape_cast %get3A_263 : vector<1x16xf32> to vector<16xf32>
          %add3A_265 = arith.addf %get3A_260, %get3A_264 : vector<16xf32>
          %max3A_266 = arith.constant 0.000000e+00 : f32
          %max3A_267 = vector.broadcast %max3A_266 : f32 to vector<16xf32>
          %max3A_268 = arith.maximumf %add3A_265, %max3A_267 : vector<16xf32>
          %swap3A_269 = arith.index_cast %scan3A_157 : i32 to index
          %swap3A_270 = arith.constant 96 : index
          %swap3A_271 = tpu.vector_load %arg17[%swap3A_269, %swap3A_270] {strides = array<i32>} : memref<40x128xf32, #tpu.memory_space<vmem>>, vector<1x16xf32>,
          %swap3A_272 = vector.shape_cast %swap3A_271 : vector<1x16xf32> to vector<16xf32>
          %swap3A_273 = vector.shape_cast %max3A_268 : vector<16xf32> to vector<1x16xf32>
          tpu.vector_store %arg17[%swap3A_269, %swap3A_270], %swap3A_273 {strides = array<i32>} : memref<40x128xf32, #tpu.memory_space<vmem>>, vector<1x16xf32>,
          %get3A_274 = arith.index_cast %scan3A_157 : i32 to index
          %get3A_275 = arith.constant 112 : index
          %get3A_276 = tpu.vector_load %arg17[%get3A_274, %get3A_275] {strides = array<i32>} : memref<40x128xf32, #tpu.memory_space<vmem>>, vector<1x16xf32>,
          %get3A_277 = vector.shape_cast %get3A_276 : vector<1x16xf32> to vector<16xf32>
          %get3A_278 = arith.index_cast %scan3A_157 : i32 to index
          %get3A_279 = arith.constant 112 : index
          %get3A_280 = tpu.vector_load %arg19[%get3A_278, %get3A_279] {strides = array<i32>} : memref<40x128xf32, #tpu.memory_space<vmem>>, vector<1x16xf32>,
          %get3A_281 = vector.shape_cast %get3A_280 : vector<1x16xf32> to vector<16xf32>
          %add3A_282 = arith.addf %get3A_277, %get3A_281 : vector<16xf32>
          %max3A_283 = arith.constant 0.000000e+00 : f32
          %max3A_284 = vector.broadcast %max3A_283 : f32 to vector<16xf32>
          %max3A_285 = arith.maximumf %add3A_282, %max3A_284 : vector<16xf32>
          %swap3A_286 = arith.index_cast %scan3A_157 : i32 to index
          %swap3A_287 = arith.constant 112 : index
          %swap3A_288 = tpu.vector_load %arg17[%swap3A_286, %swap3A_287] {strides = array<i32>} : memref<40x128xf32, #tpu.memory_space<vmem>>, vector<1x16xf32>,
          %swap3A_289 = vector.shape_cast %swap3A_288 : vector<1x16xf32> to vector<16xf32>
          %swap3A_290 = vector.shape_cast %max3A_285 : vector<16xf32> to vector<1x16xf32>
          tpu.vector_store %arg17[%swap3A_286, %swap3A_287], %swap3A_290 {strides = array<i32>} : memref<40x128xf32, #tpu.memory_space<vmem>>, vector<1x16xf32>,
        }
        %scan3A_156 = arith.constant 40 : i32
        "tpu.region"() ({
          %run_scoped3A = tpu.sem_alloc : memref<!tpu.dma_semaphore, #tpu.memory_space<semaphore_mem>>
          %dma_start3A_157 = arith.constant 0 : i32
          %dma_start3A_158 = arith.constant 0 : i32
          %dma_start3A_159 = tpu.memref_slice %arg20[%dma_start3A_157, %dma_start3A_158] : memref<10240x128xf32, #tpu.memory_space<vmem_shared>> -> memref<10240x128xf32, #tpu.memory_space<vmem_shared>>
          tpu.enqueue_indirect_dma source(%arg17 : memref<40x128xf32, #tpu.memory_space<vmem>>) target(%dma_start3A_159 : memref<10240x128xf32, #tpu.memory_space<vmem_shared>>) offsets(%arg13 : memref<40xi32, #tpu.memory_space<vmem>>) semaphore(%run_scoped3A : memref<!tpu.dma_semaphore, #tpu.memory_space<semaphore_mem>>) {add = true}
          %dma_wait3A_160 = arith.constant 0 : i32
          %dma_wait3A_161 = arith.constant 0 : i32
          %dma_wait3A_162 = tpu.memref_slice %arg20[%dma_wait3A_160, %dma_wait3A_161] : memref<10240x128xf32, #tpu.memory_space<vmem_shared>> -> memref<10240x128xf32, #tpu.memory_space<vmem_shared>>
          tpu.wait_indirect_dma semaphore(%run_scoped3A : memref<!tpu.dma_semaphore, #tpu.memory_space<semaphore_mem>>) src(%arg17 : memref<40x128xf32, #tpu.memory_space<vmem>>) dst(%dma_wait3A_162 : memref<10240x128xf32, #tpu.memory_space<vmem_shared>>)
          tpu.yield
        }) : () -> ()
      } else {
      }
      %mul3A_95 = arith.constant 4 : i32
      %mul3A_96 = arith.muli %scan3A_41, %mul3A_95 : i32
      %add3A_97 = arith.constant 2 : i32
      %add3A_98 = arith.addi %mul3A_96, %add3A_97 : i32
      %lt3A_99 = arith.constant 250 : i32
      %lt3A_100 = arith.cmpi slt, %add3A_98, %lt3A_99 : i32
      %convert_element_type3A_101 = arith.extui %lt3A_100 : i1 to i32
      %cond3A_102 = arith.constant 0 : i32
      %cond3A_103 = arith.cmpi ne, %convert_element_type3A_101, %cond3A_102 : i32
      scf.if %cond3A_103 {
        %dma_wait3A_151 = arith.constant 0 : i32
        %dma_wait3A_152 = arith.constant 0 : i32
        %dma_wait3A_153 = tpu.memref_slice %arg2[%dma_wait3A_151, %dma_wait3A_152] : memref<10000x128xf32, #tpu.memory_space<hbm>> -> memref<10000x128xf32, #tpu.memory_space<hbm>>
        tpu.wait_indirect_dma semaphore(%arg25 : memref<!tpu.dma_semaphore, #tpu.memory_space<semaphore_mem>>) src(%dma_wait3A_153 : memref<10000x128xf32, #tpu.memory_space<hbm>>) dst(%arg16 : memref<40x128xf32, #tpu.memory_space<vmem>>)
        %dma_wait3A_154 = arith.constant 0 : i32
        %dma_wait3A_155 = arith.constant 0 : i32
        %dma_wait3A_156 = tpu.memref_slice %arg3[%dma_wait3A_154, %dma_wait3A_155] : memref<10000x128xf32, #tpu.memory_space<hbm>> -> memref<10000x128xf32, #tpu.memory_space<hbm>>
        tpu.wait_indirect_dma semaphore(%arg25 : memref<!tpu.dma_semaphore, #tpu.memory_space<semaphore_mem>>) src(%dma_wait3A_156 : memref<10000x128xf32, #tpu.memory_space<hbm>>) dst(%arg18 : memref<40x128xf32, #tpu.memory_space<vmem>>)
      } else {
      }
      %add3A_104 = arith.constant 1 : i32
      %add3A_105 = arith.addi %add3A_98, %add3A_104 : i32
      %lt3A_106 = arith.constant 250 : i32
      %lt3A_107 = arith.cmpi slt, %add3A_105, %lt3A_106 : i32
      %convert_element_type3A_108 = arith.extui %lt3A_107 : i1 to i32
      %cond3A_109 = arith.constant 0 : i32
      %cond3A_110 = arith.cmpi ne, %convert_element_type3A_108, %cond3A_109 : i32
      scf.if %cond3A_110 {
        %dma_wait3A_151 = arith.constant 0 : i32
        %dma_wait3A_152 = tpu.memref_slice %arg4[%dma_wait3A_151] : memref<320000xi32, #tpu.memory_space<hbm>> -> memref<40xi32, #tpu.memory_space<hbm>>
        %dma_wait3A_153 = arith.constant 0 : i32
        %dma_wait3A_154 = tpu.memref_slice %arg4[%dma_wait3A_153] : memref<320000xi32, #tpu.memory_space<hbm>> -> memref<40xi32, #tpu.memory_space<hbm>>
        tpu.wait_dma2 semaphore(%arg24 : memref<!tpu.dma_semaphore, #tpu.memory_space<semaphore_mem>>) src(%dma_wait3A_154 : memref<40xi32, #tpu.memory_space<hbm>>) dst(%arg11 : memref<40xi32, #tpu.memory_space<vmem>>)
        %dma_wait3A_155 = arith.constant 0 : i32
        %dma_wait3A_156 = tpu.memref_slice %arg5[%dma_wait3A_155] : memref<320000xi32, #tpu.memory_space<hbm>> -> memref<40xi32, #tpu.memory_space<hbm>>
        %dma_wait3A_157 = arith.constant 0 : i32
        %dma_wait3A_158 = tpu.memref_slice %arg5[%dma_wait3A_157] : memref<320000xi32, #tpu.memory_space<hbm>> -> memref<40xi32, #tpu.memory_space<hbm>>
        tpu.wait_dma2 semaphore(%arg24 : memref<!tpu.dma_semaphore, #tpu.memory_space<semaphore_mem>>) src(%dma_wait3A_158 : memref<40xi32, #tpu.memory_space<hbm>>) dst(%arg15 : memref<40xi32, #tpu.memory_space<vmem>>)
        %dma_start3A_159 = arith.constant 0 : i32
        %dma_start3A_160 = arith.constant 0 : i32
        %dma_start3A_161 = tpu.memref_slice %arg2[%dma_start3A_159, %dma_start3A_160] : memref<10000x128xf32, #tpu.memory_space<hbm>> -> memref<10000x128xf32, #tpu.memory_space<hbm>>
        tpu.enqueue_indirect_dma source(%dma_start3A_161 : memref<10000x128xf32, #tpu.memory_space<hbm>>) target(%arg17 : memref<40x128xf32, #tpu.memory_space<vmem>>) offsets(%arg15 : memref<40xi32, #tpu.memory_space<vmem>>) semaphore(%arg26 : memref<!tpu.dma_semaphore, #tpu.memory_space<semaphore_mem>>)
        %dma_start3A_162 = arith.constant 0 : i32
        %dma_start3A_163 = arith.constant 0 : i32
        %dma_start3A_164 = tpu.memref_slice %arg3[%dma_start3A_162, %dma_start3A_163] : memref<10000x128xf32, #tpu.memory_space<hbm>> -> memref<10000x128xf32, #tpu.memory_space<hbm>>
        tpu.enqueue_indirect_dma source(%dma_start3A_164 : memref<10000x128xf32, #tpu.memory_space<hbm>>) target(%arg19 : memref<40x128xf32, #tpu.memory_space<vmem>>) offsets(%arg11 : memref<40xi32, #tpu.memory_space<vmem>>) semaphore(%arg26 : memref<!tpu.dma_semaphore, #tpu.memory_space<semaphore_mem>>)
      } else {
      }
      %add3A_111 = arith.constant 3 : i32
      %add3A_112 = arith.addi %add3A_98, %add3A_111 : i32
      %lt3A_113 = arith.constant 250 : i32
      %lt3A_114 = arith.cmpi slt, %add3A_112, %lt3A_113 : i32
      %convert_element_type3A_115 = arith.extui %lt3A_114 : i1 to i32
      %cond3A_116 = arith.constant 0 : i32
      %cond3A_117 = arith.cmpi ne, %convert_element_type3A_115, %cond3A_116 : i32
      scf.if %cond3A_117 {
        %add3A_151 = arith.constant 3 : i32
        %add3A_152 = arith.addi %add3A_98, %add3A_151 : i32
        %mul3A_153 = arith.constant 40 : i32
        %mul3A_154 = arith.muli %add3A_152, %mul3A_153 : i32
        %add3A_155 = arith.addi %mul3A_4, %mul3A_154 : i32
        %dma_start3A_156 = tpu.memref_slice %arg4[%add3A_155] : memref<320000xi32, #tpu.memory_space<hbm>> -> memref<40xi32, #tpu.memory_space<hbm>>
        %dma_start3A_157 = tpu.memref_slice %arg4[%add3A_155] : memref<320000xi32, #tpu.memory_space<hbm>> -> memref<40xi32, #tpu.memory_space<hbm>>
        tpu.enqueue_dma source(%dma_start3A_157 : memref<40xi32, #tpu.memory_space<hbm>>) target(%arg9 : memref<40xi32, #tpu.memory_space<vmem>>) target_semaphore(%arg22 : memref<!tpu.dma_semaphore, #tpu.memory_space<semaphore_mem>>)
        %dma_start3A_158 = tpu.memref_slice %arg5[%add3A_155] : memref<320000xi32, #tpu.memory_space<hbm>> -> memref<40xi32, #tpu.memory_space<hbm>>
        %dma_start3A_159 = tpu.memref_slice %arg5[%add3A_155] : memref<320000xi32, #tpu.memory_space<hbm>> -> memref<40xi32, #tpu.memory_space<hbm>>
        tpu.enqueue_dma source(%dma_start3A_159 : memref<40xi32, #tpu.memory_space<hbm>>) target(%arg13 : memref<40xi32, #tpu.memory_space<vmem>>) target_semaphore(%arg22 : memref<!tpu.dma_semaphore, #tpu.memory_space<semaphore_mem>>)
      } else {
      }
      %lt3A_118 = arith.constant 250 : i32
      %lt3A_119 = arith.cmpi slt, %add3A_98, %lt3A_118 : i32
      %convert_element_type3A_120 = arith.extui %lt3A_119 : i1 to i32
      %cond3A_121 = arith.constant 0 : i32
      %cond3A_122 = arith.cmpi ne, %convert_element_type3A_120, %cond3A_121 : i32
      scf.if %cond3A_122 {
        %scan3A_151 = arith.constant 0 : i32
        %scan3A_152 = arith.constant 0 : i32
        %scan3A_153 = arith.constant 40 : i32
        %scan3A_154 = arith.addi %scan3A_152, %scan3A_153 : i32
        %scan3A_155 = arith.constant 1 : i32
        scf.for %scan3A_157 = %scan3A_152 to %scan3A_154 step %scan3A_155  : i32 {
          %get3A = arith.index_cast %scan3A_157 : i32 to index
          %get3A_158 = arith.constant 0 : index
          %get3A_159 = tpu.vector_load %arg16[%get3A, %get3A_158] {strides = array<i32>} : memref<40x128xf32, #tpu.memory_space<vmem>>, vector<1x16xf32>,
          %get3A_160 = vector.shape_cast %get3A_159 : vector<1x16xf32> to vector<16xf32>
          %get3A_161 = arith.index_cast %scan3A_157 : i32 to index
          %get3A_162 = arith.constant 0 : index
          %get3A_163 = tpu.vector_load %arg18[%get3A_161, %get3A_162] {strides = array<i32>} : memref<40x128xf32, #tpu.memory_space<vmem>>, vector<1x16xf32>,
          %get3A_164 = vector.shape_cast %get3A_163 : vector<1x16xf32> to vector<16xf32>
          %add3A_165 = arith.addf %get3A_160, %get3A_164 : vector<16xf32>
          %max3A = arith.constant 0.000000e+00 : f32
          %max3A_166 = vector.broadcast %max3A : f32 to vector<16xf32>
          %max3A_167 = arith.maximumf %add3A_165, %max3A_166 : vector<16xf32>
          %swap3A = arith.index_cast %scan3A_157 : i32 to index
          %swap3A_168 = arith.constant 0 : index
          %swap3A_169 = tpu.vector_load %arg16[%swap3A, %swap3A_168] {strides = array<i32>} : memref<40x128xf32, #tpu.memory_space<vmem>>, vector<1x16xf32>,
          %swap3A_170 = vector.shape_cast %swap3A_169 : vector<1x16xf32> to vector<16xf32>
          %swap3A_171 = vector.shape_cast %max3A_167 : vector<16xf32> to vector<1x16xf32>
          tpu.vector_store %arg16[%swap3A, %swap3A_168], %swap3A_171 {strides = array<i32>} : memref<40x128xf32, #tpu.memory_space<vmem>>, vector<1x16xf32>,
          %get3A_172 = arith.index_cast %scan3A_157 : i32 to index
          %get3A_173 = arith.constant 16 : index
          %get3A_174 = tpu.vector_load %arg16[%get3A_172, %get3A_173] {strides = array<i32>} : memref<40x128xf32, #tpu.memory_space<vmem>>, vector<1x16xf32>,
          %get3A_175 = vector.shape_cast %get3A_174 : vector<1x16xf32> to vector<16xf32>
          %get3A_176 = arith.index_cast %scan3A_157 : i32 to index
          %get3A_177 = arith.constant 16 : index
          %get3A_178 = tpu.vector_load %arg18[%get3A_176, %get3A_177] {strides = array<i32>} : memref<40x128xf32, #tpu.memory_space<vmem>>, vector<1x16xf32>,
          %get3A_179 = vector.shape_cast %get3A_178 : vector<1x16xf32> to vector<16xf32>
          %add3A_180 = arith.addf %get3A_175, %get3A_179 : vector<16xf32>
          %max3A_181 = arith.constant 0.000000e+00 : f32
          %max3A_182 = vector.broadcast %max3A_181 : f32 to vector<16xf32>
          %max3A_183 = arith.maximumf %add3A_180, %max3A_182 : vector<16xf32>
          %swap3A_184 = arith.index_cast %scan3A_157 : i32 to index
          %swap3A_185 = arith.constant 16 : index
          %swap3A_186 = tpu.vector_load %arg16[%swap3A_184, %swap3A_185] {strides = array<i32>} : memref<40x128xf32, #tpu.memory_space<vmem>>, vector<1x16xf32>,
          %swap3A_187 = vector.shape_cast %swap3A_186 : vector<1x16xf32> to vector<16xf32>
          %swap3A_188 = vector.shape_cast %max3A_183 : vector<16xf32> to vector<1x16xf32>
          tpu.vector_store %arg16[%swap3A_184, %swap3A_185], %swap3A_188 {strides = array<i32>} : memref<40x128xf32, #tpu.memory_space<vmem>>, vector<1x16xf32>,
          %get3A_189 = arith.index_cast %scan3A_157 : i32 to index
          %get3A_190 = arith.constant 32 : index
          %get3A_191 = tpu.vector_load %arg16[%get3A_189, %get3A_190] {strides = array<i32>} : memref<40x128xf32, #tpu.memory_space<vmem>>, vector<1x16xf32>,
          %get3A_192 = vector.shape_cast %get3A_191 : vector<1x16xf32> to vector<16xf32>
          %get3A_193 = arith.index_cast %scan3A_157 : i32 to index
          %get3A_194 = arith.constant 32 : index
          %get3A_195 = tpu.vector_load %arg18[%get3A_193, %get3A_194] {strides = array<i32>} : memref<40x128xf32, #tpu.memory_space<vmem>>, vector<1x16xf32>,
          %get3A_196 = vector.shape_cast %get3A_195 : vector<1x16xf32> to vector<16xf32>
          %add3A_197 = arith.addf %get3A_192, %get3A_196 : vector<16xf32>
          %max3A_198 = arith.constant 0.000000e+00 : f32
          %max3A_199 = vector.broadcast %max3A_198 : f32 to vector<16xf32>
          %max3A_200 = arith.maximumf %add3A_197, %max3A_199 : vector<16xf32>
          %swap3A_201 = arith.index_cast %scan3A_157 : i32 to index
          %swap3A_202 = arith.constant 32 : index
          %swap3A_203 = tpu.vector_load %arg16[%swap3A_201, %swap3A_202] {strides = array<i32>} : memref<40x128xf32, #tpu.memory_space<vmem>>, vector<1x16xf32>,
          %swap3A_204 = vector.shape_cast %swap3A_203 : vector<1x16xf32> to vector<16xf32>
          %swap3A_205 = vector.shape_cast %max3A_200 : vector<16xf32> to vector<1x16xf32>
          tpu.vector_store %arg16[%swap3A_201, %swap3A_202], %swap3A_205 {strides = array<i32>} : memref<40x128xf32, #tpu.memory_space<vmem>>, vector<1x16xf32>,
          %get3A_206 = arith.index_cast %scan3A_157 : i32 to index
          %get3A_207 = arith.constant 48 : index
          %get3A_208 = tpu.vector_load %arg16[%get3A_206, %get3A_207] {strides = array<i32>} : memref<40x128xf32, #tpu.memory_space<vmem>>, vector<1x16xf32>,
          %get3A_209 = vector.shape_cast %get3A_208 : vector<1x16xf32> to vector<16xf32>
          %get3A_210 = arith.index_cast %scan3A_157 : i32 to index
          %get3A_211 = arith.constant 48 : index
          %get3A_212 = tpu.vector_load %arg18[%get3A_210, %get3A_211] {strides = array<i32>} : memref<40x128xf32, #tpu.memory_space<vmem>>, vector<1x16xf32>,
          %get3A_213 = vector.shape_cast %get3A_212 : vector<1x16xf32> to vector<16xf32>
          %add3A_214 = arith.addf %get3A_209, %get3A_213 : vector<16xf32>
          %max3A_215 = arith.constant 0.000000e+00 : f32
          %max3A_216 = vector.broadcast %max3A_215 : f32 to vector<16xf32>
          %max3A_217 = arith.maximumf %add3A_214, %max3A_216 : vector<16xf32>
          %swap3A_218 = arith.index_cast %scan3A_157 : i32 to index
          %swap3A_219 = arith.constant 48 : index
          %swap3A_220 = tpu.vector_load %arg16[%swap3A_218, %swap3A_219] {strides = array<i32>} : memref<40x128xf32, #tpu.memory_space<vmem>>, vector<1x16xf32>,
          %swap3A_221 = vector.shape_cast %swap3A_220 : vector<1x16xf32> to vector<16xf32>
          %swap3A_222 = vector.shape_cast %max3A_217 : vector<16xf32> to vector<1x16xf32>
          tpu.vector_store %arg16[%swap3A_218, %swap3A_219], %swap3A_222 {strides = array<i32>} : memref<40x128xf32, #tpu.memory_space<vmem>>, vector<1x16xf32>,
          %get3A_223 = arith.index_cast %scan3A_157 : i32 to index
          %get3A_224 = arith.constant 64 : index
          %get3A_225 = tpu.vector_load %arg16[%get3A_223, %get3A_224] {strides = array<i32>} : memref<40x128xf32, #tpu.memory_space<vmem>>, vector<1x16xf32>,
          %get3A_226 = vector.shape_cast %get3A_225 : vector<1x16xf32> to vector<16xf32>
          %get3A_227 = arith.index_cast %scan3A_157 : i32 to index
          %get3A_228 = arith.constant 64 : index
          %get3A_229 = tpu.vector_load %arg18[%get3A_227, %get3A_228] {strides = array<i32>} : memref<40x128xf32, #tpu.memory_space<vmem>>, vector<1x16xf32>,
          %get3A_230 = vector.shape_cast %get3A_229 : vector<1x16xf32> to vector<16xf32>
          %add3A_231 = arith.addf %get3A_226, %get3A_230 : vector<16xf32>
          %max3A_232 = arith.constant 0.000000e+00 : f32
          %max3A_233 = vector.broadcast %max3A_232 : f32 to vector<16xf32>
          %max3A_234 = arith.maximumf %add3A_231, %max3A_233 : vector<16xf32>
          %swap3A_235 = arith.index_cast %scan3A_157 : i32 to index
          %swap3A_236 = arith.constant 64 : index
          %swap3A_237 = tpu.vector_load %arg16[%swap3A_235, %swap3A_236] {strides = array<i32>} : memref<40x128xf32, #tpu.memory_space<vmem>>, vector<1x16xf32>,
          %swap3A_238 = vector.shape_cast %swap3A_237 : vector<1x16xf32> to vector<16xf32>
          %swap3A_239 = vector.shape_cast %max3A_234 : vector<16xf32> to vector<1x16xf32>
          tpu.vector_store %arg16[%swap3A_235, %swap3A_236], %swap3A_239 {strides = array<i32>} : memref<40x128xf32, #tpu.memory_space<vmem>>, vector<1x16xf32>,
          %get3A_240 = arith.index_cast %scan3A_157 : i32 to index
          %get3A_241 = arith.constant 80 : index
          %get3A_242 = tpu.vector_load %arg16[%get3A_240, %get3A_241] {strides = array<i32>} : memref<40x128xf32, #tpu.memory_space<vmem>>, vector<1x16xf32>,
          %get3A_243 = vector.shape_cast %get3A_242 : vector<1x16xf32> to vector<16xf32>
          %get3A_244 = arith.index_cast %scan3A_157 : i32 to index
          %get3A_245 = arith.constant 80 : index
          %get3A_246 = tpu.vector_load %arg18[%get3A_244, %get3A_245] {strides = array<i32>} : memref<40x128xf32, #tpu.memory_space<vmem>>, vector<1x16xf32>,
          %get3A_247 = vector.shape_cast %get3A_246 : vector<1x16xf32> to vector<16xf32>
          %add3A_248 = arith.addf %get3A_243, %get3A_247 : vector<16xf32>
          %max3A_249 = arith.constant 0.000000e+00 : f32
          %max3A_250 = vector.broadcast %max3A_249 : f32 to vector<16xf32>
          %max3A_251 = arith.maximumf %add3A_248, %max3A_250 : vector<16xf32>
          %swap3A_252 = arith.index_cast %scan3A_157 : i32 to index
          %swap3A_253 = arith.constant 80 : index
          %swap3A_254 = tpu.vector_load %arg16[%swap3A_252, %swap3A_253] {strides = array<i32>} : memref<40x128xf32, #tpu.memory_space<vmem>>, vector<1x16xf32>,
          %swap3A_255 = vector.shape_cast %swap3A_254 : vector<1x16xf32> to vector<16xf32>
          %swap3A_256 = vector.shape_cast %max3A_251 : vector<16xf32> to vector<1x16xf32>
          tpu.vector_store %arg16[%swap3A_252, %swap3A_253], %swap3A_256 {strides = array<i32>} : memref<40x128xf32, #tpu.memory_space<vmem>>, vector<1x16xf32>,
          %get3A_257 = arith.index_cast %scan3A_157 : i32 to index
          %get3A_258 = arith.constant 96 : index
          %get3A_259 = tpu.vector_load %arg16[%get3A_257, %get3A_258] {strides = array<i32>} : memref<40x128xf32, #tpu.memory_space<vmem>>, vector<1x16xf32>,
          %get3A_260 = vector.shape_cast %get3A_259 : vector<1x16xf32> to vector<16xf32>
          %get3A_261 = arith.index_cast %scan3A_157 : i32 to index
          %get3A_262 = arith.constant 96 : index
          %get3A_263 = tpu.vector_load %arg18[%get3A_261, %get3A_262] {strides = array<i32>} : memref<40x128xf32, #tpu.memory_space<vmem>>, vector<1x16xf32>,
          %get3A_264 = vector.shape_cast %get3A_263 : vector<1x16xf32> to vector<16xf32>
          %add3A_265 = arith.addf %get3A_260, %get3A_264 : vector<16xf32>
          %max3A_266 = arith.constant 0.000000e+00 : f32
          %max3A_267 = vector.broadcast %max3A_266 : f32 to vector<16xf32>
          %max3A_268 = arith.maximumf %add3A_265, %max3A_267 : vector<16xf32>
          %swap3A_269 = arith.index_cast %scan3A_157 : i32 to index
          %swap3A_270 = arith.constant 96 : index
          %swap3A_271 = tpu.vector_load %arg16[%swap3A_269, %swap3A_270] {strides = array<i32>} : memref<40x128xf32, #tpu.memory_space<vmem>>, vector<1x16xf32>,
          %swap3A_272 = vector.shape_cast %swap3A_271 : vector<1x16xf32> to vector<16xf32>
          %swap3A_273 = vector.shape_cast %max3A_268 : vector<16xf32> to vector<1x16xf32>
          tpu.vector_store %arg16[%swap3A_269, %swap3A_270], %swap3A_273 {strides = array<i32>} : memref<40x128xf32, #tpu.memory_space<vmem>>, vector<1x16xf32>,
          %get3A_274 = arith.index_cast %scan3A_157 : i32 to index
          %get3A_275 = arith.constant 112 : index
          %get3A_276 = tpu.vector_load %arg16[%get3A_274, %get3A_275] {strides = array<i32>} : memref<40x128xf32, #tpu.memory_space<vmem>>, vector<1x16xf32>,
          %get3A_277 = vector.shape_cast %get3A_276 : vector<1x16xf32> to vector<16xf32>
          %get3A_278 = arith.index_cast %scan3A_157 : i32 to index
          %get3A_279 = arith.constant 112 : index
          %get3A_280 = tpu.vector_load %arg18[%get3A_278, %get3A_279] {strides = array<i32>} : memref<40x128xf32, #tpu.memory_space<vmem>>, vector<1x16xf32>,
          %get3A_281 = vector.shape_cast %get3A_280 : vector<1x16xf32> to vector<16xf32>
          %add3A_282 = arith.addf %get3A_277, %get3A_281 : vector<16xf32>
          %max3A_283 = arith.constant 0.000000e+00 : f32
          %max3A_284 = vector.broadcast %max3A_283 : f32 to vector<16xf32>
          %max3A_285 = arith.maximumf %add3A_282, %max3A_284 : vector<16xf32>
          %swap3A_286 = arith.index_cast %scan3A_157 : i32 to index
          %swap3A_287 = arith.constant 112 : index
          %swap3A_288 = tpu.vector_load %arg16[%swap3A_286, %swap3A_287] {strides = array<i32>} : memref<40x128xf32, #tpu.memory_space<vmem>>, vector<1x16xf32>,
          %swap3A_289 = vector.shape_cast %swap3A_288 : vector<1x16xf32> to vector<16xf32>
          %swap3A_290 = vector.shape_cast %max3A_285 : vector<16xf32> to vector<1x16xf32>
          tpu.vector_store %arg16[%swap3A_286, %swap3A_287], %swap3A_290 {strides = array<i32>} : memref<40x128xf32, #tpu.memory_space<vmem>>, vector<1x16xf32>,
        }
        %scan3A_156 = arith.constant 40 : i32
        "tpu.region"() ({
          %run_scoped3A = tpu.sem_alloc : memref<!tpu.dma_semaphore, #tpu.memory_space<semaphore_mem>>
          %dma_start3A_157 = arith.constant 0 : i32
          %dma_start3A_158 = arith.constant 0 : i32
          %dma_start3A_159 = tpu.memref_slice %arg20[%dma_start3A_157, %dma_start3A_158] : memref<10240x128xf32, #tpu.memory_space<vmem_shared>> -> memref<10240x128xf32, #tpu.memory_space<vmem_shared>>
          tpu.enqueue_indirect_dma source(%arg16 : memref<40x128xf32, #tpu.memory_space<vmem>>) target(%dma_start3A_159 : memref<10240x128xf32, #tpu.memory_space<vmem_shared>>) offsets(%arg14 : memref<40xi32, #tpu.memory_space<vmem>>) semaphore(%run_scoped3A : memref<!tpu.dma_semaphore, #tpu.memory_space<semaphore_mem>>) {add = true}
          %dma_wait3A_160 = arith.constant 0 : i32
          %dma_wait3A_161 = arith.constant 0 : i32
          %dma_wait3A_162 = tpu.memref_slice %arg20[%dma_wait3A_160, %dma_wait3A_161] : memref<10240x128xf32, #tpu.memory_space<vmem_shared>> -> memref<10240x128xf32, #tpu.memory_space<vmem_shared>>
          tpu.wait_indirect_dma semaphore(%run_scoped3A : memref<!tpu.dma_semaphore, #tpu.memory_space<semaphore_mem>>) src(%arg16 : memref<40x128xf32, #tpu.memory_space<vmem>>) dst(%dma_wait3A_162 : memref<10240x128xf32, #tpu.memory_space<vmem_shared>>)
          tpu.yield
        }) : () -> ()
      } else {
      }
      %mul3A_123 = arith.constant 4 : i32
      %mul3A_124 = arith.muli %scan3A_41, %mul3A_123 : i32
      %add3A_125 = arith.constant 3 : i32
      %add3A_126 = arith.addi %mul3A_124, %add3A_125 : i32
      %lt3A_127 = arith.constant 250 : i32
      %lt3A_128 = arith.cmpi slt, %add3A_126, %lt3A_127 : i32
      %convert_element_type3A_129 = arith.extui %lt3A_128 : i1 to i32
      %cond3A_130 = arith.constant 0 : i32
      %cond3A_131 = arith.cmpi ne, %convert_element_type3A_129, %cond3A_130 : i32
      scf.if %cond3A_131 {
        %dma_wait3A_151 = arith.constant 0 : i32
        %dma_wait3A_152 = arith.constant 0 : i32
        %dma_wait3A_153 = tpu.memref_slice %arg2[%dma_wait3A_151, %dma_wait3A_152] : memref<10000x128xf32, #tpu.memory_space<hbm>> -> memref<10000x128xf32, #tpu.memory_space<hbm>>
        tpu.wait_indirect_dma semaphore(%arg26 : memref<!tpu.dma_semaphore, #tpu.memory_space<semaphore_mem>>) src(%dma_wait3A_153 : memref<10000x128xf32, #tpu.memory_space<hbm>>) dst(%arg17 : memref<40x128xf32, #tpu.memory_space<vmem>>)
        %dma_wait3A_154 = arith.constant 0 : i32
        %dma_wait3A_155 = arith.constant 0 : i32
        %dma_wait3A_156 = tpu.memref_slice %arg3[%dma_wait3A_154, %dma_wait3A_155] : memref<10000x128xf32, #tpu.memory_space<hbm>> -> memref<10000x128xf32, #tpu.memory_space<hbm>>
        tpu.wait_indirect_dma semaphore(%arg26 : memref<!tpu.dma_semaphore, #tpu.memory_space<semaphore_mem>>) src(%dma_wait3A_156 : memref<10000x128xf32, #tpu.memory_space<hbm>>) dst(%arg19 : memref<40x128xf32, #tpu.memory_space<vmem>>)
      } else {
      }
      %add3A_132 = arith.constant 1 : i32
      %add3A_133 = arith.addi %add3A_126, %add3A_132 : i32
      %lt3A_134 = arith.constant 250 : i32
      %lt3A_135 = arith.cmpi slt, %add3A_133, %lt3A_134 : i32
      %convert_element_type3A_136 = arith.extui %lt3A_135 : i1 to i32
      %cond3A_137 = arith.constant 0 : i32
      %cond3A_138 = arith.cmpi ne, %convert_element_type3A_136, %cond3A_137 : i32
      scf.if %cond3A_138 {
        %dma_wait3A_151 = arith.constant 0 : i32
        %dma_wait3A_152 = tpu.memref_slice %arg4[%dma_wait3A_151] : memref<320000xi32, #tpu.memory_space<hbm>> -> memref<40xi32, #tpu.memory_space<hbm>>
        %dma_wait3A_153 = arith.constant 0 : i32
        %dma_wait3A_154 = tpu.memref_slice %arg4[%dma_wait3A_153] : memref<320000xi32, #tpu.memory_space<hbm>> -> memref<40xi32, #tpu.memory_space<hbm>>
        tpu.wait_dma2 semaphore(%arg21 : memref<!tpu.dma_semaphore, #tpu.memory_space<semaphore_mem>>) src(%dma_wait3A_154 : memref<40xi32, #tpu.memory_space<hbm>>) dst(%arg8 : memref<40xi32, #tpu.memory_space<vmem>>)
        %dma_wait3A_155 = arith.constant 0 : i32
        %dma_wait3A_156 = tpu.memref_slice %arg5[%dma_wait3A_155] : memref<320000xi32, #tpu.memory_space<hbm>> -> memref<40xi32, #tpu.memory_space<hbm>>
        %dma_wait3A_157 = arith.constant 0 : i32
        %dma_wait3A_158 = tpu.memref_slice %arg5[%dma_wait3A_157] : memref<320000xi32, #tpu.memory_space<hbm>> -> memref<40xi32, #tpu.memory_space<hbm>>
        tpu.wait_dma2 semaphore(%arg21 : memref<!tpu.dma_semaphore, #tpu.memory_space<semaphore_mem>>) src(%dma_wait3A_158 : memref<40xi32, #tpu.memory_space<hbm>>) dst(%arg12 : memref<40xi32, #tpu.memory_space<vmem>>)
        %dma_start3A_159 = arith.constant 0 : i32
        %dma_start3A_160 = arith.constant 0 : i32
        %dma_start3A_161 = tpu.memref_slice %arg2[%dma_start3A_159, %dma_start3A_160] : memref<10000x128xf32, #tpu.memory_space<hbm>> -> memref<10000x128xf32, #tpu.memory_space<hbm>>
        tpu.enqueue_indirect_dma source(%dma_start3A_161 : memref<10000x128xf32, #tpu.memory_space<hbm>>) target(%arg16 : memref<40x128xf32, #tpu.memory_space<vmem>>) offsets(%arg12 : memref<40xi32, #tpu.memory_space<vmem>>) semaphore(%arg25 : memref<!tpu.dma_semaphore, #tpu.memory_space<semaphore_mem>>)
        %dma_start3A_162 = arith.constant 0 : i32
        %dma_start3A_163 = arith.constant 0 : i32
        %dma_start3A_164 = tpu.memref_slice %arg3[%dma_start3A_162, %dma_start3A_163] : memref<10000x128xf32, #tpu.memory_space<hbm>> -> memref<10000x128xf32, #tpu.memory_space<hbm>>
        tpu.enqueue_indirect_dma source(%dma_start3A_164 : memref<10000x128xf32, #tpu.memory_space<hbm>>) target(%arg18 : memref<40x128xf32, #tpu.memory_space<vmem>>) offsets(%arg8 : memref<40xi32, #tpu.memory_space<vmem>>) semaphore(%arg25 : memref<!tpu.dma_semaphore, #tpu.memory_space<semaphore_mem>>)
      } else {
      }
      %add3A_139 = arith.constant 3 : i32
      %add3A_140 = arith.addi %add3A_126, %add3A_139 : i32
      %lt3A_141 = arith.constant 250 : i32
      %lt3A_142 = arith.cmpi slt, %add3A_140, %lt3A_141 : i32
      %convert_element_type3A_143 = arith.extui %lt3A_142 : i1 to i32
      %cond3A_144 = arith.constant 0 : i32
      %cond3A_145 = arith.cmpi ne, %convert_element_type3A_143, %cond3A_144 : i32
      scf.if %cond3A_145 {
        %add3A_151 = arith.constant 3 : i32
        %add3A_152 = arith.addi %add3A_126, %add3A_151 : i32
        %mul3A_153 = arith.constant 40 : i32
        %mul3A_154 = arith.muli %add3A_152, %mul3A_153 : i32
        %add3A_155 = arith.addi %mul3A_4, %mul3A_154 : i32
        %dma_start3A_156 = tpu.memref_slice %arg4[%add3A_155] : memref<320000xi32, #tpu.memory_space<hbm>> -> memref<40xi32, #tpu.memory_space<hbm>>
        %dma_start3A_157 = tpu.memref_slice %arg4[%add3A_155] : memref<320000xi32, #tpu.memory_space<hbm>> -> memref<40xi32, #tpu.memory_space<hbm>>
        tpu.enqueue_dma source(%dma_start3A_157 : memref<40xi32, #tpu.memory_space<hbm>>) target(%arg10 : memref<40xi32, #tpu.memory_space<vmem>>) target_semaphore(%arg23 : memref<!tpu.dma_semaphore, #tpu.memory_space<semaphore_mem>>)
        %dma_start3A_158 = tpu.memref_slice %arg5[%add3A_155] : memref<320000xi32, #tpu.memory_space<hbm>> -> memref<40xi32, #tpu.memory_space<hbm>>
        %dma_start3A_159 = tpu.memref_slice %arg5[%add3A_155] : memref<320000xi32, #tpu.memory_space<hbm>> -> memref<40xi32, #tpu.memory_space<hbm>>
        tpu.enqueue_dma source(%dma_start3A_159 : memref<40xi32, #tpu.memory_space<hbm>>) target(%arg14 : memref<40xi32, #tpu.memory_space<vmem>>) target_semaphore(%arg23 : memref<!tpu.dma_semaphore, #tpu.memory_space<semaphore_mem>>)
      } else {
      }
      %lt3A_146 = arith.constant 250 : i32
      %lt3A_147 = arith.cmpi slt, %add3A_126, %lt3A_146 : i32
      %convert_element_type3A_148 = arith.extui %lt3A_147 : i1 to i32
      %cond3A_149 = arith.constant 0 : i32
      %cond3A_150 = arith.cmpi ne, %convert_element_type3A_148, %cond3A_149 : i32
      scf.if %cond3A_150 {
        %scan3A_151 = arith.constant 0 : i32
        %scan3A_152 = arith.constant 0 : i32
        %scan3A_153 = arith.constant 40 : i32
        %scan3A_154 = arith.addi %scan3A_152, %scan3A_153 : i32
        %scan3A_155 = arith.constant 1 : i32
        scf.for %scan3A_157 = %scan3A_152 to %scan3A_154 step %scan3A_155  : i32 {
          %get3A = arith.index_cast %scan3A_157 : i32 to index
          %get3A_158 = arith.constant 0 : index
          %get3A_159 = tpu.vector_load %arg17[%get3A, %get3A_158] {strides = array<i32>} : memref<40x128xf32, #tpu.memory_space<vmem>>, vector<1x16xf32>,
          %get3A_160 = vector.shape_cast %get3A_159 : vector<1x16xf32> to vector<16xf32>
          %get3A_161 = arith.index_cast %scan3A_157 : i32 to index
          %get3A_162 = arith.constant 0 : index
          %get3A_163 = tpu.vector_load %arg19[%get3A_161, %get3A_162] {strides = array<i32>} : memref<40x128xf32, #tpu.memory_space<vmem>>, vector<1x16xf32>,
          %get3A_164 = vector.shape_cast %get3A_163 : vector<1x16xf32> to vector<16xf32>
          %add3A_165 = arith.addf %get3A_160, %get3A_164 : vector<16xf32>
          %max3A = arith.constant 0.000000e+00 : f32
          %max3A_166 = vector.broadcast %max3A : f32 to vector<16xf32>
          %max3A_167 = arith.maximumf %add3A_165, %max3A_166 : vector<16xf32>
          %swap3A = arith.index_cast %scan3A_157 : i32 to index
          %swap3A_168 = arith.constant 0 : index
          %swap3A_169 = tpu.vector_load %arg17[%swap3A, %swap3A_168] {strides = array<i32>} : memref<40x128xf32, #tpu.memory_space<vmem>>, vector<1x16xf32>,
          %swap3A_170 = vector.shape_cast %swap3A_169 : vector<1x16xf32> to vector<16xf32>
          %swap3A_171 = vector.shape_cast %max3A_167 : vector<16xf32> to vector<1x16xf32>
          tpu.vector_store %arg17[%swap3A, %swap3A_168], %swap3A_171 {strides = array<i32>} : memref<40x128xf32, #tpu.memory_space<vmem>>, vector<1x16xf32>,
          %get3A_172 = arith.index_cast %scan3A_157 : i32 to index
          %get3A_173 = arith.constant 16 : index
          %get3A_174 = tpu.vector_load %arg17[%get3A_172, %get3A_173] {strides = array<i32>} : memref<40x128xf32, #tpu.memory_space<vmem>>, vector<1x16xf32>,
          %get3A_175 = vector.shape_cast %get3A_174 : vector<1x16xf32> to vector<16xf32>
          %get3A_176 = arith.index_cast %scan3A_157 : i32 to index
          %get3A_177 = arith.constant 16 : index
          %get3A_178 = tpu.vector_load %arg19[%get3A_176, %get3A_177] {strides = array<i32>} : memref<40x128xf32, #tpu.memory_space<vmem>>, vector<1x16xf32>,
          %get3A_179 = vector.shape_cast %get3A_178 : vector<1x16xf32> to vector<16xf32>
          %add3A_180 = arith.addf %get3A_175, %get3A_179 : vector<16xf32>
          %max3A_181 = arith.constant 0.000000e+00 : f32
          %max3A_182 = vector.broadcast %max3A_181 : f32 to vector<16xf32>
          %max3A_183 = arith.maximumf %add3A_180, %max3A_182 : vector<16xf32>
          %swap3A_184 = arith.index_cast %scan3A_157 : i32 to index
          %swap3A_185 = arith.constant 16 : index
          %swap3A_186 = tpu.vector_load %arg17[%swap3A_184, %swap3A_185] {strides = array<i32>} : memref<40x128xf32, #tpu.memory_space<vmem>>, vector<1x16xf32>,
          %swap3A_187 = vector.shape_cast %swap3A_186 : vector<1x16xf32> to vector<16xf32>
          %swap3A_188 = vector.shape_cast %max3A_183 : vector<16xf32> to vector<1x16xf32>
          tpu.vector_store %arg17[%swap3A_184, %swap3A_185], %swap3A_188 {strides = array<i32>} : memref<40x128xf32, #tpu.memory_space<vmem>>, vector<1x16xf32>,
          %get3A_189 = arith.index_cast %scan3A_157 : i32 to index
          %get3A_190 = arith.constant 32 : index
          %get3A_191 = tpu.vector_load %arg17[%get3A_189, %get3A_190] {strides = array<i32>} : memref<40x128xf32, #tpu.memory_space<vmem>>, vector<1x16xf32>,
          %get3A_192 = vector.shape_cast %get3A_191 : vector<1x16xf32> to vector<16xf32>
          %get3A_193 = arith.index_cast %scan3A_157 : i32 to index
          %get3A_194 = arith.constant 32 : index
          %get3A_195 = tpu.vector_load %arg19[%get3A_193, %get3A_194] {strides = array<i32>} : memref<40x128xf32, #tpu.memory_space<vmem>>, vector<1x16xf32>,
          %get3A_196 = vector.shape_cast %get3A_195 : vector<1x16xf32> to vector<16xf32>
          %add3A_197 = arith.addf %get3A_192, %get3A_196 : vector<16xf32>
          %max3A_198 = arith.constant 0.000000e+00 : f32
          %max3A_199 = vector.broadcast %max3A_198 : f32 to vector<16xf32>
          %max3A_200 = arith.maximumf %add3A_197, %max3A_199 : vector<16xf32>
          %swap3A_201 = arith.index_cast %scan3A_157 : i32 to index
          %swap3A_202 = arith.constant 32 : index
          %swap3A_203 = tpu.vector_load %arg17[%swap3A_201, %swap3A_202] {strides = array<i32>} : memref<40x128xf32, #tpu.memory_space<vmem>>, vector<1x16xf32>,
          %swap3A_204 = vector.shape_cast %swap3A_203 : vector<1x16xf32> to vector<16xf32>
          %swap3A_205 = vector.shape_cast %max3A_200 : vector<16xf32> to vector<1x16xf32>
          tpu.vector_store %arg17[%swap3A_201, %swap3A_202], %swap3A_205 {strides = array<i32>} : memref<40x128xf32, #tpu.memory_space<vmem>>, vector<1x16xf32>,
          %get3A_206 = arith.index_cast %scan3A_157 : i32 to index
          %get3A_207 = arith.constant 48 : index
          %get3A_208 = tpu.vector_load %arg17[%get3A_206, %get3A_207] {strides = array<i32>} : memref<40x128xf32, #tpu.memory_space<vmem>>, vector<1x16xf32>,
          %get3A_209 = vector.shape_cast %get3A_208 : vector<1x16xf32> to vector<16xf32>
          %get3A_210 = arith.index_cast %scan3A_157 : i32 to index
          %get3A_211 = arith.constant 48 : index
          %get3A_212 = tpu.vector_load %arg19[%get3A_210, %get3A_211] {strides = array<i32>} : memref<40x128xf32, #tpu.memory_space<vmem>>, vector<1x16xf32>,
          %get3A_213 = vector.shape_cast %get3A_212 : vector<1x16xf32> to vector<16xf32>
          %add3A_214 = arith.addf %get3A_209, %get3A_213 : vector<16xf32>
          %max3A_215 = arith.constant 0.000000e+00 : f32
          %max3A_216 = vector.broadcast %max3A_215 : f32 to vector<16xf32>
          %max3A_217 = arith.maximumf %add3A_214, %max3A_216 : vector<16xf32>
          %swap3A_218 = arith.index_cast %scan3A_157 : i32 to index
          %swap3A_219 = arith.constant 48 : index
          %swap3A_220 = tpu.vector_load %arg17[%swap3A_218, %swap3A_219] {strides = array<i32>} : memref<40x128xf32, #tpu.memory_space<vmem>>, vector<1x16xf32>,
          %swap3A_221 = vector.shape_cast %swap3A_220 : vector<1x16xf32> to vector<16xf32>
          %swap3A_222 = vector.shape_cast %max3A_217 : vector<16xf32> to vector<1x16xf32>
          tpu.vector_store %arg17[%swap3A_218, %swap3A_219], %swap3A_222 {strides = array<i32>} : memref<40x128xf32, #tpu.memory_space<vmem>>, vector<1x16xf32>,
          %get3A_223 = arith.index_cast %scan3A_157 : i32 to index
          %get3A_224 = arith.constant 64 : index
          %get3A_225 = tpu.vector_load %arg17[%get3A_223, %get3A_224] {strides = array<i32>} : memref<40x128xf32, #tpu.memory_space<vmem>>, vector<1x16xf32>,
          %get3A_226 = vector.shape_cast %get3A_225 : vector<1x16xf32> to vector<16xf32>
          %get3A_227 = arith.index_cast %scan3A_157 : i32 to index
          %get3A_228 = arith.constant 64 : index
          %get3A_229 = tpu.vector_load %arg19[%get3A_227, %get3A_228] {strides = array<i32>} : memref<40x128xf32, #tpu.memory_space<vmem>>, vector<1x16xf32>,
          %get3A_230 = vector.shape_cast %get3A_229 : vector<1x16xf32> to vector<16xf32>
          %add3A_231 = arith.addf %get3A_226, %get3A_230 : vector<16xf32>
          %max3A_232 = arith.constant 0.000000e+00 : f32
          %max3A_233 = vector.broadcast %max3A_232 : f32 to vector<16xf32>
          %max3A_234 = arith.maximumf %add3A_231, %max3A_233 : vector<16xf32>
          %swap3A_235 = arith.index_cast %scan3A_157 : i32 to index
          %swap3A_236 = arith.constant 64 : index
          %swap3A_237 = tpu.vector_load %arg17[%swap3A_235, %swap3A_236] {strides = array<i32>} : memref<40x128xf32, #tpu.memory_space<vmem>>, vector<1x16xf32>,
          %swap3A_238 = vector.shape_cast %swap3A_237 : vector<1x16xf32> to vector<16xf32>
          %swap3A_239 = vector.shape_cast %max3A_234 : vector<16xf32> to vector<1x16xf32>
          tpu.vector_store %arg17[%swap3A_235, %swap3A_236], %swap3A_239 {strides = array<i32>} : memref<40x128xf32, #tpu.memory_space<vmem>>, vector<1x16xf32>,
          %get3A_240 = arith.index_cast %scan3A_157 : i32 to index
          %get3A_241 = arith.constant 80 : index
          %get3A_242 = tpu.vector_load %arg17[%get3A_240, %get3A_241] {strides = array<i32>} : memref<40x128xf32, #tpu.memory_space<vmem>>, vector<1x16xf32>,
          %get3A_243 = vector.shape_cast %get3A_242 : vector<1x16xf32> to vector<16xf32>
          %get3A_244 = arith.index_cast %scan3A_157 : i32 to index
          %get3A_245 = arith.constant 80 : index
          %get3A_246 = tpu.vector_load %arg19[%get3A_244, %get3A_245] {strides = array<i32>} : memref<40x128xf32, #tpu.memory_space<vmem>>, vector<1x16xf32>,
          %get3A_247 = vector.shape_cast %get3A_246 : vector<1x16xf32> to vector<16xf32>
          %add3A_248 = arith.addf %get3A_243, %get3A_247 : vector<16xf32>
          %max3A_249 = arith.constant 0.000000e+00 : f32
          %max3A_250 = vector.broadcast %max3A_249 : f32 to vector<16xf32>
          %max3A_251 = arith.maximumf %add3A_248, %max3A_250 : vector<16xf32>
          %swap3A_252 = arith.index_cast %scan3A_157 : i32 to index
          %swap3A_253 = arith.constant 80 : index
          %swap3A_254 = tpu.vector_load %arg17[%swap3A_252, %swap3A_253] {strides = array<i32>} : memref<40x128xf32, #tpu.memory_space<vmem>>, vector<1x16xf32>,
          %swap3A_255 = vector.shape_cast %swap3A_254 : vector<1x16xf32> to vector<16xf32>
          %swap3A_256 = vector.shape_cast %max3A_251 : vector<16xf32> to vector<1x16xf32>
          tpu.vector_store %arg17[%swap3A_252, %swap3A_253], %swap3A_256 {strides = array<i32>} : memref<40x128xf32, #tpu.memory_space<vmem>>, vector<1x16xf32>,
          %get3A_257 = arith.index_cast %scan3A_157 : i32 to index
          %get3A_258 = arith.constant 96 : index
          %get3A_259 = tpu.vector_load %arg17[%get3A_257, %get3A_258] {strides = array<i32>} : memref<40x128xf32, #tpu.memory_space<vmem>>, vector<1x16xf32>,
          %get3A_260 = vector.shape_cast %get3A_259 : vector<1x16xf32> to vector<16xf32>
          %get3A_261 = arith.index_cast %scan3A_157 : i32 to index
          %get3A_262 = arith.constant 96 : index
          %get3A_263 = tpu.vector_load %arg19[%get3A_261, %get3A_262] {strides = array<i32>} : memref<40x128xf32, #tpu.memory_space<vmem>>, vector<1x16xf32>,
          %get3A_264 = vector.shape_cast %get3A_263 : vector<1x16xf32> to vector<16xf32>
          %add3A_265 = arith.addf %get3A_260, %get3A_264 : vector<16xf32>
          %max3A_266 = arith.constant 0.000000e+00 : f32
          %max3A_267 = vector.broadcast %max3A_266 : f32 to vector<16xf32>
          %max3A_268 = arith.maximumf %add3A_265, %max3A_267 : vector<16xf32>
          %swap3A_269 = arith.index_cast %scan3A_157 : i32 to index
          %swap3A_270 = arith.constant 96 : index
          %swap3A_271 = tpu.vector_load %arg17[%swap3A_269, %swap3A_270] {strides = array<i32>} : memref<40x128xf32, #tpu.memory_space<vmem>>, vector<1x16xf32>,
          %swap3A_272 = vector.shape_cast %swap3A_271 : vector<1x16xf32> to vector<16xf32>
          %swap3A_273 = vector.shape_cast %max3A_268 : vector<16xf32> to vector<1x16xf32>
          tpu.vector_store %arg17[%swap3A_269, %swap3A_270], %swap3A_273 {strides = array<i32>} : memref<40x128xf32, #tpu.memory_space<vmem>>, vector<1x16xf32>,
          %get3A_274 = arith.index_cast %scan3A_157 : i32 to index
          %get3A_275 = arith.constant 112 : index
          %get3A_276 = tpu.vector_load %arg17[%get3A_274, %get3A_275] {strides = array<i32>} : memref<40x128xf32, #tpu.memory_space<vmem>>, vector<1x16xf32>,
          %get3A_277 = vector.shape_cast %get3A_276 : vector<1x16xf32> to vector<16xf32>
          %get3A_278 = arith.index_cast %scan3A_157 : i32 to index
          %get3A_279 = arith.constant 112 : index
          %get3A_280 = tpu.vector_load %arg19[%get3A_278, %get3A_279] {strides = array<i32>} : memref<40x128xf32, #tpu.memory_space<vmem>>, vector<1x16xf32>,
          %get3A_281 = vector.shape_cast %get3A_280 : vector<1x16xf32> to vector<16xf32>
          %add3A_282 = arith.addf %get3A_277, %get3A_281 : vector<16xf32>
          %max3A_283 = arith.constant 0.000000e+00 : f32
          %max3A_284 = vector.broadcast %max3A_283 : f32 to vector<16xf32>
          %max3A_285 = arith.maximumf %add3A_282, %max3A_284 : vector<16xf32>
          %swap3A_286 = arith.index_cast %scan3A_157 : i32 to index
          %swap3A_287 = arith.constant 112 : index
          %swap3A_288 = tpu.vector_load %arg17[%swap3A_286, %swap3A_287] {strides = array<i32>} : memref<40x128xf32, #tpu.memory_space<vmem>>, vector<1x16xf32>,
          %swap3A_289 = vector.shape_cast %swap3A_288 : vector<1x16xf32> to vector<16xf32>
          %swap3A_290 = vector.shape_cast %max3A_285 : vector<16xf32> to vector<1x16xf32>
          tpu.vector_store %arg17[%swap3A_286, %swap3A_287], %swap3A_290 {strides = array<i32>} : memref<40x128xf32, #tpu.memory_space<vmem>>, vector<1x16xf32>,
        }
        %scan3A_156 = arith.constant 40 : i32
        "tpu.region"() ({
          %run_scoped3A = tpu.sem_alloc : memref<!tpu.dma_semaphore, #tpu.memory_space<semaphore_mem>>
          %dma_start3A_157 = arith.constant 0 : i32
          %dma_start3A_158 = arith.constant 0 : i32
          %dma_start3A_159 = tpu.memref_slice %arg20[%dma_start3A_157, %dma_start3A_158] : memref<10240x128xf32, #tpu.memory_space<vmem_shared>> -> memref<10240x128xf32, #tpu.memory_space<vmem_shared>>
          tpu.enqueue_indirect_dma source(%arg17 : memref<40x128xf32, #tpu.memory_space<vmem>>) target(%dma_start3A_159 : memref<10240x128xf32, #tpu.memory_space<vmem_shared>>) offsets(%arg15 : memref<40xi32, #tpu.memory_space<vmem>>) semaphore(%run_scoped3A : memref<!tpu.dma_semaphore, #tpu.memory_space<semaphore_mem>>) {add = true}
          %dma_wait3A_160 = arith.constant 0 : i32
          %dma_wait3A_161 = arith.constant 0 : i32
          %dma_wait3A_162 = tpu.memref_slice %arg20[%dma_wait3A_160, %dma_wait3A_161] : memref<10240x128xf32, #tpu.memory_space<vmem_shared>> -> memref<10240x128xf32, #tpu.memory_space<vmem_shared>>
          tpu.wait_indirect_dma semaphore(%run_scoped3A : memref<!tpu.dma_semaphore, #tpu.memory_space<semaphore_mem>>) src(%arg17 : memref<40x128xf32, #tpu.memory_space<vmem>>) dst(%dma_wait3A_162 : memref<10240x128xf32, #tpu.memory_space<vmem_shared>>)
          tpu.yield
        }) : () -> ()
      } else {
      }
    }
    %scan3A_39 = arith.constant 63 : i32
    %barrier3A_40 = arith.constant 0 : index
    tpu.barrier barrier_id(%barrier3A_40)
    "tpu.region"() ({
      %run_scoped3A = tpu.sem_alloc : memref<!tpu.dma_semaphore, #tpu.memory_space<semaphore_mem>>
      %dma_start3A_41 = arith.constant 0 : i32
      %dma_start3A_42 = tpu.memref_slice %arg7[%arg0, %mul3A_2, %dma_start3A_41] : memref<2x10240x128xf32, #tpu.memory_space<hbm>> -> memref<1x640x128xf32, #tpu.memory_space<hbm>>
      %dma_start3A_43 = tpu.memref_squeeze %dma_start3A_42 : memref<1x640x128xf32, #tpu.memory_space<hbm>> -> memref<640x128xf32, #tpu.memory_space<hbm>>
      %dma_start3A_44 = arith.constant 0 : i32
      %dma_start3A_45 = tpu.memref_slice %arg20[%mul3A_2, %dma_start3A_44] : memref<10240x128xf32, #tpu.memory_space<vmem_shared>> -> memref<640x128xf32, #tpu.memory_space<vmem_shared>>
      tpu.enqueue_dma source(%dma_start3A_45 : memref<640x128xf32, #tpu.memory_space<vmem_shared>>) target(%dma_start3A_43 : memref<640x128xf32, #tpu.memory_space<hbm>>) target_semaphore(%run_scoped3A : memref<!tpu.dma_semaphore, #tpu.memory_space<semaphore_mem>>)
      %dma_wait3A_46 = arith.constant 0 : i32
      %dma_wait3A_47 = tpu.memref_slice %arg7[%arg0, %mul3A_2, %dma_wait3A_46] : memref<2x10240x128xf32, #tpu.memory_space<hbm>> -> memref<1x640x128xf32, #tpu.memory_space<hbm>>
      %dma_wait3A_48 = tpu.memref_squeeze %dma_wait3A_47 : memref<1x640x128xf32, #tpu.memory_space<hbm>> -> memref<640x128xf32, #tpu.memory_space<hbm>>
      %dma_wait3A_49 = arith.constant 0 : i32
      %dma_wait3A_50 = tpu.memref_slice %arg20[%mul3A_2, %dma_wait3A_49] : memref<10240x128xf32, #tpu.memory_space<vmem_shared>> -> memref<640x128xf32, #tpu.memory_space<vmem_shared>>
      tpu.wait_dma2 semaphore(%run_scoped3A : memref<!tpu.dma_semaphore, #tpu.memory_space<semaphore_mem>>) src(%dma_wait3A_50 : memref<640x128xf32, #tpu.memory_space<vmem_shared>>) dst(%dma_wait3A_48 : memref<640x128xf32, #tpu.memory_space<hbm>>)
      tpu.yield
    }) : () -> ()
    return
  }
}

module attributes {stable_mosaic.version = 14 : i64} {
  func.func @body(%arg0: i32, %arg1: memref<2000x128xf32, #tpu.memory_space<vmem>>, %arg2: memref<128x128xf32, #tpu.memory_space<vmem>>, %arg3: memref<128x128xf32, #tpu.memory_space<vmem>>, %arg4: memref<1x128xf32, #tpu.memory_space<vmem>>, %arg5: memref<2000x128xf32, #tpu.memory_space<vmem>>, %arg6: memref<2000x128xf32, #tpu.memory_space<vmem>>) attributes {dimension_semantics = [#tpu.dimension_semantics<arbitrary>], iteration_bounds = array<i64: 5>, scalar_prefetch = 0 : i64, scratch_operands = 0 : i64, tpu.core_type = #tpu.core_type<tc>, window_params = [{transform_indices = @transform_0, window_bounds = array<i64: 2000, 128>}, {pipeline_mode = #tpu.pipeline_mode<synchronous>, transform_indices = @transform_1, window_bounds = array<i64: 128, 128>}, {pipeline_mode = #tpu.pipeline_mode<synchronous>, transform_indices = @transform_2, window_bounds = array<i64: 128, 128>}, {pipeline_mode = #tpu.pipeline_mode<synchronous>, transform_indices = @transform_3, window_bounds = array<i64: 1, 128>}, {transform_indices = @transform_4, window_bounds = array<i64: 2000, 128>}, {transform_indices = @transform_5, window_bounds = array<i64: 2000, 128>}]} {
    %get3A = arith.constant 0 : index
    %get3A_0 = arith.constant 0 : index
    %get3A_1 = vector.load %arg1[%get3A, %get3A_0] : memref<2000x128xf32, #tpu.memory_space<vmem>>, vector<2000x128xf32>
    %get3A_2 = arith.constant 0 : index
    %get3A_3 = arith.constant 0 : index
    %get3A_4 = vector.load %arg2[%get3A_2, %get3A_3] : memref<128x128xf32, #tpu.memory_space<vmem>>, vector<128x128xf32>
    %dot_general3A = arith.constant dense<0.000000e+00> : vector<2000x128xf32>
    %dot_general3A_5 = tpu.matmul %get3A_1, %get3A_4, %dot_general3A {dimension_numbers = #tpu.dot_dimension_numbers<[1], [0], [0], [1], [0, 0, 1, 1], [], []>, precision = #tpu.contract_precision<fp32>, transpose_lhs_hint = false} : vector<2000x128xf32>, vector<128x128xf32>, vector<2000x128xf32> -> vector<2000x128xf32>
    %get3A_6 = arith.constant 0 : index
    %get3A_7 = arith.constant 0 : index
    %get3A_8 = vector.load %arg4[%get3A_6, %get3A_7] : memref<1x128xf32, #tpu.memory_space<vmem>>, vector<1x128xf32>
    %add3A = vector.broadcast %get3A_8 : vector<1x128xf32> to vector<2000x128xf32>
    %add3A_9 = arith.addf %dot_general3A_5, %add3A : vector<2000x128xf32>
    %swap3A = arith.constant 0 : index
    %swap3A_10 = arith.constant 0 : index
    %swap3A_11 = vector.load %arg5[%swap3A, %swap3A_10] : memref<2000x128xf32, #tpu.memory_space<vmem>>, vector<2000x128xf32>
    tpu.vector_store %arg5[%swap3A, %swap3A_10], %add3A_9 {strides = array<i32>} : memref<2000x128xf32, #tpu.memory_space<vmem>>, vector<2000x128xf32>,
    %get3A_12 = arith.constant 0 : index
    %get3A_13 = arith.constant 0 : index
    %get3A_14 = vector.load %arg3[%get3A_12, %get3A_13] : memref<128x128xf32, #tpu.memory_space<vmem>>, vector<128x128xf32>
    %dot_general3A_15 = arith.constant dense<0.000000e+00> : vector<2000x128xf32>
    %dot_general3A_16 = tpu.matmul %get3A_1, %get3A_14, %dot_general3A_15 {dimension_numbers = #tpu.dot_dimension_numbers<[1], [0], [0], [1], [0, 0, 1, 1], [], []>, precision = #tpu.contract_precision<fp32>, transpose_lhs_hint = false} : vector<2000x128xf32>, vector<128x128xf32>, vector<2000x128xf32> -> vector<2000x128xf32>
    %swap3A_17 = arith.constant 0 : index
    %swap3A_18 = arith.constant 0 : index
    %swap3A_19 = vector.load %arg6[%swap3A_17, %swap3A_18] : memref<2000x128xf32, #tpu.memory_space<vmem>>, vector<2000x128xf32>
    tpu.vector_store %arg6[%swap3A_17, %swap3A_18], %dot_general3A_16 {strides = array<i32>} : memref<2000x128xf32, #tpu.memory_space<vmem>>, vector<2000x128xf32>,
    return
  }
  func.func @transform_0(%arg0: i32) -> (i32, i32) {
    %c0_i32 = arith.constant 0 : i32
    %c0_i32_0 = arith.constant 0 : i32
    return %arg0, %c0_i32 : i32, i32
  }
  func.func @transform_1(%arg0: i32) -> (i32, i32) {
    %c0_i32 = arith.constant 0 : i32
    %c0_i32_0 = arith.constant 0 : i32
    %c0_i32_1 = arith.constant 0 : i32
    return %c0_i32, %c0_i32_0 : i32, i32
  }
  func.func @transform_2(%arg0: i32) -> (i32, i32) {
    %c0_i32 = arith.constant 0 : i32
    %c0_i32_0 = arith.constant 0 : i32
    %c0_i32_1 = arith.constant 0 : i32
    return %c0_i32, %c0_i32_0 : i32, i32
  }
  func.func @transform_3(%arg0: i32) -> (i32, i32) {
    %c0_i32 = arith.constant 0 : i32
    %c0_i32_0 = arith.constant 0 : i32
    %c0_i32_1 = arith.constant 0 : i32
    return %c0_i32, %c0_i32_0 : i32, i32
  }
  func.func @transform_4(%arg0: i32) -> (i32, i32) {
    %c0_i32 = arith.constant 0 : i32
    %c0_i32_0 = arith.constant 0 : i32
    return %arg0, %c0_i32 : i32, i32
  }
  func.func @transform_5(%arg0: i32) -> (i32, i32) {
    %c0_i32 = arith.constant 0 : i32
    %c0_i32_0 = arith.constant 0 : i32
    return %arg0, %c0_i32 : i32, i32
  }
}

module attributes {stable_mosaic.version = 14 : i64} {
  func.func @body(%arg0: i32, %arg1: memref<2000x128xf32, #tpu.memory_space<vmem>>, %arg2: memref<2000x128xf32, #tpu.memory_space<vmem>>, %arg3: memref<2000x128xf32, #tpu.memory_space<vmem>>, %arg4: memref<2000x128xf32, #tpu.memory_space<vmem>>, %arg5: memref<2000x128xf32, #tpu.memory_space<vmem>>, %arg6: memref<128x128xf32, #tpu.memory_space<vmem>>, %arg7: memref<128x128xf32, #tpu.memory_space<vmem>>, %arg8: memref<1x128xf32, #tpu.memory_space<vmem>>, %arg9: memref<128x128xf32, #tpu.memory_space<vmem>>, %arg10: memref<128x128xf32, #tpu.memory_space<vmem>>, %arg11: memref<1x128xf32, #tpu.memory_space<vmem>>, %arg12: memref<2000x128xf32, #tpu.memory_space<vmem>>, %arg13: memref<2000x128xf32, #tpu.memory_space<vmem>>, %arg14: memref<2000x128xf32, #tpu.memory_space<vmem>>) attributes {dimension_semantics = [#tpu.dimension_semantics<arbitrary>], iteration_bounds = array<i64: 5>, scalar_prefetch = 0 : i64, scratch_operands = 0 : i64, tpu.core_type = #tpu.core_type<tc>, window_params = [{transform_indices = @transform_0, window_bounds = array<i64: 2000, 128>}, {transform_indices = @transform_1, window_bounds = array<i64: 2000, 128>}, {transform_indices = @transform_2, window_bounds = array<i64: 2000, 128>}, {transform_indices = @transform_3, window_bounds = array<i64: 2000, 128>}, {transform_indices = @transform_4, window_bounds = array<i64: 2000, 128>}, {pipeline_mode = #tpu.pipeline_mode<synchronous>, transform_indices = @transform_5, window_bounds = array<i64: 128, 128>}, {pipeline_mode = #tpu.pipeline_mode<synchronous>, transform_indices = @transform_6, window_bounds = array<i64: 128, 128>}, {pipeline_mode = #tpu.pipeline_mode<synchronous>, transform_indices = @transform_7, window_bounds = array<i64: 1, 128>}, {pipeline_mode = #tpu.pipeline_mode<synchronous>, transform_indices = @transform_8, window_bounds = array<i64: 128, 128>}, {pipeline_mode = #tpu.pipeline_mode<synchronous>, transform_indices = @transform_9, window_bounds = array<i64: 128, 128>}, {pipeline_mode = #tpu.pipeline_mode<synchronous>, transform_indices = @transform_10, window_bounds = array<i64: 1, 128>}, {transform_indices = @transform_11, window_bounds = array<i64: 2000, 128>}, {transform_indices = @transform_12, window_bounds = array<i64: 2000, 128>}, {transform_indices = @transform_13, window_bounds = array<i64: 2000, 128>}]} {
    %get3A = arith.constant 0 : index
    %get3A_0 = arith.constant 0 : index
    %get3A_1 = vector.load %arg1[%get3A, %get3A_0] : memref<2000x128xf32, #tpu.memory_space<vmem>>, vector<2000x128xf32>
    %get3A_2 = arith.constant 0 : index
    %get3A_3 = arith.constant 0 : index
    %get3A_4 = vector.load %arg2[%get3A_2, %get3A_3] : memref<2000x128xf32, #tpu.memory_space<vmem>>, vector<2000x128xf32>
    %add3A = arith.addf %get3A_1, %get3A_4 : vector<2000x128xf32>
    %get3A_5 = arith.constant 0 : index
    %get3A_6 = arith.constant 0 : index
    %get3A_7 = vector.load %arg3[%get3A_5, %get3A_6] : memref<2000x128xf32, #tpu.memory_space<vmem>>, vector<2000x128xf32>
    %get3A_8 = arith.constant 0 : index
    %get3A_9 = arith.constant 0 : index
    %get3A_10 = vector.load %arg4[%get3A_8, %get3A_9] : memref<2000x128xf32, #tpu.memory_space<vmem>>, vector<2000x128xf32>
    %add3A_11 = arith.addf %get3A_7, %get3A_10 : vector<2000x128xf32>
    %slice3A = vector.extract_strided_slice %add3A_11 {offsets = [0, 0], sizes = [2000, 1], strides = [1, 1]} : vector<2000x128xf32> to vector<2000x1xf32>
    %max3A = arith.constant 1.000000e+00 : f32
    %max3A_12 = vector.broadcast %max3A : f32 to vector<2000x1xf32>
    %max3A_13 = arith.maximumf %slice3A, %max3A_12 : vector<2000x1xf32>
    %div3A = vector.broadcast %max3A_13 : vector<2000x1xf32> to vector<2000x128xf32>
    %div3A_14 = arith.divf %add3A, %div3A : vector<2000x128xf32>
    %get3A_15 = arith.constant 0 : index
    %get3A_16 = arith.constant 0 : index
    %get3A_17 = vector.load %arg5[%get3A_15, %get3A_16] : memref<2000x128xf32, #tpu.memory_space<vmem>>, vector<2000x128xf32>
    %get3A_18 = arith.constant 0 : index
    %get3A_19 = arith.constant 0 : index
    %get3A_20 = vector.load %arg6[%get3A_18, %get3A_19] : memref<128x128xf32, #tpu.memory_space<vmem>>, vector<128x128xf32>
    %dot_general3A = arith.constant dense<0.000000e+00> : vector<2000x128xf32>
    %dot_general3A_21 = tpu.matmul %get3A_17, %get3A_20, %dot_general3A {dimension_numbers = #tpu.dot_dimension_numbers<[1], [0], [0], [1], [0, 0, 1, 1], [], []>, precision = #tpu.contract_precision<fp32>, transpose_lhs_hint = false} : vector<2000x128xf32>, vector<128x128xf32>, vector<2000x128xf32> -> vector<2000x128xf32>
    %get3A_22 = arith.constant 0 : index
    %get3A_23 = arith.constant 0 : index
    %get3A_24 = vector.load %arg7[%get3A_22, %get3A_23] : memref<128x128xf32, #tpu.memory_space<vmem>>, vector<128x128xf32>
    %dot_general3A_25 = arith.constant dense<0.000000e+00> : vector<2000x128xf32>
    %dot_general3A_26 = tpu.matmul %div3A_14, %get3A_24, %dot_general3A_25 {dimension_numbers = #tpu.dot_dimension_numbers<[1], [0], [0], [1], [0, 0, 1, 1], [], []>, precision = #tpu.contract_precision<fp32>, transpose_lhs_hint = false} : vector<2000x128xf32>, vector<128x128xf32>, vector<2000x128xf32> -> vector<2000x128xf32>
    %add3A_27 = arith.addf %dot_general3A_21, %dot_general3A_26 : vector<2000x128xf32>
    %get3A_28 = arith.constant 0 : index
    %get3A_29 = arith.constant 0 : index
    %get3A_30 = vector.load %arg8[%get3A_28, %get3A_29] : memref<1x128xf32, #tpu.memory_space<vmem>>, vector<1x128xf32>
    %add3A_31 = vector.broadcast %get3A_30 : vector<1x128xf32> to vector<2000x128xf32>
    %add3A_32 = arith.addf %add3A_27, %add3A_31 : vector<2000x128xf32>
    %max3A_33 = arith.constant 0.000000e+00 : f32
    %max3A_34 = vector.broadcast %max3A_33 : f32 to vector<2000x128xf32>
    %max3A_35 = arith.maximumf %add3A_32, %max3A_34 : vector<2000x128xf32>
    %add3A_36 = arith.addf %max3A_35, %get3A_17 : vector<2000x128xf32>
    %swap3A = arith.constant 0 : index
    %swap3A_37 = arith.constant 0 : index
    %swap3A_38 = vector.load %arg12[%swap3A, %swap3A_37] : memref<2000x128xf32, #tpu.memory_space<vmem>>, vector<2000x128xf32>
    tpu.vector_store %arg12[%swap3A, %swap3A_37], %add3A_36 {strides = array<i32>} : memref<2000x128xf32, #tpu.memory_space<vmem>>, vector<2000x128xf32>,
    %get3A_39 = arith.constant 0 : index
    %get3A_40 = arith.constant 0 : index
    %get3A_41 = vector.load %arg9[%get3A_39, %get3A_40] : memref<128x128xf32, #tpu.memory_space<vmem>>, vector<128x128xf32>
    %dot_general3A_42 = arith.constant dense<0.000000e+00> : vector<2000x128xf32>
    %dot_general3A_43 = tpu.matmul %add3A_36, %get3A_41, %dot_general3A_42 {dimension_numbers = #tpu.dot_dimension_numbers<[1], [0], [0], [1], [0, 0, 1, 1], [], []>, precision = #tpu.contract_precision<fp32>, transpose_lhs_hint = false} : vector<2000x128xf32>, vector<128x128xf32>, vector<2000x128xf32> -> vector<2000x128xf32>
    %get3A_44 = arith.constant 0 : index
    %get3A_45 = arith.constant 0 : index
    %get3A_46 = vector.load %arg11[%get3A_44, %get3A_45] : memref<1x128xf32, #tpu.memory_space<vmem>>, vector<1x128xf32>
    %add3A_47 = vector.broadcast %get3A_46 : vector<1x128xf32> to vector<2000x128xf32>
    %add3A_48 = arith.addf %dot_general3A_43, %add3A_47 : vector<2000x128xf32>
    %swap3A_49 = arith.constant 0 : index
    %swap3A_50 = arith.constant 0 : index
    %swap3A_51 = vector.load %arg13[%swap3A_49, %swap3A_50] : memref<2000x128xf32, #tpu.memory_space<vmem>>, vector<2000x128xf32>
    tpu.vector_store %arg13[%swap3A_49, %swap3A_50], %add3A_48 {strides = array<i32>} : memref<2000x128xf32, #tpu.memory_space<vmem>>, vector<2000x128xf32>,
    %get3A_52 = arith.constant 0 : index
    %get3A_53 = arith.constant 0 : index
    %get3A_54 = vector.load %arg10[%get3A_52, %get3A_53] : memref<128x128xf32, #tpu.memory_space<vmem>>, vector<128x128xf32>
    %dot_general3A_55 = arith.constant dense<0.000000e+00> : vector<2000x128xf32>
    %dot_general3A_56 = tpu.matmul %add3A_36, %get3A_54, %dot_general3A_55 {dimension_numbers = #tpu.dot_dimension_numbers<[1], [0], [0], [1], [0, 0, 1, 1], [], []>, precision = #tpu.contract_precision<fp32>, transpose_lhs_hint = false} : vector<2000x128xf32>, vector<128x128xf32>, vector<2000x128xf32> -> vector<2000x128xf32>
    %swap3A_57 = arith.constant 0 : index
    %swap3A_58 = arith.constant 0 : index
    %swap3A_59 = vector.load %arg14[%swap3A_57, %swap3A_58] : memref<2000x128xf32, #tpu.memory_space<vmem>>, vector<2000x128xf32>
    tpu.vector_store %arg14[%swap3A_57, %swap3A_58], %dot_general3A_56 {strides = array<i32>} : memref<2000x128xf32, #tpu.memory_space<vmem>>, vector<2000x128xf32>,
    return
  }
  func.func @transform_0(%arg0: i32) -> (i32, i32) {
    %c0_i32 = arith.constant 0 : i32
    %c0_i32_0 = arith.constant 0 : i32
    return %arg0, %c0_i32 : i32, i32
  }
  func.func @transform_1(%arg0: i32) -> (i32, i32) {
    %c0_i32 = arith.constant 0 : i32
    %c0_i32_0 = arith.constant 0 : i32
    return %arg0, %c0_i32 : i32, i32
  }
  func.func @transform_2(%arg0: i32) -> (i32, i32) {
    %c0_i32 = arith.constant 0 : i32
    %c0_i32_0 = arith.constant 0 : i32
    return %arg0, %c0_i32 : i32, i32
  }
  func.func @transform_3(%arg0: i32) -> (i32, i32) {
    %c0_i32 = arith.constant 0 : i32
    %c0_i32_0 = arith.constant 0 : i32
    return %arg0, %c0_i32 : i32, i32
  }
  func.func @transform_4(%arg0: i32) -> (i32, i32) {
    %c0_i32 = arith.constant 0 : i32
    %c0_i32_0 = arith.constant 0 : i32
    return %arg0, %c0_i32 : i32, i32
  }
  func.func @transform_5(%arg0: i32) -> (i32, i32) {
    %c0_i32 = arith.constant 0 : i32
    %c0_i32_0 = arith.constant 0 : i32
    %c0_i32_1 = arith.constant 0 : i32
    return %c0_i32, %c0_i32_0 : i32, i32
  }
  func.func @transform_6(%arg0: i32) -> (i32, i32) {
    %c0_i32 = arith.constant 0 : i32
    %c0_i32_0 = arith.constant 0 : i32
    %c0_i32_1 = arith.constant 0 : i32
    return %c0_i32, %c0_i32_0 : i32, i32
  }
  func.func @transform_7(%arg0: i32) -> (i32, i32) {
    %c0_i32 = arith.constant 0 : i32
    %c0_i32_0 = arith.constant 0 : i32
    %c0_i32_1 = arith.constant 0 : i32
    return %c0_i32, %c0_i32_0 : i32, i32
  }
  func.func @transform_8(%arg0: i32) -> (i32, i32) {
    %c0_i32 = arith.constant 0 : i32
    %c0_i32_0 = arith.constant 0 : i32
    %c0_i32_1 = arith.constant 0 : i32
    return %c0_i32, %c0_i32_0 : i32, i32
  }
  func.func @transform_9(%arg0: i32) -> (i32, i32) {
    %c0_i32 = arith.constant 0 : i32
    %c0_i32_0 = arith.constant 0 : i32
    %c0_i32_1 = arith.constant 0 : i32
    return %c0_i32, %c0_i32_0 : i32, i32
  }
  func.func @transform_10(%arg0: i32) -> (i32, i32) {
    %c0_i32 = arith.constant 0 : i32
    %c0_i32_0 = arith.constant 0 : i32
    %c0_i32_1 = arith.constant 0 : i32
    return %c0_i32, %c0_i32_0 : i32, i32
  }
  func.func @transform_11(%arg0: i32) -> (i32, i32) {
    %c0_i32 = arith.constant 0 : i32
    %c0_i32_0 = arith.constant 0 : i32
    return %arg0, %c0_i32 : i32, i32
  }
  func.func @transform_12(%arg0: i32) -> (i32, i32) {
    %c0_i32 = arith.constant 0 : i32
    %c0_i32_0 = arith.constant 0 : i32
    return %arg0, %c0_i32 : i32, i32
  }
  func.func @transform_13(%arg0: i32) -> (i32, i32) {
    %c0_i32 = arith.constant 0 : i32
    %c0_i32_0 = arith.constant 0 : i32
    return %arg0, %c0_i32 : i32, i32
  }
}

module attributes {stable_mosaic.version = 14 : i64} {
  func.func @body(%arg0: i32, %arg1: memref<2000x128xf32, #tpu.memory_space<vmem>>, %arg2: memref<2000x128xf32, #tpu.memory_space<vmem>>, %arg3: memref<2000x128xf32, #tpu.memory_space<vmem>>, %arg4: memref<2000x128xf32, #tpu.memory_space<vmem>>, %arg5: memref<2000x128xf32, #tpu.memory_space<vmem>>, %arg6: memref<128x128xf32, #tpu.memory_space<vmem>>, %arg7: memref<128x128xf32, #tpu.memory_space<vmem>>, %arg8: memref<1x128xf32, #tpu.memory_space<vmem>>, %arg9: memref<128x128xf32, #tpu.memory_space<vmem>>, %arg10: memref<1x128xf32, #tpu.memory_space<vmem>>, %arg11: memref<2000x128xf32, #tpu.memory_space<vmem>>) attributes {dimension_semantics = [#tpu.dimension_semantics<arbitrary>], iteration_bounds = array<i64: 5>, scalar_prefetch = 0 : i64, scratch_operands = 0 : i64, tpu.core_type = #tpu.core_type<tc>, window_params = [{transform_indices = @transform_0, window_bounds = array<i64: 2000, 128>}, {transform_indices = @transform_1, window_bounds = array<i64: 2000, 128>}, {transform_indices = @transform_2, window_bounds = array<i64: 2000, 128>}, {transform_indices = @transform_3, window_bounds = array<i64: 2000, 128>}, {transform_indices = @transform_4, window_bounds = array<i64: 2000, 128>}, {pipeline_mode = #tpu.pipeline_mode<synchronous>, transform_indices = @transform_5, window_bounds = array<i64: 128, 128>}, {pipeline_mode = #tpu.pipeline_mode<synchronous>, transform_indices = @transform_6, window_bounds = array<i64: 128, 128>}, {pipeline_mode = #tpu.pipeline_mode<synchronous>, transform_indices = @transform_7, window_bounds = array<i64: 1, 128>}, {pipeline_mode = #tpu.pipeline_mode<synchronous>, transform_indices = @transform_8, window_bounds = array<i64: 128, 128>}, {pipeline_mode = #tpu.pipeline_mode<synchronous>, transform_indices = @transform_9, window_bounds = array<i64: 1, 128>}, {transform_indices = @transform_10, window_bounds = array<i64: 2000, 128>}]} {
    %get3A = arith.constant 0 : index
    %get3A_0 = arith.constant 0 : index
    %get3A_1 = vector.load %arg1[%get3A, %get3A_0] : memref<2000x128xf32, #tpu.memory_space<vmem>>, vector<2000x128xf32>
    %get3A_2 = arith.constant 0 : index
    %get3A_3 = arith.constant 0 : index
    %get3A_4 = vector.load %arg2[%get3A_2, %get3A_3] : memref<2000x128xf32, #tpu.memory_space<vmem>>, vector<2000x128xf32>
    %add3A = arith.addf %get3A_1, %get3A_4 : vector<2000x128xf32>
    %get3A_5 = arith.constant 0 : index
    %get3A_6 = arith.constant 0 : index
    %get3A_7 = vector.load %arg3[%get3A_5, %get3A_6] : memref<2000x128xf32, #tpu.memory_space<vmem>>, vector<2000x128xf32>
    %get3A_8 = arith.constant 0 : index
    %get3A_9 = arith.constant 0 : index
    %get3A_10 = vector.load %arg4[%get3A_8, %get3A_9] : memref<2000x128xf32, #tpu.memory_space<vmem>>, vector<2000x128xf32>
    %add3A_11 = arith.addf %get3A_7, %get3A_10 : vector<2000x128xf32>
    %slice3A = vector.extract_strided_slice %add3A_11 {offsets = [0, 0], sizes = [2000, 1], strides = [1, 1]} : vector<2000x128xf32> to vector<2000x1xf32>
    %max3A = arith.constant 1.000000e+00 : f32
    %max3A_12 = vector.broadcast %max3A : f32 to vector<2000x1xf32>
    %max3A_13 = arith.maximumf %slice3A, %max3A_12 : vector<2000x1xf32>
    %div3A = vector.broadcast %max3A_13 : vector<2000x1xf32> to vector<2000x128xf32>
    %div3A_14 = arith.divf %add3A, %div3A : vector<2000x128xf32>
    %get3A_15 = arith.constant 0 : index
    %get3A_16 = arith.constant 0 : index
    %get3A_17 = vector.load %arg5[%get3A_15, %get3A_16] : memref<2000x128xf32, #tpu.memory_space<vmem>>, vector<2000x128xf32>
    %get3A_18 = arith.constant 0 : index
    %get3A_19 = arith.constant 0 : index
    %get3A_20 = vector.load %arg6[%get3A_18, %get3A_19] : memref<128x128xf32, #tpu.memory_space<vmem>>, vector<128x128xf32>
    %dot_general3A = arith.constant dense<0.000000e+00> : vector<2000x128xf32>
    %dot_general3A_21 = tpu.matmul %get3A_17, %get3A_20, %dot_general3A {dimension_numbers = #tpu.dot_dimension_numbers<[1], [0], [0], [1], [0, 0, 1, 1], [], []>, precision = #tpu.contract_precision<fp32>, transpose_lhs_hint = false} : vector<2000x128xf32>, vector<128x128xf32>, vector<2000x128xf32> -> vector<2000x128xf32>
    %get3A_22 = arith.constant 0 : index
    %get3A_23 = arith.constant 0 : index
    %get3A_24 = vector.load %arg7[%get3A_22, %get3A_23] : memref<128x128xf32, #tpu.memory_space<vmem>>, vector<128x128xf32>
    %dot_general3A_25 = arith.constant dense<0.000000e+00> : vector<2000x128xf32>
    %dot_general3A_26 = tpu.matmul %div3A_14, %get3A_24, %dot_general3A_25 {dimension_numbers = #tpu.dot_dimension_numbers<[1], [0], [0], [1], [0, 0, 1, 1], [], []>, precision = #tpu.contract_precision<fp32>, transpose_lhs_hint = false} : vector<2000x128xf32>, vector<128x128xf32>, vector<2000x128xf32> -> vector<2000x128xf32>
    %add3A_27 = arith.addf %dot_general3A_21, %dot_general3A_26 : vector<2000x128xf32>
    %get3A_28 = arith.constant 0 : index
    %get3A_29 = arith.constant 0 : index
    %get3A_30 = vector.load %arg8[%get3A_28, %get3A_29] : memref<1x128xf32, #tpu.memory_space<vmem>>, vector<1x128xf32>
    %add3A_31 = vector.broadcast %get3A_30 : vector<1x128xf32> to vector<2000x128xf32>
    %add3A_32 = arith.addf %add3A_27, %add3A_31 : vector<2000x128xf32>
    %max3A_33 = arith.constant 0.000000e+00 : f32
    %max3A_34 = vector.broadcast %max3A_33 : f32 to vector<2000x128xf32>
    %max3A_35 = arith.maximumf %add3A_32, %max3A_34 : vector<2000x128xf32>
    %add3A_36 = arith.addf %max3A_35, %get3A_17 : vector<2000x128xf32>
    %get3A_37 = arith.constant 0 : index
    %get3A_38 = arith.constant 0 : index
    %get3A_39 = vector.load %arg9[%get3A_37, %get3A_38] : memref<128x128xf32, #tpu.memory_space<vmem>>, vector<128x128xf32>
    %dot_general3A_40 = arith.constant dense<0.000000e+00> : vector<2000x128xf32>
    %dot_general3A_41 = tpu.matmul %add3A_36, %get3A_39, %dot_general3A_40 {dimension_numbers = #tpu.dot_dimension_numbers<[1], [0], [0], [1], [0, 0, 1, 1], [], []>, precision = #tpu.contract_precision<fp32>, transpose_lhs_hint = false} : vector<2000x128xf32>, vector<128x128xf32>, vector<2000x128xf32> -> vector<2000x128xf32>
    %get3A_42 = arith.constant 0 : index
    %get3A_43 = arith.constant 0 : index
    %get3A_44 = vector.load %arg10[%get3A_42, %get3A_43] : memref<1x128xf32, #tpu.memory_space<vmem>>, vector<1x128xf32>
    %add3A_45 = vector.broadcast %get3A_44 : vector<1x128xf32> to vector<2000x128xf32>
    %add3A_46 = arith.addf %dot_general3A_41, %add3A_45 : vector<2000x128xf32>
    %swap3A = arith.constant 0 : index
    %swap3A_47 = arith.constant 0 : index
    %swap3A_48 = vector.load %arg11[%swap3A, %swap3A_47] : memref<2000x128xf32, #tpu.memory_space<vmem>>, vector<2000x128xf32>
    tpu.vector_store %arg11[%swap3A, %swap3A_47], %add3A_46 {strides = array<i32>} : memref<2000x128xf32, #tpu.memory_space<vmem>>, vector<2000x128xf32>,
    return
  }
  func.func @transform_0(%arg0: i32) -> (i32, i32) {
    %c0_i32 = arith.constant 0 : i32
    %c0_i32_0 = arith.constant 0 : i32
    return %arg0, %c0_i32 : i32, i32
  }
  func.func @transform_1(%arg0: i32) -> (i32, i32) {
    %c0_i32 = arith.constant 0 : i32
    %c0_i32_0 = arith.constant 0 : i32
    return %arg0, %c0_i32 : i32, i32
  }
  func.func @transform_2(%arg0: i32) -> (i32, i32) {
    %c0_i32 = arith.constant 0 : i32
    %c0_i32_0 = arith.constant 0 : i32
    return %arg0, %c0_i32 : i32, i32
  }
  func.func @transform_3(%arg0: i32) -> (i32, i32) {
    %c0_i32 = arith.constant 0 : i32
    %c0_i32_0 = arith.constant 0 : i32
    return %arg0, %c0_i32 : i32, i32
  }
  func.func @transform_4(%arg0: i32) -> (i32, i32) {
    %c0_i32 = arith.constant 0 : i32
    %c0_i32_0 = arith.constant 0 : i32
    return %arg0, %c0_i32 : i32, i32
  }
  func.func @transform_5(%arg0: i32) -> (i32, i32) {
    %c0_i32 = arith.constant 0 : i32
    %c0_i32_0 = arith.constant 0 : i32
    %c0_i32_1 = arith.constant 0 : i32
    return %c0_i32, %c0_i32_0 : i32, i32
  }
  func.func @transform_6(%arg0: i32) -> (i32, i32) {
    %c0_i32 = arith.constant 0 : i32
    %c0_i32_0 = arith.constant 0 : i32
    %c0_i32_1 = arith.constant 0 : i32
    return %c0_i32, %c0_i32_0 : i32, i32
  }
  func.func @transform_7(%arg0: i32) -> (i32, i32) {
    %c0_i32 = arith.constant 0 : i32
    %c0_i32_0 = arith.constant 0 : i32
    %c0_i32_1 = arith.constant 0 : i32
    return %c0_i32, %c0_i32_0 : i32, i32
  }
  func.func @transform_8(%arg0: i32) -> (i32, i32) {
    %c0_i32 = arith.constant 0 : i32
    %c0_i32_0 = arith.constant 0 : i32
    %c0_i32_1 = arith.constant 0 : i32
    return %c0_i32, %c0_i32_0 : i32, i32
  }
  func.func @transform_9(%arg0: i32) -> (i32, i32) {
    %c0_i32 = arith.constant 0 : i32
    %c0_i32_0 = arith.constant 0 : i32
    %c0_i32_1 = arith.constant 0 : i32
    return %c0_i32, %c0_i32_0 : i32, i32
  }
  func.func @transform_10(%arg0: i32) -> (i32, i32) {
    %c0_i32 = arith.constant 0 : i32
    %c0_i32_0 = arith.constant 0 : i32
    return %arg0, %c0_i32 : i32, i32
  }
}

</mosaic_0001>

<sc_bundles>
// kernel: kernel.11.cloned.1.call-start
scs
__scs_entry_jumppad:
0x0: {  	(pc) =	sbr.rel $0x88, $3  }
0x1: {  	(tag) =	ssettag $0x0;
	lr =	simm.s32 $0x1  }
0x2: {  	[smem:$0x3F95] =	sst lr;
	_ =	strace $0xD0000000  }
0x3: {  	_ = 	snop  }
0x4: {  	_ = 	snop  }
0x5: {  	_ = 	snop  }
0x6: {  	_ = 	snop  }
0x7: {  	_ = 	snop  }
__scs_overlays_trampoline_lowered:
0x8: {  	[smem:$0x3FA4] =	sst s0  }
0x9: {  	[smem:$0x3FA5] =	sst s1  }
0xa: {  	[smem:$0x3FA6] =	sst s2  }
0xb: {  	[smem:$0x3FA7] =	sst s3  }
0xc: {  	[smem:$0x3FA8] =	sst s4  }
0xd: {  	[smem:$0x3FA9] =	sst s5  }
0xe: {  	[smem:$0x3FAA] =	sst s6  }
0xf: {  	[smem:$0x3FAB] =	sst s7  }
0x10: {  	[smem:$0x3FAC] =	sst s8  }
0x11: {  	[smem:$0x3FAD] =	sst s9;
	s0 =	simm.s32 @!p0 $0x0  }
0x12: {  	s1 =	sld [smem:$0x3F93];
	s0 =	simm.s32 @p0 $0x1  }
0x13: {  	[smem:$0x3FAE] =	sst s0;
	s0 =	simm.s32 @!p1 $0x0  }
0x14: {  	s2 =	sld [smem:$0x3F92];
	s0 =	simm.s32 @p1 $0x1  }
0x15: {  	[smem:$0x3FAF] =	sst s0;
	s0 =	simm.s32 @!p2 $0x0  }
0x16: {  	s3 =	sld [smem:$0x3FDB];
	s0 =	simm.s32 @p2 $0x1  }
0x17: {  	s4 =	simm.s32 $0x1BF5;
	[smem:$0x3FB1] =	sst s0  }
0x18: {  	s0 =	sld [smem:$0x3F94];
	_ =	swait.ge [sflag:s4], $0x0  }
0x19: {  	s7 =	sld [smem:$0x3F95]  }
0x1a: {  	s8 =	sadd.s32 $0xFFFFE003, lr  }
0x1b: {  	s9 =	sadd.s32 $0xFFFFFEF7, lr;
	s5 =	simm.s32 $0xFFFFFFFF;
	p2 =	slt.u32 s8, $0xFFFFF086  }
0x1c: {  	p1 =	slt.u32 s9, $0xF7A;
	s5 =	simm.s32 @!p2 $0x0  }
0x1d: {  	s5 =	simm.s32 @p1 $0x1;
	p0 =	seq.s32 s7, s2  }
0x1e: {  	s7 =	smul.u32 @!p0 $0xF7A, s2;
	p2 =	seq.s32 @!p0 s5, $0x0  }
0x1f: {  	s9 =	smul.u32 $0xF7A, s1;
	s8 =	simm.s32 @!p0 $0x1BF5;
	p2 =	por !p2, p0  }
0x20: {  	[sflag:s8] =	ssyncset.s32 @!p0 $0xFFFFF086;
	s6 =	sadd.s32 @!p0 s3, s7;
	s7 =	simm.s32 @!p0 $0x108  }
0x21: {  	s3 =	sadd.s32 s3, s9;
	s6 =	sadd.s32 @!p0 $0x88, s6;
	s7 =	simm.s32 @p2 $0x1082  }
0x22: {  	[simem:s7], [sflag:s8] =	dma.local @!p0 [hbm:s6], $0xF7A  }
0x23: {  	s9 =	sor.u32 $0xD0000000, s2;
	s6 =	simm.s32 $0x108;
	_ =	swait.ge @!p0 [sflag:s8], $0x0  }
0x24: {  	s3 =	sadd.s32 $0x88, s3;
	s6 =	simm.s32 @!p1 $0x1082;
	[sflag:s4] =	ssyncset.s32 $0xFFFFF086  }
0x25: {  	[simem:s6], [sflag:s4] =	dma.local [hbm:s3], $0xF7A  }
0x26: {  	[smem:$0x3F95] =	sst s1;
	(tag) =	ssettag s2;
	_ =	strace s9  }
0x27: {  	s1 =	sld [smem:$0x3FA5]  }
0x28: {  	s2 =	sld [smem:$0x3FA6]  }
0x29: {  	s4 =	sld [smem:$0x3FA8]  }
0x2a: {  	p0 =	seq.s32 s5, $0x0;
	s5 =	sld [smem:$0x3FA9]  }
0x2b: {  	s6 =	sld [smem:$0x3FAA]  }
0x2c: {  	s7 =	sld [smem:$0x3FAB]  }
0x2d: {  	s3 =	simm.s32 $0x108;
	s8 =	sld [smem:$0x3FAC]  }
0x2e: {  	s3 =	simm.s32 @!p0 $0x1082;
	s9 =	sld [smem:$0x3FAD]  }
0x2f: {  	lr =	sadd.s32 s0, s3;
	s0 =	sld [smem:$0x3FA4]  }
0x30: {  	s3 =	sld [smem:$0x3FA7]  }
0x31: {  	[smem:$0x3FB0] =	sst s10  }
0x32: {  	s10 =	sld [smem:$0x3FAE];
	_ =	sdelay $0x3  }
0x33: {  	p0 =	seq.s32 s10, $0x1;
	s10 =	sld [smem:$0x3FB0];
	_ =	sdelay $0x3  }
0x34: {  	[smem:$0x3FB0] =	sst s10  }
0x35: {  	s10 =	sld [smem:$0x3FAF];
	_ =	sdelay $0x3  }
0x36: {  	p1 =	seq.s32 s10, $0x1;
	s10 =	sld [smem:$0x3FB0];
	_ =	sdelay $0x3  }
0x37: {  	[smem:$0x3FB0] =	sst s10  }
0x38: {  	s10 =	sld [smem:$0x3FB1]  }
0x39: {  	_ = 	snop;
	(pc) =	sbr.ind lr, $3  }
0x3a: {  	_ = 	snop  }
0x3b: {  	_ = 	snop  }
0x3c: {  	p2 =	seq.s32 s10, $0x1;
	s10 =	sld [smem:$0x3FB0]  }
0x3d: {  	_ =	shalt  }
0x3e: {  	_ =	shalt  }
0x3f: {  	_ =	shalt  }
0x40: {  	_ =	shalt  }
0x41: {  	_ =	shalt  }
0x42: {  	_ =	shalt  }
0x43: {  	_ =	shalt  }
0x44: {  	_ =	shalt  }
0x45: {  	_ =	shalt  }
0x46: {  	_ =	shalt  }
0x47: {  	_ =	shalt  }
0x48: {  	_ =	shalt  }
0x49: {  	_ =	shalt  }
0x4a: {  	_ =	shalt  }
0x4b: {  	_ =	shalt  }
0x4c: {  	_ =	shalt  }
0x4d: {  	_ =	shalt  }
0x4e: {  	_ =	shalt  }
0x4f: {  	_ =	shalt  }
0x50: {  	_ =	shalt  }
0x51: {  	_ =	shalt  }
0x52: {  	_ =	shalt  }
0x53: {  	_ =	shalt  }
0x54: {  	_ =	shalt  }
0x55: {  	_ =	shalt  }
0x56: {  	_ =	shalt  }
0x57: {  	_ =	shalt  }
0x58: {  	_ =	shalt  }
0x59: {  	_ =	shalt  }
0x5a: {  	_ =	shalt  }
0x5b: {  	_ =	shalt  }
0x5c: {  	_ =	shalt  }
0x5d: {  	_ =	shalt  }
0x5e: {  	_ =	shalt  }
0x5f: {  	_ =	shalt  }
0x60: {  	_ =	shalt  }
0x61: {  	_ =	shalt  }
0x62: {  	_ =	shalt  }
0x63: {  	_ =	shalt  }
0x64: {  	_ =	shalt  }
0x65: {  	_ =	shalt  }
0x66: {  	_ =	shalt  }
0x67: {  	_ =	shalt  }
0x68: {  	_ =	shalt  }
0x69: {  	_ =	shalt  }
0x6a: {  	_ =	shalt  }
0x6b: {  	_ =	shalt  }
0x6c: {  	_ =	shalt  }
0x6d: {  	_ =	shalt  }
0x6e: {  	_ =	shalt  }
0x6f: {  	_ =	shalt  }
0x70: {  	_ =	shalt  }
0x71: {  	_ =	shalt  }
0x72: {  	_ =	shalt  }
0x73: {  	_ =	shalt  }
0x74: {  	_ =	shalt  }
0x75: {  	_ =	shalt  }
0x76: {  	_ =	shalt  }
0x77: {  	_ =	shalt  }
0x78: {  	_ =	shalt  }
0x79: {  	_ =	shalt  }
0x7a: {  	_ =	shalt  }
0x7b: {  	_ =	shalt  }
0x7c: {  	_ =	shalt  }
0x7d: {  	_ =	shalt  }
0x7e: {  	_ =	shalt  }
0x7f: {  	_ =	shalt  }
0x80: {  	_ =	shalt  }
0x81: {  	_ =	shalt  }
0x82: {  	_ =	shalt  }
0x83: {  	_ =	shalt  }
0x84: {  	_ =	shalt  }
0x85: {  	_ =	shalt  }
0x86: {  	_ =	shalt  }
0x87: {  	_ =	shalt  }
.Lfunc_end0:
.L_simem_size_0:
called_computation.1_lowered:
.L_overlay_start_0:
0x88: {  	s2 =	sld [smem:$0x3FD9]  }
0x89: {  	s3 =	sld [smem:$0x3FFE];
	_ =	sdelay $0x1  }
0x8a: {  	s1 =	srdreg.scid  }
0x8b: {  	s0 =	sand.u32 $0x1, s1  }
0x8c: {  	s17 =	sshll.u32 s0, $0xA;
	s2 =	sadd.s32 s3, s2  }
0x8d: {  	s2 =	sadd.s32 s2, s17  }
0x8e: {  	[smem:$0x3FBC] =	sst s2  }
0x8f: {  	_ = 	snop  }
0x90: {  	s2 =	sld [smem:$0x3FD0];
	(tm) =	ssettm $0x1  }
0x91: {  	s18 =	sld [smem:$0x3FFB];
	_ =	sdelay $0x3  }
0x92: {  	_ =	strace s18  }
0x93: {  	s3 =	sld [smem:$0x3FFC];
	_ =	sdelay $0x3  }
0x94: {  	_ =	strace s3  }
0x95: {  	s3 =	sld [smem:$0x3FFD];
	_ =	sdelay $0x3  }
0x96: {  	_ =	strace s3  }
0x97: {  	_ =	strace $0x8FFFFFFF  }
0x98: {  	s19 =	sld [smem:$0x3FDB];
	_ =	sdelay $0x1  }
0x99: {  	s4 =	simm.s32 $_scs_section_size  }
0x9a: {  	s5 =	simm.s32 $_size__tile_overlayer_lowered;
	s6 =	simm.s32 $_tile_overlayer_lowered  }
0x9b: {  	s22 =	simm.s32 $0x1BFF;
	s21 =	sshll.u32 s6, $0x1;
	s3 =	sadd.s32 s4, s19  }
0x9c: {  	s7 =	simm.s32 $0x0;
	s20 =	sshll.u32 s5, $0x1;
	s5 =	sadd.s32 s21, s3  }
0x9d: {  	[timem:s7], [sflag:s22] =	dma.local [hbm:s5], s20  }
0x9e: {  	_ =	swait.ge [sflag:s22], s20  }
0x9f: {  	s4 =	ssub.s32 $0x0, s20;
	[sflag:s22] =	ssyncset.done $0x0  }
0xa0: {  	[sflag:s22] =	ssyncadd.s32 s4;
	_ =	sdelay $0x1  }
0xa1: {  	s23 =	simm.s32 $0x1B8B  }
0xa2: {  	_ =	swait.ge [sflag:s23], $0x1  }
0xa3: {  	[sflag:s23] =	ssyncset.done $0x0  }
0xa4: {  	s25 =	simm.s32 $0x1B8E;
	s24 =	sld [smem:$0x3FFE];
	[sflag:s23] =	ssyncadd.s32 $0xFFFFFFFF  }
0xa5: {  	s26 =	simm.s32 $execute0_lowered;
	[smem:$0x3FD2] =	sst s25  }
0xa6: {  	s5 =	sshll.u32 s26, $0x1;
	_ =	strace $0x80000046;
	[dreg:$0x1] =	wrdreg $0xFFFFFFFF  }
0xa7: {  	s28 =	simm.s32 $_size_execute0_lowered;
	s3 =	sadd.s32 s3, s5;
	[dreg:$0x0] =	wrdreg $0x0  }
0xa8: {  	s5 =	sshll.u32 s28, $0x1;
	[dreg:$0x2] =	wrdreg s3  }
0xa9: {  	[dreg:$0x3] =	wrdreg s5  }
0xaa: {  	[dreg:$0x4] =	wrdreg $0xC0  }
0xab: {  	_ =	task [dreg:s7], $0x5FFFF  }
0xac: {  	[dreg:$0x1] =	wrdreg $0xFFFFFFFF  }
0xad: {  	[dreg:$0x0] =	wrdreg $0x60  }
0xae: {  	[dreg:$0x2] =	wrdreg s2  }
0xaf: {  	[dreg:$0x3] =	wrdreg s24  }
0xb0: {  	[dreg:$0x4] =	wrdreg $0x54000  }
0xb1: {  	[dreg:$0x5] =	wrdreg $0xA  }
0xb2: {  	_ =	task.clear_ibuf [dreg:s7], $0x6FFFF;
	_ =	strace $0x90000046  }
0xb3: {  	s29 =	simm.s32 $0xA;
	_ =	strace $0x80000048  }
0xb4: {  	_ =	swait.ge [sflag:s29], $0x1  }
0xb5: {  	[sflag:s29] =	ssyncadd.s32 $0xFFFFFFFF  }
0xb6: {  	_ =	strace $0x90000048  }
0xb7: {  	_ =	sfence  }
0xb8: {  	s30 =	sld [smem:$0x0];
	_ =	sdelay $0x2  }
0xb9: {  	s31 =	sshll.u32 s1, $0xD;
	s1 =	sshrl.u32 s1, $0x2  }
0xba: {  	s3 =	sand.u32 $0x4000, s31;
	s1 =	sadd.s32 s1, s30  }
0xbb: {  	s0 =	sor.u32 s3, s0;
	s1 =	sshll.u32 s1, $0x11  }
0xbc: {  	s0 =	sor.u32 s1, s0  }
0xbd: {  	s0 =	sadd.s32 $0x8F2B, s0  }
0xbe: {  	[sflag:s0] =	ssyncadd.remote.s32 $0x1  }
0xbf: {  	_ =	sfence.sel $0xFFFF  }
0xc0: {  	[dreg:$0x0] =	wrdreg $0xFFFFFFFF;
	(pc) =	sbr.abs _section_cstart, $3  }
0xc1: {  	[dreg:$0x1] =	wrdreg $0xFFFFFFFF  }
0xc2: {  	_ =	task.clear_ibuf [dreg:s7], $0x2FFFF;
	_ =	strace $0x9FFFFFFF  }
0xc3: {  	(tm) =	ssettm $0x7FFFFFFF  }
tec
execute0_lowered:
.L_overlay_start_1:
0x0: {  	(tag) =	ssettag $0x1  }
0x1: {  	s2 =	rddreg [dreg:$0x0]  }
0x2: {  	s0 =	rddreg [dreg:$0x1]  }
0x3: {  	s3 =	rddreg [dreg:$0x2];
	s12 =	stileid.u32  }
0x4: {  	s1 =	srdreg.scid;
	s4 =	simm.s32 $0x0;
	s28 =	simm.s32 $0x100  }
0x5: {  	s29 =	simm.s32 $0x300;
	s31 =	simm.s32 $0x28;
	s13 =	simm.s32 $0x4000  }
0x6: {  	s14 =	simm.s32 $0x8;
	s15 =	simm.s32 $0x6;
	s16 =	simm.s32 $0x3  }
0x7: {  	s7 =	smul.u32 $0x14000, s12;
	s1 =	sand.u32 $0x1, s1;
	[smem:$0x7FF] =	sst s4  }
0x8: {  	s5 =	sadd.s32 $0x17E00, s0;
	s6 =	sadd.s32 $0xE000, s0;
	s11 =	smul.u32 $0x50000, s12  }
0x9: {  	s20 =	sshll.u32 s12, $0x6;
	s8 =	smul.u32 $0x140000, s1;
	_ =	strace $0x80000047  }
0xa: {  	s10 =	ssub.s32 $0x2, s1;
	s1 =	sshll.u32 s1, $0x4;
	s20 =	sor.u32 $0x1C07, s20  }
0xb: {  	s9 =	sshrl.u32 s7, $0x3;
	s18 =	sshrl.u32 s10, $0x1;
	s1 =	sor.u32 s12, s1  }
0xc: {  	s19 =	sshrl.u32 s11, $0x2;
	[dreg:$0x5] =	wrdreg s20;
	s8 =	sadd.s32 s7, s8  }
0xd: {  	s7 =	sadd.s32 $0x4200, s0;
	s9 =	sadd.s32 s9, s0;
	s10 =	ssub.s32 s10, s18  }
0xe: {  	s8 =	sshrl.u32 s8, $0x3;
	s9 =	sadd.s32 $0x3F000, s9;
	s30 =	smax.u32 s10, $0x1  }
0xf: {  	s0 =	sadd.s32 s8, s0;
	s8 =	smul.u32 $0x2710, s1;
	[dreg:$0x4] =	wrdreg s9  }
0x10: {  	s12 =	simm.s32 $0x1800;
	s1 =	sadd.s32 s19, s3;
	[dreg:$0xd] =	wrdreg s30  }
0x11: {  	s0 =	sadd.s32 $0x67000, s0;
	s21 =	sshrl.u32 s8, $0x3;
	s22 =	sadd.s32 $0x28, s8  }
0x12: {  	s17 =	sadd.s32 $0xA0, s8;
	s18 =	sadd.s32 $0xC8, s8;
	s19 =	sadd.s32 $0xF0, s8  }
0x13: {  	[dreg:$0xc] =	wrdreg s0;
	s0 =	simm.s32 $0x400;
	s23 =	sadd.s32 s6, s21  }
0x14: {  	s24 =	sadd.s32 s7, s21;
	s11 =	sshrl.u32 s22, $0x3;
	[dreg:$0x6] =	wrdreg s23  }
0x15: {  	s9 =	sadd.s32 $0xA, s21;
	s21 =	sshrl.u32 s1, $0x3;
	[dreg:$0x7] =	wrdreg s24  }
0x16: {  	s1 =	simm.s32 $0x2C00;
	s25 =	sadd.s32 s6, s11;
	[dreg:$0xe] =	wrdreg s21  }
.Ltmp0:
0x17: {  	s11 =	sadd.s32 s7, s11;
	[dreg:$0x8] =	wrdreg s25;
	(pc) =	sbr.rel .LBB2_1-.Ltmp0, $4  }
0x18: {  	s22 =	simm.s32 $0x0;
	s26 =	sadd.s32 s6, s9;
	[dreg:$0x9] =	wrdreg s11  }
0x19: {  	s9 =	sadd.s32 s7, s9;
	s23 =	simm.s32 $0x7;
	[dreg:$0xa] =	wrdreg s26  }
0x1a: {  	s24 =	simm.s32 $0x200;
	[dreg:$0xb] =	wrdreg s9;
	s25 =	simm.s32 $0x80  }
0x1b: {  	s26 =	simm.s32 $0x280;
	s9 =	simm.s32 $0x5;
	s11 =	simm.s32 $0x2  }
.LBB2_19:
0x1c: {  	[bflag:$0x0] =	sbarrier.arrive $0xFFFF  }
0x1d: {  	s20 =	rddreg [dreg:$0x5]  }
0x1e: {  	s10 =	rddreg [dreg:$0xc]  }
0x1f: {  	s21 =	rddreg [dreg:$0xe]  }
0x20: {  	[hbm:s10], [sflag:s20] =	dma.local [spmem:s21], $0x2800  }
0x21: {  	_ =	swait.ge [sflag:s23], $0x2800  }
0x22: {  	s22 =	rddreg [dreg:$0xf]  }
0x23: {  	s30 =	rddreg [dreg:$0xd];
	s22 =	sadd.s32 $0x1, s22  }
0x24: {  	p0 =	sne.s32 s22, s30  }
.Ltmp1:
0x25: {  	_ = 	snop;
	(pc) =	sbr.rel @!p0 .LBB2_20-.Ltmp1, $3  }
0x26: {  	_ =	sdelay $0x1  }
0x27: {  	[sflag:s23] =	ssyncset.done $0x0  }
0x28: {  	[sflag:s23] =	ssyncadd.s32 $0xFFFFD800  }
.LBB2_1:
0x29: {  	[dreg:$0xf] =	wrdreg s22  }
0x2a: {  	s10 =	rddreg [dreg:$0x4]  }
0x2b: {  	[spmem:s21], [sflag:s20] =	dma.local [hbm:s10], $0x2800  }
0x2c: {  	_ =	swait.ge [sflag:s23], $0x2800  }
0x2d: {  	[sflag:s23] =	ssyncset.done $0x0  }
0x2e: {  	[sflag:s23] =	ssyncadd.s32 $0xFFFFD800  }
0x2f: {  	[bflag:$0x0] =	sbarrier.arrive $0xFFFF  }
0x30: {  	s21 =	rddreg [dreg:$0x6]  }
0x31: {  	[tilespmem:s4], [sflag:$0x1] =	stream.linear.gather [hbm4b:s21+s4], $0x28, $0x38;
	[tilespmem:$0x19400] =	vst v63  }
0x32: {  	s22 =	rddreg [dreg:$0x7]  }
0x33: {  	[tilespmem:s24], [sflag:$0x1] =	stream.linear.gather [hbm4b:s22+s4], $0x28, $0x38;
	[tilespmem:$0x19400] =	vst v63  }
0x34: {  	s30 =	rddreg [dreg:$0x8]  }
0x35: {  	[tilespmem:s25], [sflag:$0x2] =	stream.linear.gather [hbm4b:s30+s4], $0x28, $0x38;
	[tilespmem:$0x19400] =	vst v63  }
0x36: {  	s20 =	rddreg [dreg:$0x9]  }
0x37: {  	[tilespmem:s26], [sflag:$0x2] =	stream.linear.gather [hbm4b:s20+s4], $0x28, $0x38;
	[tilespmem:$0x19400] =	vst v63  }
0x38: {  	s21 =	rddreg [dreg:$0xa]  }
0x39: {  	[tilespmem:s28], [sflag:$0x3] =	stream.linear.gather [hbm4b:s21+s4], $0x28, $0x38;
	[tilespmem:$0x19400] =	vst v63  }
0x3a: {  	s22 =	rddreg [dreg:$0xb];
	s30 =	simm.s32 $0x1  }
0x3b: {  	[tilespmem:s29], [sflag:$0x3] =	stream.linear.gather [hbm4b:s22+s4], $0x28, $0x38;
	[tilespmem:$0x19400] =	vst v63  }
0x3c: {  	_ =	swait.ge [sflag:s30], $0x28  }
0x3d: {  	[sflag:s30] =	ssyncset.done $0x0  }
0x3e: {  	[sflag:s30] =	ssyncadd.s32 $0xFFFFFFD8  }
0x3f: {  	_ =	swait.ge [sflag:s30], $0x28  }
.Ltmp2:
0x40: {  	[sflag:s30] =	ssyncset.done $0x0;
	(pc) =	sbr.rel .LBB2_2-.Ltmp2, $4  }
0x41: {  	[sflag:s30] =	ssyncadd.s32 $0xFFFFFFD8  }
0x42: {  	[tilespmem:s0], [sflag:$0x5] =	stream.indirect.gather [hbm4b:s2+s31], $0x80, s24, s31, $0xb8;
	[tilespmem:$0x19400] =	vst v63  }
0x43: {  	s10 =	simm.s32 $0x0  }
0x44: {  	[tilespmem:s1], [sflag:$0x5] =	stream.indirect.gather [hbm4b:s5+s31], $0x80, s4, s31, $0xb8;
	[tilespmem:$0x19400] =	vst v63  }
.LBB2_18:
0x45: {  	s10 =	sadd.s32 $0x1, s10  }
0x46: {  	p0 =	sne.s32 s10, $0x3F  }
.Ltmp3:
0x47: {  	_ = 	snop;
	(pc) =	sbr.rel @!p0 .LBB2_19-.Ltmp3, $1  }
0x48: {  	_ =	sdelay $0x3  }
.LBB2_2:
0x49: {  	_ =	swait.ge [sflag:s9], $0x1400  }
0x4a: {  	[sflag:s9] =	ssyncset.done $0x0  }
0x4b: {  	[sflag:s9] =	ssyncadd.s32 $0xFFFFEC00  }
0x4c: {  	_ =	swait.ge [sflag:s9], $0x1400  }
0x4d: {  	[sflag:s9] =	ssyncset.done $0x0  }
0x4e: {  	[sflag:s9] =	ssyncadd.s32 $0xFFFFEC00  }
0x4f: {  	_ =	swait.ge [sflag:s11], $0x28  }
0x50: {  	s21 =	sshllo.u32 s10, $0x2;
	[sflag:s11] =	ssyncset.done $0x0  }
0x51: {  	p0 =	sgt.u32 s21, $0xF9;
	[sflag:s11] =	ssyncadd.s32 $0xFFFFFFD8  }
0x52: {  	s21 =	smul.u32 @!p0 $0x28, s21;
	_ =	swait.ge [sflag:s11], $0x28  }
0x53: {  	[sflag:s11] =	ssyncset.done $0x0  }
0x54: {  	s21 =	sadd.s32 @!p0 s8, s21;
	[sflag:s11] =	ssyncadd.s32 $0xFFFFFFD8  }
0x55: {  	[tilespmem:s12], [sflag:$0x6] =	stream.indirect.gather [hbm4b:s2+s31], $0x80, s26, s31, $0xb8;
	[tilespmem:$0x19400] =	vst v63  }
0x56: {  	s21 =	sshrl.u32 @!p0 s21, $0x3  }
0x57: {  	[tilespmem:s13], [sflag:$0x6] =	stream.indirect.gather [hbm4b:s5+s31], $0x80, s25, s31, $0xb8;
	[tilespmem:$0x19400] =	vst v63  }
0x58: {  	s30 =	simm.s32 @!p0 $0x0;
	s20 =	simm.s32 @!p0 $0x180;
	s22 =	sadd.s32 @!p0 s6, s21  }
0x59: {  	[tilespmem:s20], [sflag:$0x4] =	stream.linear.gather @!p0 [hbm4b:s22+s30], $0x28, $0x38;
	[tilespmem:$0x19400] =	vst v63  }
0x5a: {  	s20 =	sadd.s32 @!p0 s7, s21;
	s21 =	simm.s32 @!p0 $0x380;
	s22 =	simm.s32 $0x0  }
0x5b: {  	[tilespmem:s21], [sflag:$0x4] =	stream.linear.gather @!p0 [hbm4b:s20+s30], $0x28, $0x38;
	[tilespmem:$0x19400] =	vst v63  }
0x5c: {  	v6 =	vld [tilespmem:s22+$0x2C00]  }
0x5d: {  	v11 =	vld [tilespmem:s22+$0x2C10]  }
0x5e: {  	v5 =	vld [tilespmem:s22+$0x2C20]  }
0x5f: {  	v4 =	vld [tilespmem:s22+$0x2C30]  }
0x60: {  	v3 =	vld [tilespmem:s22+$0x2C40]  }
0x61: {  	v2 =	vld [tilespmem:s22+$0x2C50]  }
0x62: {  	v1 =	vld [tilespmem:s22+$0x2C60]  }
0x63: {  	v0 =	vld [tilespmem:s22+$0x2C70]  }
0x64: {  	v12 =	vld [tilespmem:s22+$0x400]  }
0x65: {  	v13 =	vld [tilespmem:s22+$0x410]  }
0x66: {  	v10 =	vld [tilespmem:s22+$0x420]  }
0x67: {  	v9 =	vld [tilespmem:s22+$0x430]  }
0x68: {  	v8 =	vld [tilespmem:s22+$0x440]  }
0x69: {  	v7 =	vld [tilespmem:s22+$0x450];
	v12 =	vadd.f32 v6, v12  }
0x6a: {  	s30 =	simm.s32 $0x200;
	v11 =	vadd.f32 v11, v13;
	v6 =	vld [tilespmem:s22+$0x460]  }
.LBB2_3:
0x6b: {  	s20 =	sshra.s32 s30, $0x2;
	p1 =	sne.s32 s30, $0x4E00;
	v12 =	vmax.f32 v12, $0.0e+00;
	v5 =	vadd.f32 v5, v10;
	v10 =	vld [tilespmem:s22+$0x470]  }
0x6c: {  	v13 =	vld [tilespmem:s20+$0x2C00];
	[tilespmem:s22+$0x400] =	vst v12;
	v11 =	vmax.f32 v11, $0.0e+00;
	v4 =	vadd.f32 v4, v9  }
0x6d: {  	v14 =	vld [tilespmem:s20+$0x2C10];
	[tilespmem:s22+$0x410] =	vst v11;
	v9 =	vmax.f32 v5, $0.0e+00;
	v3 =	vadd.f32 v3, v8  }
0x6e: {  	v5 =	vld [tilespmem:s20+$0x2C20];
	[tilespmem:s22+$0x420] =	vst v9;
	v8 =	vmax.f32 v4, $0.0e+00;
	v2 =	vadd.f32 v2, v7  }
0x6f: {  	v4 =	vld [tilespmem:s20+$0x2C30];
	[tilespmem:s22+$0x430] =	vst v8;
	v7 =	vmax.f32 v3, $0.0e+00;
	v1 =	vadd.f32 v1, v6  }
0x70: {  	v3 =	vld [tilespmem:s20+$0x2C40];
	[tilespmem:s22+$0x440] =	vst v7;
	v6 =	vmax.f32 v2, $0.0e+00;
	v0 =	vadd.f32 v0, v10  }
0x71: {  	v2 =	vld [tilespmem:s20+$0x2C50];
	[tilespmem:s22+$0x450] =	vst v6;
	v6 =	vmax.f32 v1, $0.0e+00  }
0x72: {  	v1 =	vld [tilespmem:s20+$0x2C60];
	[tilespmem:s22+$0x460] =	vst v6;
	v6 =	vmax.f32 v0, $0.0e+00  }
0x73: {  	v0 =	vld [tilespmem:s20+$0x2C70];
	[tilespmem:s22+$0x470] =	vst v6;
	s22 =	smov.u32 s20  }
0x74: {  	v6 =	vld [tilespmem:s22+$0x400]  }
0x75: {  	v11 =	vld [tilespmem:s22+$0x410]  }
.Ltmp4:
0x76: {  	v10 =	vld [tilespmem:s22+$0x420];
	(pc) =	sbr.rel @p1 .LBB2_3-.Ltmp4, $4  }
0x77: {  	v9 =	vld [tilespmem:s22+$0x430]  }
0x78: {  	v8 =	vld [tilespmem:s22+$0x440]  }
0x79: {  	v12 =	vadd.f32 v13, v6;
	v7 =	vld [tilespmem:s22+$0x450]  }
0x7a: {  	s30 =	sadd.s32 $0x200, s30;
	v11 =	vadd.f32 v14, v11;
	v6 =	vld [tilespmem:s22+$0x460]  }
0x7b: {  	v12 =	vmax.f32 v12, $0.0e+00;
	v5 =	vadd.f32 v5, v10;
	v63 =	vld [tilespmem:s22+$0x470]  }
0x7c: {  	[tilespmem:s22+$0x400] =	vst v12;
	v11 =	vmax.f32 v11, $0.0e+00;
	v4 =	vadd.f32 v4, v9  }
0x7d: {  	[tilespmem:s22+$0x410] =	vst v11;
	v5 =	vmax.f32 v5, $0.0e+00;
	v3 =	vadd.f32 v3, v8  }
0x7e: {  	[tilespmem:s22+$0x420] =	vst v5;
	v4 =	vmax.f32 v4, $0.0e+00;
	v2 =	vadd.f32 v2, v7  }
0x7f: {  	[tilespmem:s22+$0x430] =	vst v4;
	v3 =	vmax.f32 v3, $0.0e+00;
	v1 =	vadd.f32 v1, v6  }
0x80: {  	[tilespmem:s22+$0x440] =	vst v3;
	v2 =	vmax.f32 v2, $0.0e+00;
	v0 =	vadd.f32 v0, v63  }
0x81: {  	[tilespmem:s22+$0x450] =	vst v2;
	v1 =	vmax.f32 v1, $0.0e+00  }
0x82: {  	[tilespmem:s22+$0x460] =	vst v1;
	v0 =	vmax.f32 v0, $0.0e+00  }
0x83: {  	[tilespmem:s22+$0x470] =	vst v0  }
0x84: {  	[spmem:s3] =	stream.indirect.scatter.add.f32 [tilespmem:s0], [sflag:$0x8], $0x80, s24, s31, $0xb8;
	[tilespmem:$0x19400] =	vst v63  }
0x85: {  	_ =	swait.ge [sflag:s14], $0x1400  }
0x86: {  	[sflag:s14] =	ssyncset.done $0x0  }
0x87: {  	[sflag:s14] =	ssyncadd.s32 $0xFFFFEC00  }
0x88: {  	p2 =	sgt.u32 s10, $0x3D;
	_ =	swait.ge [sflag:s15], $0x1400  }
.Ltmp5:
0x89: {  	[sflag:s15] =	ssyncset.done $0x0;
	(pc) =	sbr.rel @p2 .LBB2_6-.Ltmp5, $4  }
0x8a: {  	[sflag:s15] =	ssyncadd.s32 $0xFFFFEC00  }
0x8b: {  	_ =	swait.ge [sflag:s15], $0x1400  }
0x8c: {  	[sflag:s15] =	ssyncset.done $0x0  }
0x8d: {  	[sflag:s15] =	ssyncadd.s32 $0xFFFFEC00  }
0x8e: {  	_ =	swait.ge [sflag:s16], $0x28  }
0x8f: {  	[sflag:s16] =	ssyncset.done $0x0  }
0x90: {  	[sflag:s16] =	ssyncadd.s32 $0xFFFFFFD8  }
0x91: {  	_ =	swait.ge [sflag:s16], $0x28  }
.Ltmp6:
0x92: {  	[sflag:s16] =	ssyncset.done $0x0;
	(pc) =	sbr.rel .LBB2_7-.Ltmp6, $4  }
0x93: {  	[sflag:s16] =	ssyncadd.s32 $0xFFFFFFD8  }
0x94: {  	[tilespmem:s0], [sflag:$0x5] =	stream.indirect.gather [hbm4b:s2+s31], $0x80, s29, s31, $0xb8;
	[tilespmem:$0x19400] =	vst v63  }
0x95: {  	_ = 	snop  }
0x96: {  	[tilespmem:s1], [sflag:$0x5] =	stream.indirect.gather [hbm4b:s5+s31], $0x80, s28, s31, $0xb8;
	[tilespmem:$0x19400] =	vst v63  }
.LBB2_6:
0x97: {  	p3 =	seq.s32 s10, $0x3E  }
.Ltmp7:
0x98: {  	_ = 	snop;
	(pc) =	sbr.rel @p3 .LBB2_8-.Ltmp7, $2  }
0x99: {  	_ =	sdelay $0x2  }
0x9a: {  	p1 =	por $0x1, $0x1  }
.LBB2_7:
0x9b: {  	s20 =	smul.u32 $0xA0, s10;
	_ =	sdelay $0x1  }
0x9c: {  	s20 =	sadd.s32 s20, s17  }
0x9d: {  	s20 =	sshrl.u32 s20, $0x3  }
0x9e: {  	s21 =	sadd.s32 s6, s20  }
0x9f: {  	[tilespmem:s4], [sflag:$0x1] =	stream.linear.gather [hbm4b:s21+s4], $0x28, $0x38;
	[tilespmem:$0x19400] =	vst v63  }
0xa0: {  	p1 =	por $0x0, $0x0;
	s20 =	sadd.s32 s7, s20  }
0xa1: {  	[tilespmem:s24], [sflag:$0x1] =	stream.linear.gather [hbm4b:s20+s4], $0x28, $0x38;
	[tilespmem:$0x19400] =	vst v63  }
.LBB2_8:
0xa2: {  	s22 =	simm.s32 $0x0  }
0xa3: {  	v6 =	vld [tilespmem:s22+$0x4000]  }
0xa4: {  	v11 =	vld [tilespmem:s22+$0x4010]  }
0xa5: {  	v5 =	vld [tilespmem:s22+$0x4020]  }
0xa6: {  	v4 =	vld [tilespmem:s22+$0x4030]  }
0xa7: {  	v3 =	vld [tilespmem:s22+$0x4040]  }
0xa8: {  	v2 =	vld [tilespmem:s22+$0x4050]  }
0xa9: {  	v1 =	vld [tilespmem:s22+$0x4060]  }
0xaa: {  	v0 =	vld [tilespmem:s22+$0x4070]  }
0xab: {  	v12 =	vld [tilespmem:s22+$0x1800]  }
0xac: {  	v13 =	vld [tilespmem:s22+$0x1810]  }
0xad: {  	v10 =	vld [tilespmem:s22+$0x1820]  }
0xae: {  	v9 =	vld [tilespmem:s22+$0x1830]  }
0xaf: {  	v8 =	vld [tilespmem:s22+$0x1840]  }
0xb0: {  	v7 =	vld [tilespmem:s22+$0x1850];
	v12 =	vadd.f32 v6, v12  }
0xb1: {  	s30 =	simm.s32 $0x200;
	v11 =	vadd.f32 v11, v13;
	v6 =	vld [tilespmem:s22+$0x1860]  }
.LBB2_9:
0xb2: {  	s20 =	sshra.s32 s30, $0x2;
	p3 =	sne.s32 s30, $0x4E00;
	v12 =	vmax.f32 v12, $0.0e+00;
	v5 =	vadd.f32 v5, v10;
	v10 =	vld [tilespmem:s22+$0x1870]  }
0xb3: {  	v13 =	vld [tilespmem:s20+$0x4000];
	[tilespmem:s22+$0x1800] =	vst v12;
	v11 =	vmax.f32 v11, $0.0e+00;
	v4 =	vadd.f32 v4, v9  }
0xb4: {  	v14 =	vld [tilespmem:s20+$0x4010];
	[tilespmem:s22+$0x1810] =	vst v11;
	v9 =	vmax.f32 v5, $0.0e+00;
	v3 =	vadd.f32 v3, v8  }
0xb5: {  	v5 =	vld [tilespmem:s20+$0x4020];
	[tilespmem:s22+$0x1820] =	vst v9;
	v8 =	vmax.f32 v4, $0.0e+00;
	v2 =	vadd.f32 v2, v7  }
0xb6: {  	v4 =	vld [tilespmem:s20+$0x4030];
	[tilespmem:s22+$0x1830] =	vst v8;
	v7 =	vmax.f32 v3, $0.0e+00;
	v1 =	vadd.f32 v1, v6  }
0xb7: {  	v3 =	vld [tilespmem:s20+$0x4040];
	[tilespmem:s22+$0x1840] =	vst v7;
	v6 =	vmax.f32 v2, $0.0e+00;
	v0 =	vadd.f32 v0, v10  }
0xb8: {  	v2 =	vld [tilespmem:s20+$0x4050];
	[tilespmem:s22+$0x1850] =	vst v6;
	v6 =	vmax.f32 v1, $0.0e+00  }
0xb9: {  	v1 =	vld [tilespmem:s20+$0x4060];
	[tilespmem:s22+$0x1860] =	vst v6;
	v6 =	vmax.f32 v0, $0.0e+00  }
0xba: {  	v0 =	vld [tilespmem:s20+$0x4070];
	[tilespmem:s22+$0x1870] =	vst v6;
	s22 =	smov.u32 s20  }
0xbb: {  	v6 =	vld [tilespmem:s22+$0x1800]  }
0xbc: {  	v11 =	vld [tilespmem:s22+$0x1810]  }
.Ltmp8:
0xbd: {  	v10 =	vld [tilespmem:s22+$0x1820];
	(pc) =	sbr.rel @p3 .LBB2_9-.Ltmp8, $4  }
0xbe: {  	v9 =	vld [tilespmem:s22+$0x1830]  }
0xbf: {  	v8 =	vld [tilespmem:s22+$0x1840]  }
0xc0: {  	v12 =	vadd.f32 v13, v6;
	v7 =	vld [tilespmem:s22+$0x1850]  }
0xc1: {  	s30 =	sadd.s32 $0x200, s30;
	v11 =	vadd.f32 v14, v11;
	v6 =	vld [tilespmem:s22+$0x1860]  }
0xc2: {  	v12 =	vmax.f32 v12, $0.0e+00;
	v5 =	vadd.f32 v5, v10;
	v63 =	vld [tilespmem:s22+$0x1870]  }
0xc3: {  	[tilespmem:s22+$0x1800] =	vst v12;
	v11 =	vmax.f32 v11, $0.0e+00;
	v4 =	vadd.f32 v4, v9  }
0xc4: {  	[tilespmem:s22+$0x1810] =	vst v11;
	v5 =	vmax.f32 v5, $0.0e+00;
	v3 =	vadd.f32 v3, v8  }
0xc5: {  	[tilespmem:s22+$0x1820] =	vst v5;
	v4 =	vmax.f32 v4, $0.0e+00;
	v2 =	vadd.f32 v2, v7  }
0xc6: {  	[tilespmem:s22+$0x1830] =	vst v4;
	v3 =	vmax.f32 v3, $0.0e+00;
	v1 =	vadd.f32 v1, v6  }
0xc7: {  	[tilespmem:s22+$0x1840] =	vst v3;
	v2 =	vmax.f32 v2, $0.0e+00;
	v0 =	vadd.f32 v0, v63  }
0xc8: {  	[tilespmem:s22+$0x1850] =	vst v2;
	v1 =	vmax.f32 v1, $0.0e+00  }
0xc9: {  	[tilespmem:s22+$0x1860] =	vst v1;
	v0 =	vmax.f32 v0, $0.0e+00  }
0xca: {  	[tilespmem:s22+$0x1870] =	vst v0  }
0xcb: {  	[spmem:s3] =	stream.indirect.scatter.add.f32 [tilespmem:s12], [sflag:$0x8], $0x80, s26, s31, $0xb8;
	[tilespmem:$0x19400] =	vst v63  }
0xcc: {  	_ =	swait.ge [sflag:s14], $0x1400  }
0xcd: {  	[sflag:s14] =	ssyncset.done $0x0  }
0xce: {  	s20 =	simm.s32 @!p2 $0x5;
	[sflag:s14] =	ssyncadd.s32 $0xFFFFEC00  }
0xcf: {  	_ =	swait.ge @!p2 [sflag:s20], $0x1400  }
0xd0: {  	[sflag:s20] =	ssyncset.done @!p2 $0x0  }
0xd1: {  	[sflag:s20] =	ssyncadd.s32 @!p2 $0xFFFFEC00  }
0xd2: {  	_ =	swait.ge @!p2 [sflag:s20], $0x1400  }
0xd3: {  	[sflag:s20] =	ssyncset.done @!p2 $0x0  }
0xd4: {  	[sflag:s20] =	ssyncadd.s32 @!p2 $0xFFFFEC00;
	s20 =	simm.s32 @!p0 $0x4  }
0xd5: {  	_ =	swait.ge @!p0 [sflag:s20], $0x28  }
0xd6: {  	[sflag:s20] =	ssyncset.done @!p0 $0x0  }
0xd7: {  	[sflag:s20] =	ssyncadd.s32 @!p0 $0xFFFFFFD8  }
0xd8: {  	_ =	swait.ge @!p0 [sflag:s20], $0x28  }
0xd9: {  	s21 =	simm.s32 @!p0 $0x380;
	[sflag:s20] =	ssyncset.done @!p0 $0x0  }
0xda: {  	s22 =	simm.s32 @!p0 $0x1800;
	[sflag:s20] =	ssyncadd.s32 @!p0 $0xFFFFFFD8;
	s20 =	simm.s32 @!p0 $0x28  }
0xdb: {  	[tilespmem:s22], [sflag:$0x6] =	stream.indirect.gather @!p0 [hbm4b:s2+s20], $0x80, s21, s20, $0xb8;
	[tilespmem:$0x19400] =	vst v63  }
0xdc: {  	s30 =	smul.u32 @!p1 $0xA0, s10;
	s21 =	simm.s32 @!p0 $0x180;
	s22 =	simm.s32 @!p0 $0x4000  }
0xdd: {  	[tilespmem:s22], [sflag:$0x6] =	stream.indirect.gather @!p0 [hbm4b:s5+s20], $0x80, s21, s20, $0xb8;
	[tilespmem:$0x19400] =	vst v63  }
0xde: {  	s20 =	sadd.s32 @!p1 s30, s18  }
.Ltmp9:
0xdf: {  	s20 =	sshrl.u32 @!p1 s20, $0x3;
	(pc) =	sbr.rel @p2 .LBB2_14-.Ltmp9, $4  }
0xe0: {  	s22 =	simm.s32 @!p1 $0x0;
	s30 =	simm.s32 @!p1 $0x80;
	s21 =	sadd.s32 @!p1 s6, s20  }
0xe1: {  	[tilespmem:s30], [sflag:$0x2] =	stream.linear.gather @!p1 [hbm4b:s21+s22], $0x28, $0x38;
	[tilespmem:$0x19400] =	vst v63  }
0xe2: {  	s20 =	sadd.s32 @!p1 s7, s20;
	s21 =	simm.s32 @!p1 $0x280  }
0xe3: {  	[tilespmem:s21], [sflag:$0x2] =	stream.linear.gather @!p1 [hbm4b:s20+s22], $0x28, $0x38;
	[tilespmem:$0x19400] =	vst v63  }
0xe4: {  	s30 =	simm.s32 $0x0  }
0xe5: {  	v6 =	vld [tilespmem:s30+$0x2C00]  }
0xe6: {  	v11 =	vld [tilespmem:s30+$0x2C10]  }
0xe7: {  	v5 =	vld [tilespmem:s30+$0x2C20]  }
0xe8: {  	v4 =	vld [tilespmem:s30+$0x2C30]  }
0xe9: {  	v3 =	vld [tilespmem:s30+$0x2C40]  }
0xea: {  	v2 =	vld [tilespmem:s30+$0x2C50]  }
0xeb: {  	v1 =	vld [tilespmem:s30+$0x2C60]  }
0xec: {  	v0 =	vld [tilespmem:s30+$0x2C70]  }
0xed: {  	v12 =	vld [tilespmem:s30+$0x400]  }
0xee: {  	v13 =	vld [tilespmem:s30+$0x410]  }
0xef: {  	v10 =	vld [tilespmem:s30+$0x420]  }
0xf0: {  	v9 =	vld [tilespmem:s30+$0x430]  }
0xf1: {  	v8 =	vld [tilespmem:s30+$0x440]  }
0xf2: {  	v7 =	vld [tilespmem:s30+$0x450];
	v12 =	vadd.f32 v6, v12  }
0xf3: {  	s21 =	simm.s32 $0x200;
	v11 =	vadd.f32 v11, v13;
	v6 =	vld [tilespmem:s30+$0x460]  }
.LBB2_12:
0xf4: {  	s20 =	sshra.s32 s21, $0x2;
	p2 =	sne.s32 s21, $0x4E00;
	v12 =	vmax.f32 v12, $0.0e+00;
	v5 =	vadd.f32 v5, v10;
	v10 =	vld [tilespmem:s30+$0x470]  }
0xf5: {  	v13 =	vld [tilespmem:s20+$0x2C00];
	[tilespmem:s30+$0x400] =	vst v12;
	v11 =	vmax.f32 v11, $0.0e+00;
	v4 =	vadd.f32 v4, v9  }
0xf6: {  	v14 =	vld [tilespmem:s20+$0x2C10];
	[tilespmem:s30+$0x410] =	vst v11;
	v9 =	vmax.f32 v5, $0.0e+00;
	v3 =	vadd.f32 v3, v8  }
0xf7: {  	v5 =	vld [tilespmem:s20+$0x2C20];
	[tilespmem:s30+$0x420] =	vst v9;
	v8 =	vmax.f32 v4, $0.0e+00;
	v2 =	vadd.f32 v2, v7  }
0xf8: {  	v4 =	vld [tilespmem:s20+$0x2C30];
	[tilespmem:s30+$0x430] =	vst v8;
	v7 =	vmax.f32 v3, $0.0e+00;
	v1 =	vadd.f32 v1, v6  }
0xf9: {  	v3 =	vld [tilespmem:s20+$0x2C40];
	[tilespmem:s30+$0x440] =	vst v7;
	v6 =	vmax.f32 v2, $0.0e+00;
	v0 =	vadd.f32 v0, v10  }
0xfa: {  	v2 =	vld [tilespmem:s20+$0x2C50];
	[tilespmem:s30+$0x450] =	vst v6;
	v6 =	vmax.f32 v1, $0.0e+00  }
0xfb: {  	v1 =	vld [tilespmem:s20+$0x2C60];
	[tilespmem:s30+$0x460] =	vst v6;
	v6 =	vmax.f32 v0, $0.0e+00  }
0xfc: {  	v0 =	vld [tilespmem:s20+$0x2C70];
	[tilespmem:s30+$0x470] =	vst v6;
	s30 =	smov.u32 s20  }
0xfd: {  	v6 =	vld [tilespmem:s30+$0x400]  }
0xfe: {  	v11 =	vld [tilespmem:s30+$0x410]  }
.Ltmp10:
0xff: {  	v10 =	vld [tilespmem:s30+$0x420];
	(pc) =	sbr.rel @p2 .LBB2_12-.Ltmp10, $4  }
0x100: {  	v9 =	vld [tilespmem:s30+$0x430]  }
0x101: {  	v8 =	vld [tilespmem:s30+$0x440]  }
0x102: {  	v12 =	vadd.f32 v13, v6;
	v7 =	vld [tilespmem:s30+$0x450]  }
0x103: {  	s21 =	sadd.s32 $0x200, s21;
	v11 =	vadd.f32 v14, v11;
	v6 =	vld [tilespmem:s30+$0x460]  }
0x104: {  	v12 =	vmax.f32 v12, $0.0e+00;
	v5 =	vadd.f32 v5, v10;
	v63 =	vld [tilespmem:s30+$0x470]  }
0x105: {  	[tilespmem:s30+$0x400] =	vst v12;
	v11 =	vmax.f32 v11, $0.0e+00;
	v4 =	vadd.f32 v4, v9  }
0x106: {  	[tilespmem:s30+$0x410] =	vst v11;
	v5 =	vmax.f32 v5, $0.0e+00;
	v3 =	vadd.f32 v3, v8  }
0x107: {  	[tilespmem:s30+$0x420] =	vst v5;
	v4 =	vmax.f32 v4, $0.0e+00;
	v2 =	vadd.f32 v2, v7  }
0x108: {  	[tilespmem:s30+$0x430] =	vst v4;
	v3 =	vmax.f32 v3, $0.0e+00;
	v1 =	vadd.f32 v1, v6  }
0x109: {  	[tilespmem:s30+$0x440] =	vst v3;
	v2 =	vmax.f32 v2, $0.0e+00;
	v0 =	vadd.f32 v0, v63  }
0x10a: {  	[tilespmem:s30+$0x450] =	vst v2;
	v1 =	vmax.f32 v1, $0.0e+00  }
0x10b: {  	[tilespmem:s30+$0x460] =	vst v1;
	v0 =	vmax.f32 v0, $0.0e+00  }
0x10c: {  	[tilespmem:s30+$0x470] =	vst v0  }
0x10d: {  	[spmem:s3] =	stream.indirect.scatter.add.f32 [tilespmem:s0], [sflag:$0x8], $0x80, s29, s31, $0xb8;
	[tilespmem:$0x19400] =	vst v63  }
0x10e: {  	_ =	swait.ge [sflag:s14], $0x1400  }
0x10f: {  	[sflag:s14] =	ssyncset.done $0x0  }
0x110: {  	[sflag:s14] =	ssyncadd.s32 $0xFFFFEC00  }
.LBB2_14:
0x111: {  	s20 =	simm.s32 @!p0 $0x6  }
0x112: {  	_ =	swait.ge @!p0 [sflag:s20], $0x1400  }
0x113: {  	[sflag:s20] =	ssyncset.done @!p0 $0x0  }
0x114: {  	[sflag:s20] =	ssyncadd.s32 @!p0 $0xFFFFEC00  }
0x115: {  	_ =	swait.ge @!p0 [sflag:s20], $0x1400  }
0x116: {  	[sflag:s20] =	ssyncset.done @!p0 $0x0  }
0x117: {  	[sflag:s20] =	ssyncadd.s32 @!p0 $0xFFFFEC00;
	s20 =	simm.s32 @!p1 $0x1  }
0x118: {  	_ =	swait.ge @!p1 [sflag:s20], $0x28  }
0x119: {  	[sflag:s20] =	ssyncset.done @!p1 $0x0  }
0x11a: {  	[sflag:s20] =	ssyncadd.s32 @!p1 $0xFFFFFFD8  }
0x11b: {  	s21 =	simm.s32 @!p1 $0x200;
	_ =	swait.ge @!p1 [sflag:s20], $0x28  }
0x11c: {  	s30 =	simm.s32 @!p1 $0x400;
	p2 =	sgt.u32 @!p1 s10, $0x3C;
	[sflag:s20] =	ssyncset.done @!p1 $0x0  }
0x11d: {  	p2 =	por p2, p1;
	[sflag:s20] =	ssyncadd.s32 @!p1 $0xFFFFFFD8;
	s20 =	simm.s32 @!p1 $0x28  }
0x11e: {  	[tilespmem:s30], [sflag:$0x5] =	stream.indirect.gather @!p1 [hbm4b:s2+s20], $0x80, s21, s20, $0xb8;
	[tilespmem:$0x19400] =	vst v63  }
0x11f: {  	s21 =	simm.s32 @!p1 $0x2C00;
	s30 =	smul.u32 @!p2 $0xA0, s10  }
0x120: {  	[tilespmem:s21], [sflag:$0x5] =	stream.indirect.gather @!p1 [hbm4b:s5+s20], $0x80, s22, s20, $0xb8;
	[tilespmem:$0x19400] =	vst v63  }
0x121: {  	s20 =	sadd.s32 @!p2 s30, s19  }
.Ltmp11:
0x122: {  	s20 =	sshrl.u32 @!p2 s20, $0x3;
	(pc) =	sbr.rel @p0 .LBB2_18-.Ltmp11, $4  }
0x123: {  	s22 =	simm.s32 @!p2 $0x0;
	s30 =	simm.s32 @!p2 $0x100;
	s21 =	sadd.s32 @!p2 s6, s20  }
0x124: {  	[tilespmem:s30], [sflag:$0x3] =	stream.linear.gather @!p2 [hbm4b:s21+s22], $0x28, $0x38;
	[tilespmem:$0x19400] =	vst v63  }
0x125: {  	s20 =	sadd.s32 @!p2 s7, s20;
	s21 =	simm.s32 @!p2 $0x300  }
0x126: {  	[tilespmem:s21], [sflag:$0x3] =	stream.linear.gather @!p2 [hbm4b:s20+s22], $0x28, $0x38;
	[tilespmem:$0x19400] =	vst v63  }
0x127: {  	s22 =	simm.s32 $0x0  }
0x128: {  	v6 =	vld [tilespmem:s22+$0x4000]  }
0x129: {  	v11 =	vld [tilespmem:s22+$0x4010]  }
0x12a: {  	v5 =	vld [tilespmem:s22+$0x4020]  }
0x12b: {  	v4 =	vld [tilespmem:s22+$0x4030]  }
0x12c: {  	v3 =	vld [tilespmem:s22+$0x4040]  }
0x12d: {  	v2 =	vld [tilespmem:s22+$0x4050]  }
0x12e: {  	v1 =	vld [tilespmem:s22+$0x4060]  }
0x12f: {  	v0 =	vld [tilespmem:s22+$0x4070]  }
0x130: {  	v12 =	vld [tilespmem:s22+$0x1800]  }
0x131: {  	v13 =	vld [tilespmem:s22+$0x1810]  }
0x132: {  	v10 =	vld [tilespmem:s22+$0x1820]  }
0x133: {  	v9 =	vld [tilespmem:s22+$0x1830]  }
0x134: {  	v8 =	vld [tilespmem:s22+$0x1840]  }
0x135: {  	v7 =	vld [tilespmem:s22+$0x1850];
	v12 =	vadd.f32 v6, v12  }
0x136: {  	s21 =	simm.s32 $0x200;
	v11 =	vadd.f32 v11, v13;
	v6 =	vld [tilespmem:s22+$0x1860]  }
.LBB2_16:
0x137: {  	s20 =	sshra.s32 s21, $0x2;
	p0 =	sne.s32 s21, $0x4E00;
	v12 =	vmax.f32 v12, $0.0e+00;
	v5 =	vadd.f32 v5, v10;
	v10 =	vld [tilespmem:s22+$0x1870]  }
0x138: {  	v13 =	vld [tilespmem:s20+$0x4000];
	[tilespmem:s22+$0x1800] =	vst v12;
	v11 =	vmax.f32 v11, $0.0e+00;
	v4 =	vadd.f32 v4, v9  }
0x139: {  	v14 =	vld [tilespmem:s20+$0x4010];
	[tilespmem:s22+$0x1810] =	vst v11;
	v9 =	vmax.f32 v5, $0.0e+00;
	v3 =	vadd.f32 v3, v8  }
0x13a: {  	v5 =	vld [tilespmem:s20+$0x4020];
	[tilespmem:s22+$0x1820] =	vst v9;
	v8 =	vmax.f32 v4, $0.0e+00;
	v2 =	vadd.f32 v2, v7  }
0x13b: {  	v4 =	vld [tilespmem:s20+$0x4030];
	[tilespmem:s22+$0x1830] =	vst v8;
	v7 =	vmax.f32 v3, $0.0e+00;
	v1 =	vadd.f32 v1, v6  }
0x13c: {  	v3 =	vld [tilespmem:s20+$0x4040];
	[tilespmem:s22+$0x1840] =	vst v7;
	v6 =	vmax.f32 v2, $0.0e+00;
	v0 =	vadd.f32 v0, v10  }
0x13d: {  	v2 =	vld [tilespmem:s20+$0x4050];
	[tilespmem:s22+$0x1850] =	vst v6;
	v6 =	vmax.f32 v1, $0.0e+00  }
0x13e: {  	v1 =	vld [tilespmem:s20+$0x4060];
	[tilespmem:s22+$0x1860] =	vst v6;
	v6 =	vmax.f32 v0, $0.0e+00  }
0x13f: {  	v0 =	vld [tilespmem:s20+$0x4070];
	[tilespmem:s22+$0x1870] =	vst v6;
	s22 =	smov.u32 s20  }
0x140: {  	v6 =	vld [tilespmem:s22+$0x1800]  }
0x141: {  	v11 =	vld [tilespmem:s22+$0x1810]  }
.Ltmp12:
0x142: {  	v10 =	vld [tilespmem:s22+$0x1820];
	(pc) =	sbr.rel @p0 .LBB2_16-.Ltmp12, $4  }
0x143: {  	v9 =	vld [tilespmem:s22+$0x1830]  }
0x144: {  	v8 =	vld [tilespmem:s22+$0x1840]  }
0x145: {  	v12 =	vadd.f32 v13, v6;
	v7 =	vld [tilespmem:s22+$0x1850]  }
0x146: {  	s21 =	sadd.s32 $0x200, s21;
	v11 =	vadd.f32 v14, v11;
	v6 =	vld [tilespmem:s22+$0x1860]  }
0x147: {  	v12 =	vmax.f32 v12, $0.0e+00;
	v5 =	vadd.f32 v5, v10;
	v63 =	vld [tilespmem:s22+$0x1870]  }
0x148: {  	[tilespmem:s22+$0x1800] =	vst v12;
	v11 =	vmax.f32 v11, $0.0e+00;
	v4 =	vadd.f32 v4, v9  }
0x149: {  	[tilespmem:s22+$0x1810] =	vst v11;
	v5 =	vmax.f32 v5, $0.0e+00;
	v3 =	vadd.f32 v3, v8  }
0x14a: {  	[tilespmem:s22+$0x1820] =	vst v5;
	v4 =	vmax.f32 v4, $0.0e+00;
	v2 =	vadd.f32 v2, v7  }
0x14b: {  	[tilespmem:s22+$0x1830] =	vst v4;
	v3 =	vmax.f32 v3, $0.0e+00;
	v1 =	vadd.f32 v1, v6  }
0x14c: {  	[tilespmem:s22+$0x1840] =	vst v3;
	v2 =	vmax.f32 v2, $0.0e+00;
	v0 =	vadd.f32 v0, v63  }
0x14d: {  	[tilespmem:s22+$0x1850] =	vst v2;
	v1 =	vmax.f32 v1, $0.0e+00  }
0x14e: {  	[tilespmem:s22+$0x1860] =	vst v1;
	v0 =	vmax.f32 v0, $0.0e+00  }
.Ltmp13:
0x14f: {  	s20 =	simm.s32 $0x380;
	[tilespmem:s22+$0x1870] =	vst v0;
	(pc) =	sbr.rel .LBB2_18-.Ltmp13, $4  }
0x150: {  	[spmem:s3] =	stream.indirect.scatter.add.f32 [tilespmem:s12], [sflag:$0x7], $0x80, s20, s31, $0xb8;
	[tilespmem:$0x19400] =	vst v63  }
0x151: {  	_ =	swait.ge [sflag:s23], $0x1400  }
0x152: {  	[sflag:s23] =	ssyncset.done $0x0  }
0x153: {  	[sflag:s23] =	ssyncadd.s32 $0xFFFFEC00  }
.LBB2_20:
0x154: {  	_ =	sfence.sel $0x180000  }
0x155: {  	[bflag:$0x0] =	sbarrier.arrive $0xFFFF  }
0x156: {  	_ =	strace $0x90000047  }
0x157: {  	s0 =	stileid.u32;
	[bflag:$0x2] =	sbarrier.arrive $0xFFFF  }
0x158: {  	p0 =	sne.s32 s0, $0x0;
	s0 =	rddreg [dreg:$0x3]  }
0x159: {  	s0 =	sadd.s32 @!p0 $0x100000, s0  }
0x15a: {  	[sflag:s0] =	ssyncadd.tile.s32 @!p0 $0x1;
	_ =	shalt  }
.Lfunc_end2:
_tile_overlayer_lowered:
.L_overlay_start_2:
0x15b: {  	(tag) =	ssettag $0x2  }
0x15c: {  	s0 =	rddreg [dreg:$0x0];
	s2 =	stileid.u32  }
0x15d: {  	s1 =	rddreg [dreg:$0x1];
	p0 =	sne.s32 s2, $0x0  }
0x15e: {  	s3 =	rddreg [dreg:$0x2];
	[bflag:$0x3] =	sbarrier.arrive $0xFFFF;
	s2 =	simm.s32 @!p0 $0x1C07  }
0x15f: {  	[timem:s3], [sflag:s2] =	dma.local @!p0 [hbm:s0], s1  }
0x160: {  	s0 =	simm.s32 @!p0 $0x7  }
0x161: {  	_ =	swait.ge @!p0 [sflag:s0], s1  }
0x162: {  	s1 =	ssub.s32 @!p0 $0x0, s1;
	[sflag:s0] =	ssyncset.done @!p0 $0x0  }
0x163: {  	[sflag:s0] =	ssyncadd.s32 @!p0 s1  }
0x164: {  	[bflag:$0x3] =	sbarrier.arrive $0xFFFF  }
0x165: {  	_ =	shalt  }

// kernel: kernel.14.cloned.1.call-start
scs
__scs_entry_jumppad:
0x0: {  	(pc) =	sbr.rel $0x88, $3  }
0x1: {  	(tag) =	ssettag $0x0;
	lr =	simm.s32 $0x1  }
0x2: {  	[smem:$0x3F95] =	sst lr;
	_ =	strace $0xD0000000  }
0x3: {  	_ = 	snop  }
0x4: {  	_ = 	snop  }
0x5: {  	_ = 	snop  }
0x6: {  	_ = 	snop  }
0x7: {  	_ = 	snop  }
__scs_overlays_trampoline_lowered:
0x8: {  	[smem:$0x3FA4] =	sst s0  }
0x9: {  	[smem:$0x3FA5] =	sst s1  }
0xa: {  	[smem:$0x3FA6] =	sst s2  }
0xb: {  	[smem:$0x3FA7] =	sst s3  }
0xc: {  	[smem:$0x3FA8] =	sst s4  }
0xd: {  	[smem:$0x3FA9] =	sst s5  }
0xe: {  	[smem:$0x3FAA] =	sst s6  }
0xf: {  	[smem:$0x3FAB] =	sst s7  }
0x10: {  	[smem:$0x3FAC] =	sst s8  }
0x11: {  	[smem:$0x3FAD] =	sst s9;
	s0 =	simm.s32 @!p0 $0x0  }
0x12: {  	s1 =	sld [smem:$0x3F93];
	s0 =	simm.s32 @p0 $0x1  }
0x13: {  	[smem:$0x3FAE] =	sst s0;
	s0 =	simm.s32 @!p1 $0x0  }
0x14: {  	s2 =	sld [smem:$0x3F92];
	s0 =	simm.s32 @p1 $0x1  }
0x15: {  	[smem:$0x3FAF] =	sst s0;
	s0 =	simm.s32 @!p2 $0x0  }
0x16: {  	s3 =	sld [smem:$0x3FDB];
	s0 =	simm.s32 @p2 $0x1  }
0x17: {  	s4 =	simm.s32 $0x1BF5;
	[smem:$0x3FB1] =	sst s0  }
0x18: {  	s0 =	sld [smem:$0x3F94];
	_ =	swait.ge [sflag:s4], $0x0  }
0x19: {  	s7 =	sld [smem:$0x3F95]  }
0x1a: {  	s8 =	sadd.s32 $0xFFFFE003, lr  }
0x1b: {  	s9 =	sadd.s32 $0xFFFFFEF7, lr;
	s5 =	simm.s32 $0xFFFFFFFF;
	p2 =	slt.u32 s8, $0xFFFFF086  }
0x1c: {  	p1 =	slt.u32 s9, $0xF7A;
	s5 =	simm.s32 @!p2 $0x0  }
0x1d: {  	s5 =	simm.s32 @p1 $0x1;
	p0 =	seq.s32 s7, s2  }
0x1e: {  	s7 =	smul.u32 @!p0 $0xF7A, s2;
	p2 =	seq.s32 @!p0 s5, $0x0  }
0x1f: {  	s9 =	smul.u32 $0xF7A, s1;
	s8 =	simm.s32 @!p0 $0x1BF5;
	p2 =	por !p2, p0  }
0x20: {  	[sflag:s8] =	ssyncset.s32 @!p0 $0xFFFFF086;
	s6 =	sadd.s32 @!p0 s3, s7;
	s7 =	simm.s32 @!p0 $0x108  }
0x21: {  	s3 =	sadd.s32 s3, s9;
	s6 =	sadd.s32 @!p0 $0x88, s6;
	s7 =	simm.s32 @p2 $0x1082  }
0x22: {  	[simem:s7], [sflag:s8] =	dma.local @!p0 [hbm:s6], $0xF7A  }
0x23: {  	s9 =	sor.u32 $0xD0000000, s2;
	s6 =	simm.s32 $0x108;
	_ =	swait.ge @!p0 [sflag:s8], $0x0  }
0x24: {  	s3 =	sadd.s32 $0x88, s3;
	s6 =	simm.s32 @!p1 $0x1082;
	[sflag:s4] =	ssyncset.s32 $0xFFFFF086  }
0x25: {  	[simem:s6], [sflag:s4] =	dma.local [hbm:s3], $0xF7A  }
0x26: {  	[smem:$0x3F95] =	sst s1;
	(tag) =	ssettag s2;
	_ =	strace s9  }
0x27: {  	s1 =	sld [smem:$0x3FA5]  }
0x28: {  	s2 =	sld [smem:$0x3FA6]  }
0x29: {  	s4 =	sld [smem:$0x3FA8]  }
0x2a: {  	p0 =	seq.s32 s5, $0x0;
	s5 =	sld [smem:$0x3FA9]  }
0x2b: {  	s6 =	sld [smem:$0x3FAA]  }
0x2c: {  	s7 =	sld [smem:$0x3FAB]  }
0x2d: {  	s3 =	simm.s32 $0x108;
	s8 =	sld [smem:$0x3FAC]  }
0x2e: {  	s3 =	simm.s32 @!p0 $0x1082;
	s9 =	sld [smem:$0x3FAD]  }
0x2f: {  	lr =	sadd.s32 s0, s3;
	s0 =	sld [smem:$0x3FA4]  }
0x30: {  	s3 =	sld [smem:$0x3FA7]  }
0x31: {  	[smem:$0x3FB0] =	sst s10  }
0x32: {  	s10 =	sld [smem:$0x3FAE];
	_ =	sdelay $0x3  }
0x33: {  	p0 =	seq.s32 s10, $0x1;
	s10 =	sld [smem:$0x3FB0];
	_ =	sdelay $0x3  }
0x34: {  	[smem:$0x3FB0] =	sst s10  }
0x35: {  	s10 =	sld [smem:$0x3FAF];
	_ =	sdelay $0x3  }
0x36: {  	p1 =	seq.s32 s10, $0x1;
	s10 =	sld [smem:$0x3FB0];
	_ =	sdelay $0x3  }
0x37: {  	[smem:$0x3FB0] =	sst s10  }
0x38: {  	s10 =	sld [smem:$0x3FB1]  }
0x39: {  	_ = 	snop;
	(pc) =	sbr.ind lr, $3  }
0x3a: {  	_ = 	snop  }
0x3b: {  	_ = 	snop  }
0x3c: {  	p2 =	seq.s32 s10, $0x1;
	s10 =	sld [smem:$0x3FB0]  }
0x3d: {  	_ =	shalt  }
0x3e: {  	_ =	shalt  }
0x3f: {  	_ =	shalt  }
0x40: {  	_ =	shalt  }
0x41: {  	_ =	shalt  }
0x42: {  	_ =	shalt  }
0x43: {  	_ =	shalt  }
0x44: {  	_ =	shalt  }
0x45: {  	_ =	shalt  }
0x46: {  	_ =	shalt  }
0x47: {  	_ =	shalt  }
0x48: {  	_ =	shalt  }
0x49: {  	_ =	shalt  }
0x4a: {  	_ =	shalt  }
0x4b: {  	_ =	shalt  }
0x4c: {  	_ =	shalt  }
0x4d: {  	_ =	shalt  }
0x4e: {  	_ =	shalt  }
0x4f: {  	_ =	shalt  }
0x50: {  	_ =	shalt  }
0x51: {  	_ =	shalt  }
0x52: {  	_ =	shalt  }
0x53: {  	_ =	shalt  }
0x54: {  	_ =	shalt  }
0x55: {  	_ =	shalt  }
0x56: {  	_ =	shalt  }
0x57: {  	_ =	shalt  }
0x58: {  	_ =	shalt  }
0x59: {  	_ =	shalt  }
0x5a: {  	_ =	shalt  }
0x5b: {  	_ =	shalt  }
0x5c: {  	_ =	shalt  }
0x5d: {  	_ =	shalt  }
0x5e: {  	_ =	shalt  }
0x5f: {  	_ =	shalt  }
0x60: {  	_ =	shalt  }
0x61: {  	_ =	shalt  }
0x62: {  	_ =	shalt  }
0x63: {  	_ =	shalt  }
0x64: {  	_ =	shalt  }
0x65: {  	_ =	shalt  }
0x66: {  	_ =	shalt  }
0x67: {  	_ =	shalt  }
0x68: {  	_ =	shalt  }
0x69: {  	_ =	shalt  }
0x6a: {  	_ =	shalt  }
0x6b: {  	_ =	shalt  }
0x6c: {  	_ =	shalt  }
0x6d: {  	_ =	shalt  }
0x6e: {  	_ =	shalt  }
0x6f: {  	_ =	shalt  }
0x70: {  	_ =	shalt  }
0x71: {  	_ =	shalt  }
0x72: {  	_ =	shalt  }
0x73: {  	_ =	shalt  }
0x74: {  	_ =	shalt  }
0x75: {  	_ =	shalt  }
0x76: {  	_ =	shalt  }
0x77: {  	_ =	shalt  }
0x78: {  	_ =	shalt  }
0x79: {  	_ =	shalt  }
0x7a: {  	_ =	shalt  }
0x7b: {  	_ =	shalt  }
0x7c: {  	_ =	shalt  }
0x7d: {  	_ =	shalt  }
0x7e: {  	_ =	shalt  }
0x7f: {  	_ =	shalt  }
0x80: {  	_ =	shalt  }
0x81: {  	_ =	shalt  }
0x82: {  	_ =	shalt  }
0x83: {  	_ =	shalt  }
0x84: {  	_ =	shalt  }
0x85: {  	_ =	shalt  }
0x86: {  	_ =	shalt  }
0x87: {  	_ =	shalt  }
.Lfunc_end0:
.L_simem_size_0:
called_computation.2_lowered:
.L_overlay_start_0:
0x88: {  	s2 =	sld [smem:$0x3FD9]  }
0x89: {  	s3 =	sld [smem:$0x3FFE];
	_ =	sdelay $0x1  }
0x8a: {  	s1 =	srdreg.scid  }
0x8b: {  	s0 =	sand.u32 $0x1, s1  }
0x8c: {  	s16 =	sshll.u32 s0, $0xA;
	s2 =	sadd.s32 s3, s2  }
0x8d: {  	s2 =	sadd.s32 s2, s16  }
0x8e: {  	[smem:$0x3FBC] =	sst s2  }
0x8f: {  	_ = 	snop  }
0x90: {  	(tm) =	ssettm $0x1  }
0x91: {  	s17 =	sld [smem:$0x3FFB];
	_ =	sdelay $0x3  }
0x92: {  	_ =	strace s17  }
0x93: {  	s2 =	sld [smem:$0x3FFC];
	_ =	sdelay $0x3  }
0x94: {  	_ =	strace s2  }
0x95: {  	s2 =	sld [smem:$0x3FFD];
	_ =	sdelay $0x3  }
0x96: {  	_ =	strace s2  }
0x97: {  	_ =	strace $0x8FFFFFFF  }
0x98: {  	s18 =	sld [smem:$0x3FDB];
	_ =	sdelay $0x1  }
0x99: {  	s19 =	simm.s32 $_scs_section_size  }
0x9a: {  	s4 =	simm.s32 $_size__tile_overlayer_lowered;
	s5 =	simm.s32 $_tile_overlayer_lowered  }
0x9b: {  	s22 =	simm.s32 $0x1BFF;
	s21 =	sshll.u32 s5, $0x1;
	s2 =	sadd.s32 s19, s18  }
0x9c: {  	s6 =	simm.s32 $0x0;
	s20 =	sshll.u32 s4, $0x1;
	s4 =	sadd.s32 s21, s2  }
0x9d: {  	[timem:s6], [sflag:s22] =	dma.local [hbm:s4], s20  }
0x9e: {  	_ =	swait.ge [sflag:s22], s20  }
0x9f: {  	s3 =	ssub.s32 $0x0, s20;
	[sflag:s22] =	ssyncset.done $0x0  }
0xa0: {  	[sflag:s22] =	ssyncadd.s32 s3;
	_ =	sdelay $0x1  }
0xa1: {  	s23 =	simm.s32 $0x1B8B  }
0xa2: {  	_ =	swait.ge [sflag:s23], $0x1  }
0xa3: {  	[sflag:s23] =	ssyncset.done $0x0  }
0xa4: {  	s25 =	simm.s32 $0x1B8E;
	s24 =	sld [smem:$0x3FFE];
	[sflag:s23] =	ssyncadd.s32 $0xFFFFFFFF  }
0xa5: {  	s26 =	simm.s32 $execute0_lowered;
	[smem:$0x3FD2] =	sst s25  }
0xa6: {  	s4 =	sshll.u32 s26, $0x1;
	_ =	strace $0x8000004C;
	[dreg:$0x1] =	wrdreg $0xFFFFFFFF  }
0xa7: {  	s28 =	simm.s32 $_size_execute0_lowered;
	s2 =	sadd.s32 s2, s4;
	[dreg:$0x0] =	wrdreg $0x0  }
0xa8: {  	s4 =	sshll.u32 s28, $0x1;
	[dreg:$0x2] =	wrdreg s2  }
0xa9: {  	[dreg:$0x3] =	wrdreg s4  }
0xaa: {  	[dreg:$0x4] =	wrdreg $0xC0  }
0xab: {  	_ =	task [dreg:s6], $0x5FFFF  }
0xac: {  	[dreg:$0x1] =	wrdreg $0xFFFFFFFF  }
0xad: {  	[dreg:$0x0] =	wrdreg $0x60  }
0xae: {  	[dreg:$0x2] =	wrdreg s24  }
0xaf: {  	[dreg:$0x3] =	wrdreg $0x54000  }
0xb0: {  	[dreg:$0x4] =	wrdreg $0x9  }
0xb1: {  	_ =	task.clear_ibuf [dreg:s6], $0x5FFFF;
	_ =	strace $0x9000004C  }
0xb2: {  	s29 =	simm.s32 $0x9;
	_ =	strace $0x8000004E  }
0xb3: {  	_ =	swait.ge [sflag:s29], $0x1  }
0xb4: {  	[sflag:s29] =	ssyncadd.s32 $0xFFFFFFFF  }
0xb5: {  	_ =	strace $0x9000004E  }
0xb6: {  	_ =	sfence  }
0xb7: {  	s30 =	sld [smem:$0x0];
	_ =	sdelay $0x2  }
0xb8: {  	s31 =	sshll.u32 s1, $0xD;
	s1 =	sshrl.u32 s1, $0x2  }
0xb9: {  	s3 =	sand.u32 $0x4000, s31;
	s1 =	sadd.s32 s1, s30  }
0xba: {  	s0 =	sor.u32 s3, s0;
	s1 =	sshll.u32 s1, $0x11  }
0xbb: {  	s0 =	sor.u32 s1, s0  }
0xbc: {  	s0 =	sadd.s32 $0x8F2B, s0  }
0xbd: {  	[sflag:s0] =	ssyncadd.remote.s32 $0x1  }
0xbe: {  	_ =	sfence.sel $0xFFFF  }
0xbf: {  	[dreg:$0x0] =	wrdreg $0xFFFFFFFF;
	(pc) =	sbr.abs _section_cstart, $3  }
0xc0: {  	[dreg:$0x1] =	wrdreg $0xFFFFFFFF  }
0xc1: {  	_ =	task.clear_ibuf [dreg:s6], $0x2FFFF;
	_ =	strace $0x9FFFFFFF  }
0xc2: {  	(tm) =	ssettm $0x7FFFFFFF  }
0xc3: {  	_ =	shalt  }
tec
execute0_lowered:
.L_overlay_start_1:
0x0: {  	(tag) =	ssettag $0x1  }
0x1: {  	s0 =	rddreg [dreg:$0x0]  }
0x2: {  	s2 =	rddreg [dreg:$0x1]  }
0x3: {  	s12 =	stileid.u32;
	s1 =	srdreg.scid  }
0x4: {  	s3 =	simm.s32 $0x0;
	s28 =	simm.s32 $0x100;
	s29 =	simm.s32 $0x300  }
0x5: {  	s31 =	simm.s32 $0x28;
	s13 =	simm.s32 $0x4000;
	s14 =	simm.s32 $0x8  }
0x6: {  	s15 =	simm.s32 $0x6;
	s16 =	simm.s32 $0x3;
	s7 =	smul.u32 $0x14000, s12  }
0x7: {  	s1 =	sand.u32 $0x1, s1;
	[smem:$0x7FF] =	sst s3;
	s4 =	sadd.s32 $0x17E00, s0  }
0x8: {  	s5 =	sadd.s32 $0x67000, s0;
	s6 =	sadd.s32 $0xE000, s0;
	s11 =	smul.u32 $0x50000, s12  }
0x9: {  	s20 =	sshll.u32 s12, $0x6;
	s8 =	smul.u32 $0x140000, s1;
	_ =	strace $0x8000004D  }
0xa: {  	s10 =	ssub.s32 $0x2, s1;
	s1 =	sshll.u32 s1, $0x4;
	s20 =	sor.u32 $0x1C07, s20  }
0xb: {  	s9 =	sshrl.u32 s7, $0x3;
	s18 =	sshrl.u32 s10, $0x1;
	s1 =	sor.u32 s12, s1  }
0xc: {  	s19 =	sshrl.u32 s11, $0x2;
	[dreg:$0x4] =	wrdreg s20;
	s8 =	sadd.s32 s7, s8  }
0xd: {  	s7 =	sadd.s32 $0x4200, s0;
	s9 =	sadd.s32 s9, s0;
	s10 =	ssub.s32 s10, s18  }
0xe: {  	s8 =	sshrl.u32 s8, $0x3;
	s9 =	sadd.s32 $0x3F000, s9;
	s30 =	smax.u32 s10, $0x1  }
0xf: {  	s0 =	sadd.s32 s8, s0;
	s8 =	smul.u32 $0x2710, s1;
	[dreg:$0x3] =	wrdreg s9  }
0x10: {  	s12 =	simm.s32 $0x1800;
	s1 =	sadd.s32 s19, s2;
	[dreg:$0xc] =	wrdreg s30  }
0x11: {  	s0 =	sadd.s32 $0xB5400, s0;
	s21 =	sshrl.u32 s8, $0x3;
	s22 =	sadd.s32 $0x28, s8  }
0x12: {  	s17 =	sadd.s32 $0xA0, s8;
	s18 =	sadd.s32 $0xC8, s8;
	s19 =	sadd.s32 $0xF0, s8  }
0x13: {  	[dreg:$0xb] =	wrdreg s0;
	s0 =	simm.s32 $0x400;
	s23 =	sadd.s32 s6, s21  }
0x14: {  	s24 =	sadd.s32 s7, s21;
	s11 =	sshrl.u32 s22, $0x3;
	[dreg:$0x5] =	wrdreg s23  }
0x15: {  	s9 =	sadd.s32 $0xA, s21;
	s21 =	sshrl.u32 s1, $0x3;
	[dreg:$0x6] =	wrdreg s24  }
0x16: {  	s1 =	simm.s32 $0x2C00;
	s25 =	sadd.s32 s6, s11;
	[dreg:$0xd] =	wrdreg s21  }
.Ltmp0:
0x17: {  	s11 =	sadd.s32 s7, s11;
	[dreg:$0x7] =	wrdreg s25;
	(pc) =	sbr.rel .LBB2_1-.Ltmp0, $4  }
0x18: {  	s22 =	simm.s32 $0x0;
	s26 =	sadd.s32 s6, s9;
	[dreg:$0x8] =	wrdreg s11  }
0x19: {  	s9 =	sadd.s32 s7, s9;
	s23 =	simm.s32 $0x7;
	[dreg:$0x9] =	wrdreg s26  }
0x1a: {  	s24 =	simm.s32 $0x200;
	[dreg:$0xa] =	wrdreg s9;
	s25 =	simm.s32 $0x80  }
0x1b: {  	s26 =	simm.s32 $0x280;
	s9 =	simm.s32 $0x5;
	s11 =	simm.s32 $0x2  }
.LBB2_19:
0x1c: {  	[bflag:$0x0] =	sbarrier.arrive $0xFFFF  }
0x1d: {  	s20 =	rddreg [dreg:$0x4]  }
0x1e: {  	s10 =	rddreg [dreg:$0xb]  }
0x1f: {  	s21 =	rddreg [dreg:$0xd]  }
0x20: {  	[hbm:s10], [sflag:s20] =	dma.local [spmem:s21], $0x2800  }
0x21: {  	_ =	swait.ge [sflag:s23], $0x2800  }
0x22: {  	s22 =	rddreg [dreg:$0xe]  }
0x23: {  	s30 =	rddreg [dreg:$0xc];
	s22 =	sadd.s32 $0x1, s22  }
0x24: {  	p0 =	sne.s32 s22, s30  }
.Ltmp1:
0x25: {  	_ = 	snop;
	(pc) =	sbr.rel @!p0 .LBB2_20-.Ltmp1, $3  }
0x26: {  	_ =	sdelay $0x1  }
0x27: {  	[sflag:s23] =	ssyncset.done $0x0  }
0x28: {  	[sflag:s23] =	ssyncadd.s32 $0xFFFFD800  }
.LBB2_1:
0x29: {  	[dreg:$0xe] =	wrdreg s22  }
0x2a: {  	s10 =	rddreg [dreg:$0x3]  }
0x2b: {  	[spmem:s21], [sflag:s20] =	dma.local [hbm:s10], $0x2800  }
0x2c: {  	_ =	swait.ge [sflag:s23], $0x2800  }
0x2d: {  	[sflag:s23] =	ssyncset.done $0x0  }
0x2e: {  	[sflag:s23] =	ssyncadd.s32 $0xFFFFD800  }
0x2f: {  	[bflag:$0x0] =	sbarrier.arrive $0xFFFF  }
0x30: {  	s21 =	rddreg [dreg:$0x5]  }
0x31: {  	[tilespmem:s3], [sflag:$0x1] =	stream.linear.gather [hbm4b:s21+s3], $0x28, $0x38;
	[tilespmem:$0x19400] =	vst v63  }
0x32: {  	s22 =	rddreg [dreg:$0x6]  }
0x33: {  	[tilespmem:s24], [sflag:$0x1] =	stream.linear.gather [hbm4b:s22+s3], $0x28, $0x38;
	[tilespmem:$0x19400] =	vst v63  }
0x34: {  	s30 =	rddreg [dreg:$0x7]  }
0x35: {  	[tilespmem:s25], [sflag:$0x2] =	stream.linear.gather [hbm4b:s30+s3], $0x28, $0x38;
	[tilespmem:$0x19400] =	vst v63  }
0x36: {  	s20 =	rddreg [dreg:$0x8]  }
0x37: {  	[tilespmem:s26], [sflag:$0x2] =	stream.linear.gather [hbm4b:s20+s3], $0x28, $0x38;
	[tilespmem:$0x19400] =	vst v63  }
0x38: {  	s21 =	rddreg [dreg:$0x9]  }
0x39: {  	[tilespmem:s28], [sflag:$0x3] =	stream.linear.gather [hbm4b:s21+s3], $0x28, $0x38;
	[tilespmem:$0x19400] =	vst v63  }
0x3a: {  	s22 =	rddreg [dreg:$0xa];
	s30 =	simm.s32 $0x1  }
0x3b: {  	[tilespmem:s29], [sflag:$0x3] =	stream.linear.gather [hbm4b:s22+s3], $0x28, $0x38;
	[tilespmem:$0x19400] =	vst v63  }
0x3c: {  	_ =	swait.ge [sflag:s30], $0x28  }
0x3d: {  	[sflag:s30] =	ssyncset.done $0x0  }
0x3e: {  	[sflag:s30] =	ssyncadd.s32 $0xFFFFFFD8  }
0x3f: {  	_ =	swait.ge [sflag:s30], $0x28  }
.Ltmp2:
0x40: {  	[sflag:s30] =	ssyncset.done $0x0;
	(pc) =	sbr.rel .LBB2_2-.Ltmp2, $4  }
0x41: {  	[sflag:s30] =	ssyncadd.s32 $0xFFFFFFD8  }
0x42: {  	[tilespmem:s0], [sflag:$0x5] =	stream.indirect.gather [hbm4b:s4+s31], $0x80, s24, s31, $0xb8;
	[tilespmem:$0x19400] =	vst v63  }
0x43: {  	s10 =	simm.s32 $0x0  }
0x44: {  	[tilespmem:s1], [sflag:$0x5] =	stream.indirect.gather [hbm4b:s5+s31], $0x80, s3, s31, $0xb8;
	[tilespmem:$0x19400] =	vst v63  }
.LBB2_18:
0x45: {  	s10 =	sadd.s32 $0x1, s10  }
0x46: {  	p0 =	sne.s32 s10, $0x3F  }
.Ltmp3:
0x47: {  	_ = 	snop;
	(pc) =	sbr.rel @!p0 .LBB2_19-.Ltmp3, $1  }
0x48: {  	_ =	sdelay $0x3  }
.LBB2_2:
0x49: {  	_ =	swait.ge [sflag:s9], $0x1400  }
0x4a: {  	[sflag:s9] =	ssyncset.done $0x0  }
0x4b: {  	[sflag:s9] =	ssyncadd.s32 $0xFFFFEC00  }
0x4c: {  	_ =	swait.ge [sflag:s9], $0x1400  }
0x4d: {  	[sflag:s9] =	ssyncset.done $0x0  }
0x4e: {  	[sflag:s9] =	ssyncadd.s32 $0xFFFFEC00  }
0x4f: {  	_ =	swait.ge [sflag:s11], $0x28  }
0x50: {  	s21 =	sshllo.u32 s10, $0x2;
	[sflag:s11] =	ssyncset.done $0x0  }
0x51: {  	p0 =	sgt.u32 s21, $0xF9;
	[sflag:s11] =	ssyncadd.s32 $0xFFFFFFD8  }
0x52: {  	s21 =	smul.u32 @!p0 $0x28, s21;
	_ =	swait.ge [sflag:s11], $0x28  }
0x53: {  	[sflag:s11] =	ssyncset.done $0x0  }
0x54: {  	s21 =	sadd.s32 @!p0 s8, s21;
	[sflag:s11] =	ssyncadd.s32 $0xFFFFFFD8  }
0x55: {  	[tilespmem:s12], [sflag:$0x6] =	stream.indirect.gather [hbm4b:s4+s31], $0x80, s26, s31, $0xb8;
	[tilespmem:$0x19400] =	vst v63  }
0x56: {  	s21 =	sshrl.u32 @!p0 s21, $0x3  }
0x57: {  	[tilespmem:s13], [sflag:$0x6] =	stream.indirect.gather [hbm4b:s5+s31], $0x80, s25, s31, $0xb8;
	[tilespmem:$0x19400] =	vst v63  }
0x58: {  	s30 =	simm.s32 @!p0 $0x0;
	s20 =	simm.s32 @!p0 $0x180;
	s22 =	sadd.s32 @!p0 s6, s21  }
0x59: {  	[tilespmem:s20], [sflag:$0x4] =	stream.linear.gather @!p0 [hbm4b:s22+s30], $0x28, $0x38;
	[tilespmem:$0x19400] =	vst v63  }
0x5a: {  	s20 =	sadd.s32 @!p0 s7, s21;
	s21 =	simm.s32 @!p0 $0x380;
	s22 =	simm.s32 $0x0  }
0x5b: {  	[tilespmem:s21], [sflag:$0x4] =	stream.linear.gather @!p0 [hbm4b:s20+s30], $0x28, $0x38;
	[tilespmem:$0x19400] =	vst v63  }
0x5c: {  	v6 =	vld [tilespmem:s22+$0x2C00]  }
0x5d: {  	v11 =	vld [tilespmem:s22+$0x2C10]  }
0x5e: {  	v5 =	vld [tilespmem:s22+$0x2C20]  }
0x5f: {  	v4 =	vld [tilespmem:s22+$0x2C30]  }
0x60: {  	v3 =	vld [tilespmem:s22+$0x2C40]  }
0x61: {  	v2 =	vld [tilespmem:s22+$0x2C50]  }
0x62: {  	v1 =	vld [tilespmem:s22+$0x2C60]  }
0x63: {  	v0 =	vld [tilespmem:s22+$0x2C70]  }
0x64: {  	v12 =	vld [tilespmem:s22+$0x400]  }
0x65: {  	v13 =	vld [tilespmem:s22+$0x410]  }
0x66: {  	v10 =	vld [tilespmem:s22+$0x420]  }
0x67: {  	v9 =	vld [tilespmem:s22+$0x430]  }
0x68: {  	v8 =	vld [tilespmem:s22+$0x440]  }
0x69: {  	v7 =	vld [tilespmem:s22+$0x450];
	v12 =	vadd.f32 v6, v12  }
0x6a: {  	s30 =	simm.s32 $0x200;
	v11 =	vadd.f32 v11, v13;
	v6 =	vld [tilespmem:s22+$0x460]  }
.LBB2_3:
0x6b: {  	s20 =	sshra.s32 s30, $0x2;
	p1 =	sne.s32 s30, $0x4E00;
	v12 =	vmax.f32 v12, $0.0e+00;
	v5 =	vadd.f32 v5, v10;
	v10 =	vld [tilespmem:s22+$0x470]  }
0x6c: {  	v13 =	vld [tilespmem:s20+$0x2C00];
	[tilespmem:s22+$0x400] =	vst v12;
	v11 =	vmax.f32 v11, $0.0e+00;
	v4 =	vadd.f32 v4, v9  }
0x6d: {  	v14 =	vld [tilespmem:s20+$0x2C10];
	[tilespmem:s22+$0x410] =	vst v11;
	v9 =	vmax.f32 v5, $0.0e+00;
	v3 =	vadd.f32 v3, v8  }
0x6e: {  	v5 =	vld [tilespmem:s20+$0x2C20];
	[tilespmem:s22+$0x420] =	vst v9;
	v8 =	vmax.f32 v4, $0.0e+00;
	v2 =	vadd.f32 v2, v7  }
0x6f: {  	v4 =	vld [tilespmem:s20+$0x2C30];
	[tilespmem:s22+$0x430] =	vst v8;
	v7 =	vmax.f32 v3, $0.0e+00;
	v1 =	vadd.f32 v1, v6  }
0x70: {  	v3 =	vld [tilespmem:s20+$0x2C40];
	[tilespmem:s22+$0x440] =	vst v7;
	v6 =	vmax.f32 v2, $0.0e+00;
	v0 =	vadd.f32 v0, v10  }
0x71: {  	v2 =	vld [tilespmem:s20+$0x2C50];
	[tilespmem:s22+$0x450] =	vst v6;
	v6 =	vmax.f32 v1, $0.0e+00  }
0x72: {  	v1 =	vld [tilespmem:s20+$0x2C60];
	[tilespmem:s22+$0x460] =	vst v6;
	v6 =	vmax.f32 v0, $0.0e+00  }
0x73: {  	v0 =	vld [tilespmem:s20+$0x2C70];
	[tilespmem:s22+$0x470] =	vst v6;
	s22 =	smov.u32 s20  }
0x74: {  	v6 =	vld [tilespmem:s22+$0x400]  }
0x75: {  	v11 =	vld [tilespmem:s22+$0x410]  }
.Ltmp4:
0x76: {  	v10 =	vld [tilespmem:s22+$0x420];
	(pc) =	sbr.rel @p1 .LBB2_3-.Ltmp4, $4  }
0x77: {  	v9 =	vld [tilespmem:s22+$0x430]  }
0x78: {  	v8 =	vld [tilespmem:s22+$0x440]  }
0x79: {  	v12 =	vadd.f32 v13, v6;
	v7 =	vld [tilespmem:s22+$0x450]  }
0x7a: {  	s30 =	sadd.s32 $0x200, s30;
	v11 =	vadd.f32 v14, v11;
	v6 =	vld [tilespmem:s22+$0x460]  }
0x7b: {  	v12 =	vmax.f32 v12, $0.0e+00;
	v5 =	vadd.f32 v5, v10;
	v63 =	vld [tilespmem:s22+$0x470]  }
0x7c: {  	[tilespmem:s22+$0x400] =	vst v12;
	v11 =	vmax.f32 v11, $0.0e+00;
	v4 =	vadd.f32 v4, v9  }
0x7d: {  	[tilespmem:s22+$0x410] =	vst v11;
	v5 =	vmax.f32 v5, $0.0e+00;
	v3 =	vadd.f32 v3, v8  }
0x7e: {  	[tilespmem:s22+$0x420] =	vst v5;
	v4 =	vmax.f32 v4, $0.0e+00;
	v2 =	vadd.f32 v2, v7  }
0x7f: {  	[tilespmem:s22+$0x430] =	vst v4;
	v3 =	vmax.f32 v3, $0.0e+00;
	v1 =	vadd.f32 v1, v6  }
0x80: {  	[tilespmem:s22+$0x440] =	vst v3;
	v2 =	vmax.f32 v2, $0.0e+00;
	v0 =	vadd.f32 v0, v63  }
0x81: {  	[tilespmem:s22+$0x450] =	vst v2;
	v1 =	vmax.f32 v1, $0.0e+00  }
0x82: {  	[tilespmem:s22+$0x460] =	vst v1;
	v0 =	vmax.f32 v0, $0.0e+00  }
0x83: {  	[tilespmem:s22+$0x470] =	vst v0  }
0x84: {  	[spmem:s2] =	stream.indirect.scatter.add.f32 [tilespmem:s0], [sflag:$0x8], $0x80, s24, s31, $0xb8;
	[tilespmem:$0x19400] =	vst v63  }
0x85: {  	_ =	swait.ge [sflag:s14], $0x1400  }
0x86: {  	[sflag:s14] =	ssyncset.done $0x0  }
0x87: {  	[sflag:s14] =	ssyncadd.s32 $0xFFFFEC00  }
0x88: {  	p2 =	sgt.u32 s10, $0x3D;
	_ =	swait.ge [sflag:s15], $0x1400  }
.Ltmp5:
0x89: {  	[sflag:s15] =	ssyncset.done $0x0;
	(pc) =	sbr.rel @p2 .LBB2_6-.Ltmp5, $4  }
0x8a: {  	[sflag:s15] =	ssyncadd.s32 $0xFFFFEC00  }
0x8b: {  	_ =	swait.ge [sflag:s15], $0x1400  }
0x8c: {  	[sflag:s15] =	ssyncset.done $0x0  }
0x8d: {  	[sflag:s15] =	ssyncadd.s32 $0xFFFFEC00  }
0x8e: {  	_ =	swait.ge [sflag:s16], $0x28  }
0x8f: {  	[sflag:s16] =	ssyncset.done $0x0  }
0x90: {  	[sflag:s16] =	ssyncadd.s32 $0xFFFFFFD8  }
0x91: {  	_ =	swait.ge [sflag:s16], $0x28  }
.Ltmp6:
0x92: {  	[sflag:s16] =	ssyncset.done $0x0;
	(pc) =	sbr.rel .LBB2_7-.Ltmp6, $4  }
0x93: {  	[sflag:s16] =	ssyncadd.s32 $0xFFFFFFD8  }
0x94: {  	[tilespmem:s0], [sflag:$0x5] =	stream.indirect.gather [hbm4b:s4+s31], $0x80, s29, s31, $0xb8;
	[tilespmem:$0x19400] =	vst v63  }
0x95: {  	_ = 	snop  }
0x96: {  	[tilespmem:s1], [sflag:$0x5] =	stream.indirect.gather [hbm4b:s5+s31], $0x80, s28, s31, $0xb8;
	[tilespmem:$0x19400] =	vst v63  }
.LBB2_6:
0x97: {  	p3 =	seq.s32 s10, $0x3E  }
.Ltmp7:
0x98: {  	_ = 	snop;
	(pc) =	sbr.rel @p3 .LBB2_8-.Ltmp7, $2  }
0x99: {  	_ =	sdelay $0x2  }
0x9a: {  	p1 =	por $0x1, $0x1  }
.LBB2_7:
0x9b: {  	s20 =	smul.u32 $0xA0, s10;
	_ =	sdelay $0x1  }
0x9c: {  	s20 =	sadd.s32 s20, s17  }
0x9d: {  	s20 =	sshrl.u32 s20, $0x3  }
0x9e: {  	s21 =	sadd.s32 s6, s20  }
0x9f: {  	[tilespmem:s3], [sflag:$0x1] =	stream.linear.gather [hbm4b:s21+s3], $0x28, $0x38;
	[tilespmem:$0x19400] =	vst v63  }
0xa0: {  	p1 =	por $0x0, $0x0;
	s20 =	sadd.s32 s7, s20  }
0xa1: {  	[tilespmem:s24], [sflag:$0x1] =	stream.linear.gather [hbm4b:s20+s3], $0x28, $0x38;
	[tilespmem:$0x19400] =	vst v63  }
.LBB2_8:
0xa2: {  	s22 =	simm.s32 $0x0  }
0xa3: {  	v6 =	vld [tilespmem:s22+$0x4000]  }
0xa4: {  	v11 =	vld [tilespmem:s22+$0x4010]  }
0xa5: {  	v5 =	vld [tilespmem:s22+$0x4020]  }
0xa6: {  	v4 =	vld [tilespmem:s22+$0x4030]  }
0xa7: {  	v3 =	vld [tilespmem:s22+$0x4040]  }
0xa8: {  	v2 =	vld [tilespmem:s22+$0x4050]  }
0xa9: {  	v1 =	vld [tilespmem:s22+$0x4060]  }
0xaa: {  	v0 =	vld [tilespmem:s22+$0x4070]  }
0xab: {  	v12 =	vld [tilespmem:s22+$0x1800]  }
0xac: {  	v13 =	vld [tilespmem:s22+$0x1810]  }
0xad: {  	v10 =	vld [tilespmem:s22+$0x1820]  }
0xae: {  	v9 =	vld [tilespmem:s22+$0x1830]  }
0xaf: {  	v8 =	vld [tilespmem:s22+$0x1840]  }
0xb0: {  	v7 =	vld [tilespmem:s22+$0x1850];
	v12 =	vadd.f32 v6, v12  }
0xb1: {  	s30 =	simm.s32 $0x200;
	v11 =	vadd.f32 v11, v13;
	v6 =	vld [tilespmem:s22+$0x1860]  }
.LBB2_9:
0xb2: {  	s20 =	sshra.s32 s30, $0x2;
	p3 =	sne.s32 s30, $0x4E00;
	v12 =	vmax.f32 v12, $0.0e+00;
	v5 =	vadd.f32 v5, v10;
	v10 =	vld [tilespmem:s22+$0x1870]  }
0xb3: {  	v13 =	vld [tilespmem:s20+$0x4000];
	[tilespmem:s22+$0x1800] =	vst v12;
	v11 =	vmax.f32 v11, $0.0e+00;
	v4 =	vadd.f32 v4, v9  }
0xb4: {  	v14 =	vld [tilespmem:s20+$0x4010];
	[tilespmem:s22+$0x1810] =	vst v11;
	v9 =	vmax.f32 v5, $0.0e+00;
	v3 =	vadd.f32 v3, v8  }
0xb5: {  	v5 =	vld [tilespmem:s20+$0x4020];
	[tilespmem:s22+$0x1820] =	vst v9;
	v8 =	vmax.f32 v4, $0.0e+00;
	v2 =	vadd.f32 v2, v7  }
0xb6: {  	v4 =	vld [tilespmem:s20+$0x4030];
	[tilespmem:s22+$0x1830] =	vst v8;
	v7 =	vmax.f32 v3, $0.0e+00;
	v1 =	vadd.f32 v1, v6  }
0xb7: {  	v3 =	vld [tilespmem:s20+$0x4040];
	[tilespmem:s22+$0x1840] =	vst v7;
	v6 =	vmax.f32 v2, $0.0e+00;
	v0 =	vadd.f32 v0, v10  }
0xb8: {  	v2 =	vld [tilespmem:s20+$0x4050];
	[tilespmem:s22+$0x1850] =	vst v6;
	v6 =	vmax.f32 v1, $0.0e+00  }
0xb9: {  	v1 =	vld [tilespmem:s20+$0x4060];
	[tilespmem:s22+$0x1860] =	vst v6;
	v6 =	vmax.f32 v0, $0.0e+00  }
0xba: {  	v0 =	vld [tilespmem:s20+$0x4070];
	[tilespmem:s22+$0x1870] =	vst v6;
	s22 =	smov.u32 s20  }
0xbb: {  	v6 =	vld [tilespmem:s22+$0x1800]  }
0xbc: {  	v11 =	vld [tilespmem:s22+$0x1810]  }
.Ltmp8:
0xbd: {  	v10 =	vld [tilespmem:s22+$0x1820];
	(pc) =	sbr.rel @p3 .LBB2_9-.Ltmp8, $4  }
0xbe: {  	v9 =	vld [tilespmem:s22+$0x1830]  }
0xbf: {  	v8 =	vld [tilespmem:s22+$0x1840]  }
0xc0: {  	v12 =	vadd.f32 v13, v6;
	v7 =	vld [tilespmem:s22+$0x1850]  }
0xc1: {  	s30 =	sadd.s32 $0x200, s30;
	v11 =	vadd.f32 v14, v11;
	v6 =	vld [tilespmem:s22+$0x1860]  }
0xc2: {  	v12 =	vmax.f32 v12, $0.0e+00;
	v5 =	vadd.f32 v5, v10;
	v63 =	vld [tilespmem:s22+$0x1870]  }
0xc3: {  	[tilespmem:s22+$0x1800] =	vst v12;
	v11 =	vmax.f32 v11, $0.0e+00;
	v4 =	vadd.f32 v4, v9  }
0xc4: {  	[tilespmem:s22+$0x1810] =	vst v11;
	v5 =	vmax.f32 v5, $0.0e+00;
	v3 =	vadd.f32 v3, v8  }
0xc5: {  	[tilespmem:s22+$0x1820] =	vst v5;
	v4 =	vmax.f32 v4, $0.0e+00;
	v2 =	vadd.f32 v2, v7  }
0xc6: {  	[tilespmem:s22+$0x1830] =	vst v4;
	v3 =	vmax.f32 v3, $0.0e+00;
	v1 =	vadd.f32 v1, v6  }
0xc7: {  	[tilespmem:s22+$0x1840] =	vst v3;
	v2 =	vmax.f32 v2, $0.0e+00;
	v0 =	vadd.f32 v0, v63  }
0xc8: {  	[tilespmem:s22+$0x1850] =	vst v2;
	v1 =	vmax.f32 v1, $0.0e+00  }
0xc9: {  	[tilespmem:s22+$0x1860] =	vst v1;
	v0 =	vmax.f32 v0, $0.0e+00  }
0xca: {  	[tilespmem:s22+$0x1870] =	vst v0  }
0xcb: {  	[spmem:s2] =	stream.indirect.scatter.add.f32 [tilespmem:s12], [sflag:$0x8], $0x80, s26, s31, $0xb8;
	[tilespmem:$0x19400] =	vst v63  }
0xcc: {  	_ =	swait.ge [sflag:s14], $0x1400  }
0xcd: {  	[sflag:s14] =	ssyncset.done $0x0  }
0xce: {  	s20 =	simm.s32 @!p2 $0x5;
	[sflag:s14] =	ssyncadd.s32 $0xFFFFEC00  }
0xcf: {  	_ =	swait.ge @!p2 [sflag:s20], $0x1400  }
0xd0: {  	[sflag:s20] =	ssyncset.done @!p2 $0x0  }
0xd1: {  	[sflag:s20] =	ssyncadd.s32 @!p2 $0xFFFFEC00  }
0xd2: {  	_ =	swait.ge @!p2 [sflag:s20], $0x1400  }
0xd3: {  	[sflag:s20] =	ssyncset.done @!p2 $0x0  }
0xd4: {  	[sflag:s20] =	ssyncadd.s32 @!p2 $0xFFFFEC00;
	s20 =	simm.s32 @!p0 $0x4  }
0xd5: {  	_ =	swait.ge @!p0 [sflag:s20], $0x28  }
0xd6: {  	[sflag:s20] =	ssyncset.done @!p0 $0x0  }
0xd7: {  	[sflag:s20] =	ssyncadd.s32 @!p0 $0xFFFFFFD8  }
0xd8: {  	_ =	swait.ge @!p0 [sflag:s20], $0x28  }
0xd9: {  	s21 =	simm.s32 @!p0 $0x380;
	[sflag:s20] =	ssyncset.done @!p0 $0x0  }
0xda: {  	s22 =	simm.s32 @!p0 $0x1800;
	[sflag:s20] =	ssyncadd.s32 @!p0 $0xFFFFFFD8;
	s20 =	simm.s32 @!p0 $0x28  }
0xdb: {  	[tilespmem:s22], [sflag:$0x6] =	stream.indirect.gather @!p0 [hbm4b:s4+s20], $0x80, s21, s20, $0xb8;
	[tilespmem:$0x19400] =	vst v63  }
0xdc: {  	s30 =	smul.u32 @!p1 $0xA0, s10;
	s21 =	simm.s32 @!p0 $0x180;
	s22 =	simm.s32 @!p0 $0x4000  }
0xdd: {  	[tilespmem:s22], [sflag:$0x6] =	stream.indirect.gather @!p0 [hbm4b:s5+s20], $0x80, s21, s20, $0xb8;
	[tilespmem:$0x19400] =	vst v63  }
0xde: {  	s20 =	sadd.s32 @!p1 s30, s18  }
.Ltmp9:
0xdf: {  	s20 =	sshrl.u32 @!p1 s20, $0x3;
	(pc) =	sbr.rel @p2 .LBB2_14-.Ltmp9, $4  }
0xe0: {  	s22 =	simm.s32 @!p1 $0x0;
	s30 =	simm.s32 @!p1 $0x80;
	s21 =	sadd.s32 @!p1 s6, s20  }
0xe1: {  	[tilespmem:s30], [sflag:$0x2] =	stream.linear.gather @!p1 [hbm4b:s21+s22], $0x28, $0x38;
	[tilespmem:$0x19400] =	vst v63  }
0xe2: {  	s20 =	sadd.s32 @!p1 s7, s20;
	s21 =	simm.s32 @!p1 $0x280  }
0xe3: {  	[tilespmem:s21], [sflag:$0x2] =	stream.linear.gather @!p1 [hbm4b:s20+s22], $0x28, $0x38;
	[tilespmem:$0x19400] =	vst v63  }
0xe4: {  	s30 =	simm.s32 $0x0  }
0xe5: {  	v6 =	vld [tilespmem:s30+$0x2C00]  }
0xe6: {  	v11 =	vld [tilespmem:s30+$0x2C10]  }
0xe7: {  	v5 =	vld [tilespmem:s30+$0x2C20]  }
0xe8: {  	v4 =	vld [tilespmem:s30+$0x2C30]  }
0xe9: {  	v3 =	vld [tilespmem:s30+$0x2C40]  }
0xea: {  	v2 =	vld [tilespmem:s30+$0x2C50]  }
0xeb: {  	v1 =	vld [tilespmem:s30+$0x2C60]  }
0xec: {  	v0 =	vld [tilespmem:s30+$0x2C70]  }
0xed: {  	v12 =	vld [tilespmem:s30+$0x400]  }
0xee: {  	v13 =	vld [tilespmem:s30+$0x410]  }
0xef: {  	v10 =	vld [tilespmem:s30+$0x420]  }
0xf0: {  	v9 =	vld [tilespmem:s30+$0x430]  }
0xf1: {  	v8 =	vld [tilespmem:s30+$0x440]  }
0xf2: {  	v7 =	vld [tilespmem:s30+$0x450];
	v12 =	vadd.f32 v6, v12  }
0xf3: {  	s21 =	simm.s32 $0x200;
	v11 =	vadd.f32 v11, v13;
	v6 =	vld [tilespmem:s30+$0x460]  }
.LBB2_12:
0xf4: {  	s20 =	sshra.s32 s21, $0x2;
	p2 =	sne.s32 s21, $0x4E00;
	v12 =	vmax.f32 v12, $0.0e+00;
	v5 =	vadd.f32 v5, v10;
	v10 =	vld [tilespmem:s30+$0x470]  }
0xf5: {  	v13 =	vld [tilespmem:s20+$0x2C00];
	[tilespmem:s30+$0x400] =	vst v12;
	v11 =	vmax.f32 v11, $0.0e+00;
	v4 =	vadd.f32 v4, v9  }
0xf6: {  	v14 =	vld [tilespmem:s20+$0x2C10];
	[tilespmem:s30+$0x410] =	vst v11;
	v9 =	vmax.f32 v5, $0.0e+00;
	v3 =	vadd.f32 v3, v8  }
0xf7: {  	v5 =	vld [tilespmem:s20+$0x2C20];
	[tilespmem:s30+$0x420] =	vst v9;
	v8 =	vmax.f32 v4, $0.0e+00;
	v2 =	vadd.f32 v2, v7  }
0xf8: {  	v4 =	vld [tilespmem:s20+$0x2C30];
	[tilespmem:s30+$0x430] =	vst v8;
	v7 =	vmax.f32 v3, $0.0e+00;
	v1 =	vadd.f32 v1, v6  }
0xf9: {  	v3 =	vld [tilespmem:s20+$0x2C40];
	[tilespmem:s30+$0x440] =	vst v7;
	v6 =	vmax.f32 v2, $0.0e+00;
	v0 =	vadd.f32 v0, v10  }
0xfa: {  	v2 =	vld [tilespmem:s20+$0x2C50];
	[tilespmem:s30+$0x450] =	vst v6;
	v6 =	vmax.f32 v1, $0.0e+00  }
0xfb: {  	v1 =	vld [tilespmem:s20+$0x2C60];
	[tilespmem:s30+$0x460] =	vst v6;
	v6 =	vmax.f32 v0, $0.0e+00  }
0xfc: {  	v0 =	vld [tilespmem:s20+$0x2C70];
	[tilespmem:s30+$0x470] =	vst v6;
	s30 =	smov.u32 s20  }
0xfd: {  	v6 =	vld [tilespmem:s30+$0x400]  }
0xfe: {  	v11 =	vld [tilespmem:s30+$0x410]  }
.Ltmp10:
0xff: {  	v10 =	vld [tilespmem:s30+$0x420];
	(pc) =	sbr.rel @p2 .LBB2_12-.Ltmp10, $4  }
0x100: {  	v9 =	vld [tilespmem:s30+$0x430]  }
0x101: {  	v8 =	vld [tilespmem:s30+$0x440]  }
0x102: {  	v12 =	vadd.f32 v13, v6;
	v7 =	vld [tilespmem:s30+$0x450]  }
0x103: {  	s21 =	sadd.s32 $0x200, s21;
	v11 =	vadd.f32 v14, v11;
	v6 =	vld [tilespmem:s30+$0x460]  }
0x104: {  	v12 =	vmax.f32 v12, $0.0e+00;
	v5 =	vadd.f32 v5, v10;
	v63 =	vld [tilespmem:s30+$0x470]  }
0x105: {  	[tilespmem:s30+$0x400] =	vst v12;
	v11 =	vmax.f32 v11, $0.0e+00;
	v4 =	vadd.f32 v4, v9  }
0x106: {  	[tilespmem:s30+$0x410] =	vst v11;
	v5 =	vmax.f32 v5, $0.0e+00;
	v3 =	vadd.f32 v3, v8  }
0x107: {  	[tilespmem:s30+$0x420] =	vst v5;
	v4 =	vmax.f32 v4, $0.0e+00;
	v2 =	vadd.f32 v2, v7  }
0x108: {  	[tilespmem:s30+$0x430] =	vst v4;
	v3 =	vmax.f32 v3, $0.0e+00;
	v1 =	vadd.f32 v1, v6  }
0x109: {  	[tilespmem:s30+$0x440] =	vst v3;
	v2 =	vmax.f32 v2, $0.0e+00;
	v0 =	vadd.f32 v0, v63  }
0x10a: {  	[tilespmem:s30+$0x450] =	vst v2;
	v1 =	vmax.f32 v1, $0.0e+00  }
0x10b: {  	[tilespmem:s30+$0x460] =	vst v1;
	v0 =	vmax.f32 v0, $0.0e+00  }
0x10c: {  	[tilespmem:s30+$0x470] =	vst v0  }
0x10d: {  	[spmem:s2] =	stream.indirect.scatter.add.f32 [tilespmem:s0], [sflag:$0x8], $0x80, s29, s31, $0xb8;
	[tilespmem:$0x19400] =	vst v63  }
0x10e: {  	_ =	swait.ge [sflag:s14], $0x1400  }
0x10f: {  	[sflag:s14] =	ssyncset.done $0x0  }
0x110: {  	[sflag:s14] =	ssyncadd.s32 $0xFFFFEC00  }
.LBB2_14:
0x111: {  	s20 =	simm.s32 @!p0 $0x6  }
0x112: {  	_ =	swait.ge @!p0 [sflag:s20], $0x1400  }
0x113: {  	[sflag:s20] =	ssyncset.done @!p0 $0x0  }
0x114: {  	[sflag:s20] =	ssyncadd.s32 @!p0 $0xFFFFEC00  }
0x115: {  	_ =	swait.ge @!p0 [sflag:s20], $0x1400  }
0x116: {  	[sflag:s20] =	ssyncset.done @!p0 $0x0  }
0x117: {  	[sflag:s20] =	ssyncadd.s32 @!p0 $0xFFFFEC00;
	s20 =	simm.s32 @!p1 $0x1  }
0x118: {  	_ =	swait.ge @!p1 [sflag:s20], $0x28  }
0x119: {  	[sflag:s20] =	ssyncset.done @!p1 $0x0  }
0x11a: {  	[sflag:s20] =	ssyncadd.s32 @!p1 $0xFFFFFFD8  }
0x11b: {  	s21 =	simm.s32 @!p1 $0x200;
	_ =	swait.ge @!p1 [sflag:s20], $0x28  }
0x11c: {  	s30 =	simm.s32 @!p1 $0x400;
	p2 =	sgt.u32 @!p1 s10, $0x3C;
	[sflag:s20] =	ssyncset.done @!p1 $0x0  }
0x11d: {  	p2 =	por p2, p1;
	[sflag:s20] =	ssyncadd.s32 @!p1 $0xFFFFFFD8;
	s20 =	simm.s32 @!p1 $0x28  }
0x11e: {  	[tilespmem:s30], [sflag:$0x5] =	stream.indirect.gather @!p1 [hbm4b:s4+s20], $0x80, s21, s20, $0xb8;
	[tilespmem:$0x19400] =	vst v63  }
0x11f: {  	s21 =	simm.s32 @!p1 $0x2C00;
	s30 =	smul.u32 @!p2 $0xA0, s10  }
0x120: {  	[tilespmem:s21], [sflag:$0x5] =	stream.indirect.gather @!p1 [hbm4b:s5+s20], $0x80, s22, s20, $0xb8;
	[tilespmem:$0x19400] =	vst v63  }
0x121: {  	s20 =	sadd.s32 @!p2 s30, s19  }
.Ltmp11:
0x122: {  	s20 =	sshrl.u32 @!p2 s20, $0x3;
	(pc) =	sbr.rel @p0 .LBB2_18-.Ltmp11, $4  }
0x123: {  	s22 =	simm.s32 @!p2 $0x0;
	s30 =	simm.s32 @!p2 $0x100;
	s21 =	sadd.s32 @!p2 s6, s20  }
0x124: {  	[tilespmem:s30], [sflag:$0x3] =	stream.linear.gather @!p2 [hbm4b:s21+s22], $0x28, $0x38;
	[tilespmem:$0x19400] =	vst v63  }
0x125: {  	s20 =	sadd.s32 @!p2 s7, s20;
	s21 =	simm.s32 @!p2 $0x300  }
0x126: {  	[tilespmem:s21], [sflag:$0x3] =	stream.linear.gather @!p2 [hbm4b:s20+s22], $0x28, $0x38;
	[tilespmem:$0x19400] =	vst v63  }
0x127: {  	s22 =	simm.s32 $0x0  }
0x128: {  	v6 =	vld [tilespmem:s22+$0x4000]  }
0x129: {  	v11 =	vld [tilespmem:s22+$0x4010]  }
0x12a: {  	v5 =	vld [tilespmem:s22+$0x4020]  }
0x12b: {  	v4 =	vld [tilespmem:s22+$0x4030]  }
0x12c: {  	v3 =	vld [tilespmem:s22+$0x4040]  }
0x12d: {  	v2 =	vld [tilespmem:s22+$0x4050]  }
0x12e: {  	v1 =	vld [tilespmem:s22+$0x4060]  }
0x12f: {  	v0 =	vld [tilespmem:s22+$0x4070]  }
0x130: {  	v12 =	vld [tilespmem:s22+$0x1800]  }
0x131: {  	v13 =	vld [tilespmem:s22+$0x1810]  }
0x132: {  	v10 =	vld [tilespmem:s22+$0x1820]  }
0x133: {  	v9 =	vld [tilespmem:s22+$0x1830]  }
0x134: {  	v8 =	vld [tilespmem:s22+$0x1840]  }
0x135: {  	v7 =	vld [tilespmem:s22+$0x1850];
	v12 =	vadd.f32 v6, v12  }
0x136: {  	s21 =	simm.s32 $0x200;
	v11 =	vadd.f32 v11, v13;
	v6 =	vld [tilespmem:s22+$0x1860]  }
.LBB2_16:
0x137: {  	s20 =	sshra.s32 s21, $0x2;
	p0 =	sne.s32 s21, $0x4E00;
	v12 =	vmax.f32 v12, $0.0e+00;
	v5 =	vadd.f32 v5, v10;
	v10 =	vld [tilespmem:s22+$0x1870]  }
0x138: {  	v13 =	vld [tilespmem:s20+$0x4000];
	[tilespmem:s22+$0x1800] =	vst v12;
	v11 =	vmax.f32 v11, $0.0e+00;
	v4 =	vadd.f32 v4, v9  }
0x139: {  	v14 =	vld [tilespmem:s20+$0x4010];
	[tilespmem:s22+$0x1810] =	vst v11;
	v9 =	vmax.f32 v5, $0.0e+00;
	v3 =	vadd.f32 v3, v8  }
0x13a: {  	v5 =	vld [tilespmem:s20+$0x4020];
	[tilespmem:s22+$0x1820] =	vst v9;
	v8 =	vmax.f32 v4, $0.0e+00;
	v2 =	vadd.f32 v2, v7  }
0x13b: {  	v4 =	vld [tilespmem:s20+$0x4030];
	[tilespmem:s22+$0x1830] =	vst v8;
	v7 =	vmax.f32 v3, $0.0e+00;
	v1 =	vadd.f32 v1, v6  }
0x13c: {  	v3 =	vld [tilespmem:s20+$0x4040];
	[tilespmem:s22+$0x1840] =	vst v7;
	v6 =	vmax.f32 v2, $0.0e+00;
	v0 =	vadd.f32 v0, v10  }
0x13d: {  	v2 =	vld [tilespmem:s20+$0x4050];
	[tilespmem:s22+$0x1850] =	vst v6;
	v6 =	vmax.f32 v1, $0.0e+00  }
0x13e: {  	v1 =	vld [tilespmem:s20+$0x4060];
	[tilespmem:s22+$0x1860] =	vst v6;
	v6 =	vmax.f32 v0, $0.0e+00  }
0x13f: {  	v0 =	vld [tilespmem:s20+$0x4070];
	[tilespmem:s22+$0x1870] =	vst v6;
	s22 =	smov.u32 s20  }
0x140: {  	v6 =	vld [tilespmem:s22+$0x1800]  }
0x141: {  	v11 =	vld [tilespmem:s22+$0x1810]  }
.Ltmp12:
0x142: {  	v10 =	vld [tilespmem:s22+$0x1820];
	(pc) =	sbr.rel @p0 .LBB2_16-.Ltmp12, $4  }
0x143: {  	v9 =	vld [tilespmem:s22+$0x1830]  }
0x144: {  	v8 =	vld [tilespmem:s22+$0x1840]  }
0x145: {  	v12 =	vadd.f32 v13, v6;
	v7 =	vld [tilespmem:s22+$0x1850]  }
0x146: {  	s21 =	sadd.s32 $0x200, s21;
	v11 =	vadd.f32 v14, v11;
	v6 =	vld [tilespmem:s22+$0x1860]  }
0x147: {  	v12 =	vmax.f32 v12, $0.0e+00;
	v5 =	vadd.f32 v5, v10;
	v63 =	vld [tilespmem:s22+$0x1870]  }
0x148: {  	[tilespmem:s22+$0x1800] =	vst v12;
	v11 =	vmax.f32 v11, $0.0e+00;
	v4 =	vadd.f32 v4, v9  }
0x149: {  	[tilespmem:s22+$0x1810] =	vst v11;
	v5 =	vmax.f32 v5, $0.0e+00;
	v3 =	vadd.f32 v3, v8  }
0x14a: {  	[tilespmem:s22+$0x1820] =	vst v5;
	v4 =	vmax.f32 v4, $0.0e+00;
	v2 =	vadd.f32 v2, v7  }
0x14b: {  	[tilespmem:s22+$0x1830] =	vst v4;
	v3 =	vmax.f32 v3, $0.0e+00;
	v1 =	vadd.f32 v1, v6  }
0x14c: {  	[tilespmem:s22+$0x1840] =	vst v3;
	v2 =	vmax.f32 v2, $0.0e+00;
	v0 =	vadd.f32 v0, v63  }
0x14d: {  	[tilespmem:s22+$0x1850] =	vst v2;
	v1 =	vmax.f32 v1, $0.0e+00  }
0x14e: {  	[tilespmem:s22+$0x1860] =	vst v1;
	v0 =	vmax.f32 v0, $0.0e+00  }
.Ltmp13:
0x14f: {  	s20 =	simm.s32 $0x380;
	[tilespmem:s22+$0x1870] =	vst v0;
	(pc) =	sbr.rel .LBB2_18-.Ltmp13, $4  }
0x150: {  	[spmem:s2] =	stream.indirect.scatter.add.f32 [tilespmem:s12], [sflag:$0x7], $0x80, s20, s31, $0xb8;
	[tilespmem:$0x19400] =	vst v63  }
0x151: {  	_ =	swait.ge [sflag:s23], $0x1400  }
0x152: {  	[sflag:s23] =	ssyncset.done $0x0  }
0x153: {  	[sflag:s23] =	ssyncadd.s32 $0xFFFFEC00  }
.LBB2_20:
0x154: {  	_ =	sfence.sel $0x180000  }
0x155: {  	[bflag:$0x0] =	sbarrier.arrive $0xFFFF  }
0x156: {  	_ =	strace $0x9000004D  }
0x157: {  	s0 =	stileid.u32;
	[bflag:$0x2] =	sbarrier.arrive $0xFFFF  }
0x158: {  	p0 =	sne.s32 s0, $0x0;
	s0 =	rddreg [dreg:$0x2]  }
0x159: {  	s0 =	sadd.s32 @!p0 $0x100000, s0  }
0x15a: {  	[sflag:s0] =	ssyncadd.tile.s32 @!p0 $0x1;
	_ =	shalt  }
.Lfunc_end2:
_tile_overlayer_lowered:
.L_overlay_start_2:
0x15b: {  	(tag) =	ssettag $0x2  }
0x15c: {  	s0 =	rddreg [dreg:$0x0];
	s2 =	stileid.u32  }
0x15d: {  	s1 =	rddreg [dreg:$0x1];
	p0 =	sne.s32 s2, $0x0  }
0x15e: {  	s3 =	rddreg [dreg:$0x2];
	[bflag:$0x3] =	sbarrier.arrive $0xFFFF;
	s2 =	simm.s32 @!p0 $0x1C07  }
0x15f: {  	[timem:s3], [sflag:s2] =	dma.local @!p0 [hbm:s0], s1  }
0x160: {  	s0 =	simm.s32 @!p0 $0x7  }
0x161: {  	_ =	swait.ge @!p0 [sflag:s0], s1  }
0x162: {  	s1 =	ssub.s32 @!p0 $0x0, s1;
	[sflag:s0] =	ssyncset.done @!p0 $0x0  }
0x163: {  	[sflag:s0] =	ssyncadd.s32 @!p0 s1  }
0x164: {  	[bflag:$0x3] =	sbarrier.arrive $0xFFFF  }
0x165: {  	_ =	shalt  }

// kernel: kernel.8.cloned.1.call-start
scs
__scs_entry_jumppad:
0x0: {  	(pc) =	sbr.rel $0x88, $3  }
0x1: {  	(tag) =	ssettag $0x0;
	lr =	simm.s32 $0x1  }
0x2: {  	[smem:$0x3F95] =	sst lr;
	_ =	strace $0xD0000000  }
0x3: {  	_ = 	snop  }
0x4: {  	_ = 	snop  }
0x5: {  	_ = 	snop  }
0x6: {  	_ = 	snop  }
0x7: {  	_ = 	snop  }
__scs_overlays_trampoline_lowered:
0x8: {  	[smem:$0x3FA4] =	sst s0  }
0x9: {  	[smem:$0x3FA5] =	sst s1  }
0xa: {  	[smem:$0x3FA6] =	sst s2  }
0xb: {  	[smem:$0x3FA7] =	sst s3  }
0xc: {  	[smem:$0x3FA8] =	sst s4  }
0xd: {  	[smem:$0x3FA9] =	sst s5  }
0xe: {  	[smem:$0x3FAA] =	sst s6  }
0xf: {  	[smem:$0x3FAB] =	sst s7  }
0x10: {  	[smem:$0x3FAC] =	sst s8  }
0x11: {  	[smem:$0x3FAD] =	sst s9;
	s0 =	simm.s32 @!p0 $0x0  }
0x12: {  	s1 =	sld [smem:$0x3F93];
	s0 =	simm.s32 @p0 $0x1  }
0x13: {  	[smem:$0x3FAE] =	sst s0;
	s0 =	simm.s32 @!p1 $0x0  }
0x14: {  	s2 =	sld [smem:$0x3F92];
	s0 =	simm.s32 @p1 $0x1  }
0x15: {  	[smem:$0x3FAF] =	sst s0;
	s0 =	simm.s32 @!p2 $0x0  }
0x16: {  	s3 =	sld [smem:$0x3FDB];
	s0 =	simm.s32 @p2 $0x1  }
0x17: {  	s4 =	simm.s32 $0x1BF5;
	[smem:$0x3FB1] =	sst s0  }
0x18: {  	s0 =	sld [smem:$0x3F94];
	_ =	swait.ge [sflag:s4], $0x0  }
0x19: {  	s7 =	sld [smem:$0x3F95]  }
0x1a: {  	s8 =	sadd.s32 $0xFFFFE003, lr  }
0x1b: {  	s9 =	sadd.s32 $0xFFFFFEF7, lr;
	s5 =	simm.s32 $0xFFFFFFFF;
	p2 =	slt.u32 s8, $0xFFFFF086  }
0x1c: {  	p1 =	slt.u32 s9, $0xF7A;
	s5 =	simm.s32 @!p2 $0x0  }
0x1d: {  	s5 =	simm.s32 @p1 $0x1;
	p0 =	seq.s32 s7, s2  }
0x1e: {  	s7 =	smul.u32 @!p0 $0xF7A, s2;
	p2 =	seq.s32 @!p0 s5, $0x0  }
0x1f: {  	s9 =	smul.u32 $0xF7A, s1;
	s8 =	simm.s32 @!p0 $0x1BF5;
	p2 =	por !p2, p0  }
0x20: {  	[sflag:s8] =	ssyncset.s32 @!p0 $0xFFFFF086;
	s6 =	sadd.s32 @!p0 s3, s7;
	s7 =	simm.s32 @!p0 $0x108  }
0x21: {  	s3 =	sadd.s32 s3, s9;
	s6 =	sadd.s32 @!p0 $0x88, s6;
	s7 =	simm.s32 @p2 $0x1082  }
0x22: {  	[simem:s7], [sflag:s8] =	dma.local @!p0 [hbm:s6], $0xF7A  }
0x23: {  	s9 =	sor.u32 $0xD0000000, s2;
	s6 =	simm.s32 $0x108;
	_ =	swait.ge @!p0 [sflag:s8], $0x0  }
0x24: {  	s3 =	sadd.s32 $0x88, s3;
	s6 =	simm.s32 @!p1 $0x1082;
	[sflag:s4] =	ssyncset.s32 $0xFFFFF086  }
0x25: {  	[simem:s6], [sflag:s4] =	dma.local [hbm:s3], $0xF7A  }
0x26: {  	[smem:$0x3F95] =	sst s1;
	(tag) =	ssettag s2;
	_ =	strace s9  }
0x27: {  	s1 =	sld [smem:$0x3FA5]  }
0x28: {  	s2 =	sld [smem:$0x3FA6]  }
0x29: {  	s4 =	sld [smem:$0x3FA8]  }
0x2a: {  	p0 =	seq.s32 s5, $0x0;
	s5 =	sld [smem:$0x3FA9]  }
0x2b: {  	s6 =	sld [smem:$0x3FAA]  }
0x2c: {  	s7 =	sld [smem:$0x3FAB]  }
0x2d: {  	s3 =	simm.s32 $0x108;
	s8 =	sld [smem:$0x3FAC]  }
0x2e: {  	s3 =	simm.s32 @!p0 $0x1082;
	s9 =	sld [smem:$0x3FAD]  }
0x2f: {  	lr =	sadd.s32 s0, s3;
	s0 =	sld [smem:$0x3FA4]  }
0x30: {  	s3 =	sld [smem:$0x3FA7]  }
0x31: {  	[smem:$0x3FB0] =	sst s10  }
0x32: {  	s10 =	sld [smem:$0x3FAE];
	_ =	sdelay $0x3  }
0x33: {  	p0 =	seq.s32 s10, $0x1;
	s10 =	sld [smem:$0x3FB0];
	_ =	sdelay $0x3  }
0x34: {  	[smem:$0x3FB0] =	sst s10  }
0x35: {  	s10 =	sld [smem:$0x3FAF];
	_ =	sdelay $0x3  }
0x36: {  	p1 =	seq.s32 s10, $0x1;
	s10 =	sld [smem:$0x3FB0];
	_ =	sdelay $0x3  }
0x37: {  	[smem:$0x3FB0] =	sst s10  }
0x38: {  	s10 =	sld [smem:$0x3FB1]  }
0x39: {  	_ = 	snop;
	(pc) =	sbr.ind lr, $3  }
0x3a: {  	_ = 	snop  }
0x3b: {  	_ = 	snop  }
0x3c: {  	p2 =	seq.s32 s10, $0x1;
	s10 =	sld [smem:$0x3FB0]  }
0x3d: {  	_ =	shalt  }
0x3e: {  	_ =	shalt  }
0x3f: {  	_ =	shalt  }
0x40: {  	_ =	shalt  }
0x41: {  	_ =	shalt  }
0x42: {  	_ =	shalt  }
0x43: {  	_ =	shalt  }
0x44: {  	_ =	shalt  }
0x45: {  	_ =	shalt  }
0x46: {  	_ =	shalt  }
0x47: {  	_ =	shalt  }
0x48: {  	_ =	shalt  }
0x49: {  	_ =	shalt  }
0x4a: {  	_ =	shalt  }
0x4b: {  	_ =	shalt  }
0x4c: {  	_ =	shalt  }
0x4d: {  	_ =	shalt  }
0x4e: {  	_ =	shalt  }
0x4f: {  	_ =	shalt  }
0x50: {  	_ =	shalt  }
0x51: {  	_ =	shalt  }
0x52: {  	_ =	shalt  }
0x53: {  	_ =	shalt  }
0x54: {  	_ =	shalt  }
0x55: {  	_ =	shalt  }
0x56: {  	_ =	shalt  }
0x57: {  	_ =	shalt  }
0x58: {  	_ =	shalt  }
0x59: {  	_ =	shalt  }
0x5a: {  	_ =	shalt  }
0x5b: {  	_ =	shalt  }
0x5c: {  	_ =	shalt  }
0x5d: {  	_ =	shalt  }
0x5e: {  	_ =	shalt  }
0x5f: {  	_ =	shalt  }
0x60: {  	_ =	shalt  }
0x61: {  	_ =	shalt  }
0x62: {  	_ =	shalt  }
0x63: {  	_ =	shalt  }
0x64: {  	_ =	shalt  }
0x65: {  	_ =	shalt  }
0x66: {  	_ =	shalt  }
0x67: {  	_ =	shalt  }
0x68: {  	_ =	shalt  }
0x69: {  	_ =	shalt  }
0x6a: {  	_ =	shalt  }
0x6b: {  	_ =	shalt  }
0x6c: {  	_ =	shalt  }
0x6d: {  	_ =	shalt  }
0x6e: {  	_ =	shalt  }
0x6f: {  	_ =	shalt  }
0x70: {  	_ =	shalt  }
0x71: {  	_ =	shalt  }
0x72: {  	_ =	shalt  }
0x73: {  	_ =	shalt  }
0x74: {  	_ =	shalt  }
0x75: {  	_ =	shalt  }
0x76: {  	_ =	shalt  }
0x77: {  	_ =	shalt  }
0x78: {  	_ =	shalt  }
0x79: {  	_ =	shalt  }
0x7a: {  	_ =	shalt  }
0x7b: {  	_ =	shalt  }
0x7c: {  	_ =	shalt  }
0x7d: {  	_ =	shalt  }
0x7e: {  	_ =	shalt  }
0x7f: {  	_ =	shalt  }
0x80: {  	_ =	shalt  }
0x81: {  	_ =	shalt  }
0x82: {  	_ =	shalt  }
0x83: {  	_ =	shalt  }
0x84: {  	_ =	shalt  }
0x85: {  	_ =	shalt  }
0x86: {  	_ =	shalt  }
0x87: {  	_ =	shalt  }
.Lfunc_end0:
.L_simem_size_0:
called_computation_lowered:
.L_overlay_start_0:
0x88: {  	s2 =	sld [smem:$0x3FD9]  }
0x89: {  	s3 =	sld [smem:$0x3FFE];
	_ =	sdelay $0x1  }
0x8a: {  	s1 =	srdreg.scid  }
0x8b: {  	s0 =	sand.u32 $0x1, s1  }
0x8c: {  	s17 =	sshll.u32 s0, $0xA;
	s2 =	sadd.s32 s3, s2  }
0x8d: {  	s2 =	sadd.s32 s2, s17  }
0x8e: {  	[smem:$0x3FBC] =	sst s2  }
0x8f: {  	_ = 	snop  }
0x90: {  	(tm) =	ssettm $0x1  }
0x91: {  	s18 =	sld [smem:$0x3FFB];
	_ =	sdelay $0x3  }
0x92: {  	_ =	strace s18  }
0x93: {  	s2 =	sld [smem:$0x3FFC];
	_ =	sdelay $0x3  }
0x94: {  	_ =	strace s2  }
0x95: {  	s2 =	sld [smem:$0x3FFD];
	_ =	sdelay $0x3  }
0x96: {  	_ =	strace s2  }
0x97: {  	_ =	strace $0x8FFFFFFF  }
0x98: {  	s19 =	sld [smem:$0x3FDB];
	_ =	sdelay $0x1  }
0x99: {  	s20 =	simm.s32 $_scs_section_size  }
0x9a: {  	s4 =	simm.s32 $_size__tile_overlayer_lowered;
	s5 =	simm.s32 $_tile_overlayer_lowered  }
0x9b: {  	s6 =	simm.s32 $0x1BFF;
	s21 =	sshll.u32 s5, $0x1;
	s3 =	sadd.s32 s20, s19  }
0x9c: {  	s22 =	simm.s32 $0x0;
	s4 =	sshll.u32 s4, $0x1;
	s5 =	sadd.s32 s21, s3  }
0x9d: {  	[timem:s22], [sflag:s6] =	dma.local [hbm:s5], s4  }
0x9e: {  	_ =	swait.ge [sflag:s6], s4  }
0x9f: {  	s4 =	ssub.s32 $0x0, s4;
	[sflag:s6] =	ssyncset.done $0x0  }
0xa0: {  	[sflag:s6] =	ssyncadd.s32 s4;
	_ =	sdelay $0x1  }
0xa1: {  	s23 =	simm.s32 $0x1B8B  }
0xa2: {  	_ =	swait.ge [sflag:s23], $0x1  }
0xa3: {  	[sflag:s23] =	ssyncset.done $0x0  }
0xa4: {  	[sflag:s23] =	ssyncadd.s32 $0xFFFFFFFF  }
0xa5: {  	s4 =	sld [smem:$0x0]  }
0xa6: {  	s5 =	sand.u32 $0xFFFFFFFE, s1  }
0xa7: {  	p0 =	sne.s32 s1, s5  }
0xa8: {  	s5 =	sshll.u32 @p0 s5, $0xE  }
0xa9: {  	s5 =	sadd.s32 @p0 $0x11B8D, s5;
	s6 =	sshll.u32 @p0 s4, $0x11  }
0xaa: {  	s5 =	sor.u32 @p0 s6, s5  }
0xab: {  	[sflag:s5] =	ssyncadd.remote.s32 @p0 $0x1;
	_ =	sdelay $0x1  }
0xac: {  	s5 =	simm.s32 @p0 $0x1B8D  }
0xad: {  	_ =	swait.eq @p0 [sflag:s5], $0x1  }
0xae: {  	[sflag:s5] =	ssyncadd.s32 @p0 $0xFFFFFFFF  }
0xaf: {  	s6 =	sshll.u32 @!p0 s1, $0xE  }
0xb0: {  	s6 =	sor.u32 @!p0 $0x4000, s6;
	s5 =	simm.s32 @!p0 $0x1B8D  }
0xb1: {  	s4 =	sshll.u32 @!p0 s4, $0x11;
	s6 =	sadd.s32 @!p0 $0x11B8D, s6;
	_ =	swait.eq @!p0 [sflag:s5], $0x1  }
0xb2: {  	s4 =	sor.u32 @!p0 s4, s6;
	[sflag:s5] =	ssyncadd.s32 @!p0 $0xFFFFFFFF  }
0xb3: {  	s25 =	simm.s32 $0x1B8E;
	s24 =	sld [smem:$0x3FFE];
	[sflag:s4] =	ssyncadd.remote.s32 @!p0 $0x1  }
0xb4: {  	s26 =	simm.s32 $execute0_lowered;
	[smem:$0x3FD2] =	sst s25  }
0xb5: {  	s5 =	sshll.u32 s26, $0x1;
	_ =	strace $0x80000049;
	[dreg:$0x1] =	wrdreg $0xFFFFFFFF  }
0xb6: {  	s28 =	simm.s32 $_size_execute0_lowered;
	s3 =	sadd.s32 s3, s5;
	[dreg:$0x0] =	wrdreg $0x0  }
0xb7: {  	s5 =	sshll.u32 s28, $0x1;
	[dreg:$0x2] =	wrdreg s3  }
0xb8: {  	[dreg:$0x3] =	wrdreg s5  }
0xb9: {  	[dreg:$0x4] =	wrdreg $0xC0  }
0xba: {  	_ =	task [dreg:s22], $0x5FFFF  }
0xbb: {  	[dreg:$0x1] =	wrdreg $0xFFFFFFFF  }
0xbc: {  	[dreg:$0x0] =	wrdreg $0x60  }
0xbd: {  	[dreg:$0x2] =	wrdreg s24  }
0xbe: {  	[dreg:$0x3] =	wrdreg $0x2A000  }
0xbf: {  	[dreg:$0x4] =	wrdreg $0x9  }
0xc0: {  	_ =	task.clear_ibuf [dreg:s22], $0x5FFFF;
	_ =	strace $0x90000049  }
0xc1: {  	s29 =	simm.s32 $0x9;
	_ =	strace $0x8000004B  }
0xc2: {  	_ =	swait.ge [sflag:s29], $0x1  }
0xc3: {  	[sflag:s29] =	ssyncadd.s32 $0xFFFFFFFF  }
0xc4: {  	_ =	strace $0x9000004B  }
0xc5: {  	_ =	sfence  }
0xc6: {  	s30 =	sld [smem:$0x0];
	_ =	sdelay $0x2  }
0xc7: {  	s31 =	sshll.u32 s1, $0xD;
	s1 =	sshrl.u32 s1, $0x2  }
0xc8: {  	s4 =	sand.u32 $0x4000, s31;
	s1 =	sadd.s32 s1, s30  }
0xc9: {  	s0 =	sor.u32 s4, s0;
	s1 =	sshll.u32 s1, $0x11  }
0xca: {  	s0 =	sor.u32 s1, s0  }
0xcb: {  	s0 =	sadd.s32 $0x8F2B, s0  }
0xcc: {  	[sflag:s0] =	ssyncadd.remote.s32 $0x1  }
0xcd: {  	_ =	sfence.sel $0xFFFF  }
0xce: {  	[dreg:$0x0] =	wrdreg $0xFFFFFFFF;
	(pc) =	sbr.abs _section_cstart, $3  }
0xcf: {  	[dreg:$0x1] =	wrdreg $0xFFFFFFFF  }
0xd0: {  	_ =	task.clear_ibuf [dreg:s22], $0x2FFFF;
	_ =	strace $0x9FFFFFFF  }
0xd1: {  	(tm) =	ssettm $0x7FFFFFFF  }
tec
execute0_lowered:
.L_overlay_start_1:
0x0: {  	(tag) =	ssettag $0x1  }
0x1: {  	s5 =	rddreg [dreg:$0x0]  }
0x2: {  	s2 =	rddreg [dreg:$0x1]  }
0x3: {  	s0 =	stileid.u32;
	s4 =	srdreg.scid  }
0x4: {  	s3 =	simm.s32 $0x0;
	s18 =	simm.s32 $0x80;
	s19 =	simm.s32 $0x100  }
0x5: {  	s20 =	simm.s32 $0x1;
	s21 =	simm.s32 $0x50;
	s6 =	smul.u32 $0x14000, s0  }
0x6: {  	s7 =	sand.u32 $0x1, s4;
	[smem:$0x7FF] =	sst s3;
	s10 =	smul.u32 $0x50000, s0  }
0x7: {  	s4 =	sadd.s32 $0x4200, s5;
	s26 =	smul.u32 $0x2710, s0;
	s28 =	sshll.u32 s0, $0x6  }
0x8: {  	s8 =	smul.u32 $0x140000, s7;
	_ =	strace $0x8000004A;
	s22 =	sshll.u32 s7, $0x4  }
0x9: {  	s23 =	ssub.s32 $0x2, s7;
	s12 =	smul.u32 $0x27100, s7;
	s9 =	sshrl.u32 s6, $0x3  }
0xa: {  	s25 =	sshrl.u32 s23, $0x1;
	s10 =	sshrl.u32 s10, $0x2;
	s9 =	sadd.s32 s9, s5  }
0xb: {  	s6 =	sadd.s32 s6, s8;
	s8 =	sor.u32 s0, s22;
	s13 =	ssub.s32 s23, s25  }
0xc: {  	s16 =	sadd.s32 s10, s2;
	s14 =	sadd.s32 s26, s12;
	s22 =	simm.s32 $0x200  }
0xd: {  	s23 =	simm.s32 $0x2;
	s25 =	simm.s32 $0x0;
	s6 =	sshrl.u32 s6, $0x3  }
0xe: {  	s24 =	smul.u32 $0x2710, s8;
	s12 =	sadd.s32 $0x190, s14;
	s15 =	sadd.s32 $0xF0, s14  }
0xf: {  	s17 =	sadd.s32 $0x1E0, s14;
	s16 =	sshrl.u32 s16, $0x3;
	s11 =	sadd.s32 s6, s5  }
0x10: {  	s5 =	sadd.s32 $0x3F000, s9;
	s6 =	sor.u32 $0x1C05, s28;
	s12 =	sshrl.u32 s12, $0x3  }
.Ltmp0:
0x11: {  	s30 =	sshrl.u32 s15, $0x3;
	s31 =	sshrl.u32 s17, $0x3;
	(pc) =	sbr.rel .LBB2_1-.Ltmp0, $4  }
0x12: {  	s17 =	simm.s32 $0x5;
	s29 =	sshrl.u32 s24, $0x3;
	s10 =	sadd.s32 $0xB7000, s11  }
0x13: {  	s11 =	smax.u32 s13, $0x1;
	s12 =	sadd.s32 s12, s4;
	s13 =	sadd.s32 $0x140, s14  }
0x14: {  	s14 =	sadd.s32 s30, s4;
	s15 =	sadd.s32 s31, s4;
	s7 =	sadd.s32 s4, s29  }
0x15: {  	v0 =	vimm.f32 $1.000000000e+00;
	s24 =	simm.s32 $0x3;
	s8 =	sadd.s32 $0xA, s7;
	s9 =	sadd.s32 $0x14, s7  }
.LBB2_9:
0x16: {  	s25 =	sadd.s32 $0x1, s25  }
0x17: {  	p0 =	sne.s32 s25, s11  }
.Ltmp1:
0x18: {  	[bflag:$0x0] =	sbarrier.arrive $0xFFFF;
	(pc) =	sbr.rel @!p0 .LBB2_10-.Ltmp1, $4  }
0x19: {  	[hbm:s10], [sflag:s6] =	dma.local [spmem:s16], $0x2800  }
0x1a: {  	_ =	swait.ge [sflag:s17], $0x2800  }
0x1b: {  	[sflag:s17] =	ssyncset.done $0x0  }
0x1c: {  	[sflag:s17] =	ssyncadd.s32 $0xFFFFD800  }
.LBB2_1:
0x1d: {  	s26 =	simm.s32 $0x0;
	s28 =	simm.s32 $0x200  }
.LBB2_2:
0x1e: {  	p0 =	sne.s32 s28, $0x9E00;
	[tilespmem:s26+$0x270] =	vst v0  }
0x1f: {  	[tilespmem:s26+$0x200] =	vst v0  }
0x20: {  	[tilespmem:s26+$0x210] =	vst v0  }
.Ltmp2:
0x21: {  	[tilespmem:s26+$0x220] =	vst v0;
	(pc) =	sbr.rel @p0 .LBB2_2-.Ltmp2, $4  }
0x22: {  	[tilespmem:s26+$0x230] =	vst v0  }
0x23: {  	[tilespmem:s26+$0x240] =	vst v0  }
0x24: {  	[tilespmem:s26+$0x250] =	vst v0  }
0x25: {  	[tilespmem:s26+$0x260] =	vst v0;
	s26 =	sshra.s32 s28, $0x2;
	s28 =	sadd.s32 $0x200, s28  }
0x26: {  	[tilespmem:s26+$0x270] =	vst v0  }
0x27: {  	[tilespmem:s26+$0x200] =	vst v0  }
0x28: {  	[tilespmem:s26+$0x210] =	vst v0  }
0x29: {  	[tilespmem:s26+$0x220] =	vst v0  }
0x2a: {  	[tilespmem:s26+$0x230] =	vst v0  }
0x2b: {  	[tilespmem:s26+$0x240] =	vst v0  }
0x2c: {  	[tilespmem:s26+$0x250] =	vst v0  }
0x2d: {  	[tilespmem:s26+$0x260] =	vst v0  }
0x2e: {  	[spmem:s16], [sflag:s6] =	dma.local [hbm:s5], $0x2800  }
0x2f: {  	_ =	swait.ge [sflag:s17], $0x2800  }
0x30: {  	[sflag:s17] =	ssyncset.done $0x0  }
0x31: {  	[sflag:s17] =	ssyncadd.s32 $0xFFFFD800  }
0x32: {  	s26 =	simm.s32 $0x0;
	[bflag:$0x0] =	sbarrier.arrive $0xFFFF  }
0x33: {  	[tilespmem:s26], [sflag:$0x1] =	stream.linear.gather [hbm4b:s7+s26], $0x50, $0x38;
	[tilespmem:$0x16A00] =	vst v63  }
.Ltmp3:
0x34: {  	_ = 	snop;
	(pc) =	sbr.rel .LBB2_4-.Ltmp3, $4  }
0x35: {  	_ = 	snop  }
0x36: {  	[tilespmem:s18], [sflag:$0x2] =	stream.linear.gather [hbm4b:s8+s26], $0x50, $0x38;
	[tilespmem:$0x16A00] =	vst v63  }
0x37: {  	s28 =	simm.s32 $0x3;
	s29 =	smov.u32 s13;
	s30 =	simm.s32 $0x0  }
0x38: {  	[tilespmem:s19], [sflag:$0x3] =	stream.linear.gather [hbm4b:s9+s26], $0x50, $0x38;
	[tilespmem:$0x16A00] =	vst v63  }
.LBB2_5:
0x39: {  	_ =	swait.ge [sflag:s23], $0x50  }
0x3a: {  	[sflag:s23] =	ssyncset.done $0x0  }
0x3b: {  	[sflag:s23] =	ssyncadd.s32 $0xFFFFFFB0  }
0x3c: {  	[spmem:s2] =	stream.indirect.scatter.add.f32 [tilespmem:s22], [sflag:$0x5], $0x80, s18, s21, $0xb8;
	[tilespmem:$0x16A00] =	vst v63  }
0x3d: {  	_ =	swait.ge [sflag:s17], $0x2800  }
0x3e: {  	[sflag:s17] =	ssyncset.done $0x0  }
0x3f: {  	[sflag:s17] =	ssyncadd.s32 $0xFFFFD800  }
.LBB2_7:
0x40: {  	s0 =	sshrl.u32 s29, $0x3  }
0x41: {  	s0 =	sadd.s32 s4, s0  }
0x42: {  	[tilespmem:s3], [sflag:$0x1] =	stream.linear.gather [hbm4b:s0+s3], $0x50, $0x38;
	[tilespmem:$0x16A00] =	vst v63  }
0x43: {  	_ =	swait.ge [sflag:s24], $0x50  }
0x44: {  	[sflag:s24] =	ssyncset.done $0x0  }
0x45: {  	p2 =	sgt.u32 s30, $0x1D;
	[sflag:s24] =	ssyncadd.s32 $0xFFFFFFB0  }
0x46: {  	[spmem:s2] =	stream.indirect.scatter.add.f32 [tilespmem:s22], [sflag:$0x5], $0x80, s19, s21, $0xb8;
	[tilespmem:$0x16A00] =	vst v63  }
0x47: {  	p1 =	por $0x0, $0x0;
	s1 =	simm.s32 @!p2 $0x0;
	_ =	swait.ge [sflag:s17], $0x2800  }
0x48: {  	s31 =	simm.s32 @!p2 $0x80;
	p3 =	por @!p2 $0x1, $0x1;
	[sflag:s17] =	ssyncset.done $0x0  }
0x49: {  	s0 =	sadd.s32 @!p2 s26, s12;
	p1 =	por @!p2 p3, p3;
	[sflag:s17] =	ssyncadd.s32 $0xFFFFD800  }
0x4a: {  	[tilespmem:s31], [sflag:$0x2] =	stream.linear.gather @!p2 [hbm4b:s0+s1], $0x50, $0x38;
	[tilespmem:$0x16A00] =	vst v63  }
.LBB2_8:
0x4b: {  	s0 =	simm.s32 @!p0 $0x4  }
0x4c: {  	_ =	swait.ge @!p0 [sflag:s0], $0x50  }
0x4d: {  	s1 =	simm.s32 @!p0 $0x180;
	[sflag:s0] =	ssyncset.done @!p0 $0x0  }
0x4e: {  	s31 =	simm.s32 @!p0 $0x200;
	[sflag:s0] =	ssyncadd.s32 @!p0 $0xFFFFFFB0;
	s0 =	simm.s32 @!p0 $0x50  }
0x4f: {  	[spmem:s2] =	stream.indirect.scatter.add.f32 @!p0 [tilespmem:s31], [sflag:$0x5], $0x80, s1, s0, $0xb8;
	[tilespmem:$0x16A00] =	vst v63  }
0x50: {  	s0 =	simm.s32 @!p0 $0x5  }
0x51: {  	_ =	swait.ge @!p0 [sflag:s0], $0x2800  }
0x52: {  	[sflag:s0] =	ssyncset.done @!p0 $0x0  }
0x53: {  	[sflag:s0] =	ssyncadd.s32 @!p0 $0xFFFFD800;
	s0 =	sadd.s32 @p1 s26, s15;
	s26 =	sadd.s32 $0x28, s26  }
0x54: {  	p0 =	sne.s32 s26, $0x500  }
.Ltmp4:
0x55: {  	_ = 	snop;
	(pc) =	sbr.rel @!p0 .LBB2_9-.Ltmp4, $4  }
0x56: {  	_ = 	snop  }
0x57: {  	s30 =	sadd.s32 $0x1, s30;
	s29 =	sadd.s32 $0x140, s29  }
0x58: {  	s28 =	sadd.s32 $0x4, s28;
	s1 =	simm.s32 @p1 $0x0;
	s31 =	simm.s32 @p1 $0x100  }
0x59: {  	[tilespmem:s31], [sflag:$0x3] =	stream.linear.gather @p1 [hbm4b:s0+s1], $0x50, $0x38;
	[tilespmem:$0x16A00] =	vst v63  }
.LBB2_4:
0x5a: {  	_ =	swait.ge [sflag:s20], $0x50  }
0x5b: {  	[sflag:s20] =	ssyncset.done $0x0  }
0x5c: {  	p1 =	sgt.u32 s30, $0x1E;
	[sflag:s20] =	ssyncadd.s32 $0xFFFFFFB0  }
0x5d: {  	[spmem:s2] =	stream.indirect.scatter.add.f32 [tilespmem:s22], [sflag:$0x5], $0x80, s3, s21, $0xb8;
	[tilespmem:$0x16A00] =	vst v63  }
.Ltmp5:
0x5e: {  	_ = 	snop;
	(pc) =	sbr.rel @!p1 .LBB2_5-.Ltmp5, $4  }
0x5f: {  	p0 =	sgt.u32 s28, $0x7C;
	_ =	swait.ge [sflag:s17], $0x2800  }
0x60: {  	s31 =	sadd.s32 @!p0 s26, s14;
	[sflag:s17] =	ssyncset.done $0x0  }
0x61: {  	s0 =	simm.s32 @!p0 $0x0;
	s1 =	simm.s32 @!p0 $0x180;
	[sflag:s17] =	ssyncadd.s32 $0xFFFFD800  }
0x62: {  	[tilespmem:s1], [sflag:$0x4] =	stream.linear.gather @!p0 [hbm4b:s31+s0], $0x50, $0x38;
	[tilespmem:$0x16A00] =	vst v63  }
0x63: {  	p2 =	seq.s32 s26, $0x4D8  }
.Ltmp6:
0x64: {  	_ = 	snop;
	(pc) =	sbr.rel @p2 .LBB2_8-.Ltmp6, $4  }
.Ltmp7:
0x65: {  	_ = 	snop;
	(pc) =	sbr.rel @!p2 .LBB2_7-.Ltmp7, $4  }
0x66: {  	_ = 	snop  }
0x67: {  	_ = 	snop  }
0x68: {  	p1 =	por $0x0, $0x0  }
0x69: {  	_ = 	snop  }
.LBB2_10:
0x6a: {  	_ =	sfence.sel $0x180000  }
0x6b: {  	[bflag:$0x0] =	sbarrier.arrive $0xFFFF  }
0x6c: {  	_ =	strace $0x9000004A  }
0x6d: {  	s0 =	stileid.u32;
	[bflag:$0x2] =	sbarrier.arrive $0xFFFF  }
0x6e: {  	p0 =	sne.s32 s0, $0x0;
	s0 =	rddreg [dreg:$0x2]  }
0x6f: {  	s0 =	sadd.s32 @!p0 $0x100000, s0  }
0x70: {  	[sflag:s0] =	ssyncadd.tile.s32 @!p0 $0x1;
	_ =	shalt  }
.Lfunc_end2:
_tile_overlayer_lowered:
.L_overlay_start_2:
0x71: {  	(tag) =	ssettag $0x2  }
0x72: {  	s0 =	rddreg [dreg:$0x0];
	s2 =	stileid.u32  }
0x73: {  	s1 =	rddreg [dreg:$0x1];
	p0 =	sne.s32 s2, $0x0  }
0x74: {  	s3 =	rddreg [dreg:$0x2];
	[bflag:$0x3] =	sbarrier.arrive $0xFFFF;
	s2 =	simm.s32 @!p0 $0x1C05  }
0x75: {  	[timem:s3], [sflag:s2] =	dma.local @!p0 [hbm:s0], s1  }
0x76: {  	s0 =	simm.s32 @!p0 $0x5  }
0x77: {  	_ =	swait.ge @!p0 [sflag:s0], s1  }
0x78: {  	s1 =	ssub.s32 @!p0 $0x0, s1;
	[sflag:s0] =	ssyncset.done @!p0 $0x0  }
0x79: {  	[sflag:s0] =	ssyncadd.s32 @!p0 s1  }
0x7a: {  	[bflag:$0x3] =	sbarrier.arrive $0xFFFF  }
0x7b: {  	_ =	shalt  }

</sc_bundles>
